<compile_context>
chip_gen: v7x
topology: tpu7x:2x2x1
jax: 0.10.2.dev20260603
libtpu: 0.0.44.dev20260713+nightly
codegen_flags: <defaults>
</compile_context>

<pallas_src>
import functools

import jax
import jax.numpy as jnp
from jax import lax
from jax.experimental import pallas as pl
from jax.experimental.pallas import tpu as pltpu
from jax.experimental.pallas import tpu_sc as plsc

N = 10000
NP = 10240
E = 320000
NC = 2
NS = 16
NW = NC * NS
EW = E // NW
K = 80
NCHUNK = EW // K
RPT = NP // NS
ZR = 128

_mesh = plsc.VectorSubcoreMesh(core_axis_name="c", subcore_axis_name="s",
                               num_cores=NC, num_subcores=NS)


def _degree_body(dst_hbm, out_hbm, didx_all, hist):
    cid = lax.axis_index("c")
    sid = lax.axis_index("s")
    wid = cid * NS + sid
    base = wid * EW

    pltpu.sync_copy(dst_hbm.at[pl.ds(base, EW)], didx_all)

    @pl.loop(0, NP // 16)
    def _zero(i):
        hist[pl.ds(i * 16, 16)] = jnp.zeros((16,), jnp.float32)

    ones16 = jnp.ones((16,), jnp.float32)

    @pl.loop(0, EW // 16)
    def _vec(i):
        dv = didx_all[pl.ds(i * 16, 16)]
        plsc.addupdate_scatter(hist, [dv], ones16)

    pltpu.sync_copy(hist, out_hbm.at[pl.ds(wid * NP, NP)])


def _degree_builder(interpret=False):
    return functools.partial(
        pl.kernel,
        out_type=jax.ShapeDtypeStruct((NW * NP,), jnp.float32),
        mesh=_mesh,
        interpret=interpret,
        compiler_params=pltpu.CompilerParams(needs_layout_passes=False),
        scratch_types=[
            pltpu.VMEM((EW,), jnp.int32),
            pltpu.VMEM((NP,), jnp.float32),
        ],
    )(_degree_body)


_degree = _degree_builder()


NBUF = 4
IBUF = 8
IPRE = 8
GDIST = 3
UNROLL = 8


def _scatter_body(g_hbm, src_hbm, dst_hbm, zeros_hbm, out_hbm,
                  sidx, didx, gbuf, acc, sem_s, sem_d, sem_g):
    cid = lax.axis_index("c")
    sid = lax.axis_index("s")
    base = (cid * NS + sid) * EW

    @pl.loop(0, RPT // ZR)
    def _zero(z):
        pltpu.sync_copy(zeros_hbm, acc.at[pl.ds(sid * RPT + z * ZR, ZR)])
    plsc.subcore_barrier()

    def start_idx(jb, i):
        e0 = base + jb * K
        pltpu.async_copy(src_hbm.at[pl.ds(e0, K)], sidx.at[i], sem_s.at[i])
        pltpu.async_copy(dst_hbm.at[pl.ds(e0, K)], didx.at[i], sem_d.at[i])

    def wait_idx(i):
        pltpu.make_async_copy(src_hbm.at[pl.ds(base, K)],
                              sidx.at[i], sem_s.at[i]).wait()
        pltpu.make_async_copy(dst_hbm.at[pl.ds(base, K)],
                              didx.at[i], sem_d.at[i]).wait()

    def start_gather(i, b):
        pltpu.async_copy(g_hbm.at[sidx.at[i]], gbuf.at[b], sem_g.at[b])

    def wait_gather(i, b):
        pltpu.make_async_copy(g_hbm.at[sidx.at[i]],
                              gbuf.at[b], sem_g.at[b]).wait()

    def scatter(i, b):
        pltpu.sync_copy(gbuf.at[b], acc.at[didx.at[i]], add=True)

    for i in range(IPRE):
        start_idx(i, i)
    for b in range(GDIST):
        wait_idx(b)
        start_gather(b, b)

    def process(jb, i, gb, prefetch_pred=None, launch_next=True):
        wait_gather(i, gb)
        if launch_next:
            nxt_i = (i + GDIST) % IBUF
            wait_idx(nxt_i)
            start_gather(nxt_i, (i + GDIST) % NBUF)
        scatter(i, gb)
        if prefetch_pred is True:
            start_idx(jb + IPRE, i)
        elif prefetch_pred is not None:
            @pl.when(prefetch_pred)
            def _pref():
                start_idx(jb + IPRE, i)

    NMAIN = NCHUNK // UNROLL * UNROLL

    @pl.loop(0, NMAIN, step=UNROLL)
    def _chunks(j):
        for b in range(UNROLL):
            process(j + b, b, b % NBUF, prefetch_pred=j + b + IPRE < NCHUNK)

    for c in range(NMAIN, NCHUNK):
        process(c, c % IBUF, c % NBUF,
                prefetch_pred=None,
                launch_next=c + GDIST < NCHUNK)

    plsc.subcore_barrier()
    pltpu.sync_copy(acc.at[pl.ds(sid * RPT, RPT)],
                    out_hbm.at[cid, pl.ds(sid * RPT, RPT)])


def _scatter_builder(D, interpret=False):
    return functools.partial(
        pl.kernel,
        out_type=jax.ShapeDtypeStruct((NC, NP, D), jnp.float32),
        mesh=_mesh,
        interpret=interpret,
        scratch_types=[
            pltpu.VMEM((IBUF, K), jnp.int32),
            pltpu.VMEM((IBUF, K), jnp.int32),
            pltpu.VMEM((NBUF, K, D), jnp.float32),
            pltpu.VMEM_SHARED((NP, D), jnp.float32),
            pltpu.SemaphoreType.DMA((IBUF,)),
            pltpu.SemaphoreType.DMA((IBUF,)),
            pltpu.SemaphoreType.DMA((NBUF,)),
        ],
    )(_scatter_body)


_scatter128 = _scatter_builder(128)


def _tc1_body(x_ref, w1_ref, b1_ref, dinv_ref, g1_ref, s1_ref):
    dinv = dinv_ref[...]
    h = jnp.dot(x_ref[...], w1_ref[...],
                preferred_element_type=jnp.float32) + b1_ref[...]
    g1_ref[:N] = h * dinv
    s1_ref[...] = h * (dinv * dinv)


def _tc2_body(acc_ref, s1_ref, dinv_ref, w2_ref, b2_ref,
              out1_ref, g2_ref, s2_ref):
    dinv = dinv_ref[...]
    out1 = jnp.maximum(
        (acc_ref[0, :N, :] + acc_ref[1, :N, :]) * dinv + s1_ref[...], 0.0)
    out1_ref[...] = out1
    h2 = jnp.dot(out1, w2_ref[...],
                 preferred_element_type=jnp.float32) + b2_ref[...]
    g2_ref[:N, :64] = h2 * dinv
    s2_ref[...] = h2 * (dinv * dinv)


def _tc3_body(acc_ref, s2_ref, dinv_ref, out2_ref):
    dinv = dinv_ref[...]
    out2_ref[...] = ((acc_ref[0, :N, :64] + acc_ref[1, :N, :64]) * dinv
                     + s2_ref[...])


_f32 = jnp.float32
_tc1 = pl.pallas_call(
    _tc1_body,
    out_shape=(jax.ShapeDtypeStruct((NP, 128), _f32),
               jax.ShapeDtypeStruct((N, 128), _f32)))
_tc2 = pl.pallas_call(
    _tc2_body,
    out_shape=(jax.ShapeDtypeStruct((N, 128), _f32),
               jax.ShapeDtypeStruct((NP, 128), _f32),
               jax.ShapeDtypeStruct((N, 64), _f32)))
_tc3 = pl.pallas_call(
    _tc3_body,
    out_shape=jax.ShapeDtypeStruct((N, 64), _f32))


def kernel(X, edge_index, W1, b1, W2, b2):
    src = edge_index[0]
    dst = edge_index[1]
    zeros128 = jnp.zeros((ZR, 128), _f32)

    hist = _degree(dst)
    deg = hist.reshape(NW, NP)[:, :N].sum(axis=0) + 1.0
    dinv = lax.rsqrt(deg).reshape(N, 1)

    g1, s1 = _tc1(X, W1, b1.reshape(1, -1), dinv)
    acc1 = _scatter128(g1, src, dst, zeros128)
    out1, g2, s2 = _tc2(acc1, s1, dinv, W2, b2.reshape(1, -1))
    acc2 = _scatter128(g2, src, dst, zeros128)
    out2 = _tc3(acc2, s2, dinv)
    return (out1, out2)

# --- scband reference (transcript-rebuilt; emitter-appended) ---
"""Pipeline reference for scband-tgcn-59339268161950 (READ-ONLY COPY).

The authoritative reference and input builder live on the scoring server;
editing this copy changes nothing except your own understanding.
"""

import jax, jax.numpy as jnp
import numpy as np

N = 10000
E = 320000
D_IN = 128
D_HID = 128
N_CLS = 64


def setup_inputs(seed: int = 0) -> dict:
    key = jax.random.key(seed)
    k1, k2, k3, k4 = jax.random.split(key, 4)
    X = jax.random.normal(k1, (N, D_IN), dtype=jnp.float32)
    edge_index = jax.random.randint(k2, (2, E), 0, N, dtype=jnp.int32)
    W1 = jax.random.normal(k3, (D_IN, D_HID), dtype=jnp.float32) * 0.05
    b1 = jnp.zeros((D_HID,), dtype=jnp.float32)
    W2 = jax.random.normal(k4, (D_HID, N_CLS), dtype=jnp.float32) * 0.05
    b2 = jnp.zeros((N_CLS,), dtype=jnp.float32)
    return {"X": X, "edge_index": edge_index, "W1": W1, "b1": b1, "W2": W2, "b2": b2}


def _gcn_smoothing(X, src, dst):
    # GCN propagation with self-loops: D^-1/2 (A + I) D^-1/2 X
    deg = jnp.zeros((N,), dtype=jnp.float32).at[dst].add(1.0) + 1.0
    dinv = jax.lax.rsqrt(deg)
    coef = dinv[src] * dinv[dst]
    msg = X[src] * coef[:, None]
    out = jnp.zeros_like(X).at[dst].add(msg)
    out = out + X * (dinv * dinv)[:, None]
    return out


def reference(X, edge_index, W1, b1, W2, b2):
    # TGCN forward: two GCNConv layers (theta linear -> GCN smoothing -> relu except last),
    # dropout omitted (inference/eval mode, drop_rate acts as identity). Returns list of
    # per-layer outputs, matching the torch module returning `outs`.
    src = edge_index[0]
    dst = edge_index[1]
    h = X @ W1 + b1
    h = _gcn_smoothing(h, src, dst)
    out1 = jax.nn.relu(h)
    h2 = out1 @ W2 + b2
    out2 = _gcn_smoothing(h2, src, dst)
    return (out1, out2)

if __name__ == "__main__":
    import jax
    _d = setup_inputs()
    print(jax.jit(kernel)(*tuple(_d.values())))

</pallas_src>

<mosaic_0001>
#map = affine_map<(d0, d1) -> (0, 0)>
#map1 = affine_map<(d0, d1) -> (0)>
#map2 = affine_map<(d0, d1) -> (0, 0, 0)>
module attributes {stable_mosaic.version = 14 : i64} {
  func.func @_scatter_body(%arg0: i32, %arg1: i32, %arg2: memref<10240x128xf32, #tpu.memory_space<hbm>>, %arg3: memref<320000xi32, #tpu.memory_space<hbm>>, %arg4: memref<320000xi32, #tpu.memory_space<hbm>>, %arg5: memref<128x128xf32, #tpu.memory_space<hbm>>, %arg6: memref<2x10240x128xf32, #tpu.memory_space<hbm>>, %arg7: memref<8x80xi32, #tpu.memory_space<vmem>>, %arg8: memref<8x80xi32, #tpu.memory_space<vmem>>, %arg9: memref<4x80x128xf32, #tpu.memory_space<vmem>>, %arg10: memref<10240x128xf32, #tpu.memory_space<vmem_shared>>, %arg11: memref<8x!tpu.dma_semaphore, #tpu.memory_space<semaphore_mem>>, %arg12: memref<8x!tpu.dma_semaphore, #tpu.memory_space<semaphore_mem>>, %arg13: memref<4x!tpu.dma_semaphore, #tpu.memory_space<semaphore_mem>>) attributes {dimension_semantics = [#tpu.dimension_semantics<core_parallel>, #tpu.dimension_semantics<subcore_parallel>], iteration_bounds = array<i64: 2, 16>, scalar_prefetch = 0 : i64, scratch_operands = 7 : i64, tpu.core_type = #tpu.core_type<sc_vector_subcore>, window_params = [{transform_indices = #map}, {transform_indices = #map1}, {transform_indices = #map1}, {transform_indices = #map}, {transform_indices = #map2}]} {
    %mul3A = arith.constant 16 : i32
    %mul3A_0 = arith.muli %arg0, %mul3A : i32
    %add3A = arith.addi %mul3A_0, %arg1 : i32
    %mul3A_1 = arith.constant 10000 : i32
    %mul3A_2 = arith.muli %add3A, %mul3A_1 : i32
    %scan3A = arith.constant 0 : i32
    %scan3A_3 = arith.constant 5 : i32
    %scan3A_4 = arith.addi %scan3A, %scan3A_3 : i32
    %scan3A_5 = arith.constant 1 : i32
    scf.for %scan3A_502 = %scan3A to %scan3A_4 step %scan3A_5  : i32 {
      %mul3A_503 = arith.constant 1 : i32
      %mul3A_504 = arith.muli %scan3A_502, %mul3A_503 : i32
      %add3A_505 = arith.constant 0 : i32
      %add3A_506 = arith.addi %add3A_505, %mul3A_504 : i32
      %mul3A_507 = arith.constant 640 : i32
      %mul3A_508 = arith.muli %arg1, %mul3A_507 : i32
      %mul3A_509 = arith.constant 128 : i32
      %mul3A_510 = arith.muli %add3A_506, %mul3A_509 : i32
      %add3A_511 = arith.addi %mul3A_508, %mul3A_510 : i32
      "tpu.region"() ({
        %run_scoped3A_512 = tpu.sem_alloc : memref<!tpu.dma_semaphore, #tpu.memory_space<semaphore_mem>>
        %dma_start3A_513 = arith.constant 0 : i32
        %dma_start3A_514 = tpu.memref_slice %arg10[%add3A_511, %dma_start3A_513] : memref<10240x128xf32, #tpu.memory_space<vmem_shared>> -> memref<128x128xf32, #tpu.memory_space<vmem_shared>>
        tpu.enqueue_dma source(%arg5 : memref<128x128xf32, #tpu.memory_space<hbm>>) target(%dma_start3A_514 : memref<128x128xf32, #tpu.memory_space<vmem_shared>>) target_semaphore(%run_scoped3A_512 : memref<!tpu.dma_semaphore, #tpu.memory_space<semaphore_mem>>)
        %dma_wait3A_515 = arith.constant 0 : i32
        %dma_wait3A_516 = tpu.memref_slice %arg10[%add3A_511, %dma_wait3A_515] : memref<10240x128xf32, #tpu.memory_space<vmem_shared>> -> memref<128x128xf32, #tpu.memory_space<vmem_shared>>
        tpu.wait_dma2 semaphore(%run_scoped3A_512 : memref<!tpu.dma_semaphore, #tpu.memory_space<semaphore_mem>>) src(%arg5 : memref<128x128xf32, #tpu.memory_space<hbm>>) dst(%dma_wait3A_516 : memref<128x128xf32, #tpu.memory_space<vmem_shared>>)
        tpu.yield
      }) : () -> ()
    }
    %scan3A_6 = arith.constant 5 : i32
    %barrier3A = arith.constant 0 : index
    tpu.barrier barrier_id(%barrier3A)
    %add3A_7 = arith.constant 0 : i32
    %add3A_8 = arith.addi %mul3A_2, %add3A_7 : i32
    %dma_start3A = arith.constant 0 : i32
    %dma_start3A_9 = arith.constant 0 : i32
    %dma_start3A_10 = arith.constant 0 : i32
    %dma_start3A_11 = tpu.memref_slice %arg7[%dma_start3A, %dma_start3A_10] : memref<8x80xi32, #tpu.memory_space<vmem>> -> memref<1x80xi32, #tpu.memory_space<vmem>>
    %dma_start3A_12 = tpu.memref_squeeze %dma_start3A_11 : memref<1x80xi32, #tpu.memory_space<vmem>> -> memref<80xi32, #tpu.memory_space<vmem>>
    %dma_start3A_13 = tpu.memref_slice %arg3[%add3A_8] : memref<320000xi32, #tpu.memory_space<hbm>> -> memref<80xi32, #tpu.memory_space<hbm>>
    %dma_start3A_14 = tpu.memref_slice %arg11[%dma_start3A_9] : memref<8x!tpu.dma_semaphore, #tpu.memory_space<semaphore_mem>> -> memref<1x!tpu.dma_semaphore, #tpu.memory_space<semaphore_mem>>
    %dma_start3A_15 = tpu.memref_squeeze %dma_start3A_14 : memref<1x!tpu.dma_semaphore, #tpu.memory_space<semaphore_mem>> -> memref<!tpu.dma_semaphore, #tpu.memory_space<semaphore_mem>>
    %dma_start3A_16 = arith.constant 0 : i32
    %dma_start3A_17 = tpu.memref_slice %arg7[%dma_start3A, %dma_start3A_16] : memref<8x80xi32, #tpu.memory_space<vmem>> -> memref<1x80xi32, #tpu.memory_space<vmem>>
    %dma_start3A_18 = tpu.memref_squeeze %dma_start3A_17 : memref<1x80xi32, #tpu.memory_space<vmem>> -> memref<80xi32, #tpu.memory_space<vmem>>
    %dma_start3A_19 = tpu.memref_slice %arg3[%add3A_8] : memref<320000xi32, #tpu.memory_space<hbm>> -> memref<80xi32, #tpu.memory_space<hbm>>
    tpu.enqueue_dma source(%dma_start3A_19 : memref<80xi32, #tpu.memory_space<hbm>>) target(%dma_start3A_18 : memref<80xi32, #tpu.memory_space<vmem>>) target_semaphore(%dma_start3A_15 : memref<!tpu.dma_semaphore, #tpu.memory_space<semaphore_mem>>)
    %dma_start3A_20 = arith.constant 0 : i32
    %dma_start3A_21 = arith.constant 0 : i32
    %dma_start3A_22 = arith.constant 0 : i32
    %dma_start3A_23 = tpu.memref_slice %arg8[%dma_start3A_20, %dma_start3A_22] : memref<8x80xi32, #tpu.memory_space<vmem>> -> memref<1x80xi32, #tpu.memory_space<vmem>>
    %dma_start3A_24 = tpu.memref_squeeze %dma_start3A_23 : memref<1x80xi32, #tpu.memory_space<vmem>> -> memref<80xi32, #tpu.memory_space<vmem>>
    %dma_start3A_25 = tpu.memref_slice %arg4[%add3A_8] : memref<320000xi32, #tpu.memory_space<hbm>> -> memref<80xi32, #tpu.memory_space<hbm>>
    %dma_start3A_26 = tpu.memref_slice %arg12[%dma_start3A_21] : memref<8x!tpu.dma_semaphore, #tpu.memory_space<semaphore_mem>> -> memref<1x!tpu.dma_semaphore, #tpu.memory_space<semaphore_mem>>
    %dma_start3A_27 = tpu.memref_squeeze %dma_start3A_26 : memref<1x!tpu.dma_semaphore, #tpu.memory_space<semaphore_mem>> -> memref<!tpu.dma_semaphore, #tpu.memory_space<semaphore_mem>>
    %dma_start3A_28 = arith.constant 0 : i32
    %dma_start3A_29 = tpu.memref_slice %arg8[%dma_start3A_20, %dma_start3A_28] : memref<8x80xi32, #tpu.memory_space<vmem>> -> memref<1x80xi32, #tpu.memory_space<vmem>>
    %dma_start3A_30 = tpu.memref_squeeze %dma_start3A_29 : memref<1x80xi32, #tpu.memory_space<vmem>> -> memref<80xi32, #tpu.memory_space<vmem>>
    %dma_start3A_31 = tpu.memref_slice %arg4[%add3A_8] : memref<320000xi32, #tpu.memory_space<hbm>> -> memref<80xi32, #tpu.memory_space<hbm>>
    tpu.enqueue_dma source(%dma_start3A_31 : memref<80xi32, #tpu.memory_space<hbm>>) target(%dma_start3A_30 : memref<80xi32, #tpu.memory_space<vmem>>) target_semaphore(%dma_start3A_27 : memref<!tpu.dma_semaphore, #tpu.memory_space<semaphore_mem>>)
    %add3A_32 = arith.constant 80 : i32
    %add3A_33 = arith.addi %mul3A_2, %add3A_32 : i32
    %dma_start3A_34 = arith.constant 1 : i32
    %dma_start3A_35 = arith.constant 1 : i32
    %dma_start3A_36 = arith.constant 0 : i32
    %dma_start3A_37 = tpu.memref_slice %arg7[%dma_start3A_34, %dma_start3A_36] : memref<8x80xi32, #tpu.memory_space<vmem>> -> memref<1x80xi32, #tpu.memory_space<vmem>>
    %dma_start3A_38 = tpu.memref_squeeze %dma_start3A_37 : memref<1x80xi32, #tpu.memory_space<vmem>> -> memref<80xi32, #tpu.memory_space<vmem>>
    %dma_start3A_39 = tpu.memref_slice %arg3[%add3A_33] : memref<320000xi32, #tpu.memory_space<hbm>> -> memref<80xi32, #tpu.memory_space<hbm>>
    %dma_start3A_40 = tpu.memref_slice %arg11[%dma_start3A_35] : memref<8x!tpu.dma_semaphore, #tpu.memory_space<semaphore_mem>> -> memref<1x!tpu.dma_semaphore, #tpu.memory_space<semaphore_mem>>
    %dma_start3A_41 = tpu.memref_squeeze %dma_start3A_40 : memref<1x!tpu.dma_semaphore, #tpu.memory_space<semaphore_mem>> -> memref<!tpu.dma_semaphore, #tpu.memory_space<semaphore_mem>>
    %dma_start3A_42 = arith.constant 0 : i32
    %dma_start3A_43 = tpu.memref_slice %arg7[%dma_start3A_34, %dma_start3A_42] : memref<8x80xi32, #tpu.memory_space<vmem>> -> memref<1x80xi32, #tpu.memory_space<vmem>>
    %dma_start3A_44 = tpu.memref_squeeze %dma_start3A_43 : memref<1x80xi32, #tpu.memory_space<vmem>> -> memref<80xi32, #tpu.memory_space<vmem>>
    %dma_start3A_45 = tpu.memref_slice %arg3[%add3A_33] : memref<320000xi32, #tpu.memory_space<hbm>> -> memref<80xi32, #tpu.memory_space<hbm>>
    tpu.enqueue_dma source(%dma_start3A_45 : memref<80xi32, #tpu.memory_space<hbm>>) target(%dma_start3A_44 : memref<80xi32, #tpu.memory_space<vmem>>) target_semaphore(%dma_start3A_41 : memref<!tpu.dma_semaphore, #tpu.memory_space<semaphore_mem>>)
    %dma_start3A_46 = arith.constant 1 : i32
    %dma_start3A_47 = arith.constant 1 : i32
    %dma_start3A_48 = arith.constant 0 : i32
    %dma_start3A_49 = tpu.memref_slice %arg8[%dma_start3A_46, %dma_start3A_48] : memref<8x80xi32, #tpu.memory_space<vmem>> -> memref<1x80xi32, #tpu.memory_space<vmem>>
    %dma_start3A_50 = tpu.memref_squeeze %dma_start3A_49 : memref<1x80xi32, #tpu.memory_space<vmem>> -> memref<80xi32, #tpu.memory_space<vmem>>
    %dma_start3A_51 = tpu.memref_slice %arg4[%add3A_33] : memref<320000xi32, #tpu.memory_space<hbm>> -> memref<80xi32, #tpu.memory_space<hbm>>
    %dma_start3A_52 = tpu.memref_slice %arg12[%dma_start3A_47] : memref<8x!tpu.dma_semaphore, #tpu.memory_space<semaphore_mem>> -> memref<1x!tpu.dma_semaphore, #tpu.memory_space<semaphore_mem>>
    %dma_start3A_53 = tpu.memref_squeeze %dma_start3A_52 : memref<1x!tpu.dma_semaphore, #tpu.memory_space<semaphore_mem>> -> memref<!tpu.dma_semaphore, #tpu.memory_space<semaphore_mem>>
    %dma_start3A_54 = arith.constant 0 : i32
    %dma_start3A_55 = tpu.memref_slice %arg8[%dma_start3A_46, %dma_start3A_54] : memref<8x80xi32, #tpu.memory_space<vmem>> -> memref<1x80xi32, #tpu.memory_space<vmem>>
    %dma_start3A_56 = tpu.memref_squeeze %dma_start3A_55 : memref<1x80xi32, #tpu.memory_space<vmem>> -> memref<80xi32, #tpu.memory_space<vmem>>
    %dma_start3A_57 = tpu.memref_slice %arg4[%add3A_33] : memref<320000xi32, #tpu.memory_space<hbm>> -> memref<80xi32, #tpu.memory_space<hbm>>
    tpu.enqueue_dma source(%dma_start3A_57 : memref<80xi32, #tpu.memory_space<hbm>>) target(%dma_start3A_56 : memref<80xi32, #tpu.memory_space<vmem>>) target_semaphore(%dma_start3A_53 : memref<!tpu.dma_semaphore, #tpu.memory_space<semaphore_mem>>)
    %add3A_58 = arith.constant 160 : i32
    %add3A_59 = arith.addi %mul3A_2, %add3A_58 : i32
    %dma_start3A_60 = arith.constant 2 : i32
    %dma_start3A_61 = arith.constant 2 : i32
    %dma_start3A_62 = arith.constant 0 : i32
    %dma_start3A_63 = tpu.memref_slice %arg7[%dma_start3A_60, %dma_start3A_62] : memref<8x80xi32, #tpu.memory_space<vmem>> -> memref<1x80xi32, #tpu.memory_space<vmem>>
    %dma_start3A_64 = tpu.memref_squeeze %dma_start3A_63 : memref<1x80xi32, #tpu.memory_space<vmem>> -> memref<80xi32, #tpu.memory_space<vmem>>
    %dma_start3A_65 = tpu.memref_slice %arg3[%add3A_59] : memref<320000xi32, #tpu.memory_space<hbm>> -> memref<80xi32, #tpu.memory_space<hbm>>
    %dma_start3A_66 = tpu.memref_slice %arg11[%dma_start3A_61] : memref<8x!tpu.dma_semaphore, #tpu.memory_space<semaphore_mem>> -> memref<1x!tpu.dma_semaphore, #tpu.memory_space<semaphore_mem>>
    %dma_start3A_67 = tpu.memref_squeeze %dma_start3A_66 : memref<1x!tpu.dma_semaphore, #tpu.memory_space<semaphore_mem>> -> memref<!tpu.dma_semaphore, #tpu.memory_space<semaphore_mem>>
    %dma_start3A_68 = arith.constant 0 : i32
    %dma_start3A_69 = tpu.memref_slice %arg7[%dma_start3A_60, %dma_start3A_68] : memref<8x80xi32, #tpu.memory_space<vmem>> -> memref<1x80xi32, #tpu.memory_space<vmem>>
    %dma_start3A_70 = tpu.memref_squeeze %dma_start3A_69 : memref<1x80xi32, #tpu.memory_space<vmem>> -> memref<80xi32, #tpu.memory_space<vmem>>
    %dma_start3A_71 = tpu.memref_slice %arg3[%add3A_59] : memref<320000xi32, #tpu.memory_space<hbm>> -> memref<80xi32, #tpu.memory_space<hbm>>
    tpu.enqueue_dma source(%dma_start3A_71 : memref<80xi32, #tpu.memory_space<hbm>>) target(%dma_start3A_70 : memref<80xi32, #tpu.memory_space<vmem>>) target_semaphore(%dma_start3A_67 : memref<!tpu.dma_semaphore, #tpu.memory_space<semaphore_mem>>)
    %dma_start3A_72 = arith.constant 2 : i32
    %dma_start3A_73 = arith.constant 2 : i32
    %dma_start3A_74 = arith.constant 0 : i32
    %dma_start3A_75 = tpu.memref_slice %arg8[%dma_start3A_72, %dma_start3A_74] : memref<8x80xi32, #tpu.memory_space<vmem>> -> memref<1x80xi32, #tpu.memory_space<vmem>>
    %dma_start3A_76 = tpu.memref_squeeze %dma_start3A_75 : memref<1x80xi32, #tpu.memory_space<vmem>> -> memref<80xi32, #tpu.memory_space<vmem>>
    %dma_start3A_77 = tpu.memref_slice %arg4[%add3A_59] : memref<320000xi32, #tpu.memory_space<hbm>> -> memref<80xi32, #tpu.memory_space<hbm>>
    %dma_start3A_78 = tpu.memref_slice %arg12[%dma_start3A_73] : memref<8x!tpu.dma_semaphore, #tpu.memory_space<semaphore_mem>> -> memref<1x!tpu.dma_semaphore, #tpu.memory_space<semaphore_mem>>
    %dma_start3A_79 = tpu.memref_squeeze %dma_start3A_78 : memref<1x!tpu.dma_semaphore, #tpu.memory_space<semaphore_mem>> -> memref<!tpu.dma_semaphore, #tpu.memory_space<semaphore_mem>>
    %dma_start3A_80 = arith.constant 0 : i32
    %dma_start3A_81 = tpu.memref_slice %arg8[%dma_start3A_72, %dma_start3A_80] : memref<8x80xi32, #tpu.memory_space<vmem>> -> memref<1x80xi32, #tpu.memory_space<vmem>>
    %dma_start3A_82 = tpu.memref_squeeze %dma_start3A_81 : memref<1x80xi32, #tpu.memory_space<vmem>> -> memref<80xi32, #tpu.memory_space<vmem>>
    %dma_start3A_83 = tpu.memref_slice %arg4[%add3A_59] : memref<320000xi32, #tpu.memory_space<hbm>> -> memref<80xi32, #tpu.memory_space<hbm>>
    tpu.enqueue_dma source(%dma_start3A_83 : memref<80xi32, #tpu.memory_space<hbm>>) target(%dma_start3A_82 : memref<80xi32, #tpu.memory_space<vmem>>) target_semaphore(%dma_start3A_79 : memref<!tpu.dma_semaphore, #tpu.memory_space<semaphore_mem>>)
    %add3A_84 = arith.constant 240 : i32
    %add3A_85 = arith.addi %mul3A_2, %add3A_84 : i32
    %dma_start3A_86 = arith.constant 3 : i32
    %dma_start3A_87 = arith.constant 3 : i32
    %dma_start3A_88 = arith.constant 0 : i32
    %dma_start3A_89 = tpu.memref_slice %arg7[%dma_start3A_86, %dma_start3A_88] : memref<8x80xi32, #tpu.memory_space<vmem>> -> memref<1x80xi32, #tpu.memory_space<vmem>>
    %dma_start3A_90 = tpu.memref_squeeze %dma_start3A_89 : memref<1x80xi32, #tpu.memory_space<vmem>> -> memref<80xi32, #tpu.memory_space<vmem>>
    %dma_start3A_91 = tpu.memref_slice %arg3[%add3A_85] : memref<320000xi32, #tpu.memory_space<hbm>> -> memref<80xi32, #tpu.memory_space<hbm>>
    %dma_start3A_92 = tpu.memref_slice %arg11[%dma_start3A_87] : memref<8x!tpu.dma_semaphore, #tpu.memory_space<semaphore_mem>> -> memref<1x!tpu.dma_semaphore, #tpu.memory_space<semaphore_mem>>
    %dma_start3A_93 = tpu.memref_squeeze %dma_start3A_92 : memref<1x!tpu.dma_semaphore, #tpu.memory_space<semaphore_mem>> -> memref<!tpu.dma_semaphore, #tpu.memory_space<semaphore_mem>>
    %dma_start3A_94 = arith.constant 0 : i32
    %dma_start3A_95 = tpu.memref_slice %arg7[%dma_start3A_86, %dma_start3A_94] : memref<8x80xi32, #tpu.memory_space<vmem>> -> memref<1x80xi32, #tpu.memory_space<vmem>>
    %dma_start3A_96 = tpu.memref_squeeze %dma_start3A_95 : memref<1x80xi32, #tpu.memory_space<vmem>> -> memref<80xi32, #tpu.memory_space<vmem>>
    %dma_start3A_97 = tpu.memref_slice %arg3[%add3A_85] : memref<320000xi32, #tpu.memory_space<hbm>> -> memref<80xi32, #tpu.memory_space<hbm>>
    tpu.enqueue_dma source(%dma_start3A_97 : memref<80xi32, #tpu.memory_space<hbm>>) target(%dma_start3A_96 : memref<80xi32, #tpu.memory_space<vmem>>) target_semaphore(%dma_start3A_93 : memref<!tpu.dma_semaphore, #tpu.memory_space<semaphore_mem>>)
    %dma_start3A_98 = arith.constant 3 : i32
    %dma_start3A_99 = arith.constant 3 : i32
    %dma_start3A_100 = arith.constant 0 : i32
    %dma_start3A_101 = tpu.memref_slice %arg8[%dma_start3A_98, %dma_start3A_100] : memref<8x80xi32, #tpu.memory_space<vmem>> -> memref<1x80xi32, #tpu.memory_space<vmem>>
    %dma_start3A_102 = tpu.memref_squeeze %dma_start3A_101 : memref<1x80xi32, #tpu.memory_space<vmem>> -> memref<80xi32, #tpu.memory_space<vmem>>
    %dma_start3A_103 = tpu.memref_slice %arg4[%add3A_85] : memref<320000xi32, #tpu.memory_space<hbm>> -> memref<80xi32, #tpu.memory_space<hbm>>
    %dma_start3A_104 = tpu.memref_slice %arg12[%dma_start3A_99] : memref<8x!tpu.dma_semaphore, #tpu.memory_space<semaphore_mem>> -> memref<1x!tpu.dma_semaphore, #tpu.memory_space<semaphore_mem>>
    %dma_start3A_105 = tpu.memref_squeeze %dma_start3A_104 : memref<1x!tpu.dma_semaphore, #tpu.memory_space<semaphore_mem>> -> memref<!tpu.dma_semaphore, #tpu.memory_space<semaphore_mem>>
    %dma_start3A_106 = arith.constant 0 : i32
    %dma_start3A_107 = tpu.memref_slice %arg8[%dma_start3A_98, %dma_start3A_106] : memref<8x80xi32, #tpu.memory_space<vmem>> -> memref<1x80xi32, #tpu.memory_space<vmem>>
    %dma_start3A_108 = tpu.memref_squeeze %dma_start3A_107 : memref<1x80xi32, #tpu.memory_space<vmem>> -> memref<80xi32, #tpu.memory_space<vmem>>
    %dma_start3A_109 = tpu.memref_slice %arg4[%add3A_85] : memref<320000xi32, #tpu.memory_space<hbm>> -> memref<80xi32, #tpu.memory_space<hbm>>
    tpu.enqueue_dma source(%dma_start3A_109 : memref<80xi32, #tpu.memory_space<hbm>>) target(%dma_start3A_108 : memref<80xi32, #tpu.memory_space<vmem>>) target_semaphore(%dma_start3A_105 : memref<!tpu.dma_semaphore, #tpu.memory_space<semaphore_mem>>)
    %add3A_110 = arith.constant 320 : i32
    %add3A_111 = arith.addi %mul3A_2, %add3A_110 : i32
    %dma_start3A_112 = arith.constant 4 : i32
    %dma_start3A_113 = arith.constant 4 : i32
    %dma_start3A_114 = arith.constant 0 : i32
    %dma_start3A_115 = tpu.memref_slice %arg7[%dma_start3A_112, %dma_start3A_114] : memref<8x80xi32, #tpu.memory_space<vmem>> -> memref<1x80xi32, #tpu.memory_space<vmem>>
    %dma_start3A_116 = tpu.memref_squeeze %dma_start3A_115 : memref<1x80xi32, #tpu.memory_space<vmem>> -> memref<80xi32, #tpu.memory_space<vmem>>
    %dma_start3A_117 = tpu.memref_slice %arg3[%add3A_111] : memref<320000xi32, #tpu.memory_space<hbm>> -> memref<80xi32, #tpu.memory_space<hbm>>
    %dma_start3A_118 = tpu.memref_slice %arg11[%dma_start3A_113] : memref<8x!tpu.dma_semaphore, #tpu.memory_space<semaphore_mem>> -> memref<1x!tpu.dma_semaphore, #tpu.memory_space<semaphore_mem>>
    %dma_start3A_119 = tpu.memref_squeeze %dma_start3A_118 : memref<1x!tpu.dma_semaphore, #tpu.memory_space<semaphore_mem>> -> memref<!tpu.dma_semaphore, #tpu.memory_space<semaphore_mem>>
    %dma_start3A_120 = arith.constant 0 : i32
    %dma_start3A_121 = tpu.memref_slice %arg7[%dma_start3A_112, %dma_start3A_120] : memref<8x80xi32, #tpu.memory_space<vmem>> -> memref<1x80xi32, #tpu.memory_space<vmem>>
    %dma_start3A_122 = tpu.memref_squeeze %dma_start3A_121 : memref<1x80xi32, #tpu.memory_space<vmem>> -> memref<80xi32, #tpu.memory_space<vmem>>
    %dma_start3A_123 = tpu.memref_slice %arg3[%add3A_111] : memref<320000xi32, #tpu.memory_space<hbm>> -> memref<80xi32, #tpu.memory_space<hbm>>
    tpu.enqueue_dma source(%dma_start3A_123 : memref<80xi32, #tpu.memory_space<hbm>>) target(%dma_start3A_122 : memref<80xi32, #tpu.memory_space<vmem>>) target_semaphore(%dma_start3A_119 : memref<!tpu.dma_semaphore, #tpu.memory_space<semaphore_mem>>)
    %dma_start3A_124 = arith.constant 4 : i32
    %dma_start3A_125 = arith.constant 4 : i32
    %dma_start3A_126 = arith.constant 0 : i32
    %dma_start3A_127 = tpu.memref_slice %arg8[%dma_start3A_124, %dma_start3A_126] : memref<8x80xi32, #tpu.memory_space<vmem>> -> memref<1x80xi32, #tpu.memory_space<vmem>>
    %dma_start3A_128 = tpu.memref_squeeze %dma_start3A_127 : memref<1x80xi32, #tpu.memory_space<vmem>> -> memref<80xi32, #tpu.memory_space<vmem>>
    %dma_start3A_129 = tpu.memref_slice %arg4[%add3A_111] : memref<320000xi32, #tpu.memory_space<hbm>> -> memref<80xi32, #tpu.memory_space<hbm>>
    %dma_start3A_130 = tpu.memref_slice %arg12[%dma_start3A_125] : memref<8x!tpu.dma_semaphore, #tpu.memory_space<semaphore_mem>> -> memref<1x!tpu.dma_semaphore, #tpu.memory_space<semaphore_mem>>
    %dma_start3A_131 = tpu.memref_squeeze %dma_start3A_130 : memref<1x!tpu.dma_semaphore, #tpu.memory_space<semaphore_mem>> -> memref<!tpu.dma_semaphore, #tpu.memory_space<semaphore_mem>>
    %dma_start3A_132 = arith.constant 0 : i32
    %dma_start3A_133 = tpu.memref_slice %arg8[%dma_start3A_124, %dma_start3A_132] : memref<8x80xi32, #tpu.memory_space<vmem>> -> memref<1x80xi32, #tpu.memory_space<vmem>>
    %dma_start3A_134 = tpu.memref_squeeze %dma_start3A_133 : memref<1x80xi32, #tpu.memory_space<vmem>> -> memref<80xi32, #tpu.memory_space<vmem>>
    %dma_start3A_135 = tpu.memref_slice %arg4[%add3A_111] : memref<320000xi32, #tpu.memory_space<hbm>> -> memref<80xi32, #tpu.memory_space<hbm>>
    tpu.enqueue_dma source(%dma_start3A_135 : memref<80xi32, #tpu.memory_space<hbm>>) target(%dma_start3A_134 : memref<80xi32, #tpu.memory_space<vmem>>) target_semaphore(%dma_start3A_131 : memref<!tpu.dma_semaphore, #tpu.memory_space<semaphore_mem>>)
    %add3A_136 = arith.constant 400 : i32
    %add3A_137 = arith.addi %mul3A_2, %add3A_136 : i32
    %dma_start3A_138 = arith.constant 5 : i32
    %dma_start3A_139 = arith.constant 5 : i32
    %dma_start3A_140 = arith.constant 0 : i32
    %dma_start3A_141 = tpu.memref_slice %arg7[%dma_start3A_138, %dma_start3A_140] : memref<8x80xi32, #tpu.memory_space<vmem>> -> memref<1x80xi32, #tpu.memory_space<vmem>>
    %dma_start3A_142 = tpu.memref_squeeze %dma_start3A_141 : memref<1x80xi32, #tpu.memory_space<vmem>> -> memref<80xi32, #tpu.memory_space<vmem>>
    %dma_start3A_143 = tpu.memref_slice %arg3[%add3A_137] : memref<320000xi32, #tpu.memory_space<hbm>> -> memref<80xi32, #tpu.memory_space<hbm>>
    %dma_start3A_144 = tpu.memref_slice %arg11[%dma_start3A_139] : memref<8x!tpu.dma_semaphore, #tpu.memory_space<semaphore_mem>> -> memref<1x!tpu.dma_semaphore, #tpu.memory_space<semaphore_mem>>
    %dma_start3A_145 = tpu.memref_squeeze %dma_start3A_144 : memref<1x!tpu.dma_semaphore, #tpu.memory_space<semaphore_mem>> -> memref<!tpu.dma_semaphore, #tpu.memory_space<semaphore_mem>>
    %dma_start3A_146 = arith.constant 0 : i32
    %dma_start3A_147 = tpu.memref_slice %arg7[%dma_start3A_138, %dma_start3A_146] : memref<8x80xi32, #tpu.memory_space<vmem>> -> memref<1x80xi32, #tpu.memory_space<vmem>>
    %dma_start3A_148 = tpu.memref_squeeze %dma_start3A_147 : memref<1x80xi32, #tpu.memory_space<vmem>> -> memref<80xi32, #tpu.memory_space<vmem>>
    %dma_start3A_149 = tpu.memref_slice %arg3[%add3A_137] : memref<320000xi32, #tpu.memory_space<hbm>> -> memref<80xi32, #tpu.memory_space<hbm>>
    tpu.enqueue_dma source(%dma_start3A_149 : memref<80xi32, #tpu.memory_space<hbm>>) target(%dma_start3A_148 : memref<80xi32, #tpu.memory_space<vmem>>) target_semaphore(%dma_start3A_145 : memref<!tpu.dma_semaphore, #tpu.memory_space<semaphore_mem>>)
    %dma_start3A_150 = arith.constant 5 : i32
    %dma_start3A_151 = arith.constant 5 : i32
    %dma_start3A_152 = arith.constant 0 : i32
    %dma_start3A_153 = tpu.memref_slice %arg8[%dma_start3A_150, %dma_start3A_152] : memref<8x80xi32, #tpu.memory_space<vmem>> -> memref<1x80xi32, #tpu.memory_space<vmem>>
    %dma_start3A_154 = tpu.memref_squeeze %dma_start3A_153 : memref<1x80xi32, #tpu.memory_space<vmem>> -> memref<80xi32, #tpu.memory_space<vmem>>
    %dma_start3A_155 = tpu.memref_slice %arg4[%add3A_137] : memref<320000xi32, #tpu.memory_space<hbm>> -> memref<80xi32, #tpu.memory_space<hbm>>
    %dma_start3A_156 = tpu.memref_slice %arg12[%dma_start3A_151] : memref<8x!tpu.dma_semaphore, #tpu.memory_space<semaphore_mem>> -> memref<1x!tpu.dma_semaphore, #tpu.memory_space<semaphore_mem>>
    %dma_start3A_157 = tpu.memref_squeeze %dma_start3A_156 : memref<1x!tpu.dma_semaphore, #tpu.memory_space<semaphore_mem>> -> memref<!tpu.dma_semaphore, #tpu.memory_space<semaphore_mem>>
    %dma_start3A_158 = arith.constant 0 : i32
    %dma_start3A_159 = tpu.memref_slice %arg8[%dma_start3A_150, %dma_start3A_158] : memref<8x80xi32, #tpu.memory_space<vmem>> -> memref<1x80xi32, #tpu.memory_space<vmem>>
    %dma_start3A_160 = tpu.memref_squeeze %dma_start3A_159 : memref<1x80xi32, #tpu.memory_space<vmem>> -> memref<80xi32, #tpu.memory_space<vmem>>
    %dma_start3A_161 = tpu.memref_slice %arg4[%add3A_137] : memref<320000xi32, #tpu.memory_space<hbm>> -> memref<80xi32, #tpu.memory_space<hbm>>
    tpu.enqueue_dma source(%dma_start3A_161 : memref<80xi32, #tpu.memory_space<hbm>>) target(%dma_start3A_160 : memref<80xi32, #tpu.memory_space<vmem>>) target_semaphore(%dma_start3A_157 : memref<!tpu.dma_semaphore, #tpu.memory_space<semaphore_mem>>)
    %add3A_162 = arith.constant 480 : i32
    %add3A_163 = arith.addi %mul3A_2, %add3A_162 : i32
    %dma_start3A_164 = arith.constant 6 : i32
    %dma_start3A_165 = arith.constant 6 : i32
    %dma_start3A_166 = arith.constant 0 : i32
    %dma_start3A_167 = tpu.memref_slice %arg7[%dma_start3A_164, %dma_start3A_166] : memref<8x80xi32, #tpu.memory_space<vmem>> -> memref<1x80xi32, #tpu.memory_space<vmem>>
    %dma_start3A_168 = tpu.memref_squeeze %dma_start3A_167 : memref<1x80xi32, #tpu.memory_space<vmem>> -> memref<80xi32, #tpu.memory_space<vmem>>
    %dma_start3A_169 = tpu.memref_slice %arg3[%add3A_163] : memref<320000xi32, #tpu.memory_space<hbm>> -> memref<80xi32, #tpu.memory_space<hbm>>
    %dma_start3A_170 = tpu.memref_slice %arg11[%dma_start3A_165] : memref<8x!tpu.dma_semaphore, #tpu.memory_space<semaphore_mem>> -> memref<1x!tpu.dma_semaphore, #tpu.memory_space<semaphore_mem>>
    %dma_start3A_171 = tpu.memref_squeeze %dma_start3A_170 : memref<1x!tpu.dma_semaphore, #tpu.memory_space<semaphore_mem>> -> memref<!tpu.dma_semaphore, #tpu.memory_space<semaphore_mem>>
    %dma_start3A_172 = arith.constant 0 : i32
    %dma_start3A_173 = tpu.memref_slice %arg7[%dma_start3A_164, %dma_start3A_172] : memref<8x80xi32, #tpu.memory_space<vmem>> -> memref<1x80xi32, #tpu.memory_space<vmem>>
    %dma_start3A_174 = tpu.memref_squeeze %dma_start3A_173 : memref<1x80xi32, #tpu.memory_space<vmem>> -> memref<80xi32, #tpu.memory_space<vmem>>
    %dma_start3A_175 = tpu.memref_slice %arg3[%add3A_163] : memref<320000xi32, #tpu.memory_space<hbm>> -> memref<80xi32, #tpu.memory_space<hbm>>
    tpu.enqueue_dma source(%dma_start3A_175 : memref<80xi32, #tpu.memory_space<hbm>>) target(%dma_start3A_174 : memref<80xi32, #tpu.memory_space<vmem>>) target_semaphore(%dma_start3A_171 : memref<!tpu.dma_semaphore, #tpu.memory_space<semaphore_mem>>)
    %dma_start3A_176 = arith.constant 6 : i32
    %dma_start3A_177 = arith.constant 6 : i32
    %dma_start3A_178 = arith.constant 0 : i32
    %dma_start3A_179 = tpu.memref_slice %arg8[%dma_start3A_176, %dma_start3A_178] : memref<8x80xi32, #tpu.memory_space<vmem>> -> memref<1x80xi32, #tpu.memory_space<vmem>>
    %dma_start3A_180 = tpu.memref_squeeze %dma_start3A_179 : memref<1x80xi32, #tpu.memory_space<vmem>> -> memref<80xi32, #tpu.memory_space<vmem>>
    %dma_start3A_181 = tpu.memref_slice %arg4[%add3A_163] : memref<320000xi32, #tpu.memory_space<hbm>> -> memref<80xi32, #tpu.memory_space<hbm>>
    %dma_start3A_182 = tpu.memref_slice %arg12[%dma_start3A_177] : memref<8x!tpu.dma_semaphore, #tpu.memory_space<semaphore_mem>> -> memref<1x!tpu.dma_semaphore, #tpu.memory_space<semaphore_mem>>
    %dma_start3A_183 = tpu.memref_squeeze %dma_start3A_182 : memref<1x!tpu.dma_semaphore, #tpu.memory_space<semaphore_mem>> -> memref<!tpu.dma_semaphore, #tpu.memory_space<semaphore_mem>>
    %dma_start3A_184 = arith.constant 0 : i32
    %dma_start3A_185 = tpu.memref_slice %arg8[%dma_start3A_176, %dma_start3A_184] : memref<8x80xi32, #tpu.memory_space<vmem>> -> memref<1x80xi32, #tpu.memory_space<vmem>>
    %dma_start3A_186 = tpu.memref_squeeze %dma_start3A_185 : memref<1x80xi32, #tpu.memory_space<vmem>> -> memref<80xi32, #tpu.memory_space<vmem>>
    %dma_start3A_187 = tpu.memref_slice %arg4[%add3A_163] : memref<320000xi32, #tpu.memory_space<hbm>> -> memref<80xi32, #tpu.memory_space<hbm>>
    tpu.enqueue_dma source(%dma_start3A_187 : memref<80xi32, #tpu.memory_space<hbm>>) target(%dma_start3A_186 : memref<80xi32, #tpu.memory_space<vmem>>) target_semaphore(%dma_start3A_183 : memref<!tpu.dma_semaphore, #tpu.memory_space<semaphore_mem>>)
    %add3A_188 = arith.constant 560 : i32
    %add3A_189 = arith.addi %mul3A_2, %add3A_188 : i32
    %dma_start3A_190 = arith.constant 7 : i32
    %dma_start3A_191 = arith.constant 7 : i32
    %dma_start3A_192 = arith.constant 0 : i32
    %dma_start3A_193 = tpu.memref_slice %arg7[%dma_start3A_190, %dma_start3A_192] : memref<8x80xi32, #tpu.memory_space<vmem>> -> memref<1x80xi32, #tpu.memory_space<vmem>>
    %dma_start3A_194 = tpu.memref_squeeze %dma_start3A_193 : memref<1x80xi32, #tpu.memory_space<vmem>> -> memref<80xi32, #tpu.memory_space<vmem>>
    %dma_start3A_195 = tpu.memref_slice %arg3[%add3A_189] : memref<320000xi32, #tpu.memory_space<hbm>> -> memref<80xi32, #tpu.memory_space<hbm>>
    %dma_start3A_196 = tpu.memref_slice %arg11[%dma_start3A_191] : memref<8x!tpu.dma_semaphore, #tpu.memory_space<semaphore_mem>> -> memref<1x!tpu.dma_semaphore, #tpu.memory_space<semaphore_mem>>
    %dma_start3A_197 = tpu.memref_squeeze %dma_start3A_196 : memref<1x!tpu.dma_semaphore, #tpu.memory_space<semaphore_mem>> -> memref<!tpu.dma_semaphore, #tpu.memory_space<semaphore_mem>>
    %dma_start3A_198 = arith.constant 0 : i32
    %dma_start3A_199 = tpu.memref_slice %arg7[%dma_start3A_190, %dma_start3A_198] : memref<8x80xi32, #tpu.memory_space<vmem>> -> memref<1x80xi32, #tpu.memory_space<vmem>>
    %dma_start3A_200 = tpu.memref_squeeze %dma_start3A_199 : memref<1x80xi32, #tpu.memory_space<vmem>> -> memref<80xi32, #tpu.memory_space<vmem>>
    %dma_start3A_201 = tpu.memref_slice %arg3[%add3A_189] : memref<320000xi32, #tpu.memory_space<hbm>> -> memref<80xi32, #tpu.memory_space<hbm>>
    tpu.enqueue_dma source(%dma_start3A_201 : memref<80xi32, #tpu.memory_space<hbm>>) target(%dma_start3A_200 : memref<80xi32, #tpu.memory_space<vmem>>) target_semaphore(%dma_start3A_197 : memref<!tpu.dma_semaphore, #tpu.memory_space<semaphore_mem>>)
    %dma_start3A_202 = arith.constant 7 : i32
    %dma_start3A_203 = arith.constant 7 : i32
    %dma_start3A_204 = arith.constant 0 : i32
    %dma_start3A_205 = tpu.memref_slice %arg8[%dma_start3A_202, %dma_start3A_204] : memref<8x80xi32, #tpu.memory_space<vmem>> -> memref<1x80xi32, #tpu.memory_space<vmem>>
    %dma_start3A_206 = tpu.memref_squeeze %dma_start3A_205 : memref<1x80xi32, #tpu.memory_space<vmem>> -> memref<80xi32, #tpu.memory_space<vmem>>
    %dma_start3A_207 = tpu.memref_slice %arg4[%add3A_189] : memref<320000xi32, #tpu.memory_space<hbm>> -> memref<80xi32, #tpu.memory_space<hbm>>
    %dma_start3A_208 = tpu.memref_slice %arg12[%dma_start3A_203] : memref<8x!tpu.dma_semaphore, #tpu.memory_space<semaphore_mem>> -> memref<1x!tpu.dma_semaphore, #tpu.memory_space<semaphore_mem>>
    %dma_start3A_209 = tpu.memref_squeeze %dma_start3A_208 : memref<1x!tpu.dma_semaphore, #tpu.memory_space<semaphore_mem>> -> memref<!tpu.dma_semaphore, #tpu.memory_space<semaphore_mem>>
    %dma_start3A_210 = arith.constant 0 : i32
    %dma_start3A_211 = tpu.memref_slice %arg8[%dma_start3A_202, %dma_start3A_210] : memref<8x80xi32, #tpu.memory_space<vmem>> -> memref<1x80xi32, #tpu.memory_space<vmem>>
    %dma_start3A_212 = tpu.memref_squeeze %dma_start3A_211 : memref<1x80xi32, #tpu.memory_space<vmem>> -> memref<80xi32, #tpu.memory_space<vmem>>
    %dma_start3A_213 = tpu.memref_slice %arg4[%add3A_189] : memref<320000xi32, #tpu.memory_space<hbm>> -> memref<80xi32, #tpu.memory_space<hbm>>
    tpu.enqueue_dma source(%dma_start3A_213 : memref<80xi32, #tpu.memory_space<hbm>>) target(%dma_start3A_212 : memref<80xi32, #tpu.memory_space<vmem>>) target_semaphore(%dma_start3A_209 : memref<!tpu.dma_semaphore, #tpu.memory_space<semaphore_mem>>)
    %dma_wait3A = arith.constant 0 : i32
    %dma_wait3A_214 = arith.constant 0 : i32
    %dma_wait3A_215 = arith.constant 0 : i32
    %dma_wait3A_216 = tpu.memref_slice %arg7[%dma_wait3A, %dma_wait3A_215] : memref<8x80xi32, #tpu.memory_space<vmem>> -> memref<1x80xi32, #tpu.memory_space<vmem>>
    %dma_wait3A_217 = tpu.memref_squeeze %dma_wait3A_216 : memref<1x80xi32, #tpu.memory_space<vmem>> -> memref<80xi32, #tpu.memory_space<vmem>>
    %dma_wait3A_218 = tpu.memref_slice %arg3[%mul3A_2] : memref<320000xi32, #tpu.memory_space<hbm>> -> memref<80xi32, #tpu.memory_space<hbm>>
    %dma_wait3A_219 = tpu.memref_slice %arg11[%dma_wait3A_214] : memref<8x!tpu.dma_semaphore, #tpu.memory_space<semaphore_mem>> -> memref<1x!tpu.dma_semaphore, #tpu.memory_space<semaphore_mem>>
    %dma_wait3A_220 = tpu.memref_squeeze %dma_wait3A_219 : memref<1x!tpu.dma_semaphore, #tpu.memory_space<semaphore_mem>> -> memref<!tpu.dma_semaphore, #tpu.memory_space<semaphore_mem>>
    %dma_wait3A_221 = arith.constant 0 : i32
    %dma_wait3A_222 = tpu.memref_slice %arg7[%dma_wait3A, %dma_wait3A_221] : memref<8x80xi32, #tpu.memory_space<vmem>> -> memref<1x80xi32, #tpu.memory_space<vmem>>
    %dma_wait3A_223 = tpu.memref_squeeze %dma_wait3A_222 : memref<1x80xi32, #tpu.memory_space<vmem>> -> memref<80xi32, #tpu.memory_space<vmem>>
    %dma_wait3A_224 = tpu.memref_slice %arg3[%mul3A_2] : memref<320000xi32, #tpu.memory_space<hbm>> -> memref<80xi32, #tpu.memory_space<hbm>>
    tpu.wait_dma2 semaphore(%dma_wait3A_220 : memref<!tpu.dma_semaphore, #tpu.memory_space<semaphore_mem>>) src(%dma_wait3A_224 : memref<80xi32, #tpu.memory_space<hbm>>) dst(%dma_wait3A_223 : memref<80xi32, #tpu.memory_space<vmem>>)
    %dma_wait3A_225 = arith.constant 0 : i32
    %dma_wait3A_226 = arith.constant 0 : i32
    %dma_wait3A_227 = arith.constant 0 : i32
    %dma_wait3A_228 = tpu.memref_slice %arg8[%dma_wait3A_225, %dma_wait3A_227] : memref<8x80xi32, #tpu.memory_space<vmem>> -> memref<1x80xi32, #tpu.memory_space<vmem>>
    %dma_wait3A_229 = tpu.memref_squeeze %dma_wait3A_228 : memref<1x80xi32, #tpu.memory_space<vmem>> -> memref<80xi32, #tpu.memory_space<vmem>>
    %dma_wait3A_230 = tpu.memref_slice %arg4[%mul3A_2] : memref<320000xi32, #tpu.memory_space<hbm>> -> memref<80xi32, #tpu.memory_space<hbm>>
    %dma_wait3A_231 = tpu.memref_slice %arg12[%dma_wait3A_226] : memref<8x!tpu.dma_semaphore, #tpu.memory_space<semaphore_mem>> -> memref<1x!tpu.dma_semaphore, #tpu.memory_space<semaphore_mem>>
    %dma_wait3A_232 = tpu.memref_squeeze %dma_wait3A_231 : memref<1x!tpu.dma_semaphore, #tpu.memory_space<semaphore_mem>> -> memref<!tpu.dma_semaphore, #tpu.memory_space<semaphore_mem>>
    %dma_wait3A_233 = arith.constant 0 : i32
    %dma_wait3A_234 = tpu.memref_slice %arg8[%dma_wait3A_225, %dma_wait3A_233] : memref<8x80xi32, #tpu.memory_space<vmem>> -> memref<1x80xi32, #tpu.memory_space<vmem>>
    %dma_wait3A_235 = tpu.memref_squeeze %dma_wait3A_234 : memref<1x80xi32, #tpu.memory_space<vmem>> -> memref<80xi32, #tpu.memory_space<vmem>>
    %dma_wait3A_236 = tpu.memref_slice %arg4[%mul3A_2] : memref<320000xi32, #tpu.memory_space<hbm>> -> memref<80xi32, #tpu.memory_space<hbm>>
    tpu.wait_dma2 semaphore(%dma_wait3A_232 : memref<!tpu.dma_semaphore, #tpu.memory_space<semaphore_mem>>) src(%dma_wait3A_236 : memref<80xi32, #tpu.memory_space<hbm>>) dst(%dma_wait3A_235 : memref<80xi32, #tpu.memory_space<vmem>>)
    %dma_start3A_237 = arith.constant 0 : i32
    %dma_start3A_238 = arith.constant 0 : i32
    %dma_start3A_239 = arith.constant 0 : i32
    %dma_start3A_240 = arith.constant 0 : i32
    %dma_start3A_241 = arith.constant 0 : i32
    %dma_start3A_242 = tpu.memref_slice %arg9[%dma_start3A_238, %dma_start3A_240, %dma_start3A_241] : memref<4x80x128xf32, #tpu.memory_space<vmem>> -> memref<1x80x128xf32, #tpu.memory_space<vmem>>
    %dma_start3A_243 = tpu.memref_squeeze %dma_start3A_242 : memref<1x80x128xf32, #tpu.memory_space<vmem>> -> memref<80x128xf32, #tpu.memory_space<vmem>>
    %dma_start3A_244 = arith.constant 0 : i32
    %dma_start3A_245 = tpu.memref_slice %arg7[%dma_start3A_237, %dma_start3A_244] : memref<8x80xi32, #tpu.memory_space<vmem>> -> memref<1x80xi32, #tpu.memory_space<vmem>>
    %dma_start3A_246 = tpu.memref_squeeze %dma_start3A_245 : memref<1x80xi32, #tpu.memory_space<vmem>> -> memref<80xi32, #tpu.memory_space<vmem>>
    %dma_start3A_247 = arith.constant 0 : i32
    %dma_start3A_248 = arith.constant 0 : i32
    %dma_start3A_249 = tpu.memref_slice %arg2[%dma_start3A_247, %dma_start3A_248] : memref<10240x128xf32, #tpu.memory_space<hbm>> -> memref<10240x128xf32, #tpu.memory_space<hbm>>
    %dma_start3A_250 = tpu.memref_slice %arg13[%dma_start3A_239] : memref<4x!tpu.dma_semaphore, #tpu.memory_space<semaphore_mem>> -> memref<1x!tpu.dma_semaphore, #tpu.memory_space<semaphore_mem>>
    %dma_start3A_251 = tpu.memref_squeeze %dma_start3A_250 : memref<1x!tpu.dma_semaphore, #tpu.memory_space<semaphore_mem>> -> memref<!tpu.dma_semaphore, #tpu.memory_space<semaphore_mem>>
    tpu.enqueue_indirect_dma source(%dma_start3A_249 : memref<10240x128xf32, #tpu.memory_space<hbm>>) target(%dma_start3A_243 : memref<80x128xf32, #tpu.memory_space<vmem>>) offsets(%dma_start3A_246 : memref<80xi32, #tpu.memory_space<vmem>>) semaphore(%dma_start3A_251 : memref<!tpu.dma_semaphore, #tpu.memory_space<semaphore_mem>>)
    %dma_wait3A_252 = arith.constant 1 : i32
    %dma_wait3A_253 = arith.constant 1 : i32
    %dma_wait3A_254 = arith.constant 0 : i32
    %dma_wait3A_255 = tpu.memref_slice %arg7[%dma_wait3A_252, %dma_wait3A_254] : memref<8x80xi32, #tpu.memory_space<vmem>> -> memref<1x80xi32, #tpu.memory_space<vmem>>
    %dma_wait3A_256 = tpu.memref_squeeze %dma_wait3A_255 : memref<1x80xi32, #tpu.memory_space<vmem>> -> memref<80xi32, #tpu.memory_space<vmem>>
    %dma_wait3A_257 = tpu.memref_slice %arg3[%mul3A_2] : memref<320000xi32, #tpu.memory_space<hbm>> -> memref<80xi32, #tpu.memory_space<hbm>>
    %dma_wait3A_258 = tpu.memref_slice %arg11[%dma_wait3A_253] : memref<8x!tpu.dma_semaphore, #tpu.memory_space<semaphore_mem>> -> memref<1x!tpu.dma_semaphore, #tpu.memory_space<semaphore_mem>>
    %dma_wait3A_259 = tpu.memref_squeeze %dma_wait3A_258 : memref<1x!tpu.dma_semaphore, #tpu.memory_space<semaphore_mem>> -> memref<!tpu.dma_semaphore, #tpu.memory_space<semaphore_mem>>
    %dma_wait3A_260 = arith.constant 0 : i32
    %dma_wait3A_261 = tpu.memref_slice %arg7[%dma_wait3A_252, %dma_wait3A_260] : memref<8x80xi32, #tpu.memory_space<vmem>> -> memref<1x80xi32, #tpu.memory_space<vmem>>
    %dma_wait3A_262 = tpu.memref_squeeze %dma_wait3A_261 : memref<1x80xi32, #tpu.memory_space<vmem>> -> memref<80xi32, #tpu.memory_space<vmem>>
    %dma_wait3A_263 = tpu.memref_slice %arg3[%mul3A_2] : memref<320000xi32, #tpu.memory_space<hbm>> -> memref<80xi32, #tpu.memory_space<hbm>>
    tpu.wait_dma2 semaphore(%dma_wait3A_259 : memref<!tpu.dma_semaphore, #tpu.memory_space<semaphore_mem>>) src(%dma_wait3A_263 : memref<80xi32, #tpu.memory_space<hbm>>) dst(%dma_wait3A_262 : memref<80xi32, #tpu.memory_space<vmem>>)
    %dma_wait3A_264 = arith.constant 1 : i32
    %dma_wait3A_265 = arith.constant 1 : i32
    %dma_wait3A_266 = arith.constant 0 : i32
    %dma_wait3A_267 = tpu.memref_slice %arg8[%dma_wait3A_264, %dma_wait3A_266] : memref<8x80xi32, #tpu.memory_space<vmem>> -> memref<1x80xi32, #tpu.memory_space<vmem>>
    %dma_wait3A_268 = tpu.memref_squeeze %dma_wait3A_267 : memref<1x80xi32, #tpu.memory_space<vmem>> -> memref<80xi32, #tpu.memory_space<vmem>>
    %dma_wait3A_269 = tpu.memref_slice %arg4[%mul3A_2] : memref<320000xi32, #tpu.memory_space<hbm>> -> memref<80xi32, #tpu.memory_space<hbm>>
    %dma_wait3A_270 = tpu.memref_slice %arg12[%dma_wait3A_265] : memref<8x!tpu.dma_semaphore, #tpu.memory_space<semaphore_mem>> -> memref<1x!tpu.dma_semaphore, #tpu.memory_space<semaphore_mem>>
    %dma_wait3A_271 = tpu.memref_squeeze %dma_wait3A_270 : memref<1x!tpu.dma_semaphore, #tpu.memory_space<semaphore_mem>> -> memref<!tpu.dma_semaphore, #tpu.memory_space<semaphore_mem>>
    %dma_wait3A_272 = arith.constant 0 : i32
    %dma_wait3A_273 = tpu.memref_slice %arg8[%dma_wait3A_264, %dma_wait3A_272] : memref<8x80xi32, #tpu.memory_space<vmem>> -> memref<1x80xi32, #tpu.memory_space<vmem>>
    %dma_wait3A_274 = tpu.memref_squeeze %dma_wait3A_273 : memref<1x80xi32, #tpu.memory_space<vmem>> -> memref<80xi32, #tpu.memory_space<vmem>>
    %dma_wait3A_275 = tpu.memref_slice %arg4[%mul3A_2] : memref<320000xi32, #tpu.memory_space<hbm>> -> memref<80xi32, #tpu.memory_space<hbm>>
    tpu.wait_dma2 semaphore(%dma_wait3A_271 : memref<!tpu.dma_semaphore, #tpu.memory_space<semaphore_mem>>) src(%dma_wait3A_275 : memref<80xi32, #tpu.memory_space<hbm>>) dst(%dma_wait3A_274 : memref<80xi32, #tpu.memory_space<vmem>>)
    %dma_start3A_276 = arith.constant 1 : i32
    %dma_start3A_277 = arith.constant 1 : i32
    %dma_start3A_278 = arith.constant 1 : i32
    %dma_start3A_279 = arith.constant 0 : i32
    %dma_start3A_280 = arith.constant 0 : i32
    %dma_start3A_281 = tpu.memref_slice %arg9[%dma_start3A_277, %dma_start3A_279, %dma_start3A_280] : memref<4x80x128xf32, #tpu.memory_space<vmem>> -> memref<1x80x128xf32, #tpu.memory_space<vmem>>
    %dma_start3A_282 = tpu.memref_squeeze %dma_start3A_281 : memref<1x80x128xf32, #tpu.memory_space<vmem>> -> memref<80x128xf32, #tpu.memory_space<vmem>>
    %dma_start3A_283 = arith.constant 0 : i32
    %dma_start3A_284 = tpu.memref_slice %arg7[%dma_start3A_276, %dma_start3A_283] : memref<8x80xi32, #tpu.memory_space<vmem>> -> memref<1x80xi32, #tpu.memory_space<vmem>>
    %dma_start3A_285 = tpu.memref_squeeze %dma_start3A_284 : memref<1x80xi32, #tpu.memory_space<vmem>> -> memref<80xi32, #tpu.memory_space<vmem>>
    %dma_start3A_286 = arith.constant 0 : i32
    %dma_start3A_287 = arith.constant 0 : i32
    %dma_start3A_288 = tpu.memref_slice %arg2[%dma_start3A_286, %dma_start3A_287] : memref<10240x128xf32, #tpu.memory_space<hbm>> -> memref<10240x128xf32, #tpu.memory_space<hbm>>
    %dma_start3A_289 = tpu.memref_slice %arg13[%dma_start3A_278] : memref<4x!tpu.dma_semaphore, #tpu.memory_space<semaphore_mem>> -> memref<1x!tpu.dma_semaphore, #tpu.memory_space<semaphore_mem>>
    %dma_start3A_290 = tpu.memref_squeeze %dma_start3A_289 : memref<1x!tpu.dma_semaphore, #tpu.memory_space<semaphore_mem>> -> memref<!tpu.dma_semaphore, #tpu.memory_space<semaphore_mem>>
    tpu.enqueue_indirect_dma source(%dma_start3A_288 : memref<10240x128xf32, #tpu.memory_space<hbm>>) target(%dma_start3A_282 : memref<80x128xf32, #tpu.memory_space<vmem>>) offsets(%dma_start3A_285 : memref<80xi32, #tpu.memory_space<vmem>>) semaphore(%dma_start3A_290 : memref<!tpu.dma_semaphore, #tpu.memory_space<semaphore_mem>>)
    %dma_wait3A_291 = arith.constant 2 : i32
    %dma_wait3A_292 = arith.constant 2 : i32
    %dma_wait3A_293 = arith.constant 0 : i32
    %dma_wait3A_294 = tpu.memref_slice %arg7[%dma_wait3A_291, %dma_wait3A_293] : memref<8x80xi32, #tpu.memory_space<vmem>> -> memref<1x80xi32, #tpu.memory_space<vmem>>
    %dma_wait3A_295 = tpu.memref_squeeze %dma_wait3A_294 : memref<1x80xi32, #tpu.memory_space<vmem>> -> memref<80xi32, #tpu.memory_space<vmem>>
    %dma_wait3A_296 = tpu.memref_slice %arg3[%mul3A_2] : memref<320000xi32, #tpu.memory_space<hbm>> -> memref<80xi32, #tpu.memory_space<hbm>>
    %dma_wait3A_297 = tpu.memref_slice %arg11[%dma_wait3A_292] : memref<8x!tpu.dma_semaphore, #tpu.memory_space<semaphore_mem>> -> memref<1x!tpu.dma_semaphore, #tpu.memory_space<semaphore_mem>>
    %dma_wait3A_298 = tpu.memref_squeeze %dma_wait3A_297 : memref<1x!tpu.dma_semaphore, #tpu.memory_space<semaphore_mem>> -> memref<!tpu.dma_semaphore, #tpu.memory_space<semaphore_mem>>
    %dma_wait3A_299 = arith.constant 0 : i32
    %dma_wait3A_300 = tpu.memref_slice %arg7[%dma_wait3A_291, %dma_wait3A_299] : memref<8x80xi32, #tpu.memory_space<vmem>> -> memref<1x80xi32, #tpu.memory_space<vmem>>
    %dma_wait3A_301 = tpu.memref_squeeze %dma_wait3A_300 : memref<1x80xi32, #tpu.memory_space<vmem>> -> memref<80xi32, #tpu.memory_space<vmem>>
    %dma_wait3A_302 = tpu.memref_slice %arg3[%mul3A_2] : memref<320000xi32, #tpu.memory_space<hbm>> -> memref<80xi32, #tpu.memory_space<hbm>>
    tpu.wait_dma2 semaphore(%dma_wait3A_298 : memref<!tpu.dma_semaphore, #tpu.memory_space<semaphore_mem>>) src(%dma_wait3A_302 : memref<80xi32, #tpu.memory_space<hbm>>) dst(%dma_wait3A_301 : memref<80xi32, #tpu.memory_space<vmem>>)
    %dma_wait3A_303 = arith.constant 2 : i32
    %dma_wait3A_304 = arith.constant 2 : i32
    %dma_wait3A_305 = arith.constant 0 : i32
    %dma_wait3A_306 = tpu.memref_slice %arg8[%dma_wait3A_303, %dma_wait3A_305] : memref<8x80xi32, #tpu.memory_space<vmem>> -> memref<1x80xi32, #tpu.memory_space<vmem>>
    %dma_wait3A_307 = tpu.memref_squeeze %dma_wait3A_306 : memref<1x80xi32, #tpu.memory_space<vmem>> -> memref<80xi32, #tpu.memory_space<vmem>>
    %dma_wait3A_308 = tpu.memref_slice %arg4[%mul3A_2] : memref<320000xi32, #tpu.memory_space<hbm>> -> memref<80xi32, #tpu.memory_space<hbm>>
    %dma_wait3A_309 = tpu.memref_slice %arg12[%dma_wait3A_304] : memref<8x!tpu.dma_semaphore, #tpu.memory_space<semaphore_mem>> -> memref<1x!tpu.dma_semaphore, #tpu.memory_space<semaphore_mem>>
    %dma_wait3A_310 = tpu.memref_squeeze %dma_wait3A_309 : memref<1x!tpu.dma_semaphore, #tpu.memory_space<semaphore_mem>> -> memref<!tpu.dma_semaphore, #tpu.memory_space<semaphore_mem>>
    %dma_wait3A_311 = arith.constant 0 : i32
    %dma_wait3A_312 = tpu.memref_slice %arg8[%dma_wait3A_303, %dma_wait3A_311] : memref<8x80xi32, #tpu.memory_space<vmem>> -> memref<1x80xi32, #tpu.memory_space<vmem>>
    %dma_wait3A_313 = tpu.memref_squeeze %dma_wait3A_312 : memref<1x80xi32, #tpu.memory_space<vmem>> -> memref<80xi32, #tpu.memory_space<vmem>>
    %dma_wait3A_314 = tpu.memref_slice %arg4[%mul3A_2] : memref<320000xi32, #tpu.memory_space<hbm>> -> memref<80xi32, #tpu.memory_space<hbm>>
    tpu.wait_dma2 semaphore(%dma_wait3A_310 : memref<!tpu.dma_semaphore, #tpu.memory_space<semaphore_mem>>) src(%dma_wait3A_314 : memref<80xi32, #tpu.memory_space<hbm>>) dst(%dma_wait3A_313 : memref<80xi32, #tpu.memory_space<vmem>>)
    %dma_start3A_315 = arith.constant 2 : i32
    %dma_start3A_316 = arith.constant 2 : i32
    %dma_start3A_317 = arith.constant 2 : i32
    %dma_start3A_318 = arith.constant 0 : i32
    %dma_start3A_319 = arith.constant 0 : i32
    %dma_start3A_320 = tpu.memref_slice %arg9[%dma_start3A_316, %dma_start3A_318, %dma_start3A_319] : memref<4x80x128xf32, #tpu.memory_space<vmem>> -> memref<1x80x128xf32, #tpu.memory_space<vmem>>
    %dma_start3A_321 = tpu.memref_squeeze %dma_start3A_320 : memref<1x80x128xf32, #tpu.memory_space<vmem>> -> memref<80x128xf32, #tpu.memory_space<vmem>>
    %dma_start3A_322 = arith.constant 0 : i32
    %dma_start3A_323 = tpu.memref_slice %arg7[%dma_start3A_315, %dma_start3A_322] : memref<8x80xi32, #tpu.memory_space<vmem>> -> memref<1x80xi32, #tpu.memory_space<vmem>>
    %dma_start3A_324 = tpu.memref_squeeze %dma_start3A_323 : memref<1x80xi32, #tpu.memory_space<vmem>> -> memref<80xi32, #tpu.memory_space<vmem>>
    %dma_start3A_325 = arith.constant 0 : i32
    %dma_start3A_326 = arith.constant 0 : i32
    %dma_start3A_327 = tpu.memref_slice %arg2[%dma_start3A_325, %dma_start3A_326] : memref<10240x128xf32, #tpu.memory_space<hbm>> -> memref<10240x128xf32, #tpu.memory_space<hbm>>
    %dma_start3A_328 = tpu.memref_slice %arg13[%dma_start3A_317] : memref<4x!tpu.dma_semaphore, #tpu.memory_space<semaphore_mem>> -> memref<1x!tpu.dma_semaphore, #tpu.memory_space<semaphore_mem>>
    %dma_start3A_329 = tpu.memref_squeeze %dma_start3A_328 : memref<1x!tpu.dma_semaphore, #tpu.memory_space<semaphore_mem>> -> memref<!tpu.dma_semaphore, #tpu.memory_space<semaphore_mem>>
    tpu.enqueue_indirect_dma source(%dma_start3A_327 : memref<10240x128xf32, #tpu.memory_space<hbm>>) target(%dma_start3A_321 : memref<80x128xf32, #tpu.memory_space<vmem>>) offsets(%dma_start3A_324 : memref<80xi32, #tpu.memory_space<vmem>>) semaphore(%dma_start3A_329 : memref<!tpu.dma_semaphore, #tpu.memory_space<semaphore_mem>>)
    %scan3A_330 = arith.constant 0 : i32
    %scan3A_331 = arith.constant 15 : i32
    %scan3A_332 = arith.addi %scan3A_330, %scan3A_331 : i32
    %scan3A_333 = arith.constant 1 : i32
    scf.for %scan3A_502 = %scan3A_330 to %scan3A_332 step %scan3A_333  : i32 {
      %mul3A_503 = arith.constant 8 : i32
      %mul3A_504 = arith.muli %scan3A_502, %mul3A_503 : i32
      %add3A_505 = arith.constant 0 : i32
      %add3A_506 = arith.addi %add3A_505, %mul3A_504 : i32
      %add3A_507 = arith.constant 0 : i32
      %add3A_508 = arith.addi %add3A_506, %add3A_507 : i32
      %add3A_509 = arith.constant 0 : i32
      %add3A_510 = arith.addi %add3A_506, %add3A_509 : i32
      %add3A_511 = arith.constant 8 : i32
      %add3A_512 = arith.addi %add3A_510, %add3A_511 : i32
      %lt3A = arith.constant 125 : i32
      %lt3A_513 = arith.cmpi slt, %add3A_512, %lt3A : i32
      %dma_wait3A_514 = arith.constant 0 : i32
      %dma_wait3A_515 = arith.constant 0 : i32
      %dma_wait3A_516 = arith.constant 0 : i32
      %dma_wait3A_517 = arith.constant 0 : i32
      %dma_wait3A_518 = arith.constant 0 : i32
      %dma_wait3A_519 = tpu.memref_slice %arg9[%dma_wait3A_515, %dma_wait3A_517, %dma_wait3A_518] : memref<4x80x128xf32, #tpu.memory_space<vmem>> -> memref<1x80x128xf32, #tpu.memory_space<vmem>>
      %dma_wait3A_520 = tpu.memref_squeeze %dma_wait3A_519 : memref<1x80x128xf32, #tpu.memory_space<vmem>> -> memref<80x128xf32, #tpu.memory_space<vmem>>
      %dma_wait3A_521 = arith.constant 0 : i32
      %dma_wait3A_522 = tpu.memref_slice %arg7[%dma_wait3A_514, %dma_wait3A_521] : memref<8x80xi32, #tpu.memory_space<vmem>> -> memref<1x80xi32, #tpu.memory_space<vmem>>
      %dma_wait3A_523 = tpu.memref_squeeze %dma_wait3A_522 : memref<1x80xi32, #tpu.memory_space<vmem>> -> memref<80xi32, #tpu.memory_space<vmem>>
      %dma_wait3A_524 = arith.constant 0 : i32
      %dma_wait3A_525 = arith.constant 0 : i32
      %dma_wait3A_526 = tpu.memref_slice %arg2[%dma_wait3A_524, %dma_wait3A_525] : memref<10240x128xf32, #tpu.memory_space<hbm>> -> memref<10240x128xf32, #tpu.memory_space<hbm>>
      %dma_wait3A_527 = tpu.memref_slice %arg13[%dma_wait3A_516] : memref<4x!tpu.dma_semaphore, #tpu.memory_space<semaphore_mem>> -> memref<1x!tpu.dma_semaphore, #tpu.memory_space<semaphore_mem>>
      %dma_wait3A_528 = tpu.memref_squeeze %dma_wait3A_527 : memref<1x!tpu.dma_semaphore, #tpu.memory_space<semaphore_mem>> -> memref<!tpu.dma_semaphore, #tpu.memory_space<semaphore_mem>>
      tpu.wait_indirect_dma semaphore(%dma_wait3A_528 : memref<!tpu.dma_semaphore, #tpu.memory_space<semaphore_mem>>) src(%dma_wait3A_526 : memref<10240x128xf32, #tpu.memory_space<hbm>>) dst(%dma_wait3A_520 : memref<80x128xf32, #tpu.memory_space<vmem>>)
      %dma_wait3A_529 = arith.constant 3 : i32
      %dma_wait3A_530 = arith.constant 3 : i32
      %dma_wait3A_531 = arith.constant 0 : i32
      %dma_wait3A_532 = tpu.memref_slice %arg7[%dma_wait3A_529, %dma_wait3A_531] : memref<8x80xi32, #tpu.memory_space<vmem>> -> memref<1x80xi32, #tpu.memory_space<vmem>>
      %dma_wait3A_533 = tpu.memref_squeeze %dma_wait3A_532 : memref<1x80xi32, #tpu.memory_space<vmem>> -> memref<80xi32, #tpu.memory_space<vmem>>
      %dma_wait3A_534 = tpu.memref_slice %arg3[%mul3A_2] : memref<320000xi32, #tpu.memory_space<hbm>> -> memref<80xi32, #tpu.memory_space<hbm>>
      %dma_wait3A_535 = tpu.memref_slice %arg11[%dma_wait3A_530] : memref<8x!tpu.dma_semaphore, #tpu.memory_space<semaphore_mem>> -> memref<1x!tpu.dma_semaphore, #tpu.memory_space<semaphore_mem>>
      %dma_wait3A_536 = tpu.memref_squeeze %dma_wait3A_535 : memref<1x!tpu.dma_semaphore, #tpu.memory_space<semaphore_mem>> -> memref<!tpu.dma_semaphore, #tpu.memory_space<semaphore_mem>>
      %dma_wait3A_537 = arith.constant 0 : i32
      %dma_wait3A_538 = tpu.memref_slice %arg7[%dma_wait3A_529, %dma_wait3A_537] : memref<8x80xi32, #tpu.memory_space<vmem>> -> memref<1x80xi32, #tpu.memory_space<vmem>>
      %dma_wait3A_539 = tpu.memref_squeeze %dma_wait3A_538 : memref<1x80xi32, #tpu.memory_space<vmem>> -> memref<80xi32, #tpu.memory_space<vmem>>
      %dma_wait3A_540 = tpu.memref_slice %arg3[%mul3A_2] : memref<320000xi32, #tpu.memory_space<hbm>> -> memref<80xi32, #tpu.memory_space<hbm>>
      tpu.wait_dma2 semaphore(%dma_wait3A_536 : memref<!tpu.dma_semaphore, #tpu.memory_space<semaphore_mem>>) src(%dma_wait3A_540 : memref<80xi32, #tpu.memory_space<hbm>>) dst(%dma_wait3A_539 : memref<80xi32, #tpu.memory_space<vmem>>)
      %dma_wait3A_541 = arith.constant 3 : i32
      %dma_wait3A_542 = arith.constant 3 : i32
      %dma_wait3A_543 = arith.constant 0 : i32
      %dma_wait3A_544 = tpu.memref_slice %arg8[%dma_wait3A_541, %dma_wait3A_543] : memref<8x80xi32, #tpu.memory_space<vmem>> -> memref<1x80xi32, #tpu.memory_space<vmem>>
      %dma_wait3A_545 = tpu.memref_squeeze %dma_wait3A_544 : memref<1x80xi32, #tpu.memory_space<vmem>> -> memref<80xi32, #tpu.memory_space<vmem>>
      %dma_wait3A_546 = tpu.memref_slice %arg4[%mul3A_2] : memref<320000xi32, #tpu.memory_space<hbm>> -> memref<80xi32, #tpu.memory_space<hbm>>
      %dma_wait3A_547 = tpu.memref_slice %arg12[%dma_wait3A_542] : memref<8x!tpu.dma_semaphore, #tpu.memory_space<semaphore_mem>> -> memref<1x!tpu.dma_semaphore, #tpu.memory_space<semaphore_mem>>
      %dma_wait3A_548 = tpu.memref_squeeze %dma_wait3A_547 : memref<1x!tpu.dma_semaphore, #tpu.memory_space<semaphore_mem>> -> memref<!tpu.dma_semaphore, #tpu.memory_space<semaphore_mem>>
      %dma_wait3A_549 = arith.constant 0 : i32
      %dma_wait3A_550 = tpu.memref_slice %arg8[%dma_wait3A_541, %dma_wait3A_549] : memref<8x80xi32, #tpu.memory_space<vmem>> -> memref<1x80xi32, #tpu.memory_space<vmem>>
      %dma_wait3A_551 = tpu.memref_squeeze %dma_wait3A_550 : memref<1x80xi32, #tpu.memory_space<vmem>> -> memref<80xi32, #tpu.memory_space<vmem>>
      %dma_wait3A_552 = tpu.memref_slice %arg4[%mul3A_2] : memref<320000xi32, #tpu.memory_space<hbm>> -> memref<80xi32, #tpu.memory_space<hbm>>
      tpu.wait_dma2 semaphore(%dma_wait3A_548 : memref<!tpu.dma_semaphore, #tpu.memory_space<semaphore_mem>>) src(%dma_wait3A_552 : memref<80xi32, #tpu.memory_space<hbm>>) dst(%dma_wait3A_551 : memref<80xi32, #tpu.memory_space<vmem>>)
      %dma_start3A_553 = arith.constant 3 : i32
      %dma_start3A_554 = arith.constant 3 : i32
      %dma_start3A_555 = arith.constant 3 : i32
      %dma_start3A_556 = arith.constant 0 : i32
      %dma_start3A_557 = arith.constant 0 : i32
      %dma_start3A_558 = tpu.memref_slice %arg9[%dma_start3A_554, %dma_start3A_556, %dma_start3A_557] : memref<4x80x128xf32, #tpu.memory_space<vmem>> -> memref<1x80x128xf32, #tpu.memory_space<vmem>>
      %dma_start3A_559 = tpu.memref_squeeze %dma_start3A_558 : memref<1x80x128xf32, #tpu.memory_space<vmem>> -> memref<80x128xf32, #tpu.memory_space<vmem>>
      %dma_start3A_560 = arith.constant 0 : i32
      %dma_start3A_561 = tpu.memref_slice %arg7[%dma_start3A_553, %dma_start3A_560] : memref<8x80xi32, #tpu.memory_space<vmem>> -> memref<1x80xi32, #tpu.memory_space<vmem>>
      %dma_start3A_562 = tpu.memref_squeeze %dma_start3A_561 : memref<1x80xi32, #tpu.memory_space<vmem>> -> memref<80xi32, #tpu.memory_space<vmem>>
      %dma_start3A_563 = arith.constant 0 : i32
      %dma_start3A_564 = arith.constant 0 : i32
      %dma_start3A_565 = tpu.memref_slice %arg2[%dma_start3A_563, %dma_start3A_564] : memref<10240x128xf32, #tpu.memory_space<hbm>> -> memref<10240x128xf32, #tpu.memory_space<hbm>>
      %dma_start3A_566 = tpu.memref_slice %arg13[%dma_start3A_555] : memref<4x!tpu.dma_semaphore, #tpu.memory_space<semaphore_mem>> -> memref<1x!tpu.dma_semaphore, #tpu.memory_space<semaphore_mem>>
      %dma_start3A_567 = tpu.memref_squeeze %dma_start3A_566 : memref<1x!tpu.dma_semaphore, #tpu.memory_space<semaphore_mem>> -> memref<!tpu.dma_semaphore, #tpu.memory_space<semaphore_mem>>
      tpu.enqueue_indirect_dma source(%dma_start3A_565 : memref<10240x128xf32, #tpu.memory_space<hbm>>) target(%dma_start3A_559 : memref<80x128xf32, #tpu.memory_space<vmem>>) offsets(%dma_start3A_562 : memref<80xi32, #tpu.memory_space<vmem>>) semaphore(%dma_start3A_567 : memref<!tpu.dma_semaphore, #tpu.memory_space<semaphore_mem>>)
      %run_scoped3A_568 = arith.constant 0 : i32
      %run_scoped3A_569 = arith.constant 0 : i32
      "tpu.region"() ({
        %run_scoped3A_1040 = tpu.sem_alloc : memref<!tpu.dma_semaphore, #tpu.memory_space<semaphore_mem>>
        %dma_start3A_1041 = arith.constant 0 : i32
        %dma_start3A_1042 = arith.constant 0 : i32
        %dma_start3A_1043 = tpu.memref_slice %arg9[%run_scoped3A_568, %dma_start3A_1041, %dma_start3A_1042] : memref<4x80x128xf32, #tpu.memory_space<vmem>> -> memref<1x80x128xf32, #tpu.memory_space<vmem>>
        %dma_start3A_1044 = tpu.memref_squeeze %dma_start3A_1043 : memref<1x80x128xf32, #tpu.memory_space<vmem>> -> memref<80x128xf32, #tpu.memory_space<vmem>>
        %dma_start3A_1045 = arith.constant 0 : i32
        %dma_start3A_1046 = tpu.memref_slice %arg8[%run_scoped3A_569, %dma_start3A_1045] : memref<8x80xi32, #tpu.memory_space<vmem>> -> memref<1x80xi32, #tpu.memory_space<vmem>>
        %dma_start3A_1047 = tpu.memref_squeeze %dma_start3A_1046 : memref<1x80xi32, #tpu.memory_space<vmem>> -> memref<80xi32, #tpu.memory_space<vmem>>
        %dma_start3A_1048 = arith.constant 0 : i32
        %dma_start3A_1049 = arith.constant 0 : i32
        %dma_start3A_1050 = tpu.memref_slice %arg10[%dma_start3A_1048, %dma_start3A_1049] : memref<10240x128xf32, #tpu.memory_space<vmem_shared>> -> memref<10240x128xf32, #tpu.memory_space<vmem_shared>>
        tpu.enqueue_indirect_dma source(%dma_start3A_1044 : memref<80x128xf32, #tpu.memory_space<vmem>>) target(%dma_start3A_1050 : memref<10240x128xf32, #tpu.memory_space<vmem_shared>>) offsets(%dma_start3A_1047 : memref<80xi32, #tpu.memory_space<vmem>>) semaphore(%run_scoped3A_1040 : memref<!tpu.dma_semaphore, #tpu.memory_space<semaphore_mem>>) {add = true}
        %dma_wait3A_1051 = arith.constant 0 : i32
        %dma_wait3A_1052 = arith.constant 0 : i32
        %dma_wait3A_1053 = tpu.memref_slice %arg9[%run_scoped3A_568, %dma_wait3A_1051, %dma_wait3A_1052] : memref<4x80x128xf32, #tpu.memory_space<vmem>> -> memref<1x80x128xf32, #tpu.memory_space<vmem>>
        %dma_wait3A_1054 = tpu.memref_squeeze %dma_wait3A_1053 : memref<1x80x128xf32, #tpu.memory_space<vmem>> -> memref<80x128xf32, #tpu.memory_space<vmem>>
        %dma_wait3A_1055 = arith.constant 0 : i32
        %dma_wait3A_1056 = tpu.memref_slice %arg8[%run_scoped3A_569, %dma_wait3A_1055] : memref<8x80xi32, #tpu.memory_space<vmem>> -> memref<1x80xi32, #tpu.memory_space<vmem>>
        %dma_wait3A_1057 = tpu.memref_squeeze %dma_wait3A_1056 : memref<1x80xi32, #tpu.memory_space<vmem>> -> memref<80xi32, #tpu.memory_space<vmem>>
        %dma_wait3A_1058 = arith.constant 0 : i32
        %dma_wait3A_1059 = arith.constant 0 : i32
        %dma_wait3A_1060 = tpu.memref_slice %arg10[%dma_wait3A_1058, %dma_wait3A_1059] : memref<10240x128xf32, #tpu.memory_space<vmem_shared>> -> memref<10240x128xf32, #tpu.memory_space<vmem_shared>>
        tpu.wait_indirect_dma semaphore(%run_scoped3A_1040 : memref<!tpu.dma_semaphore, #tpu.memory_space<semaphore_mem>>) src(%dma_wait3A_1054 : memref<80x128xf32, #tpu.memory_space<vmem>>) dst(%dma_wait3A_1060 : memref<10240x128xf32, #tpu.memory_space<vmem_shared>>)
        tpu.yield
      }) : () -> ()
      %convert_element_type3A = arith.extui %lt3A_513 : i1 to i32
      %cond3A = arith.constant 0 : i32
      %cond3A_570 = arith.cmpi ne, %convert_element_type3A, %cond3A : i32
      scf.if %cond3A_570 {
        %add3A_1040 = arith.constant 8 : i32
        %add3A_1041 = arith.addi %add3A_508, %add3A_1040 : i32
        %mul3A_1042 = arith.constant 80 : i32
        %mul3A_1043 = arith.muli %add3A_1041, %mul3A_1042 : i32
        %add3A_1044 = arith.addi %mul3A_2, %mul3A_1043 : i32
        %dma_start3A_1045 = arith.constant 0 : i32
        %dma_start3A_1046 = arith.constant 0 : i32
        %dma_start3A_1047 = arith.constant 0 : i32
        %dma_start3A_1048 = tpu.memref_slice %arg7[%dma_start3A_1045, %dma_start3A_1047] : memref<8x80xi32, #tpu.memory_space<vmem>> -> memref<1x80xi32, #tpu.memory_space<vmem>>
        %dma_start3A_1049 = tpu.memref_squeeze %dma_start3A_1048 : memref<1x80xi32, #tpu.memory_space<vmem>> -> memref<80xi32, #tpu.memory_space<vmem>>
        %dma_start3A_1050 = tpu.memref_slice %arg3[%add3A_1044] : memref<320000xi32, #tpu.memory_space<hbm>> -> memref<80xi32, #tpu.memory_space<hbm>>
        %dma_start3A_1051 = tpu.memref_slice %arg11[%dma_start3A_1046] : memref<8x!tpu.dma_semaphore, #tpu.memory_space<semaphore_mem>> -> memref<1x!tpu.dma_semaphore, #tpu.memory_space<semaphore_mem>>
        %dma_start3A_1052 = tpu.memref_squeeze %dma_start3A_1051 : memref<1x!tpu.dma_semaphore, #tpu.memory_space<semaphore_mem>> -> memref<!tpu.dma_semaphore, #tpu.memory_space<semaphore_mem>>
        %dma_start3A_1053 = arith.constant 0 : i32
        %dma_start3A_1054 = tpu.memref_slice %arg7[%dma_start3A_1045, %dma_start3A_1053] : memref<8x80xi32, #tpu.memory_space<vmem>> -> memref<1x80xi32, #tpu.memory_space<vmem>>
        %dma_start3A_1055 = tpu.memref_squeeze %dma_start3A_1054 : memref<1x80xi32, #tpu.memory_space<vmem>> -> memref<80xi32, #tpu.memory_space<vmem>>
        %dma_start3A_1056 = tpu.memref_slice %arg3[%add3A_1044] : memref<320000xi32, #tpu.memory_space<hbm>> -> memref<80xi32, #tpu.memory_space<hbm>>
        tpu.enqueue_dma source(%dma_start3A_1056 : memref<80xi32, #tpu.memory_space<hbm>>) target(%dma_start3A_1055 : memref<80xi32, #tpu.memory_space<vmem>>) target_semaphore(%dma_start3A_1052 : memref<!tpu.dma_semaphore, #tpu.memory_space<semaphore_mem>>)
        %dma_start3A_1057 = arith.constant 0 : i32
        %dma_start3A_1058 = arith.constant 0 : i32
        %dma_start3A_1059 = arith.constant 0 : i32
        %dma_start3A_1060 = tpu.memref_slice %arg8[%dma_start3A_1057, %dma_start3A_1059] : memref<8x80xi32, #tpu.memory_space<vmem>> -> memref<1x80xi32, #tpu.memory_space<vmem>>
        %dma_start3A_1061 = tpu.memref_squeeze %dma_start3A_1060 : memref<1x80xi32, #tpu.memory_space<vmem>> -> memref<80xi32, #tpu.memory_space<vmem>>
        %dma_start3A_1062 = tpu.memref_slice %arg4[%add3A_1044] : memref<320000xi32, #tpu.memory_space<hbm>> -> memref<80xi32, #tpu.memory_space<hbm>>
        %dma_start3A_1063 = tpu.memref_slice %arg12[%dma_start3A_1058] : memref<8x!tpu.dma_semaphore, #tpu.memory_space<semaphore_mem>> -> memref<1x!tpu.dma_semaphore, #tpu.memory_space<semaphore_mem>>
        %dma_start3A_1064 = tpu.memref_squeeze %dma_start3A_1063 : memref<1x!tpu.dma_semaphore, #tpu.memory_space<semaphore_mem>> -> memref<!tpu.dma_semaphore, #tpu.memory_space<semaphore_mem>>
        %dma_start3A_1065 = arith.constant 0 : i32
        %dma_start3A_1066 = tpu.memref_slice %arg8[%dma_start3A_1057, %dma_start3A_1065] : memref<8x80xi32, #tpu.memory_space<vmem>> -> memref<1x80xi32, #tpu.memory_space<vmem>>
        %dma_start3A_1067 = tpu.memref_squeeze %dma_start3A_1066 : memref<1x80xi32, #tpu.memory_space<vmem>> -> memref<80xi32, #tpu.memory_space<vmem>>
        %dma_start3A_1068 = tpu.memref_slice %arg4[%add3A_1044] : memref<320000xi32, #tpu.memory_space<hbm>> -> memref<80xi32, #tpu.memory_space<hbm>>
        tpu.enqueue_dma source(%dma_start3A_1068 : memref<80xi32, #tpu.memory_space<hbm>>) target(%dma_start3A_1067 : memref<80xi32, #tpu.memory_space<vmem>>) target_semaphore(%dma_start3A_1064 : memref<!tpu.dma_semaphore, #tpu.memory_space<semaphore_mem>>)
      } else {
      }
      %add3A_571 = arith.constant 1 : i32
      %add3A_572 = arith.addi %add3A_506, %add3A_571 : i32
      %add3A_573 = arith.constant 1 : i32
      %add3A_574 = arith.addi %add3A_506, %add3A_573 : i32
      %add3A_575 = arith.constant 8 : i32
      %add3A_576 = arith.addi %add3A_574, %add3A_575 : i32
      %lt3A_577 = arith.constant 125 : i32
      %lt3A_578 = arith.cmpi slt, %add3A_576, %lt3A_577 : i32
      %dma_wait3A_579 = arith.constant 1 : i32
      %dma_wait3A_580 = arith.constant 1 : i32
      %dma_wait3A_581 = arith.constant 1 : i32
      %dma_wait3A_582 = arith.constant 0 : i32
      %dma_wait3A_583 = arith.constant 0 : i32
      %dma_wait3A_584 = tpu.memref_slice %arg9[%dma_wait3A_580, %dma_wait3A_582, %dma_wait3A_583] : memref<4x80x128xf32, #tpu.memory_space<vmem>> -> memref<1x80x128xf32, #tpu.memory_space<vmem>>
      %dma_wait3A_585 = tpu.memref_squeeze %dma_wait3A_584 : memref<1x80x128xf32, #tpu.memory_space<vmem>> -> memref<80x128xf32, #tpu.memory_space<vmem>>
      %dma_wait3A_586 = arith.constant 0 : i32
      %dma_wait3A_587 = tpu.memref_slice %arg7[%dma_wait3A_579, %dma_wait3A_586] : memref<8x80xi32, #tpu.memory_space<vmem>> -> memref<1x80xi32, #tpu.memory_space<vmem>>
      %dma_wait3A_588 = tpu.memref_squeeze %dma_wait3A_587 : memref<1x80xi32, #tpu.memory_space<vmem>> -> memref<80xi32, #tpu.memory_space<vmem>>
      %dma_wait3A_589 = arith.constant 0 : i32
      %dma_wait3A_590 = arith.constant 0 : i32
      %dma_wait3A_591 = tpu.memref_slice %arg2[%dma_wait3A_589, %dma_wait3A_590] : memref<10240x128xf32, #tpu.memory_space<hbm>> -> memref<10240x128xf32, #tpu.memory_space<hbm>>
      %dma_wait3A_592 = tpu.memref_slice %arg13[%dma_wait3A_581] : memref<4x!tpu.dma_semaphore, #tpu.memory_space<semaphore_mem>> -> memref<1x!tpu.dma_semaphore, #tpu.memory_space<semaphore_mem>>
      %dma_wait3A_593 = tpu.memref_squeeze %dma_wait3A_592 : memref<1x!tpu.dma_semaphore, #tpu.memory_space<semaphore_mem>> -> memref<!tpu.dma_semaphore, #tpu.memory_space<semaphore_mem>>
      tpu.wait_indirect_dma semaphore(%dma_wait3A_593 : memref<!tpu.dma_semaphore, #tpu.memory_space<semaphore_mem>>) src(%dma_wait3A_591 : memref<10240x128xf32, #tpu.memory_space<hbm>>) dst(%dma_wait3A_585 : memref<80x128xf32, #tpu.memory_space<vmem>>)
      %dma_wait3A_594 = arith.constant 4 : i32
      %dma_wait3A_595 = arith.constant 4 : i32
      %dma_wait3A_596 = arith.constant 0 : i32
      %dma_wait3A_597 = tpu.memref_slice %arg7[%dma_wait3A_594, %dma_wait3A_596] : memref<8x80xi32, #tpu.memory_space<vmem>> -> memref<1x80xi32, #tpu.memory_space<vmem>>
      %dma_wait3A_598 = tpu.memref_squeeze %dma_wait3A_597 : memref<1x80xi32, #tpu.memory_space<vmem>> -> memref<80xi32, #tpu.memory_space<vmem>>
      %dma_wait3A_599 = tpu.memref_slice %arg3[%mul3A_2] : memref<320000xi32, #tpu.memory_space<hbm>> -> memref<80xi32, #tpu.memory_space<hbm>>
      %dma_wait3A_600 = tpu.memref_slice %arg11[%dma_wait3A_595] : memref<8x!tpu.dma_semaphore, #tpu.memory_space<semaphore_mem>> -> memref<1x!tpu.dma_semaphore, #tpu.memory_space<semaphore_mem>>
      %dma_wait3A_601 = tpu.memref_squeeze %dma_wait3A_600 : memref<1x!tpu.dma_semaphore, #tpu.memory_space<semaphore_mem>> -> memref<!tpu.dma_semaphore, #tpu.memory_space<semaphore_mem>>
      %dma_wait3A_602 = arith.constant 0 : i32
      %dma_wait3A_603 = tpu.memref_slice %arg7[%dma_wait3A_594, %dma_wait3A_602] : memref<8x80xi32, #tpu.memory_space<vmem>> -> memref<1x80xi32, #tpu.memory_space<vmem>>
      %dma_wait3A_604 = tpu.memref_squeeze %dma_wait3A_603 : memref<1x80xi32, #tpu.memory_space<vmem>> -> memref<80xi32, #tpu.memory_space<vmem>>
      %dma_wait3A_605 = tpu.memref_slice %arg3[%mul3A_2] : memref<320000xi32, #tpu.memory_space<hbm>> -> memref<80xi32, #tpu.memory_space<hbm>>
      tpu.wait_dma2 semaphore(%dma_wait3A_601 : memref<!tpu.dma_semaphore, #tpu.memory_space<semaphore_mem>>) src(%dma_wait3A_605 : memref<80xi32, #tpu.memory_space<hbm>>) dst(%dma_wait3A_604 : memref<80xi32, #tpu.memory_space<vmem>>)
      %dma_wait3A_606 = arith.constant 4 : i32
      %dma_wait3A_607 = arith.constant 4 : i32
      %dma_wait3A_608 = arith.constant 0 : i32
      %dma_wait3A_609 = tpu.memref_slice %arg8[%dma_wait3A_606, %dma_wait3A_608] : memref<8x80xi32, #tpu.memory_space<vmem>> -> memref<1x80xi32, #tpu.memory_space<vmem>>
      %dma_wait3A_610 = tpu.memref_squeeze %dma_wait3A_609 : memref<1x80xi32, #tpu.memory_space<vmem>> -> memref<80xi32, #tpu.memory_space<vmem>>
      %dma_wait3A_611 = tpu.memref_slice %arg4[%mul3A_2] : memref<320000xi32, #tpu.memory_space<hbm>> -> memref<80xi32, #tpu.memory_space<hbm>>
      %dma_wait3A_612 = tpu.memref_slice %arg12[%dma_wait3A_607] : memref<8x!tpu.dma_semaphore, #tpu.memory_space<semaphore_mem>> -> memref<1x!tpu.dma_semaphore, #tpu.memory_space<semaphore_mem>>
      %dma_wait3A_613 = tpu.memref_squeeze %dma_wait3A_612 : memref<1x!tpu.dma_semaphore, #tpu.memory_space<semaphore_mem>> -> memref<!tpu.dma_semaphore, #tpu.memory_space<semaphore_mem>>
      %dma_wait3A_614 = arith.constant 0 : i32
      %dma_wait3A_615 = tpu.memref_slice %arg8[%dma_wait3A_606, %dma_wait3A_614] : memref<8x80xi32, #tpu.memory_space<vmem>> -> memref<1x80xi32, #tpu.memory_space<vmem>>
      %dma_wait3A_616 = tpu.memref_squeeze %dma_wait3A_615 : memref<1x80xi32, #tpu.memory_space<vmem>> -> memref<80xi32, #tpu.memory_space<vmem>>
      %dma_wait3A_617 = tpu.memref_slice %arg4[%mul3A_2] : memref<320000xi32, #tpu.memory_space<hbm>> -> memref<80xi32, #tpu.memory_space<hbm>>
      tpu.wait_dma2 semaphore(%dma_wait3A_613 : memref<!tpu.dma_semaphore, #tpu.memory_space<semaphore_mem>>) src(%dma_wait3A_617 : memref<80xi32, #tpu.memory_space<hbm>>) dst(%dma_wait3A_616 : memref<80xi32, #tpu.memory_space<vmem>>)
      %dma_start3A_618 = arith.constant 4 : i32
      %dma_start3A_619 = arith.constant 0 : i32
      %dma_start3A_620 = arith.constant 0 : i32
      %dma_start3A_621 = arith.constant 0 : i32
      %dma_start3A_622 = arith.constant 0 : i32
      %dma_start3A_623 = tpu.memref_slice %arg9[%dma_start3A_619, %dma_start3A_621, %dma_start3A_622] : memref<4x80x128xf32, #tpu.memory_space<vmem>> -> memref<1x80x128xf32, #tpu.memory_space<vmem>>
      %dma_start3A_624 = tpu.memref_squeeze %dma_start3A_623 : memref<1x80x128xf32, #tpu.memory_space<vmem>> -> memref<80x128xf32, #tpu.memory_space<vmem>>
      %dma_start3A_625 = arith.constant 0 : i32
      %dma_start3A_626 = tpu.memref_slice %arg7[%dma_start3A_618, %dma_start3A_625] : memref<8x80xi32, #tpu.memory_space<vmem>> -> memref<1x80xi32, #tpu.memory_space<vmem>>
      %dma_start3A_627 = tpu.memref_squeeze %dma_start3A_626 : memref<1x80xi32, #tpu.memory_space<vmem>> -> memref<80xi32, #tpu.memory_space<vmem>>
      %dma_start3A_628 = arith.constant 0 : i32
      %dma_start3A_629 = arith.constant 0 : i32
      %dma_start3A_630 = tpu.memref_slice %arg2[%dma_start3A_628, %dma_start3A_629] : memref<10240x128xf32, #tpu.memory_space<hbm>> -> memref<10240x128xf32, #tpu.memory_space<hbm>>
      %dma_start3A_631 = tpu.memref_slice %arg13[%dma_start3A_620] : memref<4x!tpu.dma_semaphore, #tpu.memory_space<semaphore_mem>> -> memref<1x!tpu.dma_semaphore, #tpu.memory_space<semaphore_mem>>
      %dma_start3A_632 = tpu.memref_squeeze %dma_start3A_631 : memref<1x!tpu.dma_semaphore, #tpu.memory_space<semaphore_mem>> -> memref<!tpu.dma_semaphore, #tpu.memory_space<semaphore_mem>>
      tpu.enqueue_indirect_dma source(%dma_start3A_630 : memref<10240x128xf32, #tpu.memory_space<hbm>>) target(%dma_start3A_624 : memref<80x128xf32, #tpu.memory_space<vmem>>) offsets(%dma_start3A_627 : memref<80xi32, #tpu.memory_space<vmem>>) semaphore(%dma_start3A_632 : memref<!tpu.dma_semaphore, #tpu.memory_space<semaphore_mem>>)
      %run_scoped3A_633 = arith.constant 1 : i32
      %run_scoped3A_634 = arith.constant 1 : i32
      "tpu.region"() ({
        %run_scoped3A_1040 = tpu.sem_alloc : memref<!tpu.dma_semaphore, #tpu.memory_space<semaphore_mem>>
        %dma_start3A_1041 = arith.constant 0 : i32
        %dma_start3A_1042 = arith.constant 0 : i32
        %dma_start3A_1043 = tpu.memref_slice %arg9[%run_scoped3A_633, %dma_start3A_1041, %dma_start3A_1042] : memref<4x80x128xf32, #tpu.memory_space<vmem>> -> memref<1x80x128xf32, #tpu.memory_space<vmem>>
        %dma_start3A_1044 = tpu.memref_squeeze %dma_start3A_1043 : memref<1x80x128xf32, #tpu.memory_space<vmem>> -> memref<80x128xf32, #tpu.memory_space<vmem>>
        %dma_start3A_1045 = arith.constant 0 : i32
        %dma_start3A_1046 = tpu.memref_slice %arg8[%run_scoped3A_634, %dma_start3A_1045] : memref<8x80xi32, #tpu.memory_space<vmem>> -> memref<1x80xi32, #tpu.memory_space<vmem>>
        %dma_start3A_1047 = tpu.memref_squeeze %dma_start3A_1046 : memref<1x80xi32, #tpu.memory_space<vmem>> -> memref<80xi32, #tpu.memory_space<vmem>>
        %dma_start3A_1048 = arith.constant 0 : i32
        %dma_start3A_1049 = arith.constant 0 : i32
        %dma_start3A_1050 = tpu.memref_slice %arg10[%dma_start3A_1048, %dma_start3A_1049] : memref<10240x128xf32, #tpu.memory_space<vmem_shared>> -> memref<10240x128xf32, #tpu.memory_space<vmem_shared>>
        tpu.enqueue_indirect_dma source(%dma_start3A_1044 : memref<80x128xf32, #tpu.memory_space<vmem>>) target(%dma_start3A_1050 : memref<10240x128xf32, #tpu.memory_space<vmem_shared>>) offsets(%dma_start3A_1047 : memref<80xi32, #tpu.memory_space<vmem>>) semaphore(%run_scoped3A_1040 : memref<!tpu.dma_semaphore, #tpu.memory_space<semaphore_mem>>) {add = true}
        %dma_wait3A_1051 = arith.constant 0 : i32
        %dma_wait3A_1052 = arith.constant 0 : i32
        %dma_wait3A_1053 = tpu.memref_slice %arg9[%run_scoped3A_633, %dma_wait3A_1051, %dma_wait3A_1052] : memref<4x80x128xf32, #tpu.memory_space<vmem>> -> memref<1x80x128xf32, #tpu.memory_space<vmem>>
        %dma_wait3A_1054 = tpu.memref_squeeze %dma_wait3A_1053 : memref<1x80x128xf32, #tpu.memory_space<vmem>> -> memref<80x128xf32, #tpu.memory_space<vmem>>
        %dma_wait3A_1055 = arith.constant 0 : i32
        %dma_wait3A_1056 = tpu.memref_slice %arg8[%run_scoped3A_634, %dma_wait3A_1055] : memref<8x80xi32, #tpu.memory_space<vmem>> -> memref<1x80xi32, #tpu.memory_space<vmem>>
        %dma_wait3A_1057 = tpu.memref_squeeze %dma_wait3A_1056 : memref<1x80xi32, #tpu.memory_space<vmem>> -> memref<80xi32, #tpu.memory_space<vmem>>
        %dma_wait3A_1058 = arith.constant 0 : i32
        %dma_wait3A_1059 = arith.constant 0 : i32
        %dma_wait3A_1060 = tpu.memref_slice %arg10[%dma_wait3A_1058, %dma_wait3A_1059] : memref<10240x128xf32, #tpu.memory_space<vmem_shared>> -> memref<10240x128xf32, #tpu.memory_space<vmem_shared>>
        tpu.wait_indirect_dma semaphore(%run_scoped3A_1040 : memref<!tpu.dma_semaphore, #tpu.memory_space<semaphore_mem>>) src(%dma_wait3A_1054 : memref<80x128xf32, #tpu.memory_space<vmem>>) dst(%dma_wait3A_1060 : memref<10240x128xf32, #tpu.memory_space<vmem_shared>>)
        tpu.yield
      }) : () -> ()
      %convert_element_type3A_635 = arith.extui %lt3A_578 : i1 to i32
      %cond3A_636 = arith.constant 0 : i32
      %cond3A_637 = arith.cmpi ne, %convert_element_type3A_635, %cond3A_636 : i32
      scf.if %cond3A_637 {
        %add3A_1040 = arith.constant 8 : i32
        %add3A_1041 = arith.addi %add3A_572, %add3A_1040 : i32
        %mul3A_1042 = arith.constant 80 : i32
        %mul3A_1043 = arith.muli %add3A_1041, %mul3A_1042 : i32
        %add3A_1044 = arith.addi %mul3A_2, %mul3A_1043 : i32
        %dma_start3A_1045 = arith.constant 1 : i32
        %dma_start3A_1046 = arith.constant 1 : i32
        %dma_start3A_1047 = arith.constant 0 : i32
        %dma_start3A_1048 = tpu.memref_slice %arg7[%dma_start3A_1045, %dma_start3A_1047] : memref<8x80xi32, #tpu.memory_space<vmem>> -> memref<1x80xi32, #tpu.memory_space<vmem>>
        %dma_start3A_1049 = tpu.memref_squeeze %dma_start3A_1048 : memref<1x80xi32, #tpu.memory_space<vmem>> -> memref<80xi32, #tpu.memory_space<vmem>>
        %dma_start3A_1050 = tpu.memref_slice %arg3[%add3A_1044] : memref<320000xi32, #tpu.memory_space<hbm>> -> memref<80xi32, #tpu.memory_space<hbm>>
        %dma_start3A_1051 = tpu.memref_slice %arg11[%dma_start3A_1046] : memref<8x!tpu.dma_semaphore, #tpu.memory_space<semaphore_mem>> -> memref<1x!tpu.dma_semaphore, #tpu.memory_space<semaphore_mem>>
        %dma_start3A_1052 = tpu.memref_squeeze %dma_start3A_1051 : memref<1x!tpu.dma_semaphore, #tpu.memory_space<semaphore_mem>> -> memref<!tpu.dma_semaphore, #tpu.memory_space<semaphore_mem>>
        %dma_start3A_1053 = arith.constant 0 : i32
        %dma_start3A_1054 = tpu.memref_slice %arg7[%dma_start3A_1045, %dma_start3A_1053] : memref<8x80xi32, #tpu.memory_space<vmem>> -> memref<1x80xi32, #tpu.memory_space<vmem>>
        %dma_start3A_1055 = tpu.memref_squeeze %dma_start3A_1054 : memref<1x80xi32, #tpu.memory_space<vmem>> -> memref<80xi32, #tpu.memory_space<vmem>>
        %dma_start3A_1056 = tpu.memref_slice %arg3[%add3A_1044] : memref<320000xi32, #tpu.memory_space<hbm>> -> memref<80xi32, #tpu.memory_space<hbm>>
        tpu.enqueue_dma source(%dma_start3A_1056 : memref<80xi32, #tpu.memory_space<hbm>>) target(%dma_start3A_1055 : memref<80xi32, #tpu.memory_space<vmem>>) target_semaphore(%dma_start3A_1052 : memref<!tpu.dma_semaphore, #tpu.memory_space<semaphore_mem>>)
        %dma_start3A_1057 = arith.constant 1 : i32
        %dma_start3A_1058 = arith.constant 1 : i32
        %dma_start3A_1059 = arith.constant 0 : i32
        %dma_start3A_1060 = tpu.memref_slice %arg8[%dma_start3A_1057, %dma_start3A_1059] : memref<8x80xi32, #tpu.memory_space<vmem>> -> memref<1x80xi32, #tpu.memory_space<vmem>>
        %dma_start3A_1061 = tpu.memref_squeeze %dma_start3A_1060 : memref<1x80xi32, #tpu.memory_space<vmem>> -> memref<80xi32, #tpu.memory_space<vmem>>
        %dma_start3A_1062 = tpu.memref_slice %arg4[%add3A_1044] : memref<320000xi32, #tpu.memory_space<hbm>> -> memref<80xi32, #tpu.memory_space<hbm>>
        %dma_start3A_1063 = tpu.memref_slice %arg12[%dma_start3A_1058] : memref<8x!tpu.dma_semaphore, #tpu.memory_space<semaphore_mem>> -> memref<1x!tpu.dma_semaphore, #tpu.memory_space<semaphore_mem>>
        %dma_start3A_1064 = tpu.memref_squeeze %dma_start3A_1063 : memref<1x!tpu.dma_semaphore, #tpu.memory_space<semaphore_mem>> -> memref<!tpu.dma_semaphore, #tpu.memory_space<semaphore_mem>>
        %dma_start3A_1065 = arith.constant 0 : i32
        %dma_start3A_1066 = tpu.memref_slice %arg8[%dma_start3A_1057, %dma_start3A_1065] : memref<8x80xi32, #tpu.memory_space<vmem>> -> memref<1x80xi32, #tpu.memory_space<vmem>>
        %dma_start3A_1067 = tpu.memref_squeeze %dma_start3A_1066 : memref<1x80xi32, #tpu.memory_space<vmem>> -> memref<80xi32, #tpu.memory_space<vmem>>
        %dma_start3A_1068 = tpu.memref_slice %arg4[%add3A_1044] : memref<320000xi32, #tpu.memory_space<hbm>> -> memref<80xi32, #tpu.memory_space<hbm>>
        tpu.enqueue_dma source(%dma_start3A_1068 : memref<80xi32, #tpu.memory_space<hbm>>) target(%dma_start3A_1067 : memref<80xi32, #tpu.memory_space<vmem>>) target_semaphore(%dma_start3A_1064 : memref<!tpu.dma_semaphore, #tpu.memory_space<semaphore_mem>>)
      } else {
      }
      %add3A_638 = arith.constant 2 : i32
      %add3A_639 = arith.addi %add3A_506, %add3A_638 : i32
      %add3A_640 = arith.constant 2 : i32
      %add3A_641 = arith.addi %add3A_506, %add3A_640 : i32
      %add3A_642 = arith.constant 8 : i32
      %add3A_643 = arith.addi %add3A_641, %add3A_642 : i32
      %lt3A_644 = arith.constant 125 : i32
      %lt3A_645 = arith.cmpi slt, %add3A_643, %lt3A_644 : i32
      %dma_wait3A_646 = arith.constant 2 : i32
      %dma_wait3A_647 = arith.constant 2 : i32
      %dma_wait3A_648 = arith.constant 2 : i32
      %dma_wait3A_649 = arith.constant 0 : i32
      %dma_wait3A_650 = arith.constant 0 : i32
      %dma_wait3A_651 = tpu.memref_slice %arg9[%dma_wait3A_647, %dma_wait3A_649, %dma_wait3A_650] : memref<4x80x128xf32, #tpu.memory_space<vmem>> -> memref<1x80x128xf32, #tpu.memory_space<vmem>>
      %dma_wait3A_652 = tpu.memref_squeeze %dma_wait3A_651 : memref<1x80x128xf32, #tpu.memory_space<vmem>> -> memref<80x128xf32, #tpu.memory_space<vmem>>
      %dma_wait3A_653 = arith.constant 0 : i32
      %dma_wait3A_654 = tpu.memref_slice %arg7[%dma_wait3A_646, %dma_wait3A_653] : memref<8x80xi32, #tpu.memory_space<vmem>> -> memref<1x80xi32, #tpu.memory_space<vmem>>
      %dma_wait3A_655 = tpu.memref_squeeze %dma_wait3A_654 : memref<1x80xi32, #tpu.memory_space<vmem>> -> memref<80xi32, #tpu.memory_space<vmem>>
      %dma_wait3A_656 = arith.constant 0 : i32
      %dma_wait3A_657 = arith.constant 0 : i32
      %dma_wait3A_658 = tpu.memref_slice %arg2[%dma_wait3A_656, %dma_wait3A_657] : memref<10240x128xf32, #tpu.memory_space<hbm>> -> memref<10240x128xf32, #tpu.memory_space<hbm>>
      %dma_wait3A_659 = tpu.memref_slice %arg13[%dma_wait3A_648] : memref<4x!tpu.dma_semaphore, #tpu.memory_space<semaphore_mem>> -> memref<1x!tpu.dma_semaphore, #tpu.memory_space<semaphore_mem>>
      %dma_wait3A_660 = tpu.memref_squeeze %dma_wait3A_659 : memref<1x!tpu.dma_semaphore, #tpu.memory_space<semaphore_mem>> -> memref<!tpu.dma_semaphore, #tpu.memory_space<semaphore_mem>>
      tpu.wait_indirect_dma semaphore(%dma_wait3A_660 : memref<!tpu.dma_semaphore, #tpu.memory_space<semaphore_mem>>) src(%dma_wait3A_658 : memref<10240x128xf32, #tpu.memory_space<hbm>>) dst(%dma_wait3A_652 : memref<80x128xf32, #tpu.memory_space<vmem>>)
      %dma_wait3A_661 = arith.constant 5 : i32
      %dma_wait3A_662 = arith.constant 5 : i32
      %dma_wait3A_663 = arith.constant 0 : i32
      %dma_wait3A_664 = tpu.memref_slice %arg7[%dma_wait3A_661, %dma_wait3A_663] : memref<8x80xi32, #tpu.memory_space<vmem>> -> memref<1x80xi32, #tpu.memory_space<vmem>>
      %dma_wait3A_665 = tpu.memref_squeeze %dma_wait3A_664 : memref<1x80xi32, #tpu.memory_space<vmem>> -> memref<80xi32, #tpu.memory_space<vmem>>
      %dma_wait3A_666 = tpu.memref_slice %arg3[%mul3A_2] : memref<320000xi32, #tpu.memory_space<hbm>> -> memref<80xi32, #tpu.memory_space<hbm>>
      %dma_wait3A_667 = tpu.memref_slice %arg11[%dma_wait3A_662] : memref<8x!tpu.dma_semaphore, #tpu.memory_space<semaphore_mem>> -> memref<1x!tpu.dma_semaphore, #tpu.memory_space<semaphore_mem>>
      %dma_wait3A_668 = tpu.memref_squeeze %dma_wait3A_667 : memref<1x!tpu.dma_semaphore, #tpu.memory_space<semaphore_mem>> -> memref<!tpu.dma_semaphore, #tpu.memory_space<semaphore_mem>>
      %dma_wait3A_669 = arith.constant 0 : i32
      %dma_wait3A_670 = tpu.memref_slice %arg7[%dma_wait3A_661, %dma_wait3A_669] : memref<8x80xi32, #tpu.memory_space<vmem>> -> memref<1x80xi32, #tpu.memory_space<vmem>>
      %dma_wait3A_671 = tpu.memref_squeeze %dma_wait3A_670 : memref<1x80xi32, #tpu.memory_space<vmem>> -> memref<80xi32, #tpu.memory_space<vmem>>
      %dma_wait3A_672 = tpu.memref_slice %arg3[%mul3A_2] : memref<320000xi32, #tpu.memory_space<hbm>> -> memref<80xi32, #tpu.memory_space<hbm>>
      tpu.wait_dma2 semaphore(%dma_wait3A_668 : memref<!tpu.dma_semaphore, #tpu.memory_space<semaphore_mem>>) src(%dma_wait3A_672 : memref<80xi32, #tpu.memory_space<hbm>>) dst(%dma_wait3A_671 : memref<80xi32, #tpu.memory_space<vmem>>)
      %dma_wait3A_673 = arith.constant 5 : i32
      %dma_wait3A_674 = arith.constant 5 : i32
      %dma_wait3A_675 = arith.constant 0 : i32
      %dma_wait3A_676 = tpu.memref_slice %arg8[%dma_wait3A_673, %dma_wait3A_675] : memref<8x80xi32, #tpu.memory_space<vmem>> -> memref<1x80xi32, #tpu.memory_space<vmem>>
      %dma_wait3A_677 = tpu.memref_squeeze %dma_wait3A_676 : memref<1x80xi32, #tpu.memory_space<vmem>> -> memref<80xi32, #tpu.memory_space<vmem>>
      %dma_wait3A_678 = tpu.memref_slice %arg4[%mul3A_2] : memref<320000xi32, #tpu.memory_space<hbm>> -> memref<80xi32, #tpu.memory_space<hbm>>
      %dma_wait3A_679 = tpu.memref_slice %arg12[%dma_wait3A_674] : memref<8x!tpu.dma_semaphore, #tpu.memory_space<semaphore_mem>> -> memref<1x!tpu.dma_semaphore, #tpu.memory_space<semaphore_mem>>
      %dma_wait3A_680 = tpu.memref_squeeze %dma_wait3A_679 : memref<1x!tpu.dma_semaphore, #tpu.memory_space<semaphore_mem>> -> memref<!tpu.dma_semaphore, #tpu.memory_space<semaphore_mem>>
      %dma_wait3A_681 = arith.constant 0 : i32
      %dma_wait3A_682 = tpu.memref_slice %arg8[%dma_wait3A_673, %dma_wait3A_681] : memref<8x80xi32, #tpu.memory_space<vmem>> -> memref<1x80xi32, #tpu.memory_space<vmem>>
      %dma_wait3A_683 = tpu.memref_squeeze %dma_wait3A_682 : memref<1x80xi32, #tpu.memory_space<vmem>> -> memref<80xi32, #tpu.memory_space<vmem>>
      %dma_wait3A_684 = tpu.memref_slice %arg4[%mul3A_2] : memref<320000xi32, #tpu.memory_space<hbm>> -> memref<80xi32, #tpu.memory_space<hbm>>
      tpu.wait_dma2 semaphore(%dma_wait3A_680 : memref<!tpu.dma_semaphore, #tpu.memory_space<semaphore_mem>>) src(%dma_wait3A_684 : memref<80xi32, #tpu.memory_space<hbm>>) dst(%dma_wait3A_683 : memref<80xi32, #tpu.memory_space<vmem>>)
      %dma_start3A_685 = arith.constant 5 : i32
      %dma_start3A_686 = arith.constant 1 : i32
      %dma_start3A_687 = arith.constant 1 : i32
      %dma_start3A_688 = arith.constant 0 : i32
      %dma_start3A_689 = arith.constant 0 : i32
      %dma_start3A_690 = tpu.memref_slice %arg9[%dma_start3A_686, %dma_start3A_688, %dma_start3A_689] : memref<4x80x128xf32, #tpu.memory_space<vmem>> -> memref<1x80x128xf32, #tpu.memory_space<vmem>>
      %dma_start3A_691 = tpu.memref_squeeze %dma_start3A_690 : memref<1x80x128xf32, #tpu.memory_space<vmem>> -> memref<80x128xf32, #tpu.memory_space<vmem>>
      %dma_start3A_692 = arith.constant 0 : i32
      %dma_start3A_693 = tpu.memref_slice %arg7[%dma_start3A_685, %dma_start3A_692] : memref<8x80xi32, #tpu.memory_space<vmem>> -> memref<1x80xi32, #tpu.memory_space<vmem>>
      %dma_start3A_694 = tpu.memref_squeeze %dma_start3A_693 : memref<1x80xi32, #tpu.memory_space<vmem>> -> memref<80xi32, #tpu.memory_space<vmem>>
      %dma_start3A_695 = arith.constant 0 : i32
      %dma_start3A_696 = arith.constant 0 : i32
      %dma_start3A_697 = tpu.memref_slice %arg2[%dma_start3A_695, %dma_start3A_696] : memref<10240x128xf32, #tpu.memory_space<hbm>> -> memref<10240x128xf32, #tpu.memory_space<hbm>>
      %dma_start3A_698 = tpu.memref_slice %arg13[%dma_start3A_687] : memref<4x!tpu.dma_semaphore, #tpu.memory_space<semaphore_mem>> -> memref<1x!tpu.dma_semaphore, #tpu.memory_space<semaphore_mem>>
      %dma_start3A_699 = tpu.memref_squeeze %dma_start3A_698 : memref<1x!tpu.dma_semaphore, #tpu.memory_space<semaphore_mem>> -> memref<!tpu.dma_semaphore, #tpu.memory_space<semaphore_mem>>
      tpu.enqueue_indirect_dma source(%dma_start3A_697 : memref<10240x128xf32, #tpu.memory_space<hbm>>) target(%dma_start3A_691 : memref<80x128xf32, #tpu.memory_space<vmem>>) offsets(%dma_start3A_694 : memref<80xi32, #tpu.memory_space<vmem>>) semaphore(%dma_start3A_699 : memref<!tpu.dma_semaphore, #tpu.memory_space<semaphore_mem>>)
      %run_scoped3A_700 = arith.constant 2 : i32
      %run_scoped3A_701 = arith.constant 2 : i32
      "tpu.region"() ({
        %run_scoped3A_1040 = tpu.sem_alloc : memref<!tpu.dma_semaphore, #tpu.memory_space<semaphore_mem>>
        %dma_start3A_1041 = arith.constant 0 : i32
        %dma_start3A_1042 = arith.constant 0 : i32
        %dma_start3A_1043 = tpu.memref_slice %arg9[%run_scoped3A_700, %dma_start3A_1041, %dma_start3A_1042] : memref<4x80x128xf32, #tpu.memory_space<vmem>> -> memref<1x80x128xf32, #tpu.memory_space<vmem>>
        %dma_start3A_1044 = tpu.memref_squeeze %dma_start3A_1043 : memref<1x80x128xf32, #tpu.memory_space<vmem>> -> memref<80x128xf32, #tpu.memory_space<vmem>>
        %dma_start3A_1045 = arith.constant 0 : i32
        %dma_start3A_1046 = tpu.memref_slice %arg8[%run_scoped3A_701, %dma_start3A_1045] : memref<8x80xi32, #tpu.memory_space<vmem>> -> memref<1x80xi32, #tpu.memory_space<vmem>>
        %dma_start3A_1047 = tpu.memref_squeeze %dma_start3A_1046 : memref<1x80xi32, #tpu.memory_space<vmem>> -> memref<80xi32, #tpu.memory_space<vmem>>
        %dma_start3A_1048 = arith.constant 0 : i32
        %dma_start3A_1049 = arith.constant 0 : i32
        %dma_start3A_1050 = tpu.memref_slice %arg10[%dma_start3A_1048, %dma_start3A_1049] : memref<10240x128xf32, #tpu.memory_space<vmem_shared>> -> memref<10240x128xf32, #tpu.memory_space<vmem_shared>>
        tpu.enqueue_indirect_dma source(%dma_start3A_1044 : memref<80x128xf32, #tpu.memory_space<vmem>>) target(%dma_start3A_1050 : memref<10240x128xf32, #tpu.memory_space<vmem_shared>>) offsets(%dma_start3A_1047 : memref<80xi32, #tpu.memory_space<vmem>>) semaphore(%run_scoped3A_1040 : memref<!tpu.dma_semaphore, #tpu.memory_space<semaphore_mem>>) {add = true}
        %dma_wait3A_1051 = arith.constant 0 : i32
        %dma_wait3A_1052 = arith.constant 0 : i32
        %dma_wait3A_1053 = tpu.memref_slice %arg9[%run_scoped3A_700, %dma_wait3A_1051, %dma_wait3A_1052] : memref<4x80x128xf32, #tpu.memory_space<vmem>> -> memref<1x80x128xf32, #tpu.memory_space<vmem>>
        %dma_wait3A_1054 = tpu.memref_squeeze %dma_wait3A_1053 : memref<1x80x128xf32, #tpu.memory_space<vmem>> -> memref<80x128xf32, #tpu.memory_space<vmem>>
        %dma_wait3A_1055 = arith.constant 0 : i32
        %dma_wait3A_1056 = tpu.memref_slice %arg8[%run_scoped3A_701, %dma_wait3A_1055] : memref<8x80xi32, #tpu.memory_space<vmem>> -> memref<1x80xi32, #tpu.memory_space<vmem>>
        %dma_wait3A_1057 = tpu.memref_squeeze %dma_wait3A_1056 : memref<1x80xi32, #tpu.memory_space<vmem>> -> memref<80xi32, #tpu.memory_space<vmem>>
        %dma_wait3A_1058 = arith.constant 0 : i32
        %dma_wait3A_1059 = arith.constant 0 : i32
        %dma_wait3A_1060 = tpu.memref_slice %arg10[%dma_wait3A_1058, %dma_wait3A_1059] : memref<10240x128xf32, #tpu.memory_space<vmem_shared>> -> memref<10240x128xf32, #tpu.memory_space<vmem_shared>>
        tpu.wait_indirect_dma semaphore(%run_scoped3A_1040 : memref<!tpu.dma_semaphore, #tpu.memory_space<semaphore_mem>>) src(%dma_wait3A_1054 : memref<80x128xf32, #tpu.memory_space<vmem>>) dst(%dma_wait3A_1060 : memref<10240x128xf32, #tpu.memory_space<vmem_shared>>)
        tpu.yield
      }) : () -> ()
      %convert_element_type3A_702 = arith.extui %lt3A_645 : i1 to i32
      %cond3A_703 = arith.constant 0 : i32
      %cond3A_704 = arith.cmpi ne, %convert_element_type3A_702, %cond3A_703 : i32
      scf.if %cond3A_704 {
        %add3A_1040 = arith.constant 8 : i32
        %add3A_1041 = arith.addi %add3A_639, %add3A_1040 : i32
        %mul3A_1042 = arith.constant 80 : i32
        %mul3A_1043 = arith.muli %add3A_1041, %mul3A_1042 : i32
        %add3A_1044 = arith.addi %mul3A_2, %mul3A_1043 : i32
        %dma_start3A_1045 = arith.constant 2 : i32
        %dma_start3A_1046 = arith.constant 2 : i32
        %dma_start3A_1047 = arith.constant 0 : i32
        %dma_start3A_1048 = tpu.memref_slice %arg7[%dma_start3A_1045, %dma_start3A_1047] : memref<8x80xi32, #tpu.memory_space<vmem>> -> memref<1x80xi32, #tpu.memory_space<vmem>>
        %dma_start3A_1049 = tpu.memref_squeeze %dma_start3A_1048 : memref<1x80xi32, #tpu.memory_space<vmem>> -> memref<80xi32, #tpu.memory_space<vmem>>
        %dma_start3A_1050 = tpu.memref_slice %arg3[%add3A_1044] : memref<320000xi32, #tpu.memory_space<hbm>> -> memref<80xi32, #tpu.memory_space<hbm>>
        %dma_start3A_1051 = tpu.memref_slice %arg11[%dma_start3A_1046] : memref<8x!tpu.dma_semaphore, #tpu.memory_space<semaphore_mem>> -> memref<1x!tpu.dma_semaphore, #tpu.memory_space<semaphore_mem>>
        %dma_start3A_1052 = tpu.memref_squeeze %dma_start3A_1051 : memref<1x!tpu.dma_semaphore, #tpu.memory_space<semaphore_mem>> -> memref<!tpu.dma_semaphore, #tpu.memory_space<semaphore_mem>>
        %dma_start3A_1053 = arith.constant 0 : i32
        %dma_start3A_1054 = tpu.memref_slice %arg7[%dma_start3A_1045, %dma_start3A_1053] : memref<8x80xi32, #tpu.memory_space<vmem>> -> memref<1x80xi32, #tpu.memory_space<vmem>>
        %dma_start3A_1055 = tpu.memref_squeeze %dma_start3A_1054 : memref<1x80xi32, #tpu.memory_space<vmem>> -> memref<80xi32, #tpu.memory_space<vmem>>
        %dma_start3A_1056 = tpu.memref_slice %arg3[%add3A_1044] : memref<320000xi32, #tpu.memory_space<hbm>> -> memref<80xi32, #tpu.memory_space<hbm>>
        tpu.enqueue_dma source(%dma_start3A_1056 : memref<80xi32, #tpu.memory_space<hbm>>) target(%dma_start3A_1055 : memref<80xi32, #tpu.memory_space<vmem>>) target_semaphore(%dma_start3A_1052 : memref<!tpu.dma_semaphore, #tpu.memory_space<semaphore_mem>>)
        %dma_start3A_1057 = arith.constant 2 : i32
        %dma_start3A_1058 = arith.constant 2 : i32
        %dma_start3A_1059 = arith.constant 0 : i32
        %dma_start3A_1060 = tpu.memref_slice %arg8[%dma_start3A_1057, %dma_start3A_1059] : memref<8x80xi32, #tpu.memory_space<vmem>> -> memref<1x80xi32, #tpu.memory_space<vmem>>
        %dma_start3A_1061 = tpu.memref_squeeze %dma_start3A_1060 : memref<1x80xi32, #tpu.memory_space<vmem>> -> memref<80xi32, #tpu.memory_space<vmem>>
        %dma_start3A_1062 = tpu.memref_slice %arg4[%add3A_1044] : memref<320000xi32, #tpu.memory_space<hbm>> -> memref<80xi32, #tpu.memory_space<hbm>>
        %dma_start3A_1063 = tpu.memref_slice %arg12[%dma_start3A_1058] : memref<8x!tpu.dma_semaphore, #tpu.memory_space<semaphore_mem>> -> memref<1x!tpu.dma_semaphore, #tpu.memory_space<semaphore_mem>>
        %dma_start3A_1064 = tpu.memref_squeeze %dma_start3A_1063 : memref<1x!tpu.dma_semaphore, #tpu.memory_space<semaphore_mem>> -> memref<!tpu.dma_semaphore, #tpu.memory_space<semaphore_mem>>
        %dma_start3A_1065 = arith.constant 0 : i32
        %dma_start3A_1066 = tpu.memref_slice %arg8[%dma_start3A_1057, %dma_start3A_1065] : memref<8x80xi32, #tpu.memory_space<vmem>> -> memref<1x80xi32, #tpu.memory_space<vmem>>
        %dma_start3A_1067 = tpu.memref_squeeze %dma_start3A_1066 : memref<1x80xi32, #tpu.memory_space<vmem>> -> memref<80xi32, #tpu.memory_space<vmem>>
        %dma_start3A_1068 = tpu.memref_slice %arg4[%add3A_1044] : memref<320000xi32, #tpu.memory_space<hbm>> -> memref<80xi32, #tpu.memory_space<hbm>>
        tpu.enqueue_dma source(%dma_start3A_1068 : memref<80xi32, #tpu.memory_space<hbm>>) target(%dma_start3A_1067 : memref<80xi32, #tpu.memory_space<vmem>>) target_semaphore(%dma_start3A_1064 : memref<!tpu.dma_semaphore, #tpu.memory_space<semaphore_mem>>)
      } else {
      }
      %add3A_705 = arith.constant 3 : i32
      %add3A_706 = arith.addi %add3A_506, %add3A_705 : i32
      %add3A_707 = arith.constant 3 : i32
      %add3A_708 = arith.addi %add3A_506, %add3A_707 : i32
      %add3A_709 = arith.constant 8 : i32
      %add3A_710 = arith.addi %add3A_708, %add3A_709 : i32
      %lt3A_711 = arith.constant 125 : i32
      %lt3A_712 = arith.cmpi slt, %add3A_710, %lt3A_711 : i32
      %dma_wait3A_713 = arith.constant 3 : i32
      %dma_wait3A_714 = arith.constant 3 : i32
      %dma_wait3A_715 = arith.constant 3 : i32
      %dma_wait3A_716 = arith.constant 0 : i32
      %dma_wait3A_717 = arith.constant 0 : i32
      %dma_wait3A_718 = tpu.memref_slice %arg9[%dma_wait3A_714, %dma_wait3A_716, %dma_wait3A_717] : memref<4x80x128xf32, #tpu.memory_space<vmem>> -> memref<1x80x128xf32, #tpu.memory_space<vmem>>
      %dma_wait3A_719 = tpu.memref_squeeze %dma_wait3A_718 : memref<1x80x128xf32, #tpu.memory_space<vmem>> -> memref<80x128xf32, #tpu.memory_space<vmem>>
      %dma_wait3A_720 = arith.constant 0 : i32
      %dma_wait3A_721 = tpu.memref_slice %arg7[%dma_wait3A_713, %dma_wait3A_720] : memref<8x80xi32, #tpu.memory_space<vmem>> -> memref<1x80xi32, #tpu.memory_space<vmem>>
      %dma_wait3A_722 = tpu.memref_squeeze %dma_wait3A_721 : memref<1x80xi32, #tpu.memory_space<vmem>> -> memref<80xi32, #tpu.memory_space<vmem>>
      %dma_wait3A_723 = arith.constant 0 : i32
      %dma_wait3A_724 = arith.constant 0 : i32
      %dma_wait3A_725 = tpu.memref_slice %arg2[%dma_wait3A_723, %dma_wait3A_724] : memref<10240x128xf32, #tpu.memory_space<hbm>> -> memref<10240x128xf32, #tpu.memory_space<hbm>>
      %dma_wait3A_726 = tpu.memref_slice %arg13[%dma_wait3A_715] : memref<4x!tpu.dma_semaphore, #tpu.memory_space<semaphore_mem>> -> memref<1x!tpu.dma_semaphore, #tpu.memory_space<semaphore_mem>>
      %dma_wait3A_727 = tpu.memref_squeeze %dma_wait3A_726 : memref<1x!tpu.dma_semaphore, #tpu.memory_space<semaphore_mem>> -> memref<!tpu.dma_semaphore, #tpu.memory_space<semaphore_mem>>
      tpu.wait_indirect_dma semaphore(%dma_wait3A_727 : memref<!tpu.dma_semaphore, #tpu.memory_space<semaphore_mem>>) src(%dma_wait3A_725 : memref<10240x128xf32, #tpu.memory_space<hbm>>) dst(%dma_wait3A_719 : memref<80x128xf32, #tpu.memory_space<vmem>>)
      %dma_wait3A_728 = arith.constant 6 : i32
      %dma_wait3A_729 = arith.constant 6 : i32
      %dma_wait3A_730 = arith.constant 0 : i32
      %dma_wait3A_731 = tpu.memref_slice %arg7[%dma_wait3A_728, %dma_wait3A_730] : memref<8x80xi32, #tpu.memory_space<vmem>> -> memref<1x80xi32, #tpu.memory_space<vmem>>
      %dma_wait3A_732 = tpu.memref_squeeze %dma_wait3A_731 : memref<1x80xi32, #tpu.memory_space<vmem>> -> memref<80xi32, #tpu.memory_space<vmem>>
      %dma_wait3A_733 = tpu.memref_slice %arg3[%mul3A_2] : memref<320000xi32, #tpu.memory_space<hbm>> -> memref<80xi32, #tpu.memory_space<hbm>>
      %dma_wait3A_734 = tpu.memref_slice %arg11[%dma_wait3A_729] : memref<8x!tpu.dma_semaphore, #tpu.memory_space<semaphore_mem>> -> memref<1x!tpu.dma_semaphore, #tpu.memory_space<semaphore_mem>>
      %dma_wait3A_735 = tpu.memref_squeeze %dma_wait3A_734 : memref<1x!tpu.dma_semaphore, #tpu.memory_space<semaphore_mem>> -> memref<!tpu.dma_semaphore, #tpu.memory_space<semaphore_mem>>
      %dma_wait3A_736 = arith.constant 0 : i32
      %dma_wait3A_737 = tpu.memref_slice %arg7[%dma_wait3A_728, %dma_wait3A_736] : memref<8x80xi32, #tpu.memory_space<vmem>> -> memref<1x80xi32, #tpu.memory_space<vmem>>
      %dma_wait3A_738 = tpu.memref_squeeze %dma_wait3A_737 : memref<1x80xi32, #tpu.memory_space<vmem>> -> memref<80xi32, #tpu.memory_space<vmem>>
      %dma_wait3A_739 = tpu.memref_slice %arg3[%mul3A_2] : memref<320000xi32, #tpu.memory_space<hbm>> -> memref<80xi32, #tpu.memory_space<hbm>>
      tpu.wait_dma2 semaphore(%dma_wait3A_735 : memref<!tpu.dma_semaphore, #tpu.memory_space<semaphore_mem>>) src(%dma_wait3A_739 : memref<80xi32, #tpu.memory_space<hbm>>) dst(%dma_wait3A_738 : memref<80xi32, #tpu.memory_space<vmem>>)
      %dma_wait3A_740 = arith.constant 6 : i32
      %dma_wait3A_741 = arith.constant 6 : i32
      %dma_wait3A_742 = arith.constant 0 : i32
      %dma_wait3A_743 = tpu.memref_slice %arg8[%dma_wait3A_740, %dma_wait3A_742] : memref<8x80xi32, #tpu.memory_space<vmem>> -> memref<1x80xi32, #tpu.memory_space<vmem>>
      %dma_wait3A_744 = tpu.memref_squeeze %dma_wait3A_743 : memref<1x80xi32, #tpu.memory_space<vmem>> -> memref<80xi32, #tpu.memory_space<vmem>>
      %dma_wait3A_745 = tpu.memref_slice %arg4[%mul3A_2] : memref<320000xi32, #tpu.memory_space<hbm>> -> memref<80xi32, #tpu.memory_space<hbm>>
      %dma_wait3A_746 = tpu.memref_slice %arg12[%dma_wait3A_741] : memref<8x!tpu.dma_semaphore, #tpu.memory_space<semaphore_mem>> -> memref<1x!tpu.dma_semaphore, #tpu.memory_space<semaphore_mem>>
      %dma_wait3A_747 = tpu.memref_squeeze %dma_wait3A_746 : memref<1x!tpu.dma_semaphore, #tpu.memory_space<semaphore_mem>> -> memref<!tpu.dma_semaphore, #tpu.memory_space<semaphore_mem>>
      %dma_wait3A_748 = arith.constant 0 : i32
      %dma_wait3A_749 = tpu.memref_slice %arg8[%dma_wait3A_740, %dma_wait3A_748] : memref<8x80xi32, #tpu.memory_space<vmem>> -> memref<1x80xi32, #tpu.memory_space<vmem>>
      %dma_wait3A_750 = tpu.memref_squeeze %dma_wait3A_749 : memref<1x80xi32, #tpu.memory_space<vmem>> -> memref<80xi32, #tpu.memory_space<vmem>>
      %dma_wait3A_751 = tpu.memref_slice %arg4[%mul3A_2] : memref<320000xi32, #tpu.memory_space<hbm>> -> memref<80xi32, #tpu.memory_space<hbm>>
      tpu.wait_dma2 semaphore(%dma_wait3A_747 : memref<!tpu.dma_semaphore, #tpu.memory_space<semaphore_mem>>) src(%dma_wait3A_751 : memref<80xi32, #tpu.memory_space<hbm>>) dst(%dma_wait3A_750 : memref<80xi32, #tpu.memory_space<vmem>>)
      %dma_start3A_752 = arith.constant 6 : i32
      %dma_start3A_753 = arith.constant 2 : i32
      %dma_start3A_754 = arith.constant 2 : i32
      %dma_start3A_755 = arith.constant 0 : i32
      %dma_start3A_756 = arith.constant 0 : i32
      %dma_start3A_757 = tpu.memref_slice %arg9[%dma_start3A_753, %dma_start3A_755, %dma_start3A_756] : memref<4x80x128xf32, #tpu.memory_space<vmem>> -> memref<1x80x128xf32, #tpu.memory_space<vmem>>
      %dma_start3A_758 = tpu.memref_squeeze %dma_start3A_757 : memref<1x80x128xf32, #tpu.memory_space<vmem>> -> memref<80x128xf32, #tpu.memory_space<vmem>>
      %dma_start3A_759 = arith.constant 0 : i32
      %dma_start3A_760 = tpu.memref_slice %arg7[%dma_start3A_752, %dma_start3A_759] : memref<8x80xi32, #tpu.memory_space<vmem>> -> memref<1x80xi32, #tpu.memory_space<vmem>>
      %dma_start3A_761 = tpu.memref_squeeze %dma_start3A_760 : memref<1x80xi32, #tpu.memory_space<vmem>> -> memref<80xi32, #tpu.memory_space<vmem>>
      %dma_start3A_762 = arith.constant 0 : i32
      %dma_start3A_763 = arith.constant 0 : i32
      %dma_start3A_764 = tpu.memref_slice %arg2[%dma_start3A_762, %dma_start3A_763] : memref<10240x128xf32, #tpu.memory_space<hbm>> -> memref<10240x128xf32, #tpu.memory_space<hbm>>
      %dma_start3A_765 = tpu.memref_slice %arg13[%dma_start3A_754] : memref<4x!tpu.dma_semaphore, #tpu.memory_space<semaphore_mem>> -> memref<1x!tpu.dma_semaphore, #tpu.memory_space<semaphore_mem>>
      %dma_start3A_766 = tpu.memref_squeeze %dma_start3A_765 : memref<1x!tpu.dma_semaphore, #tpu.memory_space<semaphore_mem>> -> memref<!tpu.dma_semaphore, #tpu.memory_space<semaphore_mem>>
      tpu.enqueue_indirect_dma source(%dma_start3A_764 : memref<10240x128xf32, #tpu.memory_space<hbm>>) target(%dma_start3A_758 : memref<80x128xf32, #tpu.memory_space<vmem>>) offsets(%dma_start3A_761 : memref<80xi32, #tpu.memory_space<vmem>>) semaphore(%dma_start3A_766 : memref<!tpu.dma_semaphore, #tpu.memory_space<semaphore_mem>>)
      %run_scoped3A_767 = arith.constant 3 : i32
      %run_scoped3A_768 = arith.constant 3 : i32
      "tpu.region"() ({
        %run_scoped3A_1040 = tpu.sem_alloc : memref<!tpu.dma_semaphore, #tpu.memory_space<semaphore_mem>>
        %dma_start3A_1041 = arith.constant 0 : i32
        %dma_start3A_1042 = arith.constant 0 : i32
        %dma_start3A_1043 = tpu.memref_slice %arg9[%run_scoped3A_767, %dma_start3A_1041, %dma_start3A_1042] : memref<4x80x128xf32, #tpu.memory_space<vmem>> -> memref<1x80x128xf32, #tpu.memory_space<vmem>>
        %dma_start3A_1044 = tpu.memref_squeeze %dma_start3A_1043 : memref<1x80x128xf32, #tpu.memory_space<vmem>> -> memref<80x128xf32, #tpu.memory_space<vmem>>
        %dma_start3A_1045 = arith.constant 0 : i32
        %dma_start3A_1046 = tpu.memref_slice %arg8[%run_scoped3A_768, %dma_start3A_1045] : memref<8x80xi32, #tpu.memory_space<vmem>> -> memref<1x80xi32, #tpu.memory_space<vmem>>
        %dma_start3A_1047 = tpu.memref_squeeze %dma_start3A_1046 : memref<1x80xi32, #tpu.memory_space<vmem>> -> memref<80xi32, #tpu.memory_space<vmem>>
        %dma_start3A_1048 = arith.constant 0 : i32
        %dma_start3A_1049 = arith.constant 0 : i32
        %dma_start3A_1050 = tpu.memref_slice %arg10[%dma_start3A_1048, %dma_start3A_1049] : memref<10240x128xf32, #tpu.memory_space<vmem_shared>> -> memref<10240x128xf32, #tpu.memory_space<vmem_shared>>
        tpu.enqueue_indirect_dma source(%dma_start3A_1044 : memref<80x128xf32, #tpu.memory_space<vmem>>) target(%dma_start3A_1050 : memref<10240x128xf32, #tpu.memory_space<vmem_shared>>) offsets(%dma_start3A_1047 : memref<80xi32, #tpu.memory_space<vmem>>) semaphore(%run_scoped3A_1040 : memref<!tpu.dma_semaphore, #tpu.memory_space<semaphore_mem>>) {add = true}
        %dma_wait3A_1051 = arith.constant 0 : i32
        %dma_wait3A_1052 = arith.constant 0 : i32
        %dma_wait3A_1053 = tpu.memref_slice %arg9[%run_scoped3A_767, %dma_wait3A_1051, %dma_wait3A_1052] : memref<4x80x128xf32, #tpu.memory_space<vmem>> -> memref<1x80x128xf32, #tpu.memory_space<vmem>>
        %dma_wait3A_1054 = tpu.memref_squeeze %dma_wait3A_1053 : memref<1x80x128xf32, #tpu.memory_space<vmem>> -> memref<80x128xf32, #tpu.memory_space<vmem>>
        %dma_wait3A_1055 = arith.constant 0 : i32
        %dma_wait3A_1056 = tpu.memref_slice %arg8[%run_scoped3A_768, %dma_wait3A_1055] : memref<8x80xi32, #tpu.memory_space<vmem>> -> memref<1x80xi32, #tpu.memory_space<vmem>>
        %dma_wait3A_1057 = tpu.memref_squeeze %dma_wait3A_1056 : memref<1x80xi32, #tpu.memory_space<vmem>> -> memref<80xi32, #tpu.memory_space<vmem>>
        %dma_wait3A_1058 = arith.constant 0 : i32
        %dma_wait3A_1059 = arith.constant 0 : i32
        %dma_wait3A_1060 = tpu.memref_slice %arg10[%dma_wait3A_1058, %dma_wait3A_1059] : memref<10240x128xf32, #tpu.memory_space<vmem_shared>> -> memref<10240x128xf32, #tpu.memory_space<vmem_shared>>
        tpu.wait_indirect_dma semaphore(%run_scoped3A_1040 : memref<!tpu.dma_semaphore, #tpu.memory_space<semaphore_mem>>) src(%dma_wait3A_1054 : memref<80x128xf32, #tpu.memory_space<vmem>>) dst(%dma_wait3A_1060 : memref<10240x128xf32, #tpu.memory_space<vmem_shared>>)
        tpu.yield
      }) : () -> ()
      %convert_element_type3A_769 = arith.extui %lt3A_712 : i1 to i32
      %cond3A_770 = arith.constant 0 : i32
      %cond3A_771 = arith.cmpi ne, %convert_element_type3A_769, %cond3A_770 : i32
      scf.if %cond3A_771 {
        %add3A_1040 = arith.constant 8 : i32
        %add3A_1041 = arith.addi %add3A_706, %add3A_1040 : i32
        %mul3A_1042 = arith.constant 80 : i32
        %mul3A_1043 = arith.muli %add3A_1041, %mul3A_1042 : i32
        %add3A_1044 = arith.addi %mul3A_2, %mul3A_1043 : i32
        %dma_start3A_1045 = arith.constant 3 : i32
        %dma_start3A_1046 = arith.constant 3 : i32
        %dma_start3A_1047 = arith.constant 0 : i32
        %dma_start3A_1048 = tpu.memref_slice %arg7[%dma_start3A_1045, %dma_start3A_1047] : memref<8x80xi32, #tpu.memory_space<vmem>> -> memref<1x80xi32, #tpu.memory_space<vmem>>
        %dma_start3A_1049 = tpu.memref_squeeze %dma_start3A_1048 : memref<1x80xi32, #tpu.memory_space<vmem>> -> memref<80xi32, #tpu.memory_space<vmem>>
        %dma_start3A_1050 = tpu.memref_slice %arg3[%add3A_1044] : memref<320000xi32, #tpu.memory_space<hbm>> -> memref<80xi32, #tpu.memory_space<hbm>>
        %dma_start3A_1051 = tpu.memref_slice %arg11[%dma_start3A_1046] : memref<8x!tpu.dma_semaphore, #tpu.memory_space<semaphore_mem>> -> memref<1x!tpu.dma_semaphore, #tpu.memory_space<semaphore_mem>>
        %dma_start3A_1052 = tpu.memref_squeeze %dma_start3A_1051 : memref<1x!tpu.dma_semaphore, #tpu.memory_space<semaphore_mem>> -> memref<!tpu.dma_semaphore, #tpu.memory_space<semaphore_mem>>
        %dma_start3A_1053 = arith.constant 0 : i32
        %dma_start3A_1054 = tpu.memref_slice %arg7[%dma_start3A_1045, %dma_start3A_1053] : memref<8x80xi32, #tpu.memory_space<vmem>> -> memref<1x80xi32, #tpu.memory_space<vmem>>
        %dma_start3A_1055 = tpu.memref_squeeze %dma_start3A_1054 : memref<1x80xi32, #tpu.memory_space<vmem>> -> memref<80xi32, #tpu.memory_space<vmem>>
        %dma_start3A_1056 = tpu.memref_slice %arg3[%add3A_1044] : memref<320000xi32, #tpu.memory_space<hbm>> -> memref<80xi32, #tpu.memory_space<hbm>>
        tpu.enqueue_dma source(%dma_start3A_1056 : memref<80xi32, #tpu.memory_space<hbm>>) target(%dma_start3A_1055 : memref<80xi32, #tpu.memory_space<vmem>>) target_semaphore(%dma_start3A_1052 : memref<!tpu.dma_semaphore, #tpu.memory_space<semaphore_mem>>)
        %dma_start3A_1057 = arith.constant 3 : i32
        %dma_start3A_1058 = arith.constant 3 : i32
        %dma_start3A_1059 = arith.constant 0 : i32
        %dma_start3A_1060 = tpu.memref_slice %arg8[%dma_start3A_1057, %dma_start3A_1059] : memref<8x80xi32, #tpu.memory_space<vmem>> -> memref<1x80xi32, #tpu.memory_space<vmem>>
        %dma_start3A_1061 = tpu.memref_squeeze %dma_start3A_1060 : memref<1x80xi32, #tpu.memory_space<vmem>> -> memref<80xi32, #tpu.memory_space<vmem>>
        %dma_start3A_1062 = tpu.memref_slice %arg4[%add3A_1044] : memref<320000xi32, #tpu.memory_space<hbm>> -> memref<80xi32, #tpu.memory_space<hbm>>
        %dma_start3A_1063 = tpu.memref_slice %arg12[%dma_start3A_1058] : memref<8x!tpu.dma_semaphore, #tpu.memory_space<semaphore_mem>> -> memref<1x!tpu.dma_semaphore, #tpu.memory_space<semaphore_mem>>
        %dma_start3A_1064 = tpu.memref_squeeze %dma_start3A_1063 : memref<1x!tpu.dma_semaphore, #tpu.memory_space<semaphore_mem>> -> memref<!tpu.dma_semaphore, #tpu.memory_space<semaphore_mem>>
        %dma_start3A_1065 = arith.constant 0 : i32
        %dma_start3A_1066 = tpu.memref_slice %arg8[%dma_start3A_1057, %dma_start3A_1065] : memref<8x80xi32, #tpu.memory_space<vmem>> -> memref<1x80xi32, #tpu.memory_space<vmem>>
        %dma_start3A_1067 = tpu.memref_squeeze %dma_start3A_1066 : memref<1x80xi32, #tpu.memory_space<vmem>> -> memref<80xi32, #tpu.memory_space<vmem>>
        %dma_start3A_1068 = tpu.memref_slice %arg4[%add3A_1044] : memref<320000xi32, #tpu.memory_space<hbm>> -> memref<80xi32, #tpu.memory_space<hbm>>
        tpu.enqueue_dma source(%dma_start3A_1068 : memref<80xi32, #tpu.memory_space<hbm>>) target(%dma_start3A_1067 : memref<80xi32, #tpu.memory_space<vmem>>) target_semaphore(%dma_start3A_1064 : memref<!tpu.dma_semaphore, #tpu.memory_space<semaphore_mem>>)
      } else {
      }
      %add3A_772 = arith.constant 4 : i32
      %add3A_773 = arith.addi %add3A_506, %add3A_772 : i32
      %add3A_774 = arith.constant 4 : i32
      %add3A_775 = arith.addi %add3A_506, %add3A_774 : i32
      %add3A_776 = arith.constant 8 : i32
      %add3A_777 = arith.addi %add3A_775, %add3A_776 : i32
      %lt3A_778 = arith.constant 125 : i32
      %lt3A_779 = arith.cmpi slt, %add3A_777, %lt3A_778 : i32
      %dma_wait3A_780 = arith.constant 4 : i32
      %dma_wait3A_781 = arith.constant 0 : i32
      %dma_wait3A_782 = arith.constant 0 : i32
      %dma_wait3A_783 = arith.constant 0 : i32
      %dma_wait3A_784 = arith.constant 0 : i32
      %dma_wait3A_785 = tpu.memref_slice %arg9[%dma_wait3A_781, %dma_wait3A_783, %dma_wait3A_784] : memref<4x80x128xf32, #tpu.memory_space<vmem>> -> memref<1x80x128xf32, #tpu.memory_space<vmem>>
      %dma_wait3A_786 = tpu.memref_squeeze %dma_wait3A_785 : memref<1x80x128xf32, #tpu.memory_space<vmem>> -> memref<80x128xf32, #tpu.memory_space<vmem>>
      %dma_wait3A_787 = arith.constant 0 : i32
      %dma_wait3A_788 = tpu.memref_slice %arg7[%dma_wait3A_780, %dma_wait3A_787] : memref<8x80xi32, #tpu.memory_space<vmem>> -> memref<1x80xi32, #tpu.memory_space<vmem>>
      %dma_wait3A_789 = tpu.memref_squeeze %dma_wait3A_788 : memref<1x80xi32, #tpu.memory_space<vmem>> -> memref<80xi32, #tpu.memory_space<vmem>>
      %dma_wait3A_790 = arith.constant 0 : i32
      %dma_wait3A_791 = arith.constant 0 : i32
      %dma_wait3A_792 = tpu.memref_slice %arg2[%dma_wait3A_790, %dma_wait3A_791] : memref<10240x128xf32, #tpu.memory_space<hbm>> -> memref<10240x128xf32, #tpu.memory_space<hbm>>
      %dma_wait3A_793 = tpu.memref_slice %arg13[%dma_wait3A_782] : memref<4x!tpu.dma_semaphore, #tpu.memory_space<semaphore_mem>> -> memref<1x!tpu.dma_semaphore, #tpu.memory_space<semaphore_mem>>
      %dma_wait3A_794 = tpu.memref_squeeze %dma_wait3A_793 : memref<1x!tpu.dma_semaphore, #tpu.memory_space<semaphore_mem>> -> memref<!tpu.dma_semaphore, #tpu.memory_space<semaphore_mem>>
      tpu.wait_indirect_dma semaphore(%dma_wait3A_794 : memref<!tpu.dma_semaphore, #tpu.memory_space<semaphore_mem>>) src(%dma_wait3A_792 : memref<10240x128xf32, #tpu.memory_space<hbm>>) dst(%dma_wait3A_786 : memref<80x128xf32, #tpu.memory_space<vmem>>)
      %dma_wait3A_795 = arith.constant 7 : i32
      %dma_wait3A_796 = arith.constant 7 : i32
      %dma_wait3A_797 = arith.constant 0 : i32
      %dma_wait3A_798 = tpu.memref_slice %arg7[%dma_wait3A_795, %dma_wait3A_797] : memref<8x80xi32, #tpu.memory_space<vmem>> -> memref<1x80xi32, #tpu.memory_space<vmem>>
      %dma_wait3A_799 = tpu.memref_squeeze %dma_wait3A_798 : memref<1x80xi32, #tpu.memory_space<vmem>> -> memref<80xi32, #tpu.memory_space<vmem>>
      %dma_wait3A_800 = tpu.memref_slice %arg3[%mul3A_2] : memref<320000xi32, #tpu.memory_space<hbm>> -> memref<80xi32, #tpu.memory_space<hbm>>
      %dma_wait3A_801 = tpu.memref_slice %arg11[%dma_wait3A_796] : memref<8x!tpu.dma_semaphore, #tpu.memory_space<semaphore_mem>> -> memref<1x!tpu.dma_semaphore, #tpu.memory_space<semaphore_mem>>
      %dma_wait3A_802 = tpu.memref_squeeze %dma_wait3A_801 : memref<1x!tpu.dma_semaphore, #tpu.memory_space<semaphore_mem>> -> memref<!tpu.dma_semaphore, #tpu.memory_space<semaphore_mem>>
      %dma_wait3A_803 = arith.constant 0 : i32
      %dma_wait3A_804 = tpu.memref_slice %arg7[%dma_wait3A_795, %dma_wait3A_803] : memref<8x80xi32, #tpu.memory_space<vmem>> -> memref<1x80xi32, #tpu.memory_space<vmem>>
      %dma_wait3A_805 = tpu.memref_squeeze %dma_wait3A_804 : memref<1x80xi32, #tpu.memory_space<vmem>> -> memref<80xi32, #tpu.memory_space<vmem>>
      %dma_wait3A_806 = tpu.memref_slice %arg3[%mul3A_2] : memref<320000xi32, #tpu.memory_space<hbm>> -> memref<80xi32, #tpu.memory_space<hbm>>
      tpu.wait_dma2 semaphore(%dma_wait3A_802 : memref<!tpu.dma_semaphore, #tpu.memory_space<semaphore_mem>>) src(%dma_wait3A_806 : memref<80xi32, #tpu.memory_space<hbm>>) dst(%dma_wait3A_805 : memref<80xi32, #tpu.memory_space<vmem>>)
      %dma_wait3A_807 = arith.constant 7 : i32
      %dma_wait3A_808 = arith.constant 7 : i32
      %dma_wait3A_809 = arith.constant 0 : i32
      %dma_wait3A_810 = tpu.memref_slice %arg8[%dma_wait3A_807, %dma_wait3A_809] : memref<8x80xi32, #tpu.memory_space<vmem>> -> memref<1x80xi32, #tpu.memory_space<vmem>>
      %dma_wait3A_811 = tpu.memref_squeeze %dma_wait3A_810 : memref<1x80xi32, #tpu.memory_space<vmem>> -> memref<80xi32, #tpu.memory_space<vmem>>
      %dma_wait3A_812 = tpu.memref_slice %arg4[%mul3A_2] : memref<320000xi32, #tpu.memory_space<hbm>> -> memref<80xi32, #tpu.memory_space<hbm>>
      %dma_wait3A_813 = tpu.memref_slice %arg12[%dma_wait3A_808] : memref<8x!tpu.dma_semaphore, #tpu.memory_space<semaphore_mem>> -> memref<1x!tpu.dma_semaphore, #tpu.memory_space<semaphore_mem>>
      %dma_wait3A_814 = tpu.memref_squeeze %dma_wait3A_813 : memref<1x!tpu.dma_semaphore, #tpu.memory_space<semaphore_mem>> -> memref<!tpu.dma_semaphore, #tpu.memory_space<semaphore_mem>>
      %dma_wait3A_815 = arith.constant 0 : i32
      %dma_wait3A_816 = tpu.memref_slice %arg8[%dma_wait3A_807, %dma_wait3A_815] : memref<8x80xi32, #tpu.memory_space<vmem>> -> memref<1x80xi32, #tpu.memory_space<vmem>>
      %dma_wait3A_817 = tpu.memref_squeeze %dma_wait3A_816 : memref<1x80xi32, #tpu.memory_space<vmem>> -> memref<80xi32, #tpu.memory_space<vmem>>
      %dma_wait3A_818 = tpu.memref_slice %arg4[%mul3A_2] : memref<320000xi32, #tpu.memory_space<hbm>> -> memref<80xi32, #tpu.memory_space<hbm>>
      tpu.wait_dma2 semaphore(%dma_wait3A_814 : memref<!tpu.dma_semaphore, #tpu.memory_space<semaphore_mem>>) src(%dma_wait3A_818 : memref<80xi32, #tpu.memory_space<hbm>>) dst(%dma_wait3A_817 : memref<80xi32, #tpu.memory_space<vmem>>)
      %dma_start3A_819 = arith.constant 7 : i32
      %dma_start3A_820 = arith.constant 3 : i32
      %dma_start3A_821 = arith.constant 3 : i32
      %dma_start3A_822 = arith.constant 0 : i32
      %dma_start3A_823 = arith.constant 0 : i32
      %dma_start3A_824 = tpu.memref_slice %arg9[%dma_start3A_820, %dma_start3A_822, %dma_start3A_823] : memref<4x80x128xf32, #tpu.memory_space<vmem>> -> memref<1x80x128xf32, #tpu.memory_space<vmem>>
      %dma_start3A_825 = tpu.memref_squeeze %dma_start3A_824 : memref<1x80x128xf32, #tpu.memory_space<vmem>> -> memref<80x128xf32, #tpu.memory_space<vmem>>
      %dma_start3A_826 = arith.constant 0 : i32
      %dma_start3A_827 = tpu.memref_slice %arg7[%dma_start3A_819, %dma_start3A_826] : memref<8x80xi32, #tpu.memory_space<vmem>> -> memref<1x80xi32, #tpu.memory_space<vmem>>
      %dma_start3A_828 = tpu.memref_squeeze %dma_start3A_827 : memref<1x80xi32, #tpu.memory_space<vmem>> -> memref<80xi32, #tpu.memory_space<vmem>>
      %dma_start3A_829 = arith.constant 0 : i32
      %dma_start3A_830 = arith.constant 0 : i32
      %dma_start3A_831 = tpu.memref_slice %arg2[%dma_start3A_829, %dma_start3A_830] : memref<10240x128xf32, #tpu.memory_space<hbm>> -> memref<10240x128xf32, #tpu.memory_space<hbm>>
      %dma_start3A_832 = tpu.memref_slice %arg13[%dma_start3A_821] : memref<4x!tpu.dma_semaphore, #tpu.memory_space<semaphore_mem>> -> memref<1x!tpu.dma_semaphore, #tpu.memory_space<semaphore_mem>>
      %dma_start3A_833 = tpu.memref_squeeze %dma_start3A_832 : memref<1x!tpu.dma_semaphore, #tpu.memory_space<semaphore_mem>> -> memref<!tpu.dma_semaphore, #tpu.memory_space<semaphore_mem>>
      tpu.enqueue_indirect_dma source(%dma_start3A_831 : memref<10240x128xf32, #tpu.memory_space<hbm>>) target(%dma_start3A_825 : memref<80x128xf32, #tpu.memory_space<vmem>>) offsets(%dma_start3A_828 : memref<80xi32, #tpu.memory_space<vmem>>) semaphore(%dma_start3A_833 : memref<!tpu.dma_semaphore, #tpu.memory_space<semaphore_mem>>)
      %run_scoped3A_834 = arith.constant 0 : i32
      %run_scoped3A_835 = arith.constant 4 : i32
      "tpu.region"() ({
        %run_scoped3A_1040 = tpu.sem_alloc : memref<!tpu.dma_semaphore, #tpu.memory_space<semaphore_mem>>
        %dma_start3A_1041 = arith.constant 0 : i32
        %dma_start3A_1042 = arith.constant 0 : i32
        %dma_start3A_1043 = tpu.memref_slice %arg9[%run_scoped3A_834, %dma_start3A_1041, %dma_start3A_1042] : memref<4x80x128xf32, #tpu.memory_space<vmem>> -> memref<1x80x128xf32, #tpu.memory_space<vmem>>
        %dma_start3A_1044 = tpu.memref_squeeze %dma_start3A_1043 : memref<1x80x128xf32, #tpu.memory_space<vmem>> -> memref<80x128xf32, #tpu.memory_space<vmem>>
        %dma_start3A_1045 = arith.constant 0 : i32
        %dma_start3A_1046 = tpu.memref_slice %arg8[%run_scoped3A_835, %dma_start3A_1045] : memref<8x80xi32, #tpu.memory_space<vmem>> -> memref<1x80xi32, #tpu.memory_space<vmem>>
        %dma_start3A_1047 = tpu.memref_squeeze %dma_start3A_1046 : memref<1x80xi32, #tpu.memory_space<vmem>> -> memref<80xi32, #tpu.memory_space<vmem>>
        %dma_start3A_1048 = arith.constant 0 : i32
        %dma_start3A_1049 = arith.constant 0 : i32
        %dma_start3A_1050 = tpu.memref_slice %arg10[%dma_start3A_1048, %dma_start3A_1049] : memref<10240x128xf32, #tpu.memory_space<vmem_shared>> -> memref<10240x128xf32, #tpu.memory_space<vmem_shared>>
        tpu.enqueue_indirect_dma source(%dma_start3A_1044 : memref<80x128xf32, #tpu.memory_space<vmem>>) target(%dma_start3A_1050 : memref<10240x128xf32, #tpu.memory_space<vmem_shared>>) offsets(%dma_start3A_1047 : memref<80xi32, #tpu.memory_space<vmem>>) semaphore(%run_scoped3A_1040 : memref<!tpu.dma_semaphore, #tpu.memory_space<semaphore_mem>>) {add = true}
        %dma_wait3A_1051 = arith.constant 0 : i32
        %dma_wait3A_1052 = arith.constant 0 : i32
        %dma_wait3A_1053 = tpu.memref_slice %arg9[%run_scoped3A_834, %dma_wait3A_1051, %dma_wait3A_1052] : memref<4x80x128xf32, #tpu.memory_space<vmem>> -> memref<1x80x128xf32, #tpu.memory_space<vmem>>
        %dma_wait3A_1054 = tpu.memref_squeeze %dma_wait3A_1053 : memref<1x80x128xf32, #tpu.memory_space<vmem>> -> memref<80x128xf32, #tpu.memory_space<vmem>>
        %dma_wait3A_1055 = arith.constant 0 : i32
        %dma_wait3A_1056 = tpu.memref_slice %arg8[%run_scoped3A_835, %dma_wait3A_1055] : memref<8x80xi32, #tpu.memory_space<vmem>> -> memref<1x80xi32, #tpu.memory_space<vmem>>
        %dma_wait3A_1057 = tpu.memref_squeeze %dma_wait3A_1056 : memref<1x80xi32, #tpu.memory_space<vmem>> -> memref<80xi32, #tpu.memory_space<vmem>>
        %dma_wait3A_1058 = arith.constant 0 : i32
        %dma_wait3A_1059 = arith.constant 0 : i32
        %dma_wait3A_1060 = tpu.memref_slice %arg10[%dma_wait3A_1058, %dma_wait3A_1059] : memref<10240x128xf32, #tpu.memory_space<vmem_shared>> -> memref<10240x128xf32, #tpu.memory_space<vmem_shared>>
        tpu.wait_indirect_dma semaphore(%run_scoped3A_1040 : memref<!tpu.dma_semaphore, #tpu.memory_space<semaphore_mem>>) src(%dma_wait3A_1054 : memref<80x128xf32, #tpu.memory_space<vmem>>) dst(%dma_wait3A_1060 : memref<10240x128xf32, #tpu.memory_space<vmem_shared>>)
        tpu.yield
      }) : () -> ()
      %convert_element_type3A_836 = arith.extui %lt3A_779 : i1 to i32
      %cond3A_837 = arith.constant 0 : i32
      %cond3A_838 = arith.cmpi ne, %convert_element_type3A_836, %cond3A_837 : i32
      scf.if %cond3A_838 {
        %add3A_1040 = arith.constant 8 : i32
        %add3A_1041 = arith.addi %add3A_773, %add3A_1040 : i32
        %mul3A_1042 = arith.constant 80 : i32
        %mul3A_1043 = arith.muli %add3A_1041, %mul3A_1042 : i32
        %add3A_1044 = arith.addi %mul3A_2, %mul3A_1043 : i32
        %dma_start3A_1045 = arith.constant 4 : i32
        %dma_start3A_1046 = arith.constant 4 : i32
        %dma_start3A_1047 = arith.constant 0 : i32
        %dma_start3A_1048 = tpu.memref_slice %arg7[%dma_start3A_1045, %dma_start3A_1047] : memref<8x80xi32, #tpu.memory_space<vmem>> -> memref<1x80xi32, #tpu.memory_space<vmem>>
        %dma_start3A_1049 = tpu.memref_squeeze %dma_start3A_1048 : memref<1x80xi32, #tpu.memory_space<vmem>> -> memref<80xi32, #tpu.memory_space<vmem>>
        %dma_start3A_1050 = tpu.memref_slice %arg3[%add3A_1044] : memref<320000xi32, #tpu.memory_space<hbm>> -> memref<80xi32, #tpu.memory_space<hbm>>
        %dma_start3A_1051 = tpu.memref_slice %arg11[%dma_start3A_1046] : memref<8x!tpu.dma_semaphore, #tpu.memory_space<semaphore_mem>> -> memref<1x!tpu.dma_semaphore, #tpu.memory_space<semaphore_mem>>
        %dma_start3A_1052 = tpu.memref_squeeze %dma_start3A_1051 : memref<1x!tpu.dma_semaphore, #tpu.memory_space<semaphore_mem>> -> memref<!tpu.dma_semaphore, #tpu.memory_space<semaphore_mem>>
        %dma_start3A_1053 = arith.constant 0 : i32
        %dma_start3A_1054 = tpu.memref_slice %arg7[%dma_start3A_1045, %dma_start3A_1053] : memref<8x80xi32, #tpu.memory_space<vmem>> -> memref<1x80xi32, #tpu.memory_space<vmem>>
        %dma_start3A_1055 = tpu.memref_squeeze %dma_start3A_1054 : memref<1x80xi32, #tpu.memory_space<vmem>> -> memref<80xi32, #tpu.memory_space<vmem>>
        %dma_start3A_1056 = tpu.memref_slice %arg3[%add3A_1044] : memref<320000xi32, #tpu.memory_space<hbm>> -> memref<80xi32, #tpu.memory_space<hbm>>
        tpu.enqueue_dma source(%dma_start3A_1056 : memref<80xi32, #tpu.memory_space<hbm>>) target(%dma_start3A_1055 : memref<80xi32, #tpu.memory_space<vmem>>) target_semaphore(%dma_start3A_1052 : memref<!tpu.dma_semaphore, #tpu.memory_space<semaphore_mem>>)
        %dma_start3A_1057 = arith.constant 4 : i32
        %dma_start3A_1058 = arith.constant 4 : i32
        %dma_start3A_1059 = arith.constant 0 : i32
        %dma_start3A_1060 = tpu.memref_slice %arg8[%dma_start3A_1057, %dma_start3A_1059] : memref<8x80xi32, #tpu.memory_space<vmem>> -> memref<1x80xi32, #tpu.memory_space<vmem>>
        %dma_start3A_1061 = tpu.memref_squeeze %dma_start3A_1060 : memref<1x80xi32, #tpu.memory_space<vmem>> -> memref<80xi32, #tpu.memory_space<vmem>>
        %dma_start3A_1062 = tpu.memref_slice %arg4[%add3A_1044] : memref<320000xi32, #tpu.memory_space<hbm>> -> memref<80xi32, #tpu.memory_space<hbm>>
        %dma_start3A_1063 = tpu.memref_slice %arg12[%dma_start3A_1058] : memref<8x!tpu.dma_semaphore, #tpu.memory_space<semaphore_mem>> -> memref<1x!tpu.dma_semaphore, #tpu.memory_space<semaphore_mem>>
        %dma_start3A_1064 = tpu.memref_squeeze %dma_start3A_1063 : memref<1x!tpu.dma_semaphore, #tpu.memory_space<semaphore_mem>> -> memref<!tpu.dma_semaphore, #tpu.memory_space<semaphore_mem>>
        %dma_start3A_1065 = arith.constant 0 : i32
        %dma_start3A_1066 = tpu.memref_slice %arg8[%dma_start3A_1057, %dma_start3A_1065] : memref<8x80xi32, #tpu.memory_space<vmem>> -> memref<1x80xi32, #tpu.memory_space<vmem>>
        %dma_start3A_1067 = tpu.memref_squeeze %dma_start3A_1066 : memref<1x80xi32, #tpu.memory_space<vmem>> -> memref<80xi32, #tpu.memory_space<vmem>>
        %dma_start3A_1068 = tpu.memref_slice %arg4[%add3A_1044] : memref<320000xi32, #tpu.memory_space<hbm>> -> memref<80xi32, #tpu.memory_space<hbm>>
        tpu.enqueue_dma source(%dma_start3A_1068 : memref<80xi32, #tpu.memory_space<hbm>>) target(%dma_start3A_1067 : memref<80xi32, #tpu.memory_space<vmem>>) target_semaphore(%dma_start3A_1064 : memref<!tpu.dma_semaphore, #tpu.memory_space<semaphore_mem>>)
      } else {
      }
      %add3A_839 = arith.constant 5 : i32
      %add3A_840 = arith.addi %add3A_506, %add3A_839 : i32
      %add3A_841 = arith.constant 5 : i32
      %add3A_842 = arith.addi %add3A_506, %add3A_841 : i32
      %add3A_843 = arith.constant 8 : i32
      %add3A_844 = arith.addi %add3A_842, %add3A_843 : i32
      %lt3A_845 = arith.constant 125 : i32
      %lt3A_846 = arith.cmpi slt, %add3A_844, %lt3A_845 : i32
      %dma_wait3A_847 = arith.constant 5 : i32
      %dma_wait3A_848 = arith.constant 1 : i32
      %dma_wait3A_849 = arith.constant 1 : i32
      %dma_wait3A_850 = arith.constant 0 : i32
      %dma_wait3A_851 = arith.constant 0 : i32
      %dma_wait3A_852 = tpu.memref_slice %arg9[%dma_wait3A_848, %dma_wait3A_850, %dma_wait3A_851] : memref<4x80x128xf32, #tpu.memory_space<vmem>> -> memref<1x80x128xf32, #tpu.memory_space<vmem>>
      %dma_wait3A_853 = tpu.memref_squeeze %dma_wait3A_852 : memref<1x80x128xf32, #tpu.memory_space<vmem>> -> memref<80x128xf32, #tpu.memory_space<vmem>>
      %dma_wait3A_854 = arith.constant 0 : i32
      %dma_wait3A_855 = tpu.memref_slice %arg7[%dma_wait3A_847, %dma_wait3A_854] : memref<8x80xi32, #tpu.memory_space<vmem>> -> memref<1x80xi32, #tpu.memory_space<vmem>>
      %dma_wait3A_856 = tpu.memref_squeeze %dma_wait3A_855 : memref<1x80xi32, #tpu.memory_space<vmem>> -> memref<80xi32, #tpu.memory_space<vmem>>
      %dma_wait3A_857 = arith.constant 0 : i32
      %dma_wait3A_858 = arith.constant 0 : i32
      %dma_wait3A_859 = tpu.memref_slice %arg2[%dma_wait3A_857, %dma_wait3A_858] : memref<10240x128xf32, #tpu.memory_space<hbm>> -> memref<10240x128xf32, #tpu.memory_space<hbm>>
      %dma_wait3A_860 = tpu.memref_slice %arg13[%dma_wait3A_849] : memref<4x!tpu.dma_semaphore, #tpu.memory_space<semaphore_mem>> -> memref<1x!tpu.dma_semaphore, #tpu.memory_space<semaphore_mem>>
      %dma_wait3A_861 = tpu.memref_squeeze %dma_wait3A_860 : memref<1x!tpu.dma_semaphore, #tpu.memory_space<semaphore_mem>> -> memref<!tpu.dma_semaphore, #tpu.memory_space<semaphore_mem>>
      tpu.wait_indirect_dma semaphore(%dma_wait3A_861 : memref<!tpu.dma_semaphore, #tpu.memory_space<semaphore_mem>>) src(%dma_wait3A_859 : memref<10240x128xf32, #tpu.memory_space<hbm>>) dst(%dma_wait3A_853 : memref<80x128xf32, #tpu.memory_space<vmem>>)
      %dma_wait3A_862 = arith.constant 0 : i32
      %dma_wait3A_863 = arith.constant 0 : i32
      %dma_wait3A_864 = arith.constant 0 : i32
      %dma_wait3A_865 = tpu.memref_slice %arg7[%dma_wait3A_862, %dma_wait3A_864] : memref<8x80xi32, #tpu.memory_space<vmem>> -> memref<1x80xi32, #tpu.memory_space<vmem>>
      %dma_wait3A_866 = tpu.memref_squeeze %dma_wait3A_865 : memref<1x80xi32, #tpu.memory_space<vmem>> -> memref<80xi32, #tpu.memory_space<vmem>>
      %dma_wait3A_867 = tpu.memref_slice %arg3[%mul3A_2] : memref<320000xi32, #tpu.memory_space<hbm>> -> memref<80xi32, #tpu.memory_space<hbm>>
      %dma_wait3A_868 = tpu.memref_slice %arg11[%dma_wait3A_863] : memref<8x!tpu.dma_semaphore, #tpu.memory_space<semaphore_mem>> -> memref<1x!tpu.dma_semaphore, #tpu.memory_space<semaphore_mem>>
      %dma_wait3A_869 = tpu.memref_squeeze %dma_wait3A_868 : memref<1x!tpu.dma_semaphore, #tpu.memory_space<semaphore_mem>> -> memref<!tpu.dma_semaphore, #tpu.memory_space<semaphore_mem>>
      %dma_wait3A_870 = arith.constant 0 : i32
      %dma_wait3A_871 = tpu.memref_slice %arg7[%dma_wait3A_862, %dma_wait3A_870] : memref<8x80xi32, #tpu.memory_space<vmem>> -> memref<1x80xi32, #tpu.memory_space<vmem>>
      %dma_wait3A_872 = tpu.memref_squeeze %dma_wait3A_871 : memref<1x80xi32, #tpu.memory_space<vmem>> -> memref<80xi32, #tpu.memory_space<vmem>>
      %dma_wait3A_873 = tpu.memref_slice %arg3[%mul3A_2] : memref<320000xi32, #tpu.memory_space<hbm>> -> memref<80xi32, #tpu.memory_space<hbm>>
      tpu.wait_dma2 semaphore(%dma_wait3A_869 : memref<!tpu.dma_semaphore, #tpu.memory_space<semaphore_mem>>) src(%dma_wait3A_873 : memref<80xi32, #tpu.memory_space<hbm>>) dst(%dma_wait3A_872 : memref<80xi32, #tpu.memory_space<vmem>>)
      %dma_wait3A_874 = arith.constant 0 : i32
      %dma_wait3A_875 = arith.constant 0 : i32
      %dma_wait3A_876 = arith.constant 0 : i32
      %dma_wait3A_877 = tpu.memref_slice %arg8[%dma_wait3A_874, %dma_wait3A_876] : memref<8x80xi32, #tpu.memory_space<vmem>> -> memref<1x80xi32, #tpu.memory_space<vmem>>
      %dma_wait3A_878 = tpu.memref_squeeze %dma_wait3A_877 : memref<1x80xi32, #tpu.memory_space<vmem>> -> memref<80xi32, #tpu.memory_space<vmem>>
      %dma_wait3A_879 = tpu.memref_slice %arg4[%mul3A_2] : memref<320000xi32, #tpu.memory_space<hbm>> -> memref<80xi32, #tpu.memory_space<hbm>>
      %dma_wait3A_880 = tpu.memref_slice %arg12[%dma_wait3A_875] : memref<8x!tpu.dma_semaphore, #tpu.memory_space<semaphore_mem>> -> memref<1x!tpu.dma_semaphore, #tpu.memory_space<semaphore_mem>>
      %dma_wait3A_881 = tpu.memref_squeeze %dma_wait3A_880 : memref<1x!tpu.dma_semaphore, #tpu.memory_space<semaphore_mem>> -> memref<!tpu.dma_semaphore, #tpu.memory_space<semaphore_mem>>
      %dma_wait3A_882 = arith.constant 0 : i32
      %dma_wait3A_883 = tpu.memref_slice %arg8[%dma_wait3A_874, %dma_wait3A_882] : memref<8x80xi32, #tpu.memory_space<vmem>> -> memref<1x80xi32, #tpu.memory_space<vmem>>
      %dma_wait3A_884 = tpu.memref_squeeze %dma_wait3A_883 : memref<1x80xi32, #tpu.memory_space<vmem>> -> memref<80xi32, #tpu.memory_space<vmem>>
      %dma_wait3A_885 = tpu.memref_slice %arg4[%mul3A_2] : memref<320000xi32, #tpu.memory_space<hbm>> -> memref<80xi32, #tpu.memory_space<hbm>>
      tpu.wait_dma2 semaphore(%dma_wait3A_881 : memref<!tpu.dma_semaphore, #tpu.memory_space<semaphore_mem>>) src(%dma_wait3A_885 : memref<80xi32, #tpu.memory_space<hbm>>) dst(%dma_wait3A_884 : memref<80xi32, #tpu.memory_space<vmem>>)
      %dma_start3A_886 = arith.constant 0 : i32
      %dma_start3A_887 = arith.constant 0 : i32
      %dma_start3A_888 = arith.constant 0 : i32
      %dma_start3A_889 = arith.constant 0 : i32
      %dma_start3A_890 = arith.constant 0 : i32
      %dma_start3A_891 = tpu.memref_slice %arg9[%dma_start3A_887, %dma_start3A_889, %dma_start3A_890] : memref<4x80x128xf32, #tpu.memory_space<vmem>> -> memref<1x80x128xf32, #tpu.memory_space<vmem>>
      %dma_start3A_892 = tpu.memref_squeeze %dma_start3A_891 : memref<1x80x128xf32, #tpu.memory_space<vmem>> -> memref<80x128xf32, #tpu.memory_space<vmem>>
      %dma_start3A_893 = arith.constant 0 : i32
      %dma_start3A_894 = tpu.memref_slice %arg7[%dma_start3A_886, %dma_start3A_893] : memref<8x80xi32, #tpu.memory_space<vmem>> -> memref<1x80xi32, #tpu.memory_space<vmem>>
      %dma_start3A_895 = tpu.memref_squeeze %dma_start3A_894 : memref<1x80xi32, #tpu.memory_space<vmem>> -> memref<80xi32, #tpu.memory_space<vmem>>
      %dma_start3A_896 = arith.constant 0 : i32
      %dma_start3A_897 = arith.constant 0 : i32
      %dma_start3A_898 = tpu.memref_slice %arg2[%dma_start3A_896, %dma_start3A_897] : memref<10240x128xf32, #tpu.memory_space<hbm>> -> memref<10240x128xf32, #tpu.memory_space<hbm>>
      %dma_start3A_899 = tpu.memref_slice %arg13[%dma_start3A_888] : memref<4x!tpu.dma_semaphore, #tpu.memory_space<semaphore_mem>> -> memref<1x!tpu.dma_semaphore, #tpu.memory_space<semaphore_mem>>
      %dma_start3A_900 = tpu.memref_squeeze %dma_start3A_899 : memref<1x!tpu.dma_semaphore, #tpu.memory_space<semaphore_mem>> -> memref<!tpu.dma_semaphore, #tpu.memory_space<semaphore_mem>>
      tpu.enqueue_indirect_dma source(%dma_start3A_898 : memref<10240x128xf32, #tpu.memory_space<hbm>>) target(%dma_start3A_892 : memref<80x128xf32, #tpu.memory_space<vmem>>) offsets(%dma_start3A_895 : memref<80xi32, #tpu.memory_space<vmem>>) semaphore(%dma_start3A_900 : memref<!tpu.dma_semaphore, #tpu.memory_space<semaphore_mem>>)
      %run_scoped3A_901 = arith.constant 1 : i32
      %run_scoped3A_902 = arith.constant 5 : i32
      "tpu.region"() ({
        %run_scoped3A_1040 = tpu.sem_alloc : memref<!tpu.dma_semaphore, #tpu.memory_space<semaphore_mem>>
        %dma_start3A_1041 = arith.constant 0 : i32
        %dma_start3A_1042 = arith.constant 0 : i32
        %dma_start3A_1043 = tpu.memref_slice %arg9[%run_scoped3A_901, %dma_start3A_1041, %dma_start3A_1042] : memref<4x80x128xf32, #tpu.memory_space<vmem>> -> memref<1x80x128xf32, #tpu.memory_space<vmem>>
        %dma_start3A_1044 = tpu.memref_squeeze %dma_start3A_1043 : memref<1x80x128xf32, #tpu.memory_space<vmem>> -> memref<80x128xf32, #tpu.memory_space<vmem>>
        %dma_start3A_1045 = arith.constant 0 : i32
        %dma_start3A_1046 = tpu.memref_slice %arg8[%run_scoped3A_902, %dma_start3A_1045] : memref<8x80xi32, #tpu.memory_space<vmem>> -> memref<1x80xi32, #tpu.memory_space<vmem>>
        %dma_start3A_1047 = tpu.memref_squeeze %dma_start3A_1046 : memref<1x80xi32, #tpu.memory_space<vmem>> -> memref<80xi32, #tpu.memory_space<vmem>>
        %dma_start3A_1048 = arith.constant 0 : i32
        %dma_start3A_1049 = arith.constant 0 : i32
        %dma_start3A_1050 = tpu.memref_slice %arg10[%dma_start3A_1048, %dma_start3A_1049] : memref<10240x128xf32, #tpu.memory_space<vmem_shared>> -> memref<10240x128xf32, #tpu.memory_space<vmem_shared>>
        tpu.enqueue_indirect_dma source(%dma_start3A_1044 : memref<80x128xf32, #tpu.memory_space<vmem>>) target(%dma_start3A_1050 : memref<10240x128xf32, #tpu.memory_space<vmem_shared>>) offsets(%dma_start3A_1047 : memref<80xi32, #tpu.memory_space<vmem>>) semaphore(%run_scoped3A_1040 : memref<!tpu.dma_semaphore, #tpu.memory_space<semaphore_mem>>) {add = true}
        %dma_wait3A_1051 = arith.constant 0 : i32
        %dma_wait3A_1052 = arith.constant 0 : i32
        %dma_wait3A_1053 = tpu.memref_slice %arg9[%run_scoped3A_901, %dma_wait3A_1051, %dma_wait3A_1052] : memref<4x80x128xf32, #tpu.memory_space<vmem>> -> memref<1x80x128xf32, #tpu.memory_space<vmem>>
        %dma_wait3A_1054 = tpu.memref_squeeze %dma_wait3A_1053 : memref<1x80x128xf32, #tpu.memory_space<vmem>> -> memref<80x128xf32, #tpu.memory_space<vmem>>
        %dma_wait3A_1055 = arith.constant 0 : i32
        %dma_wait3A_1056 = tpu.memref_slice %arg8[%run_scoped3A_902, %dma_wait3A_1055] : memref<8x80xi32, #tpu.memory_space<vmem>> -> memref<1x80xi32, #tpu.memory_space<vmem>>
        %dma_wait3A_1057 = tpu.memref_squeeze %dma_wait3A_1056 : memref<1x80xi32, #tpu.memory_space<vmem>> -> memref<80xi32, #tpu.memory_space<vmem>>
        %dma_wait3A_1058 = arith.constant 0 : i32
        %dma_wait3A_1059 = arith.constant 0 : i32
        %dma_wait3A_1060 = tpu.memref_slice %arg10[%dma_wait3A_1058, %dma_wait3A_1059] : memref<10240x128xf32, #tpu.memory_space<vmem_shared>> -> memref<10240x128xf32, #tpu.memory_space<vmem_shared>>
        tpu.wait_indirect_dma semaphore(%run_scoped3A_1040 : memref<!tpu.dma_semaphore, #tpu.memory_space<semaphore_mem>>) src(%dma_wait3A_1054 : memref<80x128xf32, #tpu.memory_space<vmem>>) dst(%dma_wait3A_1060 : memref<10240x128xf32, #tpu.memory_space<vmem_shared>>)
        tpu.yield
      }) : () -> ()
      %convert_element_type3A_903 = arith.extui %lt3A_846 : i1 to i32
      %cond3A_904 = arith.constant 0 : i32
      %cond3A_905 = arith.cmpi ne, %convert_element_type3A_903, %cond3A_904 : i32
      scf.if %cond3A_905 {
        %add3A_1040 = arith.constant 8 : i32
        %add3A_1041 = arith.addi %add3A_840, %add3A_1040 : i32
        %mul3A_1042 = arith.constant 80 : i32
        %mul3A_1043 = arith.muli %add3A_1041, %mul3A_1042 : i32
        %add3A_1044 = arith.addi %mul3A_2, %mul3A_1043 : i32
        %dma_start3A_1045 = arith.constant 5 : i32
        %dma_start3A_1046 = arith.constant 5 : i32
        %dma_start3A_1047 = arith.constant 0 : i32
        %dma_start3A_1048 = tpu.memref_slice %arg7[%dma_start3A_1045, %dma_start3A_1047] : memref<8x80xi32, #tpu.memory_space<vmem>> -> memref<1x80xi32, #tpu.memory_space<vmem>>
        %dma_start3A_1049 = tpu.memref_squeeze %dma_start3A_1048 : memref<1x80xi32, #tpu.memory_space<vmem>> -> memref<80xi32, #tpu.memory_space<vmem>>
        %dma_start3A_1050 = tpu.memref_slice %arg3[%add3A_1044] : memref<320000xi32, #tpu.memory_space<hbm>> -> memref<80xi32, #tpu.memory_space<hbm>>
        %dma_start3A_1051 = tpu.memref_slice %arg11[%dma_start3A_1046] : memref<8x!tpu.dma_semaphore, #tpu.memory_space<semaphore_mem>> -> memref<1x!tpu.dma_semaphore, #tpu.memory_space<semaphore_mem>>
        %dma_start3A_1052 = tpu.memref_squeeze %dma_start3A_1051 : memref<1x!tpu.dma_semaphore, #tpu.memory_space<semaphore_mem>> -> memref<!tpu.dma_semaphore, #tpu.memory_space<semaphore_mem>>
        %dma_start3A_1053 = arith.constant 0 : i32
        %dma_start3A_1054 = tpu.memref_slice %arg7[%dma_start3A_1045, %dma_start3A_1053] : memref<8x80xi32, #tpu.memory_space<vmem>> -> memref<1x80xi32, #tpu.memory_space<vmem>>
        %dma_start3A_1055 = tpu.memref_squeeze %dma_start3A_1054 : memref<1x80xi32, #tpu.memory_space<vmem>> -> memref<80xi32, #tpu.memory_space<vmem>>
        %dma_start3A_1056 = tpu.memref_slice %arg3[%add3A_1044] : memref<320000xi32, #tpu.memory_space<hbm>> -> memref<80xi32, #tpu.memory_space<hbm>>
        tpu.enqueue_dma source(%dma_start3A_1056 : memref<80xi32, #tpu.memory_space<hbm>>) target(%dma_start3A_1055 : memref<80xi32, #tpu.memory_space<vmem>>) target_semaphore(%dma_start3A_1052 : memref<!tpu.dma_semaphore, #tpu.memory_space<semaphore_mem>>)
        %dma_start3A_1057 = arith.constant 5 : i32
        %dma_start3A_1058 = arith.constant 5 : i32
        %dma_start3A_1059 = arith.constant 0 : i32
        %dma_start3A_1060 = tpu.memref_slice %arg8[%dma_start3A_1057, %dma_start3A_1059] : memref<8x80xi32, #tpu.memory_space<vmem>> -> memref<1x80xi32, #tpu.memory_space<vmem>>
        %dma_start3A_1061 = tpu.memref_squeeze %dma_start3A_1060 : memref<1x80xi32, #tpu.memory_space<vmem>> -> memref<80xi32, #tpu.memory_space<vmem>>
        %dma_start3A_1062 = tpu.memref_slice %arg4[%add3A_1044] : memref<320000xi32, #tpu.memory_space<hbm>> -> memref<80xi32, #tpu.memory_space<hbm>>
        %dma_start3A_1063 = tpu.memref_slice %arg12[%dma_start3A_1058] : memref<8x!tpu.dma_semaphore, #tpu.memory_space<semaphore_mem>> -> memref<1x!tpu.dma_semaphore, #tpu.memory_space<semaphore_mem>>
        %dma_start3A_1064 = tpu.memref_squeeze %dma_start3A_1063 : memref<1x!tpu.dma_semaphore, #tpu.memory_space<semaphore_mem>> -> memref<!tpu.dma_semaphore, #tpu.memory_space<semaphore_mem>>
        %dma_start3A_1065 = arith.constant 0 : i32
        %dma_start3A_1066 = tpu.memref_slice %arg8[%dma_start3A_1057, %dma_start3A_1065] : memref<8x80xi32, #tpu.memory_space<vmem>> -> memref<1x80xi32, #tpu.memory_space<vmem>>
        %dma_start3A_1067 = tpu.memref_squeeze %dma_start3A_1066 : memref<1x80xi32, #tpu.memory_space<vmem>> -> memref<80xi32, #tpu.memory_space<vmem>>
        %dma_start3A_1068 = tpu.memref_slice %arg4[%add3A_1044] : memref<320000xi32, #tpu.memory_space<hbm>> -> memref<80xi32, #tpu.memory_space<hbm>>
        tpu.enqueue_dma source(%dma_start3A_1068 : memref<80xi32, #tpu.memory_space<hbm>>) target(%dma_start3A_1067 : memref<80xi32, #tpu.memory_space<vmem>>) target_semaphore(%dma_start3A_1064 : memref<!tpu.dma_semaphore, #tpu.memory_space<semaphore_mem>>)
      } else {
      }
      %add3A_906 = arith.constant 6 : i32
      %add3A_907 = arith.addi %add3A_506, %add3A_906 : i32
      %add3A_908 = arith.constant 6 : i32
      %add3A_909 = arith.addi %add3A_506, %add3A_908 : i32
      %add3A_910 = arith.constant 8 : i32
      %add3A_911 = arith.addi %add3A_909, %add3A_910 : i32
      %lt3A_912 = arith.constant 125 : i32
      %lt3A_913 = arith.cmpi slt, %add3A_911, %lt3A_912 : i32
      %dma_wait3A_914 = arith.constant 6 : i32
      %dma_wait3A_915 = arith.constant 2 : i32
      %dma_wait3A_916 = arith.constant 2 : i32
      %dma_wait3A_917 = arith.constant 0 : i32
      %dma_wait3A_918 = arith.constant 0 : i32
      %dma_wait3A_919 = tpu.memref_slice %arg9[%dma_wait3A_915, %dma_wait3A_917, %dma_wait3A_918] : memref<4x80x128xf32, #tpu.memory_space<vmem>> -> memref<1x80x128xf32, #tpu.memory_space<vmem>>
      %dma_wait3A_920 = tpu.memref_squeeze %dma_wait3A_919 : memref<1x80x128xf32, #tpu.memory_space<vmem>> -> memref<80x128xf32, #tpu.memory_space<vmem>>
      %dma_wait3A_921 = arith.constant 0 : i32
      %dma_wait3A_922 = tpu.memref_slice %arg7[%dma_wait3A_914, %dma_wait3A_921] : memref<8x80xi32, #tpu.memory_space<vmem>> -> memref<1x80xi32, #tpu.memory_space<vmem>>
      %dma_wait3A_923 = tpu.memref_squeeze %dma_wait3A_922 : memref<1x80xi32, #tpu.memory_space<vmem>> -> memref<80xi32, #tpu.memory_space<vmem>>
      %dma_wait3A_924 = arith.constant 0 : i32
      %dma_wait3A_925 = arith.constant 0 : i32
      %dma_wait3A_926 = tpu.memref_slice %arg2[%dma_wait3A_924, %dma_wait3A_925] : memref<10240x128xf32, #tpu.memory_space<hbm>> -> memref<10240x128xf32, #tpu.memory_space<hbm>>
      %dma_wait3A_927 = tpu.memref_slice %arg13[%dma_wait3A_916] : memref<4x!tpu.dma_semaphore, #tpu.memory_space<semaphore_mem>> -> memref<1x!tpu.dma_semaphore, #tpu.memory_space<semaphore_mem>>
      %dma_wait3A_928 = tpu.memref_squeeze %dma_wait3A_927 : memref<1x!tpu.dma_semaphore, #tpu.memory_space<semaphore_mem>> -> memref<!tpu.dma_semaphore, #tpu.memory_space<semaphore_mem>>
      tpu.wait_indirect_dma semaphore(%dma_wait3A_928 : memref<!tpu.dma_semaphore, #tpu.memory_space<semaphore_mem>>) src(%dma_wait3A_926 : memref<10240x128xf32, #tpu.memory_space<hbm>>) dst(%dma_wait3A_920 : memref<80x128xf32, #tpu.memory_space<vmem>>)
      %dma_wait3A_929 = arith.constant 1 : i32
      %dma_wait3A_930 = arith.constant 1 : i32
      %dma_wait3A_931 = arith.constant 0 : i32
      %dma_wait3A_932 = tpu.memref_slice %arg7[%dma_wait3A_929, %dma_wait3A_931] : memref<8x80xi32, #tpu.memory_space<vmem>> -> memref<1x80xi32, #tpu.memory_space<vmem>>
      %dma_wait3A_933 = tpu.memref_squeeze %dma_wait3A_932 : memref<1x80xi32, #tpu.memory_space<vmem>> -> memref<80xi32, #tpu.memory_space<vmem>>
      %dma_wait3A_934 = tpu.memref_slice %arg3[%mul3A_2] : memref<320000xi32, #tpu.memory_space<hbm>> -> memref<80xi32, #tpu.memory_space<hbm>>
      %dma_wait3A_935 = tpu.memref_slice %arg11[%dma_wait3A_930] : memref<8x!tpu.dma_semaphore, #tpu.memory_space<semaphore_mem>> -> memref<1x!tpu.dma_semaphore, #tpu.memory_space<semaphore_mem>>
      %dma_wait3A_936 = tpu.memref_squeeze %dma_wait3A_935 : memref<1x!tpu.dma_semaphore, #tpu.memory_space<semaphore_mem>> -> memref<!tpu.dma_semaphore, #tpu.memory_space<semaphore_mem>>
      %dma_wait3A_937 = arith.constant 0 : i32
      %dma_wait3A_938 = tpu.memref_slice %arg7[%dma_wait3A_929, %dma_wait3A_937] : memref<8x80xi32, #tpu.memory_space<vmem>> -> memref<1x80xi32, #tpu.memory_space<vmem>>
      %dma_wait3A_939 = tpu.memref_squeeze %dma_wait3A_938 : memref<1x80xi32, #tpu.memory_space<vmem>> -> memref<80xi32, #tpu.memory_space<vmem>>
      %dma_wait3A_940 = tpu.memref_slice %arg3[%mul3A_2] : memref<320000xi32, #tpu.memory_space<hbm>> -> memref<80xi32, #tpu.memory_space<hbm>>
      tpu.wait_dma2 semaphore(%dma_wait3A_936 : memref<!tpu.dma_semaphore, #tpu.memory_space<semaphore_mem>>) src(%dma_wait3A_940 : memref<80xi32, #tpu.memory_space<hbm>>) dst(%dma_wait3A_939 : memref<80xi32, #tpu.memory_space<vmem>>)
      %dma_wait3A_941 = arith.constant 1 : i32
      %dma_wait3A_942 = arith.constant 1 : i32
      %dma_wait3A_943 = arith.constant 0 : i32
      %dma_wait3A_944 = tpu.memref_slice %arg8[%dma_wait3A_941, %dma_wait3A_943] : memref<8x80xi32, #tpu.memory_space<vmem>> -> memref<1x80xi32, #tpu.memory_space<vmem>>
      %dma_wait3A_945 = tpu.memref_squeeze %dma_wait3A_944 : memref<1x80xi32, #tpu.memory_space<vmem>> -> memref<80xi32, #tpu.memory_space<vmem>>
      %dma_wait3A_946 = tpu.memref_slice %arg4[%mul3A_2] : memref<320000xi32, #tpu.memory_space<hbm>> -> memref<80xi32, #tpu.memory_space<hbm>>
      %dma_wait3A_947 = tpu.memref_slice %arg12[%dma_wait3A_942] : memref<8x!tpu.dma_semaphore, #tpu.memory_space<semaphore_mem>> -> memref<1x!tpu.dma_semaphore, #tpu.memory_space<semaphore_mem>>
      %dma_wait3A_948 = tpu.memref_squeeze %dma_wait3A_947 : memref<1x!tpu.dma_semaphore, #tpu.memory_space<semaphore_mem>> -> memref<!tpu.dma_semaphore, #tpu.memory_space<semaphore_mem>>
      %dma_wait3A_949 = arith.constant 0 : i32
      %dma_wait3A_950 = tpu.memref_slice %arg8[%dma_wait3A_941, %dma_wait3A_949] : memref<8x80xi32, #tpu.memory_space<vmem>> -> memref<1x80xi32, #tpu.memory_space<vmem>>
      %dma_wait3A_951 = tpu.memref_squeeze %dma_wait3A_950 : memref<1x80xi32, #tpu.memory_space<vmem>> -> memref<80xi32, #tpu.memory_space<vmem>>
      %dma_wait3A_952 = tpu.memref_slice %arg4[%mul3A_2] : memref<320000xi32, #tpu.memory_space<hbm>> -> memref<80xi32, #tpu.memory_space<hbm>>
      tpu.wait_dma2 semaphore(%dma_wait3A_948 : memref<!tpu.dma_semaphore, #tpu.memory_space<semaphore_mem>>) src(%dma_wait3A_952 : memref<80xi32, #tpu.memory_space<hbm>>) dst(%dma_wait3A_951 : memref<80xi32, #tpu.memory_space<vmem>>)
      %dma_start3A_953 = arith.constant 1 : i32
      %dma_start3A_954 = arith.constant 1 : i32
      %dma_start3A_955 = arith.constant 1 : i32
      %dma_start3A_956 = arith.constant 0 : i32
      %dma_start3A_957 = arith.constant 0 : i32
      %dma_start3A_958 = tpu.memref_slice %arg9[%dma_start3A_954, %dma_start3A_956, %dma_start3A_957] : memref<4x80x128xf32, #tpu.memory_space<vmem>> -> memref<1x80x128xf32, #tpu.memory_space<vmem>>
      %dma_start3A_959 = tpu.memref_squeeze %dma_start3A_958 : memref<1x80x128xf32, #tpu.memory_space<vmem>> -> memref<80x128xf32, #tpu.memory_space<vmem>>
      %dma_start3A_960 = arith.constant 0 : i32
      %dma_start3A_961 = tpu.memref_slice %arg7[%dma_start3A_953, %dma_start3A_960] : memref<8x80xi32, #tpu.memory_space<vmem>> -> memref<1x80xi32, #tpu.memory_space<vmem>>
      %dma_start3A_962 = tpu.memref_squeeze %dma_start3A_961 : memref<1x80xi32, #tpu.memory_space<vmem>> -> memref<80xi32, #tpu.memory_space<vmem>>
      %dma_start3A_963 = arith.constant 0 : i32
      %dma_start3A_964 = arith.constant 0 : i32
      %dma_start3A_965 = tpu.memref_slice %arg2[%dma_start3A_963, %dma_start3A_964] : memref<10240x128xf32, #tpu.memory_space<hbm>> -> memref<10240x128xf32, #tpu.memory_space<hbm>>
      %dma_start3A_966 = tpu.memref_slice %arg13[%dma_start3A_955] : memref<4x!tpu.dma_semaphore, #tpu.memory_space<semaphore_mem>> -> memref<1x!tpu.dma_semaphore, #tpu.memory_space<semaphore_mem>>
      %dma_start3A_967 = tpu.memref_squeeze %dma_start3A_966 : memref<1x!tpu.dma_semaphore, #tpu.memory_space<semaphore_mem>> -> memref<!tpu.dma_semaphore, #tpu.memory_space<semaphore_mem>>
      tpu.enqueue_indirect_dma source(%dma_start3A_965 : memref<10240x128xf32, #tpu.memory_space<hbm>>) target(%dma_start3A_959 : memref<80x128xf32, #tpu.memory_space<vmem>>) offsets(%dma_start3A_962 : memref<80xi32, #tpu.memory_space<vmem>>) semaphore(%dma_start3A_967 : memref<!tpu.dma_semaphore, #tpu.memory_space<semaphore_mem>>)
      %run_scoped3A_968 = arith.constant 2 : i32
      %run_scoped3A_969 = arith.constant 6 : i32
      "tpu.region"() ({
        %run_scoped3A_1040 = tpu.sem_alloc : memref<!tpu.dma_semaphore, #tpu.memory_space<semaphore_mem>>
        %dma_start3A_1041 = arith.constant 0 : i32
        %dma_start3A_1042 = arith.constant 0 : i32
        %dma_start3A_1043 = tpu.memref_slice %arg9[%run_scoped3A_968, %dma_start3A_1041, %dma_start3A_1042] : memref<4x80x128xf32, #tpu.memory_space<vmem>> -> memref<1x80x128xf32, #tpu.memory_space<vmem>>
        %dma_start3A_1044 = tpu.memref_squeeze %dma_start3A_1043 : memref<1x80x128xf32, #tpu.memory_space<vmem>> -> memref<80x128xf32, #tpu.memory_space<vmem>>
        %dma_start3A_1045 = arith.constant 0 : i32
        %dma_start3A_1046 = tpu.memref_slice %arg8[%run_scoped3A_969, %dma_start3A_1045] : memref<8x80xi32, #tpu.memory_space<vmem>> -> memref<1x80xi32, #tpu.memory_space<vmem>>
        %dma_start3A_1047 = tpu.memref_squeeze %dma_start3A_1046 : memref<1x80xi32, #tpu.memory_space<vmem>> -> memref<80xi32, #tpu.memory_space<vmem>>
        %dma_start3A_1048 = arith.constant 0 : i32
        %dma_start3A_1049 = arith.constant 0 : i32
        %dma_start3A_1050 = tpu.memref_slice %arg10[%dma_start3A_1048, %dma_start3A_1049] : memref<10240x128xf32, #tpu.memory_space<vmem_shared>> -> memref<10240x128xf32, #tpu.memory_space<vmem_shared>>
        tpu.enqueue_indirect_dma source(%dma_start3A_1044 : memref<80x128xf32, #tpu.memory_space<vmem>>) target(%dma_start3A_1050 : memref<10240x128xf32, #tpu.memory_space<vmem_shared>>) offsets(%dma_start3A_1047 : memref<80xi32, #tpu.memory_space<vmem>>) semaphore(%run_scoped3A_1040 : memref<!tpu.dma_semaphore, #tpu.memory_space<semaphore_mem>>) {add = true}
        %dma_wait3A_1051 = arith.constant 0 : i32
        %dma_wait3A_1052 = arith.constant 0 : i32
        %dma_wait3A_1053 = tpu.memref_slice %arg9[%run_scoped3A_968, %dma_wait3A_1051, %dma_wait3A_1052] : memref<4x80x128xf32, #tpu.memory_space<vmem>> -> memref<1x80x128xf32, #tpu.memory_space<vmem>>
        %dma_wait3A_1054 = tpu.memref_squeeze %dma_wait3A_1053 : memref<1x80x128xf32, #tpu.memory_space<vmem>> -> memref<80x128xf32, #tpu.memory_space<vmem>>
        %dma_wait3A_1055 = arith.constant 0 : i32
        %dma_wait3A_1056 = tpu.memref_slice %arg8[%run_scoped3A_969, %dma_wait3A_1055] : memref<8x80xi32, #tpu.memory_space<vmem>> -> memref<1x80xi32, #tpu.memory_space<vmem>>
        %dma_wait3A_1057 = tpu.memref_squeeze %dma_wait3A_1056 : memref<1x80xi32, #tpu.memory_space<vmem>> -> memref<80xi32, #tpu.memory_space<vmem>>
        %dma_wait3A_1058 = arith.constant 0 : i32
        %dma_wait3A_1059 = arith.constant 0 : i32
        %dma_wait3A_1060 = tpu.memref_slice %arg10[%dma_wait3A_1058, %dma_wait3A_1059] : memref<10240x128xf32, #tpu.memory_space<vmem_shared>> -> memref<10240x128xf32, #tpu.memory_space<vmem_shared>>
        tpu.wait_indirect_dma semaphore(%run_scoped3A_1040 : memref<!tpu.dma_semaphore, #tpu.memory_space<semaphore_mem>>) src(%dma_wait3A_1054 : memref<80x128xf32, #tpu.memory_space<vmem>>) dst(%dma_wait3A_1060 : memref<10240x128xf32, #tpu.memory_space<vmem_shared>>)
        tpu.yield
      }) : () -> ()
      %convert_element_type3A_970 = arith.extui %lt3A_913 : i1 to i32
      %cond3A_971 = arith.constant 0 : i32
      %cond3A_972 = arith.cmpi ne, %convert_element_type3A_970, %cond3A_971 : i32
      scf.if %cond3A_972 {
        %add3A_1040 = arith.constant 8 : i32
        %add3A_1041 = arith.addi %add3A_907, %add3A_1040 : i32
        %mul3A_1042 = arith.constant 80 : i32
        %mul3A_1043 = arith.muli %add3A_1041, %mul3A_1042 : i32
        %add3A_1044 = arith.addi %mul3A_2, %mul3A_1043 : i32
        %dma_start3A_1045 = arith.constant 6 : i32
        %dma_start3A_1046 = arith.constant 6 : i32
        %dma_start3A_1047 = arith.constant 0 : i32
        %dma_start3A_1048 = tpu.memref_slice %arg7[%dma_start3A_1045, %dma_start3A_1047] : memref<8x80xi32, #tpu.memory_space<vmem>> -> memref<1x80xi32, #tpu.memory_space<vmem>>
        %dma_start3A_1049 = tpu.memref_squeeze %dma_start3A_1048 : memref<1x80xi32, #tpu.memory_space<vmem>> -> memref<80xi32, #tpu.memory_space<vmem>>
        %dma_start3A_1050 = tpu.memref_slice %arg3[%add3A_1044] : memref<320000xi32, #tpu.memory_space<hbm>> -> memref<80xi32, #tpu.memory_space<hbm>>
        %dma_start3A_1051 = tpu.memref_slice %arg11[%dma_start3A_1046] : memref<8x!tpu.dma_semaphore, #tpu.memory_space<semaphore_mem>> -> memref<1x!tpu.dma_semaphore, #tpu.memory_space<semaphore_mem>>
        %dma_start3A_1052 = tpu.memref_squeeze %dma_start3A_1051 : memref<1x!tpu.dma_semaphore, #tpu.memory_space<semaphore_mem>> -> memref<!tpu.dma_semaphore, #tpu.memory_space<semaphore_mem>>
        %dma_start3A_1053 = arith.constant 0 : i32
        %dma_start3A_1054 = tpu.memref_slice %arg7[%dma_start3A_1045, %dma_start3A_1053] : memref<8x80xi32, #tpu.memory_space<vmem>> -> memref<1x80xi32, #tpu.memory_space<vmem>>
        %dma_start3A_1055 = tpu.memref_squeeze %dma_start3A_1054 : memref<1x80xi32, #tpu.memory_space<vmem>> -> memref<80xi32, #tpu.memory_space<vmem>>
        %dma_start3A_1056 = tpu.memref_slice %arg3[%add3A_1044] : memref<320000xi32, #tpu.memory_space<hbm>> -> memref<80xi32, #tpu.memory_space<hbm>>
        tpu.enqueue_dma source(%dma_start3A_1056 : memref<80xi32, #tpu.memory_space<hbm>>) target(%dma_start3A_1055 : memref<80xi32, #tpu.memory_space<vmem>>) target_semaphore(%dma_start3A_1052 : memref<!tpu.dma_semaphore, #tpu.memory_space<semaphore_mem>>)
        %dma_start3A_1057 = arith.constant 6 : i32
        %dma_start3A_1058 = arith.constant 6 : i32
        %dma_start3A_1059 = arith.constant 0 : i32
        %dma_start3A_1060 = tpu.memref_slice %arg8[%dma_start3A_1057, %dma_start3A_1059] : memref<8x80xi32, #tpu.memory_space<vmem>> -> memref<1x80xi32, #tpu.memory_space<vmem>>
        %dma_start3A_1061 = tpu.memref_squeeze %dma_start3A_1060 : memref<1x80xi32, #tpu.memory_space<vmem>> -> memref<80xi32, #tpu.memory_space<vmem>>
        %dma_start3A_1062 = tpu.memref_slice %arg4[%add3A_1044] : memref<320000xi32, #tpu.memory_space<hbm>> -> memref<80xi32, #tpu.memory_space<hbm>>
        %dma_start3A_1063 = tpu.memref_slice %arg12[%dma_start3A_1058] : memref<8x!tpu.dma_semaphore, #tpu.memory_space<semaphore_mem>> -> memref<1x!tpu.dma_semaphore, #tpu.memory_space<semaphore_mem>>
        %dma_start3A_1064 = tpu.memref_squeeze %dma_start3A_1063 : memref<1x!tpu.dma_semaphore, #tpu.memory_space<semaphore_mem>> -> memref<!tpu.dma_semaphore, #tpu.memory_space<semaphore_mem>>
        %dma_start3A_1065 = arith.constant 0 : i32
        %dma_start3A_1066 = tpu.memref_slice %arg8[%dma_start3A_1057, %dma_start3A_1065] : memref<8x80xi32, #tpu.memory_space<vmem>> -> memref<1x80xi32, #tpu.memory_space<vmem>>
        %dma_start3A_1067 = tpu.memref_squeeze %dma_start3A_1066 : memref<1x80xi32, #tpu.memory_space<vmem>> -> memref<80xi32, #tpu.memory_space<vmem>>
        %dma_start3A_1068 = tpu.memref_slice %arg4[%add3A_1044] : memref<320000xi32, #tpu.memory_space<hbm>> -> memref<80xi32, #tpu.memory_space<hbm>>
        tpu.enqueue_dma source(%dma_start3A_1068 : memref<80xi32, #tpu.memory_space<hbm>>) target(%dma_start3A_1067 : memref<80xi32, #tpu.memory_space<vmem>>) target_semaphore(%dma_start3A_1064 : memref<!tpu.dma_semaphore, #tpu.memory_space<semaphore_mem>>)
      } else {
      }
      %add3A_973 = arith.constant 7 : i32
      %add3A_974 = arith.addi %add3A_506, %add3A_973 : i32
      %add3A_975 = arith.constant 7 : i32
      %add3A_976 = arith.addi %add3A_506, %add3A_975 : i32
      %add3A_977 = arith.constant 8 : i32
      %add3A_978 = arith.addi %add3A_976, %add3A_977 : i32
      %lt3A_979 = arith.constant 125 : i32
      %lt3A_980 = arith.cmpi slt, %add3A_978, %lt3A_979 : i32
      %dma_wait3A_981 = arith.constant 7 : i32
      %dma_wait3A_982 = arith.constant 3 : i32
      %dma_wait3A_983 = arith.constant 3 : i32
      %dma_wait3A_984 = arith.constant 0 : i32
      %dma_wait3A_985 = arith.constant 0 : i32
      %dma_wait3A_986 = tpu.memref_slice %arg9[%dma_wait3A_982, %dma_wait3A_984, %dma_wait3A_985] : memref<4x80x128xf32, #tpu.memory_space<vmem>> -> memref<1x80x128xf32, #tpu.memory_space<vmem>>
      %dma_wait3A_987 = tpu.memref_squeeze %dma_wait3A_986 : memref<1x80x128xf32, #tpu.memory_space<vmem>> -> memref<80x128xf32, #tpu.memory_space<vmem>>
      %dma_wait3A_988 = arith.constant 0 : i32
      %dma_wait3A_989 = tpu.memref_slice %arg7[%dma_wait3A_981, %dma_wait3A_988] : memref<8x80xi32, #tpu.memory_space<vmem>> -> memref<1x80xi32, #tpu.memory_space<vmem>>
      %dma_wait3A_990 = tpu.memref_squeeze %dma_wait3A_989 : memref<1x80xi32, #tpu.memory_space<vmem>> -> memref<80xi32, #tpu.memory_space<vmem>>
      %dma_wait3A_991 = arith.constant 0 : i32
      %dma_wait3A_992 = arith.constant 0 : i32
      %dma_wait3A_993 = tpu.memref_slice %arg2[%dma_wait3A_991, %dma_wait3A_992] : memref<10240x128xf32, #tpu.memory_space<hbm>> -> memref<10240x128xf32, #tpu.memory_space<hbm>>
      %dma_wait3A_994 = tpu.memref_slice %arg13[%dma_wait3A_983] : memref<4x!tpu.dma_semaphore, #tpu.memory_space<semaphore_mem>> -> memref<1x!tpu.dma_semaphore, #tpu.memory_space<semaphore_mem>>
      %dma_wait3A_995 = tpu.memref_squeeze %dma_wait3A_994 : memref<1x!tpu.dma_semaphore, #tpu.memory_space<semaphore_mem>> -> memref<!tpu.dma_semaphore, #tpu.memory_space<semaphore_mem>>
      tpu.wait_indirect_dma semaphore(%dma_wait3A_995 : memref<!tpu.dma_semaphore, #tpu.memory_space<semaphore_mem>>) src(%dma_wait3A_993 : memref<10240x128xf32, #tpu.memory_space<hbm>>) dst(%dma_wait3A_987 : memref<80x128xf32, #tpu.memory_space<vmem>>)
      %dma_wait3A_996 = arith.constant 2 : i32
      %dma_wait3A_997 = arith.constant 2 : i32
      %dma_wait3A_998 = arith.constant 0 : i32
      %dma_wait3A_999 = tpu.memref_slice %arg7[%dma_wait3A_996, %dma_wait3A_998] : memref<8x80xi32, #tpu.memory_space<vmem>> -> memref<1x80xi32, #tpu.memory_space<vmem>>
      %dma_wait3A_1000 = tpu.memref_squeeze %dma_wait3A_999 : memref<1x80xi32, #tpu.memory_space<vmem>> -> memref<80xi32, #tpu.memory_space<vmem>>
      %dma_wait3A_1001 = tpu.memref_slice %arg3[%mul3A_2] : memref<320000xi32, #tpu.memory_space<hbm>> -> memref<80xi32, #tpu.memory_space<hbm>>
      %dma_wait3A_1002 = tpu.memref_slice %arg11[%dma_wait3A_997] : memref<8x!tpu.dma_semaphore, #tpu.memory_space<semaphore_mem>> -> memref<1x!tpu.dma_semaphore, #tpu.memory_space<semaphore_mem>>
      %dma_wait3A_1003 = tpu.memref_squeeze %dma_wait3A_1002 : memref<1x!tpu.dma_semaphore, #tpu.memory_space<semaphore_mem>> -> memref<!tpu.dma_semaphore, #tpu.memory_space<semaphore_mem>>
      %dma_wait3A_1004 = arith.constant 0 : i32
      %dma_wait3A_1005 = tpu.memref_slice %arg7[%dma_wait3A_996, %dma_wait3A_1004] : memref<8x80xi32, #tpu.memory_space<vmem>> -> memref<1x80xi32, #tpu.memory_space<vmem>>
      %dma_wait3A_1006 = tpu.memref_squeeze %dma_wait3A_1005 : memref<1x80xi32, #tpu.memory_space<vmem>> -> memref<80xi32, #tpu.memory_space<vmem>>
      %dma_wait3A_1007 = tpu.memref_slice %arg3[%mul3A_2] : memref<320000xi32, #tpu.memory_space<hbm>> -> memref<80xi32, #tpu.memory_space<hbm>>
      tpu.wait_dma2 semaphore(%dma_wait3A_1003 : memref<!tpu.dma_semaphore, #tpu.memory_space<semaphore_mem>>) src(%dma_wait3A_1007 : memref<80xi32, #tpu.memory_space<hbm>>) dst(%dma_wait3A_1006 : memref<80xi32, #tpu.memory_space<vmem>>)
      %dma_wait3A_1008 = arith.constant 2 : i32
      %dma_wait3A_1009 = arith.constant 2 : i32
      %dma_wait3A_1010 = arith.constant 0 : i32
      %dma_wait3A_1011 = tpu.memref_slice %arg8[%dma_wait3A_1008, %dma_wait3A_1010] : memref<8x80xi32, #tpu.memory_space<vmem>> -> memref<1x80xi32, #tpu.memory_space<vmem>>
      %dma_wait3A_1012 = tpu.memref_squeeze %dma_wait3A_1011 : memref<1x80xi32, #tpu.memory_space<vmem>> -> memref<80xi32, #tpu.memory_space<vmem>>
      %dma_wait3A_1013 = tpu.memref_slice %arg4[%mul3A_2] : memref<320000xi32, #tpu.memory_space<hbm>> -> memref<80xi32, #tpu.memory_space<hbm>>
      %dma_wait3A_1014 = tpu.memref_slice %arg12[%dma_wait3A_1009] : memref<8x!tpu.dma_semaphore, #tpu.memory_space<semaphore_mem>> -> memref<1x!tpu.dma_semaphore, #tpu.memory_space<semaphore_mem>>
      %dma_wait3A_1015 = tpu.memref_squeeze %dma_wait3A_1014 : memref<1x!tpu.dma_semaphore, #tpu.memory_space<semaphore_mem>> -> memref<!tpu.dma_semaphore, #tpu.memory_space<semaphore_mem>>
      %dma_wait3A_1016 = arith.constant 0 : i32
      %dma_wait3A_1017 = tpu.memref_slice %arg8[%dma_wait3A_1008, %dma_wait3A_1016] : memref<8x80xi32, #tpu.memory_space<vmem>> -> memref<1x80xi32, #tpu.memory_space<vmem>>
      %dma_wait3A_1018 = tpu.memref_squeeze %dma_wait3A_1017 : memref<1x80xi32, #tpu.memory_space<vmem>> -> memref<80xi32, #tpu.memory_space<vmem>>
      %dma_wait3A_1019 = tpu.memref_slice %arg4[%mul3A_2] : memref<320000xi32, #tpu.memory_space<hbm>> -> memref<80xi32, #tpu.memory_space<hbm>>
      tpu.wait_dma2 semaphore(%dma_wait3A_1015 : memref<!tpu.dma_semaphore, #tpu.memory_space<semaphore_mem>>) src(%dma_wait3A_1019 : memref<80xi32, #tpu.memory_space<hbm>>) dst(%dma_wait3A_1018 : memref<80xi32, #tpu.memory_space<vmem>>)
      %dma_start3A_1020 = arith.constant 2 : i32
      %dma_start3A_1021 = arith.constant 2 : i32
      %dma_start3A_1022 = arith.constant 2 : i32
      %dma_start3A_1023 = arith.constant 0 : i32
      %dma_start3A_1024 = arith.constant 0 : i32
      %dma_start3A_1025 = tpu.memref_slice %arg9[%dma_start3A_1021, %dma_start3A_1023, %dma_start3A_1024] : memref<4x80x128xf32, #tpu.memory_space<vmem>> -> memref<1x80x128xf32, #tpu.memory_space<vmem>>
      %dma_start3A_1026 = tpu.memref_squeeze %dma_start3A_1025 : memref<1x80x128xf32, #tpu.memory_space<vmem>> -> memref<80x128xf32, #tpu.memory_space<vmem>>
      %dma_start3A_1027 = arith.constant 0 : i32
      %dma_start3A_1028 = tpu.memref_slice %arg7[%dma_start3A_1020, %dma_start3A_1027] : memref<8x80xi32, #tpu.memory_space<vmem>> -> memref<1x80xi32, #tpu.memory_space<vmem>>
      %dma_start3A_1029 = tpu.memref_squeeze %dma_start3A_1028 : memref<1x80xi32, #tpu.memory_space<vmem>> -> memref<80xi32, #tpu.memory_space<vmem>>
      %dma_start3A_1030 = arith.constant 0 : i32
      %dma_start3A_1031 = arith.constant 0 : i32
      %dma_start3A_1032 = tpu.memref_slice %arg2[%dma_start3A_1030, %dma_start3A_1031] : memref<10240x128xf32, #tpu.memory_space<hbm>> -> memref<10240x128xf32, #tpu.memory_space<hbm>>
      %dma_start3A_1033 = tpu.memref_slice %arg13[%dma_start3A_1022] : memref<4x!tpu.dma_semaphore, #tpu.memory_space<semaphore_mem>> -> memref<1x!tpu.dma_semaphore, #tpu.memory_space<semaphore_mem>>
      %dma_start3A_1034 = tpu.memref_squeeze %dma_start3A_1033 : memref<1x!tpu.dma_semaphore, #tpu.memory_space<semaphore_mem>> -> memref<!tpu.dma_semaphore, #tpu.memory_space<semaphore_mem>>
      tpu.enqueue_indirect_dma source(%dma_start3A_1032 : memref<10240x128xf32, #tpu.memory_space<hbm>>) target(%dma_start3A_1026 : memref<80x128xf32, #tpu.memory_space<vmem>>) offsets(%dma_start3A_1029 : memref<80xi32, #tpu.memory_space<vmem>>) semaphore(%dma_start3A_1034 : memref<!tpu.dma_semaphore, #tpu.memory_space<semaphore_mem>>)
      %run_scoped3A_1035 = arith.constant 3 : i32
      %run_scoped3A_1036 = arith.constant 7 : i32
      "tpu.region"() ({
        %run_scoped3A_1040 = tpu.sem_alloc : memref<!tpu.dma_semaphore, #tpu.memory_space<semaphore_mem>>
        %dma_start3A_1041 = arith.constant 0 : i32
        %dma_start3A_1042 = arith.constant 0 : i32
        %dma_start3A_1043 = tpu.memref_slice %arg9[%run_scoped3A_1035, %dma_start3A_1041, %dma_start3A_1042] : memref<4x80x128xf32, #tpu.memory_space<vmem>> -> memref<1x80x128xf32, #tpu.memory_space<vmem>>
        %dma_start3A_1044 = tpu.memref_squeeze %dma_start3A_1043 : memref<1x80x128xf32, #tpu.memory_space<vmem>> -> memref<80x128xf32, #tpu.memory_space<vmem>>
        %dma_start3A_1045 = arith.constant 0 : i32
        %dma_start3A_1046 = tpu.memref_slice %arg8[%run_scoped3A_1036, %dma_start3A_1045] : memref<8x80xi32, #tpu.memory_space<vmem>> -> memref<1x80xi32, #tpu.memory_space<vmem>>
        %dma_start3A_1047 = tpu.memref_squeeze %dma_start3A_1046 : memref<1x80xi32, #tpu.memory_space<vmem>> -> memref<80xi32, #tpu.memory_space<vmem>>
        %dma_start3A_1048 = arith.constant 0 : i32
        %dma_start3A_1049 = arith.constant 0 : i32
        %dma_start3A_1050 = tpu.memref_slice %arg10[%dma_start3A_1048, %dma_start3A_1049] : memref<10240x128xf32, #tpu.memory_space<vmem_shared>> -> memref<10240x128xf32, #tpu.memory_space<vmem_shared>>
        tpu.enqueue_indirect_dma source(%dma_start3A_1044 : memref<80x128xf32, #tpu.memory_space<vmem>>) target(%dma_start3A_1050 : memref<10240x128xf32, #tpu.memory_space<vmem_shared>>) offsets(%dma_start3A_1047 : memref<80xi32, #tpu.memory_space<vmem>>) semaphore(%run_scoped3A_1040 : memref<!tpu.dma_semaphore, #tpu.memory_space<semaphore_mem>>) {add = true}
        %dma_wait3A_1051 = arith.constant 0 : i32
        %dma_wait3A_1052 = arith.constant 0 : i32
        %dma_wait3A_1053 = tpu.memref_slice %arg9[%run_scoped3A_1035, %dma_wait3A_1051, %dma_wait3A_1052] : memref<4x80x128xf32, #tpu.memory_space<vmem>> -> memref<1x80x128xf32, #tpu.memory_space<vmem>>
        %dma_wait3A_1054 = tpu.memref_squeeze %dma_wait3A_1053 : memref<1x80x128xf32, #tpu.memory_space<vmem>> -> memref<80x128xf32, #tpu.memory_space<vmem>>
        %dma_wait3A_1055 = arith.constant 0 : i32
        %dma_wait3A_1056 = tpu.memref_slice %arg8[%run_scoped3A_1036, %dma_wait3A_1055] : memref<8x80xi32, #tpu.memory_space<vmem>> -> memref<1x80xi32, #tpu.memory_space<vmem>>
        %dma_wait3A_1057 = tpu.memref_squeeze %dma_wait3A_1056 : memref<1x80xi32, #tpu.memory_space<vmem>> -> memref<80xi32, #tpu.memory_space<vmem>>
        %dma_wait3A_1058 = arith.constant 0 : i32
        %dma_wait3A_1059 = arith.constant 0 : i32
        %dma_wait3A_1060 = tpu.memref_slice %arg10[%dma_wait3A_1058, %dma_wait3A_1059] : memref<10240x128xf32, #tpu.memory_space<vmem_shared>> -> memref<10240x128xf32, #tpu.memory_space<vmem_shared>>
        tpu.wait_indirect_dma semaphore(%run_scoped3A_1040 : memref<!tpu.dma_semaphore, #tpu.memory_space<semaphore_mem>>) src(%dma_wait3A_1054 : memref<80x128xf32, #tpu.memory_space<vmem>>) dst(%dma_wait3A_1060 : memref<10240x128xf32, #tpu.memory_space<vmem_shared>>)
        tpu.yield
      }) : () -> ()
      %convert_element_type3A_1037 = arith.extui %lt3A_980 : i1 to i32
      %cond3A_1038 = arith.constant 0 : i32
      %cond3A_1039 = arith.cmpi ne, %convert_element_type3A_1037, %cond3A_1038 : i32
      scf.if %cond3A_1039 {
        %add3A_1040 = arith.constant 8 : i32
        %add3A_1041 = arith.addi %add3A_974, %add3A_1040 : i32
        %mul3A_1042 = arith.constant 80 : i32
        %mul3A_1043 = arith.muli %add3A_1041, %mul3A_1042 : i32
        %add3A_1044 = arith.addi %mul3A_2, %mul3A_1043 : i32
        %dma_start3A_1045 = arith.constant 7 : i32
        %dma_start3A_1046 = arith.constant 7 : i32
        %dma_start3A_1047 = arith.constant 0 : i32
        %dma_start3A_1048 = tpu.memref_slice %arg7[%dma_start3A_1045, %dma_start3A_1047] : memref<8x80xi32, #tpu.memory_space<vmem>> -> memref<1x80xi32, #tpu.memory_space<vmem>>
        %dma_start3A_1049 = tpu.memref_squeeze %dma_start3A_1048 : memref<1x80xi32, #tpu.memory_space<vmem>> -> memref<80xi32, #tpu.memory_space<vmem>>
        %dma_start3A_1050 = tpu.memref_slice %arg3[%add3A_1044] : memref<320000xi32, #tpu.memory_space<hbm>> -> memref<80xi32, #tpu.memory_space<hbm>>
        %dma_start3A_1051 = tpu.memref_slice %arg11[%dma_start3A_1046] : memref<8x!tpu.dma_semaphore, #tpu.memory_space<semaphore_mem>> -> memref<1x!tpu.dma_semaphore, #tpu.memory_space<semaphore_mem>>
        %dma_start3A_1052 = tpu.memref_squeeze %dma_start3A_1051 : memref<1x!tpu.dma_semaphore, #tpu.memory_space<semaphore_mem>> -> memref<!tpu.dma_semaphore, #tpu.memory_space<semaphore_mem>>
        %dma_start3A_1053 = arith.constant 0 : i32
        %dma_start3A_1054 = tpu.memref_slice %arg7[%dma_start3A_1045, %dma_start3A_1053] : memref<8x80xi32, #tpu.memory_space<vmem>> -> memref<1x80xi32, #tpu.memory_space<vmem>>
        %dma_start3A_1055 = tpu.memref_squeeze %dma_start3A_1054 : memref<1x80xi32, #tpu.memory_space<vmem>> -> memref<80xi32, #tpu.memory_space<vmem>>
        %dma_start3A_1056 = tpu.memref_slice %arg3[%add3A_1044] : memref<320000xi32, #tpu.memory_space<hbm>> -> memref<80xi32, #tpu.memory_space<hbm>>
        tpu.enqueue_dma source(%dma_start3A_1056 : memref<80xi32, #tpu.memory_space<hbm>>) target(%dma_start3A_1055 : memref<80xi32, #tpu.memory_space<vmem>>) target_semaphore(%dma_start3A_1052 : memref<!tpu.dma_semaphore, #tpu.memory_space<semaphore_mem>>)
        %dma_start3A_1057 = arith.constant 7 : i32
        %dma_start3A_1058 = arith.constant 7 : i32
        %dma_start3A_1059 = arith.constant 0 : i32
        %dma_start3A_1060 = tpu.memref_slice %arg8[%dma_start3A_1057, %dma_start3A_1059] : memref<8x80xi32, #tpu.memory_space<vmem>> -> memref<1x80xi32, #tpu.memory_space<vmem>>
        %dma_start3A_1061 = tpu.memref_squeeze %dma_start3A_1060 : memref<1x80xi32, #tpu.memory_space<vmem>> -> memref<80xi32, #tpu.memory_space<vmem>>
        %dma_start3A_1062 = tpu.memref_slice %arg4[%add3A_1044] : memref<320000xi32, #tpu.memory_space<hbm>> -> memref<80xi32, #tpu.memory_space<hbm>>
        %dma_start3A_1063 = tpu.memref_slice %arg12[%dma_start3A_1058] : memref<8x!tpu.dma_semaphore, #tpu.memory_space<semaphore_mem>> -> memref<1x!tpu.dma_semaphore, #tpu.memory_space<semaphore_mem>>
        %dma_start3A_1064 = tpu.memref_squeeze %dma_start3A_1063 : memref<1x!tpu.dma_semaphore, #tpu.memory_space<semaphore_mem>> -> memref<!tpu.dma_semaphore, #tpu.memory_space<semaphore_mem>>
        %dma_start3A_1065 = arith.constant 0 : i32
        %dma_start3A_1066 = tpu.memref_slice %arg8[%dma_start3A_1057, %dma_start3A_1065] : memref<8x80xi32, #tpu.memory_space<vmem>> -> memref<1x80xi32, #tpu.memory_space<vmem>>
        %dma_start3A_1067 = tpu.memref_squeeze %dma_start3A_1066 : memref<1x80xi32, #tpu.memory_space<vmem>> -> memref<80xi32, #tpu.memory_space<vmem>>
        %dma_start3A_1068 = tpu.memref_slice %arg4[%add3A_1044] : memref<320000xi32, #tpu.memory_space<hbm>> -> memref<80xi32, #tpu.memory_space<hbm>>
        tpu.enqueue_dma source(%dma_start3A_1068 : memref<80xi32, #tpu.memory_space<hbm>>) target(%dma_start3A_1067 : memref<80xi32, #tpu.memory_space<vmem>>) target_semaphore(%dma_start3A_1064 : memref<!tpu.dma_semaphore, #tpu.memory_space<semaphore_mem>>)
      } else {
      }
    }
    %scan3A_334 = arith.constant 15 : i32
    %dma_wait3A_335 = arith.constant 0 : i32
    %dma_wait3A_336 = arith.constant 0 : i32
    %dma_wait3A_337 = arith.constant 0 : i32
    %dma_wait3A_338 = arith.constant 0 : i32
    %dma_wait3A_339 = arith.constant 0 : i32
    %dma_wait3A_340 = tpu.memref_slice %arg9[%dma_wait3A_336, %dma_wait3A_338, %dma_wait3A_339] : memref<4x80x128xf32, #tpu.memory_space<vmem>> -> memref<1x80x128xf32, #tpu.memory_space<vmem>>
    %dma_wait3A_341 = tpu.memref_squeeze %dma_wait3A_340 : memref<1x80x128xf32, #tpu.memory_space<vmem>> -> memref<80x128xf32, #tpu.memory_space<vmem>>
    %dma_wait3A_342 = arith.constant 0 : i32
    %dma_wait3A_343 = tpu.memref_slice %arg7[%dma_wait3A_335, %dma_wait3A_342] : memref<8x80xi32, #tpu.memory_space<vmem>> -> memref<1x80xi32, #tpu.memory_space<vmem>>
    %dma_wait3A_344 = tpu.memref_squeeze %dma_wait3A_343 : memref<1x80xi32, #tpu.memory_space<vmem>> -> memref<80xi32, #tpu.memory_space<vmem>>
    %dma_wait3A_345 = arith.constant 0 : i32
    %dma_wait3A_346 = arith.constant 0 : i32
    %dma_wait3A_347 = tpu.memref_slice %arg2[%dma_wait3A_345, %dma_wait3A_346] : memref<10240x128xf32, #tpu.memory_space<hbm>> -> memref<10240x128xf32, #tpu.memory_space<hbm>>
    %dma_wait3A_348 = tpu.memref_slice %arg13[%dma_wait3A_337] : memref<4x!tpu.dma_semaphore, #tpu.memory_space<semaphore_mem>> -> memref<1x!tpu.dma_semaphore, #tpu.memory_space<semaphore_mem>>
    %dma_wait3A_349 = tpu.memref_squeeze %dma_wait3A_348 : memref<1x!tpu.dma_semaphore, #tpu.memory_space<semaphore_mem>> -> memref<!tpu.dma_semaphore, #tpu.memory_space<semaphore_mem>>
    tpu.wait_indirect_dma semaphore(%dma_wait3A_349 : memref<!tpu.dma_semaphore, #tpu.memory_space<semaphore_mem>>) src(%dma_wait3A_347 : memref<10240x128xf32, #tpu.memory_space<hbm>>) dst(%dma_wait3A_341 : memref<80x128xf32, #tpu.memory_space<vmem>>)
    %dma_wait3A_350 = arith.constant 3 : i32
    %dma_wait3A_351 = arith.constant 3 : i32
    %dma_wait3A_352 = arith.constant 0 : i32
    %dma_wait3A_353 = tpu.memref_slice %arg7[%dma_wait3A_350, %dma_wait3A_352] : memref<8x80xi32, #tpu.memory_space<vmem>> -> memref<1x80xi32, #tpu.memory_space<vmem>>
    %dma_wait3A_354 = tpu.memref_squeeze %dma_wait3A_353 : memref<1x80xi32, #tpu.memory_space<vmem>> -> memref<80xi32, #tpu.memory_space<vmem>>
    %dma_wait3A_355 = tpu.memref_slice %arg3[%mul3A_2] : memref<320000xi32, #tpu.memory_space<hbm>> -> memref<80xi32, #tpu.memory_space<hbm>>
    %dma_wait3A_356 = tpu.memref_slice %arg11[%dma_wait3A_351] : memref<8x!tpu.dma_semaphore, #tpu.memory_space<semaphore_mem>> -> memref<1x!tpu.dma_semaphore, #tpu.memory_space<semaphore_mem>>
    %dma_wait3A_357 = tpu.memref_squeeze %dma_wait3A_356 : memref<1x!tpu.dma_semaphore, #tpu.memory_space<semaphore_mem>> -> memref<!tpu.dma_semaphore, #tpu.memory_space<semaphore_mem>>
    %dma_wait3A_358 = arith.constant 0 : i32
    %dma_wait3A_359 = tpu.memref_slice %arg7[%dma_wait3A_350, %dma_wait3A_358] : memref<8x80xi32, #tpu.memory_space<vmem>> -> memref<1x80xi32, #tpu.memory_space<vmem>>
    %dma_wait3A_360 = tpu.memref_squeeze %dma_wait3A_359 : memref<1x80xi32, #tpu.memory_space<vmem>> -> memref<80xi32, #tpu.memory_space<vmem>>
    %dma_wait3A_361 = tpu.memref_slice %arg3[%mul3A_2] : memref<320000xi32, #tpu.memory_space<hbm>> -> memref<80xi32, #tpu.memory_space<hbm>>
    tpu.wait_dma2 semaphore(%dma_wait3A_357 : memref<!tpu.dma_semaphore, #tpu.memory_space<semaphore_mem>>) src(%dma_wait3A_361 : memref<80xi32, #tpu.memory_space<hbm>>) dst(%dma_wait3A_360 : memref<80xi32, #tpu.memory_space<vmem>>)
    %dma_wait3A_362 = arith.constant 3 : i32
    %dma_wait3A_363 = arith.constant 3 : i32
    %dma_wait3A_364 = arith.constant 0 : i32
    %dma_wait3A_365 = tpu.memref_slice %arg8[%dma_wait3A_362, %dma_wait3A_364] : memref<8x80xi32, #tpu.memory_space<vmem>> -> memref<1x80xi32, #tpu.memory_space<vmem>>
    %dma_wait3A_366 = tpu.memref_squeeze %dma_wait3A_365 : memref<1x80xi32, #tpu.memory_space<vmem>> -> memref<80xi32, #tpu.memory_space<vmem>>
    %dma_wait3A_367 = tpu.memref_slice %arg4[%mul3A_2] : memref<320000xi32, #tpu.memory_space<hbm>> -> memref<80xi32, #tpu.memory_space<hbm>>
    %dma_wait3A_368 = tpu.memref_slice %arg12[%dma_wait3A_363] : memref<8x!tpu.dma_semaphore, #tpu.memory_space<semaphore_mem>> -> memref<1x!tpu.dma_semaphore, #tpu.memory_space<semaphore_mem>>
    %dma_wait3A_369 = tpu.memref_squeeze %dma_wait3A_368 : memref<1x!tpu.dma_semaphore, #tpu.memory_space<semaphore_mem>> -> memref<!tpu.dma_semaphore, #tpu.memory_space<semaphore_mem>>
    %dma_wait3A_370 = arith.constant 0 : i32
    %dma_wait3A_371 = tpu.memref_slice %arg8[%dma_wait3A_362, %dma_wait3A_370] : memref<8x80xi32, #tpu.memory_space<vmem>> -> memref<1x80xi32, #tpu.memory_space<vmem>>
    %dma_wait3A_372 = tpu.memref_squeeze %dma_wait3A_371 : memref<1x80xi32, #tpu.memory_space<vmem>> -> memref<80xi32, #tpu.memory_space<vmem>>
    %dma_wait3A_373 = tpu.memref_slice %arg4[%mul3A_2] : memref<320000xi32, #tpu.memory_space<hbm>> -> memref<80xi32, #tpu.memory_space<hbm>>
    tpu.wait_dma2 semaphore(%dma_wait3A_369 : memref<!tpu.dma_semaphore, #tpu.memory_space<semaphore_mem>>) src(%dma_wait3A_373 : memref<80xi32, #tpu.memory_space<hbm>>) dst(%dma_wait3A_372 : memref<80xi32, #tpu.memory_space<vmem>>)
    %dma_start3A_374 = arith.constant 3 : i32
    %dma_start3A_375 = arith.constant 3 : i32
    %dma_start3A_376 = arith.constant 3 : i32
    %dma_start3A_377 = arith.constant 0 : i32
    %dma_start3A_378 = arith.constant 0 : i32
    %dma_start3A_379 = tpu.memref_slice %arg9[%dma_start3A_375, %dma_start3A_377, %dma_start3A_378] : memref<4x80x128xf32, #tpu.memory_space<vmem>> -> memref<1x80x128xf32, #tpu.memory_space<vmem>>
    %dma_start3A_380 = tpu.memref_squeeze %dma_start3A_379 : memref<1x80x128xf32, #tpu.memory_space<vmem>> -> memref<80x128xf32, #tpu.memory_space<vmem>>
    %dma_start3A_381 = arith.constant 0 : i32
    %dma_start3A_382 = tpu.memref_slice %arg7[%dma_start3A_374, %dma_start3A_381] : memref<8x80xi32, #tpu.memory_space<vmem>> -> memref<1x80xi32, #tpu.memory_space<vmem>>
    %dma_start3A_383 = tpu.memref_squeeze %dma_start3A_382 : memref<1x80xi32, #tpu.memory_space<vmem>> -> memref<80xi32, #tpu.memory_space<vmem>>
    %dma_start3A_384 = arith.constant 0 : i32
    %dma_start3A_385 = arith.constant 0 : i32
    %dma_start3A_386 = tpu.memref_slice %arg2[%dma_start3A_384, %dma_start3A_385] : memref<10240x128xf32, #tpu.memory_space<hbm>> -> memref<10240x128xf32, #tpu.memory_space<hbm>>
    %dma_start3A_387 = tpu.memref_slice %arg13[%dma_start3A_376] : memref<4x!tpu.dma_semaphore, #tpu.memory_space<semaphore_mem>> -> memref<1x!tpu.dma_semaphore, #tpu.memory_space<semaphore_mem>>
    %dma_start3A_388 = tpu.memref_squeeze %dma_start3A_387 : memref<1x!tpu.dma_semaphore, #tpu.memory_space<semaphore_mem>> -> memref<!tpu.dma_semaphore, #tpu.memory_space<semaphore_mem>>
    tpu.enqueue_indirect_dma source(%dma_start3A_386 : memref<10240x128xf32, #tpu.memory_space<hbm>>) target(%dma_start3A_380 : memref<80x128xf32, #tpu.memory_space<vmem>>) offsets(%dma_start3A_383 : memref<80xi32, #tpu.memory_space<vmem>>) semaphore(%dma_start3A_388 : memref<!tpu.dma_semaphore, #tpu.memory_space<semaphore_mem>>)
    %run_scoped3A = arith.constant 0 : i32
    %run_scoped3A_389 = arith.constant 0 : i32
    "tpu.region"() ({
      %run_scoped3A_502 = tpu.sem_alloc : memref<!tpu.dma_semaphore, #tpu.memory_space<semaphore_mem>>
      %dma_start3A_503 = arith.constant 0 : i32
      %dma_start3A_504 = arith.constant 0 : i32
      %dma_start3A_505 = tpu.memref_slice %arg9[%run_scoped3A, %dma_start3A_503, %dma_start3A_504] : memref<4x80x128xf32, #tpu.memory_space<vmem>> -> memref<1x80x128xf32, #tpu.memory_space<vmem>>
      %dma_start3A_506 = tpu.memref_squeeze %dma_start3A_505 : memref<1x80x128xf32, #tpu.memory_space<vmem>> -> memref<80x128xf32, #tpu.memory_space<vmem>>
      %dma_start3A_507 = arith.constant 0 : i32
      %dma_start3A_508 = tpu.memref_slice %arg8[%run_scoped3A_389, %dma_start3A_507] : memref<8x80xi32, #tpu.memory_space<vmem>> -> memref<1x80xi32, #tpu.memory_space<vmem>>
      %dma_start3A_509 = tpu.memref_squeeze %dma_start3A_508 : memref<1x80xi32, #tpu.memory_space<vmem>> -> memref<80xi32, #tpu.memory_space<vmem>>
      %dma_start3A_510 = arith.constant 0 : i32
      %dma_start3A_511 = arith.constant 0 : i32
      %dma_start3A_512 = tpu.memref_slice %arg10[%dma_start3A_510, %dma_start3A_511] : memref<10240x128xf32, #tpu.memory_space<vmem_shared>> -> memref<10240x128xf32, #tpu.memory_space<vmem_shared>>
      tpu.enqueue_indirect_dma source(%dma_start3A_506 : memref<80x128xf32, #tpu.memory_space<vmem>>) target(%dma_start3A_512 : memref<10240x128xf32, #tpu.memory_space<vmem_shared>>) offsets(%dma_start3A_509 : memref<80xi32, #tpu.memory_space<vmem>>) semaphore(%run_scoped3A_502 : memref<!tpu.dma_semaphore, #tpu.memory_space<semaphore_mem>>) {add = true}
      %dma_wait3A_513 = arith.constant 0 : i32
      %dma_wait3A_514 = arith.constant 0 : i32
      %dma_wait3A_515 = tpu.memref_slice %arg9[%run_scoped3A, %dma_wait3A_513, %dma_wait3A_514] : memref<4x80x128xf32, #tpu.memory_space<vmem>> -> memref<1x80x128xf32, #tpu.memory_space<vmem>>
      %dma_wait3A_516 = tpu.memref_squeeze %dma_wait3A_515 : memref<1x80x128xf32, #tpu.memory_space<vmem>> -> memref<80x128xf32, #tpu.memory_space<vmem>>
      %dma_wait3A_517 = arith.constant 0 : i32
      %dma_wait3A_518 = tpu.memref_slice %arg8[%run_scoped3A_389, %dma_wait3A_517] : memref<8x80xi32, #tpu.memory_space<vmem>> -> memref<1x80xi32, #tpu.memory_space<vmem>>
      %dma_wait3A_519 = tpu.memref_squeeze %dma_wait3A_518 : memref<1x80xi32, #tpu.memory_space<vmem>> -> memref<80xi32, #tpu.memory_space<vmem>>
      %dma_wait3A_520 = arith.constant 0 : i32
      %dma_wait3A_521 = arith.constant 0 : i32
      %dma_wait3A_522 = tpu.memref_slice %arg10[%dma_wait3A_520, %dma_wait3A_521] : memref<10240x128xf32, #tpu.memory_space<vmem_shared>> -> memref<10240x128xf32, #tpu.memory_space<vmem_shared>>
      tpu.wait_indirect_dma semaphore(%run_scoped3A_502 : memref<!tpu.dma_semaphore, #tpu.memory_space<semaphore_mem>>) src(%dma_wait3A_516 : memref<80x128xf32, #tpu.memory_space<vmem>>) dst(%dma_wait3A_522 : memref<10240x128xf32, #tpu.memory_space<vmem_shared>>)
      tpu.yield
    }) : () -> ()
    %dma_wait3A_390 = arith.constant 1 : i32
    %dma_wait3A_391 = arith.constant 1 : i32
    %dma_wait3A_392 = arith.constant 1 : i32
    %dma_wait3A_393 = arith.constant 0 : i32
    %dma_wait3A_394 = arith.constant 0 : i32
    %dma_wait3A_395 = tpu.memref_slice %arg9[%dma_wait3A_391, %dma_wait3A_393, %dma_wait3A_394] : memref<4x80x128xf32, #tpu.memory_space<vmem>> -> memref<1x80x128xf32, #tpu.memory_space<vmem>>
    %dma_wait3A_396 = tpu.memref_squeeze %dma_wait3A_395 : memref<1x80x128xf32, #tpu.memory_space<vmem>> -> memref<80x128xf32, #tpu.memory_space<vmem>>
    %dma_wait3A_397 = arith.constant 0 : i32
    %dma_wait3A_398 = tpu.memref_slice %arg7[%dma_wait3A_390, %dma_wait3A_397] : memref<8x80xi32, #tpu.memory_space<vmem>> -> memref<1x80xi32, #tpu.memory_space<vmem>>
    %dma_wait3A_399 = tpu.memref_squeeze %dma_wait3A_398 : memref<1x80xi32, #tpu.memory_space<vmem>> -> memref<80xi32, #tpu.memory_space<vmem>>
    %dma_wait3A_400 = arith.constant 0 : i32
    %dma_wait3A_401 = arith.constant 0 : i32
    %dma_wait3A_402 = tpu.memref_slice %arg2[%dma_wait3A_400, %dma_wait3A_401] : memref<10240x128xf32, #tpu.memory_space<hbm>> -> memref<10240x128xf32, #tpu.memory_space<hbm>>
    %dma_wait3A_403 = tpu.memref_slice %arg13[%dma_wait3A_392] : memref<4x!tpu.dma_semaphore, #tpu.memory_space<semaphore_mem>> -> memref<1x!tpu.dma_semaphore, #tpu.memory_space<semaphore_mem>>
    %dma_wait3A_404 = tpu.memref_squeeze %dma_wait3A_403 : memref<1x!tpu.dma_semaphore, #tpu.memory_space<semaphore_mem>> -> memref<!tpu.dma_semaphore, #tpu.memory_space<semaphore_mem>>
    tpu.wait_indirect_dma semaphore(%dma_wait3A_404 : memref<!tpu.dma_semaphore, #tpu.memory_space<semaphore_mem>>) src(%dma_wait3A_402 : memref<10240x128xf32, #tpu.memory_space<hbm>>) dst(%dma_wait3A_396 : memref<80x128xf32, #tpu.memory_space<vmem>>)
    %dma_wait3A_405 = arith.constant 4 : i32
    %dma_wait3A_406 = arith.constant 4 : i32
    %dma_wait3A_407 = arith.constant 0 : i32
    %dma_wait3A_408 = tpu.memref_slice %arg7[%dma_wait3A_405, %dma_wait3A_407] : memref<8x80xi32, #tpu.memory_space<vmem>> -> memref<1x80xi32, #tpu.memory_space<vmem>>
    %dma_wait3A_409 = tpu.memref_squeeze %dma_wait3A_408 : memref<1x80xi32, #tpu.memory_space<vmem>> -> memref<80xi32, #tpu.memory_space<vmem>>
    %dma_wait3A_410 = tpu.memref_slice %arg3[%mul3A_2] : memref<320000xi32, #tpu.memory_space<hbm>> -> memref<80xi32, #tpu.memory_space<hbm>>
    %dma_wait3A_411 = tpu.memref_slice %arg11[%dma_wait3A_406] : memref<8x!tpu.dma_semaphore, #tpu.memory_space<semaphore_mem>> -> memref<1x!tpu.dma_semaphore, #tpu.memory_space<semaphore_mem>>
    %dma_wait3A_412 = tpu.memref_squeeze %dma_wait3A_411 : memref<1x!tpu.dma_semaphore, #tpu.memory_space<semaphore_mem>> -> memref<!tpu.dma_semaphore, #tpu.memory_space<semaphore_mem>>
    %dma_wait3A_413 = arith.constant 0 : i32
    %dma_wait3A_414 = tpu.memref_slice %arg7[%dma_wait3A_405, %dma_wait3A_413] : memref<8x80xi32, #tpu.memory_space<vmem>> -> memref<1x80xi32, #tpu.memory_space<vmem>>
    %dma_wait3A_415 = tpu.memref_squeeze %dma_wait3A_414 : memref<1x80xi32, #tpu.memory_space<vmem>> -> memref<80xi32, #tpu.memory_space<vmem>>
    %dma_wait3A_416 = tpu.memref_slice %arg3[%mul3A_2] : memref<320000xi32, #tpu.memory_space<hbm>> -> memref<80xi32, #tpu.memory_space<hbm>>
    tpu.wait_dma2 semaphore(%dma_wait3A_412 : memref<!tpu.dma_semaphore, #tpu.memory_space<semaphore_mem>>) src(%dma_wait3A_416 : memref<80xi32, #tpu.memory_space<hbm>>) dst(%dma_wait3A_415 : memref<80xi32, #tpu.memory_space<vmem>>)
    %dma_wait3A_417 = arith.constant 4 : i32
    %dma_wait3A_418 = arith.constant 4 : i32
    %dma_wait3A_419 = arith.constant 0 : i32
    %dma_wait3A_420 = tpu.memref_slice %arg8[%dma_wait3A_417, %dma_wait3A_419] : memref<8x80xi32, #tpu.memory_space<vmem>> -> memref<1x80xi32, #tpu.memory_space<vmem>>
    %dma_wait3A_421 = tpu.memref_squeeze %dma_wait3A_420 : memref<1x80xi32, #tpu.memory_space<vmem>> -> memref<80xi32, #tpu.memory_space<vmem>>
    %dma_wait3A_422 = tpu.memref_slice %arg4[%mul3A_2] : memref<320000xi32, #tpu.memory_space<hbm>> -> memref<80xi32, #tpu.memory_space<hbm>>
    %dma_wait3A_423 = tpu.memref_slice %arg12[%dma_wait3A_418] : memref<8x!tpu.dma_semaphore, #tpu.memory_space<semaphore_mem>> -> memref<1x!tpu.dma_semaphore, #tpu.memory_space<semaphore_mem>>
    %dma_wait3A_424 = tpu.memref_squeeze %dma_wait3A_423 : memref<1x!tpu.dma_semaphore, #tpu.memory_space<semaphore_mem>> -> memref<!tpu.dma_semaphore, #tpu.memory_space<semaphore_mem>>
    %dma_wait3A_425 = arith.constant 0 : i32
    %dma_wait3A_426 = tpu.memref_slice %arg8[%dma_wait3A_417, %dma_wait3A_425] : memref<8x80xi32, #tpu.memory_space<vmem>> -> memref<1x80xi32, #tpu.memory_space<vmem>>
    %dma_wait3A_427 = tpu.memref_squeeze %dma_wait3A_426 : memref<1x80xi32, #tpu.memory_space<vmem>> -> memref<80xi32, #tpu.memory_space<vmem>>
    %dma_wait3A_428 = tpu.memref_slice %arg4[%mul3A_2] : memref<320000xi32, #tpu.memory_space<hbm>> -> memref<80xi32, #tpu.memory_space<hbm>>
    tpu.wait_dma2 semaphore(%dma_wait3A_424 : memref<!tpu.dma_semaphore, #tpu.memory_space<semaphore_mem>>) src(%dma_wait3A_428 : memref<80xi32, #tpu.memory_space<hbm>>) dst(%dma_wait3A_427 : memref<80xi32, #tpu.memory_space<vmem>>)
    %dma_start3A_429 = arith.constant 4 : i32
    %dma_start3A_430 = arith.constant 0 : i32
    %dma_start3A_431 = arith.constant 0 : i32
    %dma_start3A_432 = arith.constant 0 : i32
    %dma_start3A_433 = arith.constant 0 : i32
    %dma_start3A_434 = tpu.memref_slice %arg9[%dma_start3A_430, %dma_start3A_432, %dma_start3A_433] : memref<4x80x128xf32, #tpu.memory_space<vmem>> -> memref<1x80x128xf32, #tpu.memory_space<vmem>>
    %dma_start3A_435 = tpu.memref_squeeze %dma_start3A_434 : memref<1x80x128xf32, #tpu.memory_space<vmem>> -> memref<80x128xf32, #tpu.memory_space<vmem>>
    %dma_start3A_436 = arith.constant 0 : i32
    %dma_start3A_437 = tpu.memref_slice %arg7[%dma_start3A_429, %dma_start3A_436] : memref<8x80xi32, #tpu.memory_space<vmem>> -> memref<1x80xi32, #tpu.memory_space<vmem>>
    %dma_start3A_438 = tpu.memref_squeeze %dma_start3A_437 : memref<1x80xi32, #tpu.memory_space<vmem>> -> memref<80xi32, #tpu.memory_space<vmem>>
    %dma_start3A_439 = arith.constant 0 : i32
    %dma_start3A_440 = arith.constant 0 : i32
    %dma_start3A_441 = tpu.memref_slice %arg2[%dma_start3A_439, %dma_start3A_440] : memref<10240x128xf32, #tpu.memory_space<hbm>> -> memref<10240x128xf32, #tpu.memory_space<hbm>>
    %dma_start3A_442 = tpu.memref_slice %arg13[%dma_start3A_431] : memref<4x!tpu.dma_semaphore, #tpu.memory_space<semaphore_mem>> -> memref<1x!tpu.dma_semaphore, #tpu.memory_space<semaphore_mem>>
    %dma_start3A_443 = tpu.memref_squeeze %dma_start3A_442 : memref<1x!tpu.dma_semaphore, #tpu.memory_space<semaphore_mem>> -> memref<!tpu.dma_semaphore, #tpu.memory_space<semaphore_mem>>
    tpu.enqueue_indirect_dma source(%dma_start3A_441 : memref<10240x128xf32, #tpu.memory_space<hbm>>) target(%dma_start3A_435 : memref<80x128xf32, #tpu.memory_space<vmem>>) offsets(%dma_start3A_438 : memref<80xi32, #tpu.memory_space<vmem>>) semaphore(%dma_start3A_443 : memref<!tpu.dma_semaphore, #tpu.memory_space<semaphore_mem>>)
    %run_scoped3A_444 = arith.constant 1 : i32
    %run_scoped3A_445 = arith.constant 1 : i32
    "tpu.region"() ({
      %run_scoped3A_502 = tpu.sem_alloc : memref<!tpu.dma_semaphore, #tpu.memory_space<semaphore_mem>>
      %dma_start3A_503 = arith.constant 0 : i32
      %dma_start3A_504 = arith.constant 0 : i32
      %dma_start3A_505 = tpu.memref_slice %arg9[%run_scoped3A_444, %dma_start3A_503, %dma_start3A_504] : memref<4x80x128xf32, #tpu.memory_space<vmem>> -> memref<1x80x128xf32, #tpu.memory_space<vmem>>
      %dma_start3A_506 = tpu.memref_squeeze %dma_start3A_505 : memref<1x80x128xf32, #tpu.memory_space<vmem>> -> memref<80x128xf32, #tpu.memory_space<vmem>>
      %dma_start3A_507 = arith.constant 0 : i32
      %dma_start3A_508 = tpu.memref_slice %arg8[%run_scoped3A_445, %dma_start3A_507] : memref<8x80xi32, #tpu.memory_space<vmem>> -> memref<1x80xi32, #tpu.memory_space<vmem>>
      %dma_start3A_509 = tpu.memref_squeeze %dma_start3A_508 : memref<1x80xi32, #tpu.memory_space<vmem>> -> memref<80xi32, #tpu.memory_space<vmem>>
      %dma_start3A_510 = arith.constant 0 : i32
      %dma_start3A_511 = arith.constant 0 : i32
      %dma_start3A_512 = tpu.memref_slice %arg10[%dma_start3A_510, %dma_start3A_511] : memref<10240x128xf32, #tpu.memory_space<vmem_shared>> -> memref<10240x128xf32, #tpu.memory_space<vmem_shared>>
      tpu.enqueue_indirect_dma source(%dma_start3A_506 : memref<80x128xf32, #tpu.memory_space<vmem>>) target(%dma_start3A_512 : memref<10240x128xf32, #tpu.memory_space<vmem_shared>>) offsets(%dma_start3A_509 : memref<80xi32, #tpu.memory_space<vmem>>) semaphore(%run_scoped3A_502 : memref<!tpu.dma_semaphore, #tpu.memory_space<semaphore_mem>>) {add = true}
      %dma_wait3A_513 = arith.constant 0 : i32
      %dma_wait3A_514 = arith.constant 0 : i32
      %dma_wait3A_515 = tpu.memref_slice %arg9[%run_scoped3A_444, %dma_wait3A_513, %dma_wait3A_514] : memref<4x80x128xf32, #tpu.memory_space<vmem>> -> memref<1x80x128xf32, #tpu.memory_space<vmem>>
      %dma_wait3A_516 = tpu.memref_squeeze %dma_wait3A_515 : memref<1x80x128xf32, #tpu.memory_space<vmem>> -> memref<80x128xf32, #tpu.memory_space<vmem>>
      %dma_wait3A_517 = arith.constant 0 : i32
      %dma_wait3A_518 = tpu.memref_slice %arg8[%run_scoped3A_445, %dma_wait3A_517] : memref<8x80xi32, #tpu.memory_space<vmem>> -> memref<1x80xi32, #tpu.memory_space<vmem>>
      %dma_wait3A_519 = tpu.memref_squeeze %dma_wait3A_518 : memref<1x80xi32, #tpu.memory_space<vmem>> -> memref<80xi32, #tpu.memory_space<vmem>>
      %dma_wait3A_520 = arith.constant 0 : i32
      %dma_wait3A_521 = arith.constant 0 : i32
      %dma_wait3A_522 = tpu.memref_slice %arg10[%dma_wait3A_520, %dma_wait3A_521] : memref<10240x128xf32, #tpu.memory_space<vmem_shared>> -> memref<10240x128xf32, #tpu.memory_space<vmem_shared>>
      tpu.wait_indirect_dma semaphore(%run_scoped3A_502 : memref<!tpu.dma_semaphore, #tpu.memory_space<semaphore_mem>>) src(%dma_wait3A_516 : memref<80x128xf32, #tpu.memory_space<vmem>>) dst(%dma_wait3A_522 : memref<10240x128xf32, #tpu.memory_space<vmem_shared>>)
      tpu.yield
    }) : () -> ()
    %dma_wait3A_446 = arith.constant 2 : i32
    %dma_wait3A_447 = arith.constant 2 : i32
    %dma_wait3A_448 = arith.constant 2 : i32
    %dma_wait3A_449 = arith.constant 0 : i32
    %dma_wait3A_450 = arith.constant 0 : i32
    %dma_wait3A_451 = tpu.memref_slice %arg9[%dma_wait3A_447, %dma_wait3A_449, %dma_wait3A_450] : memref<4x80x128xf32, #tpu.memory_space<vmem>> -> memref<1x80x128xf32, #tpu.memory_space<vmem>>
    %dma_wait3A_452 = tpu.memref_squeeze %dma_wait3A_451 : memref<1x80x128xf32, #tpu.memory_space<vmem>> -> memref<80x128xf32, #tpu.memory_space<vmem>>
    %dma_wait3A_453 = arith.constant 0 : i32
    %dma_wait3A_454 = tpu.memref_slice %arg7[%dma_wait3A_446, %dma_wait3A_453] : memref<8x80xi32, #tpu.memory_space<vmem>> -> memref<1x80xi32, #tpu.memory_space<vmem>>
    %dma_wait3A_455 = tpu.memref_squeeze %dma_wait3A_454 : memref<1x80xi32, #tpu.memory_space<vmem>> -> memref<80xi32, #tpu.memory_space<vmem>>
    %dma_wait3A_456 = arith.constant 0 : i32
    %dma_wait3A_457 = arith.constant 0 : i32
    %dma_wait3A_458 = tpu.memref_slice %arg2[%dma_wait3A_456, %dma_wait3A_457] : memref<10240x128xf32, #tpu.memory_space<hbm>> -> memref<10240x128xf32, #tpu.memory_space<hbm>>
    %dma_wait3A_459 = tpu.memref_slice %arg13[%dma_wait3A_448] : memref<4x!tpu.dma_semaphore, #tpu.memory_space<semaphore_mem>> -> memref<1x!tpu.dma_semaphore, #tpu.memory_space<semaphore_mem>>
    %dma_wait3A_460 = tpu.memref_squeeze %dma_wait3A_459 : memref<1x!tpu.dma_semaphore, #tpu.memory_space<semaphore_mem>> -> memref<!tpu.dma_semaphore, #tpu.memory_space<semaphore_mem>>
    tpu.wait_indirect_dma semaphore(%dma_wait3A_460 : memref<!tpu.dma_semaphore, #tpu.memory_space<semaphore_mem>>) src(%dma_wait3A_458 : memref<10240x128xf32, #tpu.memory_space<hbm>>) dst(%dma_wait3A_452 : memref<80x128xf32, #tpu.memory_space<vmem>>)
    %run_scoped3A_461 = arith.constant 2 : i32
    %run_scoped3A_462 = arith.constant 2 : i32
    "tpu.region"() ({
      %run_scoped3A_502 = tpu.sem_alloc : memref<!tpu.dma_semaphore, #tpu.memory_space<semaphore_mem>>
      %dma_start3A_503 = arith.constant 0 : i32
      %dma_start3A_504 = arith.constant 0 : i32
      %dma_start3A_505 = tpu.memref_slice %arg9[%run_scoped3A_461, %dma_start3A_503, %dma_start3A_504] : memref<4x80x128xf32, #tpu.memory_space<vmem>> -> memref<1x80x128xf32, #tpu.memory_space<vmem>>
      %dma_start3A_506 = tpu.memref_squeeze %dma_start3A_505 : memref<1x80x128xf32, #tpu.memory_space<vmem>> -> memref<80x128xf32, #tpu.memory_space<vmem>>
      %dma_start3A_507 = arith.constant 0 : i32
      %dma_start3A_508 = tpu.memref_slice %arg8[%run_scoped3A_462, %dma_start3A_507] : memref<8x80xi32, #tpu.memory_space<vmem>> -> memref<1x80xi32, #tpu.memory_space<vmem>>
      %dma_start3A_509 = tpu.memref_squeeze %dma_start3A_508 : memref<1x80xi32, #tpu.memory_space<vmem>> -> memref<80xi32, #tpu.memory_space<vmem>>
      %dma_start3A_510 = arith.constant 0 : i32
      %dma_start3A_511 = arith.constant 0 : i32
      %dma_start3A_512 = tpu.memref_slice %arg10[%dma_start3A_510, %dma_start3A_511] : memref<10240x128xf32, #tpu.memory_space<vmem_shared>> -> memref<10240x128xf32, #tpu.memory_space<vmem_shared>>
      tpu.enqueue_indirect_dma source(%dma_start3A_506 : memref<80x128xf32, #tpu.memory_space<vmem>>) target(%dma_start3A_512 : memref<10240x128xf32, #tpu.memory_space<vmem_shared>>) offsets(%dma_start3A_509 : memref<80xi32, #tpu.memory_space<vmem>>) semaphore(%run_scoped3A_502 : memref<!tpu.dma_semaphore, #tpu.memory_space<semaphore_mem>>) {add = true}
      %dma_wait3A_513 = arith.constant 0 : i32
      %dma_wait3A_514 = arith.constant 0 : i32
      %dma_wait3A_515 = tpu.memref_slice %arg9[%run_scoped3A_461, %dma_wait3A_513, %dma_wait3A_514] : memref<4x80x128xf32, #tpu.memory_space<vmem>> -> memref<1x80x128xf32, #tpu.memory_space<vmem>>
      %dma_wait3A_516 = tpu.memref_squeeze %dma_wait3A_515 : memref<1x80x128xf32, #tpu.memory_space<vmem>> -> memref<80x128xf32, #tpu.memory_space<vmem>>
      %dma_wait3A_517 = arith.constant 0 : i32
      %dma_wait3A_518 = tpu.memref_slice %arg8[%run_scoped3A_462, %dma_wait3A_517] : memref<8x80xi32, #tpu.memory_space<vmem>> -> memref<1x80xi32, #tpu.memory_space<vmem>>
      %dma_wait3A_519 = tpu.memref_squeeze %dma_wait3A_518 : memref<1x80xi32, #tpu.memory_space<vmem>> -> memref<80xi32, #tpu.memory_space<vmem>>
      %dma_wait3A_520 = arith.constant 0 : i32
      %dma_wait3A_521 = arith.constant 0 : i32
      %dma_wait3A_522 = tpu.memref_slice %arg10[%dma_wait3A_520, %dma_wait3A_521] : memref<10240x128xf32, #tpu.memory_space<vmem_shared>> -> memref<10240x128xf32, #tpu.memory_space<vmem_shared>>
      tpu.wait_indirect_dma semaphore(%run_scoped3A_502 : memref<!tpu.dma_semaphore, #tpu.memory_space<semaphore_mem>>) src(%dma_wait3A_516 : memref<80x128xf32, #tpu.memory_space<vmem>>) dst(%dma_wait3A_522 : memref<10240x128xf32, #tpu.memory_space<vmem_shared>>)
      tpu.yield
    }) : () -> ()
    %dma_wait3A_463 = arith.constant 3 : i32
    %dma_wait3A_464 = arith.constant 3 : i32
    %dma_wait3A_465 = arith.constant 3 : i32
    %dma_wait3A_466 = arith.constant 0 : i32
    %dma_wait3A_467 = arith.constant 0 : i32
    %dma_wait3A_468 = tpu.memref_slice %arg9[%dma_wait3A_464, %dma_wait3A_466, %dma_wait3A_467] : memref<4x80x128xf32, #tpu.memory_space<vmem>> -> memref<1x80x128xf32, #tpu.memory_space<vmem>>
    %dma_wait3A_469 = tpu.memref_squeeze %dma_wait3A_468 : memref<1x80x128xf32, #tpu.memory_space<vmem>> -> memref<80x128xf32, #tpu.memory_space<vmem>>
    %dma_wait3A_470 = arith.constant 0 : i32
    %dma_wait3A_471 = tpu.memref_slice %arg7[%dma_wait3A_463, %dma_wait3A_470] : memref<8x80xi32, #tpu.memory_space<vmem>> -> memref<1x80xi32, #tpu.memory_space<vmem>>
    %dma_wait3A_472 = tpu.memref_squeeze %dma_wait3A_471 : memref<1x80xi32, #tpu.memory_space<vmem>> -> memref<80xi32, #tpu.memory_space<vmem>>
    %dma_wait3A_473 = arith.constant 0 : i32
    %dma_wait3A_474 = arith.constant 0 : i32
    %dma_wait3A_475 = tpu.memref_slice %arg2[%dma_wait3A_473, %dma_wait3A_474] : memref<10240x128xf32, #tpu.memory_space<hbm>> -> memref<10240x128xf32, #tpu.memory_space<hbm>>
    %dma_wait3A_476 = tpu.memref_slice %arg13[%dma_wait3A_465] : memref<4x!tpu.dma_semaphore, #tpu.memory_space<semaphore_mem>> -> memref<1x!tpu.dma_semaphore, #tpu.memory_space<semaphore_mem>>
    %dma_wait3A_477 = tpu.memref_squeeze %dma_wait3A_476 : memref<1x!tpu.dma_semaphore, #tpu.memory_space<semaphore_mem>> -> memref<!tpu.dma_semaphore, #tpu.memory_space<semaphore_mem>>
    tpu.wait_indirect_dma semaphore(%dma_wait3A_477 : memref<!tpu.dma_semaphore, #tpu.memory_space<semaphore_mem>>) src(%dma_wait3A_475 : memref<10240x128xf32, #tpu.memory_space<hbm>>) dst(%dma_wait3A_469 : memref<80x128xf32, #tpu.memory_space<vmem>>)
    %run_scoped3A_478 = arith.constant 3 : i32
    %run_scoped3A_479 = arith.constant 3 : i32
    "tpu.region"() ({
      %run_scoped3A_502 = tpu.sem_alloc : memref<!tpu.dma_semaphore, #tpu.memory_space<semaphore_mem>>
      %dma_start3A_503 = arith.constant 0 : i32
      %dma_start3A_504 = arith.constant 0 : i32
      %dma_start3A_505 = tpu.memref_slice %arg9[%run_scoped3A_478, %dma_start3A_503, %dma_start3A_504] : memref<4x80x128xf32, #tpu.memory_space<vmem>> -> memref<1x80x128xf32, #tpu.memory_space<vmem>>
      %dma_start3A_506 = tpu.memref_squeeze %dma_start3A_505 : memref<1x80x128xf32, #tpu.memory_space<vmem>> -> memref<80x128xf32, #tpu.memory_space<vmem>>
      %dma_start3A_507 = arith.constant 0 : i32
      %dma_start3A_508 = tpu.memref_slice %arg8[%run_scoped3A_479, %dma_start3A_507] : memref<8x80xi32, #tpu.memory_space<vmem>> -> memref<1x80xi32, #tpu.memory_space<vmem>>
      %dma_start3A_509 = tpu.memref_squeeze %dma_start3A_508 : memref<1x80xi32, #tpu.memory_space<vmem>> -> memref<80xi32, #tpu.memory_space<vmem>>
      %dma_start3A_510 = arith.constant 0 : i32
      %dma_start3A_511 = arith.constant 0 : i32
      %dma_start3A_512 = tpu.memref_slice %arg10[%dma_start3A_510, %dma_start3A_511] : memref<10240x128xf32, #tpu.memory_space<vmem_shared>> -> memref<10240x128xf32, #tpu.memory_space<vmem_shared>>
      tpu.enqueue_indirect_dma source(%dma_start3A_506 : memref<80x128xf32, #tpu.memory_space<vmem>>) target(%dma_start3A_512 : memref<10240x128xf32, #tpu.memory_space<vmem_shared>>) offsets(%dma_start3A_509 : memref<80xi32, #tpu.memory_space<vmem>>) semaphore(%run_scoped3A_502 : memref<!tpu.dma_semaphore, #tpu.memory_space<semaphore_mem>>) {add = true}
      %dma_wait3A_513 = arith.constant 0 : i32
      %dma_wait3A_514 = arith.constant 0 : i32
      %dma_wait3A_515 = tpu.memref_slice %arg9[%run_scoped3A_478, %dma_wait3A_513, %dma_wait3A_514] : memref<4x80x128xf32, #tpu.memory_space<vmem>> -> memref<1x80x128xf32, #tpu.memory_space<vmem>>
      %dma_wait3A_516 = tpu.memref_squeeze %dma_wait3A_515 : memref<1x80x128xf32, #tpu.memory_space<vmem>> -> memref<80x128xf32, #tpu.memory_space<vmem>>
      %dma_wait3A_517 = arith.constant 0 : i32
      %dma_wait3A_518 = tpu.memref_slice %arg8[%run_scoped3A_479, %dma_wait3A_517] : memref<8x80xi32, #tpu.memory_space<vmem>> -> memref<1x80xi32, #tpu.memory_space<vmem>>
      %dma_wait3A_519 = tpu.memref_squeeze %dma_wait3A_518 : memref<1x80xi32, #tpu.memory_space<vmem>> -> memref<80xi32, #tpu.memory_space<vmem>>
      %dma_wait3A_520 = arith.constant 0 : i32
      %dma_wait3A_521 = arith.constant 0 : i32
      %dma_wait3A_522 = tpu.memref_slice %arg10[%dma_wait3A_520, %dma_wait3A_521] : memref<10240x128xf32, #tpu.memory_space<vmem_shared>> -> memref<10240x128xf32, #tpu.memory_space<vmem_shared>>
      tpu.wait_indirect_dma semaphore(%run_scoped3A_502 : memref<!tpu.dma_semaphore, #tpu.memory_space<semaphore_mem>>) src(%dma_wait3A_516 : memref<80x128xf32, #tpu.memory_space<vmem>>) dst(%dma_wait3A_522 : memref<10240x128xf32, #tpu.memory_space<vmem_shared>>)
      tpu.yield
    }) : () -> ()
    %dma_wait3A_480 = arith.constant 4 : i32
    %dma_wait3A_481 = arith.constant 0 : i32
    %dma_wait3A_482 = arith.constant 0 : i32
    %dma_wait3A_483 = arith.constant 0 : i32
    %dma_wait3A_484 = arith.constant 0 : i32
    %dma_wait3A_485 = tpu.memref_slice %arg9[%dma_wait3A_481, %dma_wait3A_483, %dma_wait3A_484] : memref<4x80x128xf32, #tpu.memory_space<vmem>> -> memref<1x80x128xf32, #tpu.memory_space<vmem>>
    %dma_wait3A_486 = tpu.memref_squeeze %dma_wait3A_485 : memref<1x80x128xf32, #tpu.memory_space<vmem>> -> memref<80x128xf32, #tpu.memory_space<vmem>>
    %dma_wait3A_487 = arith.constant 0 : i32
    %dma_wait3A_488 = tpu.memref_slice %arg7[%dma_wait3A_480, %dma_wait3A_487] : memref<8x80xi32, #tpu.memory_space<vmem>> -> memref<1x80xi32, #tpu.memory_space<vmem>>
    %dma_wait3A_489 = tpu.memref_squeeze %dma_wait3A_488 : memref<1x80xi32, #tpu.memory_space<vmem>> -> memref<80xi32, #tpu.memory_space<vmem>>
    %dma_wait3A_490 = arith.constant 0 : i32
    %dma_wait3A_491 = arith.constant 0 : i32
    %dma_wait3A_492 = tpu.memref_slice %arg2[%dma_wait3A_490, %dma_wait3A_491] : memref<10240x128xf32, #tpu.memory_space<hbm>> -> memref<10240x128xf32, #tpu.memory_space<hbm>>
    %dma_wait3A_493 = tpu.memref_slice %arg13[%dma_wait3A_482] : memref<4x!tpu.dma_semaphore, #tpu.memory_space<semaphore_mem>> -> memref<1x!tpu.dma_semaphore, #tpu.memory_space<semaphore_mem>>
    %dma_wait3A_494 = tpu.memref_squeeze %dma_wait3A_493 : memref<1x!tpu.dma_semaphore, #tpu.memory_space<semaphore_mem>> -> memref<!tpu.dma_semaphore, #tpu.memory_space<semaphore_mem>>
    tpu.wait_indirect_dma semaphore(%dma_wait3A_494 : memref<!tpu.dma_semaphore, #tpu.memory_space<semaphore_mem>>) src(%dma_wait3A_492 : memref<10240x128xf32, #tpu.memory_space<hbm>>) dst(%dma_wait3A_486 : memref<80x128xf32, #tpu.memory_space<vmem>>)
    %run_scoped3A_495 = arith.constant 0 : i32
    %run_scoped3A_496 = arith.constant 4 : i32
    "tpu.region"() ({
      %run_scoped3A_502 = tpu.sem_alloc : memref<!tpu.dma_semaphore, #tpu.memory_space<semaphore_mem>>
      %dma_start3A_503 = arith.constant 0 : i32
      %dma_start3A_504 = arith.constant 0 : i32
      %dma_start3A_505 = tpu.memref_slice %arg9[%run_scoped3A_495, %dma_start3A_503, %dma_start3A_504] : memref<4x80x128xf32, #tpu.memory_space<vmem>> -> memref<1x80x128xf32, #tpu.memory_space<vmem>>
      %dma_start3A_506 = tpu.memref_squeeze %dma_start3A_505 : memref<1x80x128xf32, #tpu.memory_space<vmem>> -> memref<80x128xf32, #tpu.memory_space<vmem>>
      %dma_start3A_507 = arith.constant 0 : i32
      %dma_start3A_508 = tpu.memref_slice %arg8[%run_scoped3A_496, %dma_start3A_507] : memref<8x80xi32, #tpu.memory_space<vmem>> -> memref<1x80xi32, #tpu.memory_space<vmem>>
      %dma_start3A_509 = tpu.memref_squeeze %dma_start3A_508 : memref<1x80xi32, #tpu.memory_space<vmem>> -> memref<80xi32, #tpu.memory_space<vmem>>
      %dma_start3A_510 = arith.constant 0 : i32
      %dma_start3A_511 = arith.constant 0 : i32
      %dma_start3A_512 = tpu.memref_slice %arg10[%dma_start3A_510, %dma_start3A_511] : memref<10240x128xf32, #tpu.memory_space<vmem_shared>> -> memref<10240x128xf32, #tpu.memory_space<vmem_shared>>
      tpu.enqueue_indirect_dma source(%dma_start3A_506 : memref<80x128xf32, #tpu.memory_space<vmem>>) target(%dma_start3A_512 : memref<10240x128xf32, #tpu.memory_space<vmem_shared>>) offsets(%dma_start3A_509 : memref<80xi32, #tpu.memory_space<vmem>>) semaphore(%run_scoped3A_502 : memref<!tpu.dma_semaphore, #tpu.memory_space<semaphore_mem>>) {add = true}
      %dma_wait3A_513 = arith.constant 0 : i32
      %dma_wait3A_514 = arith.constant 0 : i32
      %dma_wait3A_515 = tpu.memref_slice %arg9[%run_scoped3A_495, %dma_wait3A_513, %dma_wait3A_514] : memref<4x80x128xf32, #tpu.memory_space<vmem>> -> memref<1x80x128xf32, #tpu.memory_space<vmem>>
      %dma_wait3A_516 = tpu.memref_squeeze %dma_wait3A_515 : memref<1x80x128xf32, #tpu.memory_space<vmem>> -> memref<80x128xf32, #tpu.memory_space<vmem>>
      %dma_wait3A_517 = arith.constant 0 : i32
      %dma_wait3A_518 = tpu.memref_slice %arg8[%run_scoped3A_496, %dma_wait3A_517] : memref<8x80xi32, #tpu.memory_space<vmem>> -> memref<1x80xi32, #tpu.memory_space<vmem>>
      %dma_wait3A_519 = tpu.memref_squeeze %dma_wait3A_518 : memref<1x80xi32, #tpu.memory_space<vmem>> -> memref<80xi32, #tpu.memory_space<vmem>>
      %dma_wait3A_520 = arith.constant 0 : i32
      %dma_wait3A_521 = arith.constant 0 : i32
      %dma_wait3A_522 = tpu.memref_slice %arg10[%dma_wait3A_520, %dma_wait3A_521] : memref<10240x128xf32, #tpu.memory_space<vmem_shared>> -> memref<10240x128xf32, #tpu.memory_space<vmem_shared>>
      tpu.wait_indirect_dma semaphore(%run_scoped3A_502 : memref<!tpu.dma_semaphore, #tpu.memory_space<semaphore_mem>>) src(%dma_wait3A_516 : memref<80x128xf32, #tpu.memory_space<vmem>>) dst(%dma_wait3A_522 : memref<10240x128xf32, #tpu.memory_space<vmem_shared>>)
      tpu.yield
    }) : () -> ()
    %barrier3A_497 = arith.constant 0 : index
    tpu.barrier barrier_id(%barrier3A_497)
    %mul3A_498 = arith.constant 640 : i32
    %mul3A_499 = arith.muli %arg1, %mul3A_498 : i32
    %mul3A_500 = arith.constant 640 : i32
    %mul3A_501 = arith.muli %arg1, %mul3A_500 : i32
    "tpu.region"() ({
      %run_scoped3A_502 = tpu.sem_alloc : memref<!tpu.dma_semaphore, #tpu.memory_space<semaphore_mem>>
      %dma_start3A_503 = arith.constant 0 : i32
      %dma_start3A_504 = tpu.memref_slice %arg6[%arg0, %mul3A_501, %dma_start3A_503] : memref<2x10240x128xf32, #tpu.memory_space<hbm>> -> memref<1x640x128xf32, #tpu.memory_space<hbm>>
      %dma_start3A_505 = tpu.memref_squeeze %dma_start3A_504 : memref<1x640x128xf32, #tpu.memory_space<hbm>> -> memref<640x128xf32, #tpu.memory_space<hbm>>
      %dma_start3A_506 = arith.constant 0 : i32
      %dma_start3A_507 = tpu.memref_slice %arg10[%mul3A_499, %dma_start3A_506] : memref<10240x128xf32, #tpu.memory_space<vmem_shared>> -> memref<640x128xf32, #tpu.memory_space<vmem_shared>>
      tpu.enqueue_dma source(%dma_start3A_507 : memref<640x128xf32, #tpu.memory_space<vmem_shared>>) target(%dma_start3A_505 : memref<640x128xf32, #tpu.memory_space<hbm>>) target_semaphore(%run_scoped3A_502 : memref<!tpu.dma_semaphore, #tpu.memory_space<semaphore_mem>>)
      %dma_wait3A_508 = arith.constant 0 : i32
      %dma_wait3A_509 = tpu.memref_slice %arg6[%arg0, %mul3A_501, %dma_wait3A_508] : memref<2x10240x128xf32, #tpu.memory_space<hbm>> -> memref<1x640x128xf32, #tpu.memory_space<hbm>>
      %dma_wait3A_510 = tpu.memref_squeeze %dma_wait3A_509 : memref<1x640x128xf32, #tpu.memory_space<hbm>> -> memref<640x128xf32, #tpu.memory_space<hbm>>
      %dma_wait3A_511 = arith.constant 0 : i32
      %dma_wait3A_512 = tpu.memref_slice %arg10[%mul3A_499, %dma_wait3A_511] : memref<10240x128xf32, #tpu.memory_space<vmem_shared>> -> memref<640x128xf32, #tpu.memory_space<vmem_shared>>
      tpu.wait_dma2 semaphore(%run_scoped3A_502 : memref<!tpu.dma_semaphore, #tpu.memory_space<semaphore_mem>>) src(%dma_wait3A_512 : memref<640x128xf32, #tpu.memory_space<vmem_shared>>) dst(%dma_wait3A_510 : memref<640x128xf32, #tpu.memory_space<hbm>>)
      tpu.yield
    }) : () -> ()
    return
  }
}

#map = affine_map<(d0, d1) -> (0)>
module attributes {stable_mosaic.version = 14 : i64} {
  func.func @_degree_body(%arg0: i32, %arg1: i32, %arg2: memref<320000xi32, #tpu.memory_space<hbm>>, %arg3: memref<327680xf32, #tpu.memory_space<hbm>>, %arg4: memref<10000xi32, #tpu.memory_space<vmem>>, %arg5: memref<10240xf32, #tpu.memory_space<vmem>>) attributes {dimension_semantics = [#tpu.dimension_semantics<core_parallel>, #tpu.dimension_semantics<subcore_parallel>], iteration_bounds = array<i64: 2, 16>, scalar_prefetch = 0 : i64, scratch_operands = 2 : i64, tpu.core_type = #tpu.core_type<sc_vector_subcore>, window_params = [{transform_indices = #map}, {transform_indices = #map}]} {
    %mul3A = arith.constant 16 : i32
    %mul3A_0 = arith.muli %arg0, %mul3A : i32
    %add3A = arith.addi %mul3A_0, %arg1 : i32
    %mul3A_1 = arith.constant 10000 : i32
    %mul3A_2 = arith.muli %add3A, %mul3A_1 : i32
    "tpu.region"() ({
      %run_scoped3A = tpu.sem_alloc : memref<!tpu.dma_semaphore, #tpu.memory_space<semaphore_mem>>
      %dma_start3A = tpu.memref_slice %arg2[%mul3A_2] : memref<320000xi32, #tpu.memory_space<hbm>> -> memref<10000xi32, #tpu.memory_space<hbm>>
      %dma_start3A_15 = tpu.memref_slice %arg2[%mul3A_2] : memref<320000xi32, #tpu.memory_space<hbm>> -> memref<10000xi32, #tpu.memory_space<hbm>>
      tpu.enqueue_dma source(%dma_start3A_15 : memref<10000xi32, #tpu.memory_space<hbm>>) target(%arg4 : memref<10000xi32, #tpu.memory_space<vmem>>) target_semaphore(%run_scoped3A : memref<!tpu.dma_semaphore, #tpu.memory_space<semaphore_mem>>)
      %dma_wait3A = tpu.memref_slice %arg2[%mul3A_2] : memref<320000xi32, #tpu.memory_space<hbm>> -> memref<10000xi32, #tpu.memory_space<hbm>>
      %dma_wait3A_16 = tpu.memref_slice %arg2[%mul3A_2] : memref<320000xi32, #tpu.memory_space<hbm>> -> memref<10000xi32, #tpu.memory_space<hbm>>
      tpu.wait_dma2 semaphore(%run_scoped3A : memref<!tpu.dma_semaphore, #tpu.memory_space<semaphore_mem>>) src(%dma_wait3A_16 : memref<10000xi32, #tpu.memory_space<hbm>>) dst(%arg4 : memref<10000xi32, #tpu.memory_space<vmem>>)
      tpu.yield
    }) : () -> ()
    %scan3A = arith.constant 0 : i32
    %scan3A_3 = arith.constant 640 : i32
    %scan3A_4 = arith.addi %scan3A, %scan3A_3 : i32
    %scan3A_5 = arith.constant 1 : i32
    scf.for %scan3A_15 = %scan3A to %scan3A_4 step %scan3A_5  : i32 {
      %mul3A_16 = arith.constant 1 : i32
      %mul3A_17 = arith.muli %scan3A_15, %mul3A_16 : i32
      %add3A_18 = arith.constant 0 : i32
      %add3A_19 = arith.addi %add3A_18, %mul3A_17 : i32
      %broadcast_in_dim3A_20 = arith.constant 0.000000e+00 : f32
      %broadcast_in_dim3A_21 = vector.broadcast %broadcast_in_dim3A_20 : f32 to vector<16xf32>
      %mul3A_22 = arith.constant 16 : i32
      %mul3A_23 = arith.muli %add3A_19, %mul3A_22 : i32
      %swap3A = arith.index_cast %mul3A_23 : i32 to index
      %swap3A_24 = tpu.vector_load %arg5[%swap3A] {strides = array<i32>} : memref<10240xf32, #tpu.memory_space<vmem>>, vector<16xf32>,
      tpu.vector_store %arg5[%swap3A], %broadcast_in_dim3A_21 {strides = array<i32>} : memref<10240xf32, #tpu.memory_space<vmem>>, vector<16xf32>,
    }
    %scan3A_6 = arith.constant 640 : i32
    %broadcast_in_dim3A = arith.constant 1.000000e+00 : f32
    %broadcast_in_dim3A_7 = vector.broadcast %broadcast_in_dim3A : f32 to vector<16xf32>
    %scan3A_8 = arith.constant 0 : i32
    %scan3A_9 = arith.constant 625 : i32
    %scan3A_10 = arith.addi %scan3A_8, %scan3A_9 : i32
    %scan3A_11 = arith.constant 1 : i32
    scf.for %scan3A_15 = %scan3A_8 to %scan3A_10 step %scan3A_11  : i32 {
      %mul3A_16 = arith.constant 1 : i32
      %mul3A_17 = arith.muli %scan3A_15, %mul3A_16 : i32
      %add3A_18 = arith.constant 0 : i32
      %add3A_19 = arith.addi %add3A_18, %mul3A_17 : i32
      %mul3A_20 = arith.constant 16 : i32
      %mul3A_21 = arith.muli %add3A_19, %mul3A_20 : i32
      %get3A = arith.index_cast %mul3A_21 : i32 to index
      %get3A_22 = tpu.vector_load %arg4[%get3A] {strides = array<i32>} : memref<10000xi32, #tpu.memory_space<vmem>>, vector<16xi32>,
      tpu.vector_store_idx %arg5[%get3A_22], %broadcast_in_dim3A_7 {add = true} : memref<10240xf32, #tpu.memory_space<vmem>>[vector<16xi32>], vector<16xf32>,
    }
    %scan3A_12 = arith.constant 625 : i32
    %mul3A_13 = arith.constant 10240 : i32
    %mul3A_14 = arith.muli %add3A, %mul3A_13 : i32
    "tpu.region"() ({
      %run_scoped3A = tpu.sem_alloc : memref<!tpu.dma_semaphore, #tpu.memory_space<semaphore_mem>>
      %dma_start3A = tpu.memref_slice %arg3[%mul3A_14] : memref<327680xf32, #tpu.memory_space<hbm>> -> memref<10240xf32, #tpu.memory_space<hbm>>
      %dma_start3A_15 = tpu.memref_slice %arg3[%mul3A_14] : memref<327680xf32, #tpu.memory_space<hbm>> -> memref<10240xf32, #tpu.memory_space<hbm>>
      tpu.enqueue_dma source(%arg5 : memref<10240xf32, #tpu.memory_space<vmem>>) target(%dma_start3A_15 : memref<10240xf32, #tpu.memory_space<hbm>>) target_semaphore(%run_scoped3A : memref<!tpu.dma_semaphore, #tpu.memory_space<semaphore_mem>>)
      %dma_wait3A = tpu.memref_slice %arg3[%mul3A_14] : memref<327680xf32, #tpu.memory_space<hbm>> -> memref<10240xf32, #tpu.memory_space<hbm>>
      %dma_wait3A_16 = tpu.memref_slice %arg3[%mul3A_14] : memref<327680xf32, #tpu.memory_space<hbm>> -> memref<10240xf32, #tpu.memory_space<hbm>>
      tpu.wait_dma2 semaphore(%run_scoped3A : memref<!tpu.dma_semaphore, #tpu.memory_space<semaphore_mem>>) src(%arg5 : memref<10240xf32, #tpu.memory_space<vmem>>) dst(%dma_wait3A_16 : memref<10240xf32, #tpu.memory_space<hbm>>)
      tpu.yield
    }) : () -> ()
    return
  }
}

#map = affine_map<(d0, d1) -> (0, 0)>
#map1 = affine_map<(d0, d1) -> (0)>
#map2 = affine_map<(d0, d1) -> (0, 0, 0)>
module attributes {stable_mosaic.version = 14 : i64} {
  func.func @_scatter_body(%arg0: i32, %arg1: i32, %arg2: memref<10240x128xf32, #tpu.memory_space<hbm>>, %arg3: memref<320000xi32, #tpu.memory_space<hbm>>, %arg4: memref<320000xi32, #tpu.memory_space<hbm>>, %arg5: memref<128x128xf32, #tpu.memory_space<hbm>>, %arg6: memref<2x10240x128xf32, #tpu.memory_space<hbm>>, %arg7: memref<8x80xi32, #tpu.memory_space<vmem>>, %arg8: memref<8x80xi32, #tpu.memory_space<vmem>>, %arg9: memref<4x80x128xf32, #tpu.memory_space<vmem>>, %arg10: memref<10240x128xf32, #tpu.memory_space<vmem_shared>>, %arg11: memref<8x!tpu.dma_semaphore, #tpu.memory_space<semaphore_mem>>, %arg12: memref<8x!tpu.dma_semaphore, #tpu.memory_space<semaphore_mem>>, %arg13: memref<4x!tpu.dma_semaphore, #tpu.memory_space<semaphore_mem>>) attributes {dimension_semantics = [#tpu.dimension_semantics<core_parallel>, #tpu.dimension_semantics<subcore_parallel>], iteration_bounds = array<i64: 2, 16>, scalar_prefetch = 0 : i64, scratch_operands = 7 : i64, tpu.core_type = #tpu.core_type<sc_vector_subcore>, window_params = [{transform_indices = #map}, {transform_indices = #map1}, {transform_indices = #map1}, {transform_indices = #map}, {transform_indices = #map2}]} {
    %mul3A = arith.constant 16 : i32
    %mul3A_0 = arith.muli %arg0, %mul3A : i32
    %add3A = arith.addi %mul3A_0, %arg1 : i32
    %mul3A_1 = arith.constant 10000 : i32
    %mul3A_2 = arith.muli %add3A, %mul3A_1 : i32
    %scan3A = arith.constant 0 : i32
    %scan3A_3 = arith.constant 5 : i32
    %scan3A_4 = arith.addi %scan3A, %scan3A_3 : i32
    %scan3A_5 = arith.constant 1 : i32
    scf.for %scan3A_502 = %scan3A to %scan3A_4 step %scan3A_5  : i32 {
      %mul3A_503 = arith.constant 1 : i32
      %mul3A_504 = arith.muli %scan3A_502, %mul3A_503 : i32
      %add3A_505 = arith.constant 0 : i32
      %add3A_506 = arith.addi %add3A_505, %mul3A_504 : i32
      %mul3A_507 = arith.constant 640 : i32
      %mul3A_508 = arith.muli %arg1, %mul3A_507 : i32
      %mul3A_509 = arith.constant 128 : i32
      %mul3A_510 = arith.muli %add3A_506, %mul3A_509 : i32
      %add3A_511 = arith.addi %mul3A_508, %mul3A_510 : i32
      "tpu.region"() ({
        %run_scoped3A_512 = tpu.sem_alloc : memref<!tpu.dma_semaphore, #tpu.memory_space<semaphore_mem>>
        %dma_start3A_513 = arith.constant 0 : i32
        %dma_start3A_514 = tpu.memref_slice %arg10[%add3A_511, %dma_start3A_513] : memref<10240x128xf32, #tpu.memory_space<vmem_shared>> -> memref<128x128xf32, #tpu.memory_space<vmem_shared>>
        tpu.enqueue_dma source(%arg5 : memref<128x128xf32, #tpu.memory_space<hbm>>) target(%dma_start3A_514 : memref<128x128xf32, #tpu.memory_space<vmem_shared>>) target_semaphore(%run_scoped3A_512 : memref<!tpu.dma_semaphore, #tpu.memory_space<semaphore_mem>>)
        %dma_wait3A_515 = arith.constant 0 : i32
        %dma_wait3A_516 = tpu.memref_slice %arg10[%add3A_511, %dma_wait3A_515] : memref<10240x128xf32, #tpu.memory_space<vmem_shared>> -> memref<128x128xf32, #tpu.memory_space<vmem_shared>>
        tpu.wait_dma2 semaphore(%run_scoped3A_512 : memref<!tpu.dma_semaphore, #tpu.memory_space<semaphore_mem>>) src(%arg5 : memref<128x128xf32, #tpu.memory_space<hbm>>) dst(%dma_wait3A_516 : memref<128x128xf32, #tpu.memory_space<vmem_shared>>)
        tpu.yield
      }) : () -> ()
    }
    %scan3A_6 = arith.constant 5 : i32
    %barrier3A = arith.constant 0 : index
    tpu.barrier barrier_id(%barrier3A)
    %add3A_7 = arith.constant 0 : i32
    %add3A_8 = arith.addi %mul3A_2, %add3A_7 : i32
    %dma_start3A = arith.constant 0 : i32
    %dma_start3A_9 = arith.constant 0 : i32
    %dma_start3A_10 = arith.constant 0 : i32
    %dma_start3A_11 = tpu.memref_slice %arg7[%dma_start3A, %dma_start3A_10] : memref<8x80xi32, #tpu.memory_space<vmem>> -> memref<1x80xi32, #tpu.memory_space<vmem>>
    %dma_start3A_12 = tpu.memref_squeeze %dma_start3A_11 : memref<1x80xi32, #tpu.memory_space<vmem>> -> memref<80xi32, #tpu.memory_space<vmem>>
    %dma_start3A_13 = tpu.memref_slice %arg3[%add3A_8] : memref<320000xi32, #tpu.memory_space<hbm>> -> memref<80xi32, #tpu.memory_space<hbm>>
    %dma_start3A_14 = tpu.memref_slice %arg11[%dma_start3A_9] : memref<8x!tpu.dma_semaphore, #tpu.memory_space<semaphore_mem>> -> memref<1x!tpu.dma_semaphore, #tpu.memory_space<semaphore_mem>>
    %dma_start3A_15 = tpu.memref_squeeze %dma_start3A_14 : memref<1x!tpu.dma_semaphore, #tpu.memory_space<semaphore_mem>> -> memref<!tpu.dma_semaphore, #tpu.memory_space<semaphore_mem>>
    %dma_start3A_16 = arith.constant 0 : i32
    %dma_start3A_17 = tpu.memref_slice %arg7[%dma_start3A, %dma_start3A_16] : memref<8x80xi32, #tpu.memory_space<vmem>> -> memref<1x80xi32, #tpu.memory_space<vmem>>
    %dma_start3A_18 = tpu.memref_squeeze %dma_start3A_17 : memref<1x80xi32, #tpu.memory_space<vmem>> -> memref<80xi32, #tpu.memory_space<vmem>>
    %dma_start3A_19 = tpu.memref_slice %arg3[%add3A_8] : memref<320000xi32, #tpu.memory_space<hbm>> -> memref<80xi32, #tpu.memory_space<hbm>>
    tpu.enqueue_dma source(%dma_start3A_19 : memref<80xi32, #tpu.memory_space<hbm>>) target(%dma_start3A_18 : memref<80xi32, #tpu.memory_space<vmem>>) target_semaphore(%dma_start3A_15 : memref<!tpu.dma_semaphore, #tpu.memory_space<semaphore_mem>>)
    %dma_start3A_20 = arith.constant 0 : i32
    %dma_start3A_21 = arith.constant 0 : i32
    %dma_start3A_22 = arith.constant 0 : i32
    %dma_start3A_23 = tpu.memref_slice %arg8[%dma_start3A_20, %dma_start3A_22] : memref<8x80xi32, #tpu.memory_space<vmem>> -> memref<1x80xi32, #tpu.memory_space<vmem>>
    %dma_start3A_24 = tpu.memref_squeeze %dma_start3A_23 : memref<1x80xi32, #tpu.memory_space<vmem>> -> memref<80xi32, #tpu.memory_space<vmem>>
    %dma_start3A_25 = tpu.memref_slice %arg4[%add3A_8] : memref<320000xi32, #tpu.memory_space<hbm>> -> memref<80xi32, #tpu.memory_space<hbm>>
    %dma_start3A_26 = tpu.memref_slice %arg12[%dma_start3A_21] : memref<8x!tpu.dma_semaphore, #tpu.memory_space<semaphore_mem>> -> memref<1x!tpu.dma_semaphore, #tpu.memory_space<semaphore_mem>>
    %dma_start3A_27 = tpu.memref_squeeze %dma_start3A_26 : memref<1x!tpu.dma_semaphore, #tpu.memory_space<semaphore_mem>> -> memref<!tpu.dma_semaphore, #tpu.memory_space<semaphore_mem>>
    %dma_start3A_28 = arith.constant 0 : i32
    %dma_start3A_29 = tpu.memref_slice %arg8[%dma_start3A_20, %dma_start3A_28] : memref<8x80xi32, #tpu.memory_space<vmem>> -> memref<1x80xi32, #tpu.memory_space<vmem>>
    %dma_start3A_30 = tpu.memref_squeeze %dma_start3A_29 : memref<1x80xi32, #tpu.memory_space<vmem>> -> memref<80xi32, #tpu.memory_space<vmem>>
    %dma_start3A_31 = tpu.memref_slice %arg4[%add3A_8] : memref<320000xi32, #tpu.memory_space<hbm>> -> memref<80xi32, #tpu.memory_space<hbm>>
    tpu.enqueue_dma source(%dma_start3A_31 : memref<80xi32, #tpu.memory_space<hbm>>) target(%dma_start3A_30 : memref<80xi32, #tpu.memory_space<vmem>>) target_semaphore(%dma_start3A_27 : memref<!tpu.dma_semaphore, #tpu.memory_space<semaphore_mem>>)
    %add3A_32 = arith.constant 80 : i32
    %add3A_33 = arith.addi %mul3A_2, %add3A_32 : i32
    %dma_start3A_34 = arith.constant 1 : i32
    %dma_start3A_35 = arith.constant 1 : i32
    %dma_start3A_36 = arith.constant 0 : i32
    %dma_start3A_37 = tpu.memref_slice %arg7[%dma_start3A_34, %dma_start3A_36] : memref<8x80xi32, #tpu.memory_space<vmem>> -> memref<1x80xi32, #tpu.memory_space<vmem>>
    %dma_start3A_38 = tpu.memref_squeeze %dma_start3A_37 : memref<1x80xi32, #tpu.memory_space<vmem>> -> memref<80xi32, #tpu.memory_space<vmem>>
    %dma_start3A_39 = tpu.memref_slice %arg3[%add3A_33] : memref<320000xi32, #tpu.memory_space<hbm>> -> memref<80xi32, #tpu.memory_space<hbm>>
    %dma_start3A_40 = tpu.memref_slice %arg11[%dma_start3A_35] : memref<8x!tpu.dma_semaphore, #tpu.memory_space<semaphore_mem>> -> memref<1x!tpu.dma_semaphore, #tpu.memory_space<semaphore_mem>>
    %dma_start3A_41 = tpu.memref_squeeze %dma_start3A_40 : memref<1x!tpu.dma_semaphore, #tpu.memory_space<semaphore_mem>> -> memref<!tpu.dma_semaphore, #tpu.memory_space<semaphore_mem>>
    %dma_start3A_42 = arith.constant 0 : i32
    %dma_start3A_43 = tpu.memref_slice %arg7[%dma_start3A_34, %dma_start3A_42] : memref<8x80xi32, #tpu.memory_space<vmem>> -> memref<1x80xi32, #tpu.memory_space<vmem>>
    %dma_start3A_44 = tpu.memref_squeeze %dma_start3A_43 : memref<1x80xi32, #tpu.memory_space<vmem>> -> memref<80xi32, #tpu.memory_space<vmem>>
    %dma_start3A_45 = tpu.memref_slice %arg3[%add3A_33] : memref<320000xi32, #tpu.memory_space<hbm>> -> memref<80xi32, #tpu.memory_space<hbm>>
    tpu.enqueue_dma source(%dma_start3A_45 : memref<80xi32, #tpu.memory_space<hbm>>) target(%dma_start3A_44 : memref<80xi32, #tpu.memory_space<vmem>>) target_semaphore(%dma_start3A_41 : memref<!tpu.dma_semaphore, #tpu.memory_space<semaphore_mem>>)
    %dma_start3A_46 = arith.constant 1 : i32
    %dma_start3A_47 = arith.constant 1 : i32
    %dma_start3A_48 = arith.constant 0 : i32
    %dma_start3A_49 = tpu.memref_slice %arg8[%dma_start3A_46, %dma_start3A_48] : memref<8x80xi32, #tpu.memory_space<vmem>> -> memref<1x80xi32, #tpu.memory_space<vmem>>
    %dma_start3A_50 = tpu.memref_squeeze %dma_start3A_49 : memref<1x80xi32, #tpu.memory_space<vmem>> -> memref<80xi32, #tpu.memory_space<vmem>>
    %dma_start3A_51 = tpu.memref_slice %arg4[%add3A_33] : memref<320000xi32, #tpu.memory_space<hbm>> -> memref<80xi32, #tpu.memory_space<hbm>>
    %dma_start3A_52 = tpu.memref_slice %arg12[%dma_start3A_47] : memref<8x!tpu.dma_semaphore, #tpu.memory_space<semaphore_mem>> -> memref<1x!tpu.dma_semaphore, #tpu.memory_space<semaphore_mem>>
    %dma_start3A_53 = tpu.memref_squeeze %dma_start3A_52 : memref<1x!tpu.dma_semaphore, #tpu.memory_space<semaphore_mem>> -> memref<!tpu.dma_semaphore, #tpu.memory_space<semaphore_mem>>
    %dma_start3A_54 = arith.constant 0 : i32
    %dma_start3A_55 = tpu.memref_slice %arg8[%dma_start3A_46, %dma_start3A_54] : memref<8x80xi32, #tpu.memory_space<vmem>> -> memref<1x80xi32, #tpu.memory_space<vmem>>
    %dma_start3A_56 = tpu.memref_squeeze %dma_start3A_55 : memref<1x80xi32, #tpu.memory_space<vmem>> -> memref<80xi32, #tpu.memory_space<vmem>>
    %dma_start3A_57 = tpu.memref_slice %arg4[%add3A_33] : memref<320000xi32, #tpu.memory_space<hbm>> -> memref<80xi32, #tpu.memory_space<hbm>>
    tpu.enqueue_dma source(%dma_start3A_57 : memref<80xi32, #tpu.memory_space<hbm>>) target(%dma_start3A_56 : memref<80xi32, #tpu.memory_space<vmem>>) target_semaphore(%dma_start3A_53 : memref<!tpu.dma_semaphore, #tpu.memory_space<semaphore_mem>>)
    %add3A_58 = arith.constant 160 : i32
    %add3A_59 = arith.addi %mul3A_2, %add3A_58 : i32
    %dma_start3A_60 = arith.constant 2 : i32
    %dma_start3A_61 = arith.constant 2 : i32
    %dma_start3A_62 = arith.constant 0 : i32
    %dma_start3A_63 = tpu.memref_slice %arg7[%dma_start3A_60, %dma_start3A_62] : memref<8x80xi32, #tpu.memory_space<vmem>> -> memref<1x80xi32, #tpu.memory_space<vmem>>
    %dma_start3A_64 = tpu.memref_squeeze %dma_start3A_63 : memref<1x80xi32, #tpu.memory_space<vmem>> -> memref<80xi32, #tpu.memory_space<vmem>>
    %dma_start3A_65 = tpu.memref_slice %arg3[%add3A_59] : memref<320000xi32, #tpu.memory_space<hbm>> -> memref<80xi32, #tpu.memory_space<hbm>>
    %dma_start3A_66 = tpu.memref_slice %arg11[%dma_start3A_61] : memref<8x!tpu.dma_semaphore, #tpu.memory_space<semaphore_mem>> -> memref<1x!tpu.dma_semaphore, #tpu.memory_space<semaphore_mem>>
    %dma_start3A_67 = tpu.memref_squeeze %dma_start3A_66 : memref<1x!tpu.dma_semaphore, #tpu.memory_space<semaphore_mem>> -> memref<!tpu.dma_semaphore, #tpu.memory_space<semaphore_mem>>
    %dma_start3A_68 = arith.constant 0 : i32
    %dma_start3A_69 = tpu.memref_slice %arg7[%dma_start3A_60, %dma_start3A_68] : memref<8x80xi32, #tpu.memory_space<vmem>> -> memref<1x80xi32, #tpu.memory_space<vmem>>
    %dma_start3A_70 = tpu.memref_squeeze %dma_start3A_69 : memref<1x80xi32, #tpu.memory_space<vmem>> -> memref<80xi32, #tpu.memory_space<vmem>>
    %dma_start3A_71 = tpu.memref_slice %arg3[%add3A_59] : memref<320000xi32, #tpu.memory_space<hbm>> -> memref<80xi32, #tpu.memory_space<hbm>>
    tpu.enqueue_dma source(%dma_start3A_71 : memref<80xi32, #tpu.memory_space<hbm>>) target(%dma_start3A_70 : memref<80xi32, #tpu.memory_space<vmem>>) target_semaphore(%dma_start3A_67 : memref<!tpu.dma_semaphore, #tpu.memory_space<semaphore_mem>>)
    %dma_start3A_72 = arith.constant 2 : i32
    %dma_start3A_73 = arith.constant 2 : i32
    %dma_start3A_74 = arith.constant 0 : i32
    %dma_start3A_75 = tpu.memref_slice %arg8[%dma_start3A_72, %dma_start3A_74] : memref<8x80xi32, #tpu.memory_space<vmem>> -> memref<1x80xi32, #tpu.memory_space<vmem>>
    %dma_start3A_76 = tpu.memref_squeeze %dma_start3A_75 : memref<1x80xi32, #tpu.memory_space<vmem>> -> memref<80xi32, #tpu.memory_space<vmem>>
    %dma_start3A_77 = tpu.memref_slice %arg4[%add3A_59] : memref<320000xi32, #tpu.memory_space<hbm>> -> memref<80xi32, #tpu.memory_space<hbm>>
    %dma_start3A_78 = tpu.memref_slice %arg12[%dma_start3A_73] : memref<8x!tpu.dma_semaphore, #tpu.memory_space<semaphore_mem>> -> memref<1x!tpu.dma_semaphore, #tpu.memory_space<semaphore_mem>>
    %dma_start3A_79 = tpu.memref_squeeze %dma_start3A_78 : memref<1x!tpu.dma_semaphore, #tpu.memory_space<semaphore_mem>> -> memref<!tpu.dma_semaphore, #tpu.memory_space<semaphore_mem>>
    %dma_start3A_80 = arith.constant 0 : i32
    %dma_start3A_81 = tpu.memref_slice %arg8[%dma_start3A_72, %dma_start3A_80] : memref<8x80xi32, #tpu.memory_space<vmem>> -> memref<1x80xi32, #tpu.memory_space<vmem>>
    %dma_start3A_82 = tpu.memref_squeeze %dma_start3A_81 : memref<1x80xi32, #tpu.memory_space<vmem>> -> memref<80xi32, #tpu.memory_space<vmem>>
    %dma_start3A_83 = tpu.memref_slice %arg4[%add3A_59] : memref<320000xi32, #tpu.memory_space<hbm>> -> memref<80xi32, #tpu.memory_space<hbm>>
    tpu.enqueue_dma source(%dma_start3A_83 : memref<80xi32, #tpu.memory_space<hbm>>) target(%dma_start3A_82 : memref<80xi32, #tpu.memory_space<vmem>>) target_semaphore(%dma_start3A_79 : memref<!tpu.dma_semaphore, #tpu.memory_space<semaphore_mem>>)
    %add3A_84 = arith.constant 240 : i32
    %add3A_85 = arith.addi %mul3A_2, %add3A_84 : i32
    %dma_start3A_86 = arith.constant 3 : i32
    %dma_start3A_87 = arith.constant 3 : i32
    %dma_start3A_88 = arith.constant 0 : i32
    %dma_start3A_89 = tpu.memref_slice %arg7[%dma_start3A_86, %dma_start3A_88] : memref<8x80xi32, #tpu.memory_space<vmem>> -> memref<1x80xi32, #tpu.memory_space<vmem>>
    %dma_start3A_90 = tpu.memref_squeeze %dma_start3A_89 : memref<1x80xi32, #tpu.memory_space<vmem>> -> memref<80xi32, #tpu.memory_space<vmem>>
    %dma_start3A_91 = tpu.memref_slice %arg3[%add3A_85] : memref<320000xi32, #tpu.memory_space<hbm>> -> memref<80xi32, #tpu.memory_space<hbm>>
    %dma_start3A_92 = tpu.memref_slice %arg11[%dma_start3A_87] : memref<8x!tpu.dma_semaphore, #tpu.memory_space<semaphore_mem>> -> memref<1x!tpu.dma_semaphore, #tpu.memory_space<semaphore_mem>>
    %dma_start3A_93 = tpu.memref_squeeze %dma_start3A_92 : memref<1x!tpu.dma_semaphore, #tpu.memory_space<semaphore_mem>> -> memref<!tpu.dma_semaphore, #tpu.memory_space<semaphore_mem>>
    %dma_start3A_94 = arith.constant 0 : i32
    %dma_start3A_95 = tpu.memref_slice %arg7[%dma_start3A_86, %dma_start3A_94] : memref<8x80xi32, #tpu.memory_space<vmem>> -> memref<1x80xi32, #tpu.memory_space<vmem>>
    %dma_start3A_96 = tpu.memref_squeeze %dma_start3A_95 : memref<1x80xi32, #tpu.memory_space<vmem>> -> memref<80xi32, #tpu.memory_space<vmem>>
    %dma_start3A_97 = tpu.memref_slice %arg3[%add3A_85] : memref<320000xi32, #tpu.memory_space<hbm>> -> memref<80xi32, #tpu.memory_space<hbm>>
    tpu.enqueue_dma source(%dma_start3A_97 : memref<80xi32, #tpu.memory_space<hbm>>) target(%dma_start3A_96 : memref<80xi32, #tpu.memory_space<vmem>>) target_semaphore(%dma_start3A_93 : memref<!tpu.dma_semaphore, #tpu.memory_space<semaphore_mem>>)
    %dma_start3A_98 = arith.constant 3 : i32
    %dma_start3A_99 = arith.constant 3 : i32
    %dma_start3A_100 = arith.constant 0 : i32
    %dma_start3A_101 = tpu.memref_slice %arg8[%dma_start3A_98, %dma_start3A_100] : memref<8x80xi32, #tpu.memory_space<vmem>> -> memref<1x80xi32, #tpu.memory_space<vmem>>
    %dma_start3A_102 = tpu.memref_squeeze %dma_start3A_101 : memref<1x80xi32, #tpu.memory_space<vmem>> -> memref<80xi32, #tpu.memory_space<vmem>>
    %dma_start3A_103 = tpu.memref_slice %arg4[%add3A_85] : memref<320000xi32, #tpu.memory_space<hbm>> -> memref<80xi32, #tpu.memory_space<hbm>>
    %dma_start3A_104 = tpu.memref_slice %arg12[%dma_start3A_99] : memref<8x!tpu.dma_semaphore, #tpu.memory_space<semaphore_mem>> -> memref<1x!tpu.dma_semaphore, #tpu.memory_space<semaphore_mem>>
    %dma_start3A_105 = tpu.memref_squeeze %dma_start3A_104 : memref<1x!tpu.dma_semaphore, #tpu.memory_space<semaphore_mem>> -> memref<!tpu.dma_semaphore, #tpu.memory_space<semaphore_mem>>
    %dma_start3A_106 = arith.constant 0 : i32
    %dma_start3A_107 = tpu.memref_slice %arg8[%dma_start3A_98, %dma_start3A_106] : memref<8x80xi32, #tpu.memory_space<vmem>> -> memref<1x80xi32, #tpu.memory_space<vmem>>
    %dma_start3A_108 = tpu.memref_squeeze %dma_start3A_107 : memref<1x80xi32, #tpu.memory_space<vmem>> -> memref<80xi32, #tpu.memory_space<vmem>>
    %dma_start3A_109 = tpu.memref_slice %arg4[%add3A_85] : memref<320000xi32, #tpu.memory_space<hbm>> -> memref<80xi32, #tpu.memory_space<hbm>>
    tpu.enqueue_dma source(%dma_start3A_109 : memref<80xi32, #tpu.memory_space<hbm>>) target(%dma_start3A_108 : memref<80xi32, #tpu.memory_space<vmem>>) target_semaphore(%dma_start3A_105 : memref<!tpu.dma_semaphore, #tpu.memory_space<semaphore_mem>>)
    %add3A_110 = arith.constant 320 : i32
    %add3A_111 = arith.addi %mul3A_2, %add3A_110 : i32
    %dma_start3A_112 = arith.constant 4 : i32
    %dma_start3A_113 = arith.constant 4 : i32
    %dma_start3A_114 = arith.constant 0 : i32
    %dma_start3A_115 = tpu.memref_slice %arg7[%dma_start3A_112, %dma_start3A_114] : memref<8x80xi32, #tpu.memory_space<vmem>> -> memref<1x80xi32, #tpu.memory_space<vmem>>
    %dma_start3A_116 = tpu.memref_squeeze %dma_start3A_115 : memref<1x80xi32, #tpu.memory_space<vmem>> -> memref<80xi32, #tpu.memory_space<vmem>>
    %dma_start3A_117 = tpu.memref_slice %arg3[%add3A_111] : memref<320000xi32, #tpu.memory_space<hbm>> -> memref<80xi32, #tpu.memory_space<hbm>>
    %dma_start3A_118 = tpu.memref_slice %arg11[%dma_start3A_113] : memref<8x!tpu.dma_semaphore, #tpu.memory_space<semaphore_mem>> -> memref<1x!tpu.dma_semaphore, #tpu.memory_space<semaphore_mem>>
    %dma_start3A_119 = tpu.memref_squeeze %dma_start3A_118 : memref<1x!tpu.dma_semaphore, #tpu.memory_space<semaphore_mem>> -> memref<!tpu.dma_semaphore, #tpu.memory_space<semaphore_mem>>
    %dma_start3A_120 = arith.constant 0 : i32
    %dma_start3A_121 = tpu.memref_slice %arg7[%dma_start3A_112, %dma_start3A_120] : memref<8x80xi32, #tpu.memory_space<vmem>> -> memref<1x80xi32, #tpu.memory_space<vmem>>
    %dma_start3A_122 = tpu.memref_squeeze %dma_start3A_121 : memref<1x80xi32, #tpu.memory_space<vmem>> -> memref<80xi32, #tpu.memory_space<vmem>>
    %dma_start3A_123 = tpu.memref_slice %arg3[%add3A_111] : memref<320000xi32, #tpu.memory_space<hbm>> -> memref<80xi32, #tpu.memory_space<hbm>>
    tpu.enqueue_dma source(%dma_start3A_123 : memref<80xi32, #tpu.memory_space<hbm>>) target(%dma_start3A_122 : memref<80xi32, #tpu.memory_space<vmem>>) target_semaphore(%dma_start3A_119 : memref<!tpu.dma_semaphore, #tpu.memory_space<semaphore_mem>>)
    %dma_start3A_124 = arith.constant 4 : i32
    %dma_start3A_125 = arith.constant 4 : i32
    %dma_start3A_126 = arith.constant 0 : i32
    %dma_start3A_127 = tpu.memref_slice %arg8[%dma_start3A_124, %dma_start3A_126] : memref<8x80xi32, #tpu.memory_space<vmem>> -> memref<1x80xi32, #tpu.memory_space<vmem>>
    %dma_start3A_128 = tpu.memref_squeeze %dma_start3A_127 : memref<1x80xi32, #tpu.memory_space<vmem>> -> memref<80xi32, #tpu.memory_space<vmem>>
    %dma_start3A_129 = tpu.memref_slice %arg4[%add3A_111] : memref<320000xi32, #tpu.memory_space<hbm>> -> memref<80xi32, #tpu.memory_space<hbm>>
    %dma_start3A_130 = tpu.memref_slice %arg12[%dma_start3A_125] : memref<8x!tpu.dma_semaphore, #tpu.memory_space<semaphore_mem>> -> memref<1x!tpu.dma_semaphore, #tpu.memory_space<semaphore_mem>>
    %dma_start3A_131 = tpu.memref_squeeze %dma_start3A_130 : memref<1x!tpu.dma_semaphore, #tpu.memory_space<semaphore_mem>> -> memref<!tpu.dma_semaphore, #tpu.memory_space<semaphore_mem>>
    %dma_start3A_132 = arith.constant 0 : i32
    %dma_start3A_133 = tpu.memref_slice %arg8[%dma_start3A_124, %dma_start3A_132] : memref<8x80xi32, #tpu.memory_space<vmem>> -> memref<1x80xi32, #tpu.memory_space<vmem>>
    %dma_start3A_134 = tpu.memref_squeeze %dma_start3A_133 : memref<1x80xi32, #tpu.memory_space<vmem>> -> memref<80xi32, #tpu.memory_space<vmem>>
    %dma_start3A_135 = tpu.memref_slice %arg4[%add3A_111] : memref<320000xi32, #tpu.memory_space<hbm>> -> memref<80xi32, #tpu.memory_space<hbm>>
    tpu.enqueue_dma source(%dma_start3A_135 : memref<80xi32, #tpu.memory_space<hbm>>) target(%dma_start3A_134 : memref<80xi32, #tpu.memory_space<vmem>>) target_semaphore(%dma_start3A_131 : memref<!tpu.dma_semaphore, #tpu.memory_space<semaphore_mem>>)
    %add3A_136 = arith.constant 400 : i32
    %add3A_137 = arith.addi %mul3A_2, %add3A_136 : i32
    %dma_start3A_138 = arith.constant 5 : i32
    %dma_start3A_139 = arith.constant 5 : i32
    %dma_start3A_140 = arith.constant 0 : i32
    %dma_start3A_141 = tpu.memref_slice %arg7[%dma_start3A_138, %dma_start3A_140] : memref<8x80xi32, #tpu.memory_space<vmem>> -> memref<1x80xi32, #tpu.memory_space<vmem>>
    %dma_start3A_142 = tpu.memref_squeeze %dma_start3A_141 : memref<1x80xi32, #tpu.memory_space<vmem>> -> memref<80xi32, #tpu.memory_space<vmem>>
    %dma_start3A_143 = tpu.memref_slice %arg3[%add3A_137] : memref<320000xi32, #tpu.memory_space<hbm>> -> memref<80xi32, #tpu.memory_space<hbm>>
    %dma_start3A_144 = tpu.memref_slice %arg11[%dma_start3A_139] : memref<8x!tpu.dma_semaphore, #tpu.memory_space<semaphore_mem>> -> memref<1x!tpu.dma_semaphore, #tpu.memory_space<semaphore_mem>>
    %dma_start3A_145 = tpu.memref_squeeze %dma_start3A_144 : memref<1x!tpu.dma_semaphore, #tpu.memory_space<semaphore_mem>> -> memref<!tpu.dma_semaphore, #tpu.memory_space<semaphore_mem>>
    %dma_start3A_146 = arith.constant 0 : i32
    %dma_start3A_147 = tpu.memref_slice %arg7[%dma_start3A_138, %dma_start3A_146] : memref<8x80xi32, #tpu.memory_space<vmem>> -> memref<1x80xi32, #tpu.memory_space<vmem>>
    %dma_start3A_148 = tpu.memref_squeeze %dma_start3A_147 : memref<1x80xi32, #tpu.memory_space<vmem>> -> memref<80xi32, #tpu.memory_space<vmem>>
    %dma_start3A_149 = tpu.memref_slice %arg3[%add3A_137] : memref<320000xi32, #tpu.memory_space<hbm>> -> memref<80xi32, #tpu.memory_space<hbm>>
    tpu.enqueue_dma source(%dma_start3A_149 : memref<80xi32, #tpu.memory_space<hbm>>) target(%dma_start3A_148 : memref<80xi32, #tpu.memory_space<vmem>>) target_semaphore(%dma_start3A_145 : memref<!tpu.dma_semaphore, #tpu.memory_space<semaphore_mem>>)
    %dma_start3A_150 = arith.constant 5 : i32
    %dma_start3A_151 = arith.constant 5 : i32
    %dma_start3A_152 = arith.constant 0 : i32
    %dma_start3A_153 = tpu.memref_slice %arg8[%dma_start3A_150, %dma_start3A_152] : memref<8x80xi32, #tpu.memory_space<vmem>> -> memref<1x80xi32, #tpu.memory_space<vmem>>
    %dma_start3A_154 = tpu.memref_squeeze %dma_start3A_153 : memref<1x80xi32, #tpu.memory_space<vmem>> -> memref<80xi32, #tpu.memory_space<vmem>>
    %dma_start3A_155 = tpu.memref_slice %arg4[%add3A_137] : memref<320000xi32, #tpu.memory_space<hbm>> -> memref<80xi32, #tpu.memory_space<hbm>>
    %dma_start3A_156 = tpu.memref_slice %arg12[%dma_start3A_151] : memref<8x!tpu.dma_semaphore, #tpu.memory_space<semaphore_mem>> -> memref<1x!tpu.dma_semaphore, #tpu.memory_space<semaphore_mem>>
    %dma_start3A_157 = tpu.memref_squeeze %dma_start3A_156 : memref<1x!tpu.dma_semaphore, #tpu.memory_space<semaphore_mem>> -> memref<!tpu.dma_semaphore, #tpu.memory_space<semaphore_mem>>
    %dma_start3A_158 = arith.constant 0 : i32
    %dma_start3A_159 = tpu.memref_slice %arg8[%dma_start3A_150, %dma_start3A_158] : memref<8x80xi32, #tpu.memory_space<vmem>> -> memref<1x80xi32, #tpu.memory_space<vmem>>
    %dma_start3A_160 = tpu.memref_squeeze %dma_start3A_159 : memref<1x80xi32, #tpu.memory_space<vmem>> -> memref<80xi32, #tpu.memory_space<vmem>>
    %dma_start3A_161 = tpu.memref_slice %arg4[%add3A_137] : memref<320000xi32, #tpu.memory_space<hbm>> -> memref<80xi32, #tpu.memory_space<hbm>>
    tpu.enqueue_dma source(%dma_start3A_161 : memref<80xi32, #tpu.memory_space<hbm>>) target(%dma_start3A_160 : memref<80xi32, #tpu.memory_space<vmem>>) target_semaphore(%dma_start3A_157 : memref<!tpu.dma_semaphore, #tpu.memory_space<semaphore_mem>>)
    %add3A_162 = arith.constant 480 : i32
    %add3A_163 = arith.addi %mul3A_2, %add3A_162 : i32
    %dma_start3A_164 = arith.constant 6 : i32
    %dma_start3A_165 = arith.constant 6 : i32
    %dma_start3A_166 = arith.constant 0 : i32
    %dma_start3A_167 = tpu.memref_slice %arg7[%dma_start3A_164, %dma_start3A_166] : memref<8x80xi32, #tpu.memory_space<vmem>> -> memref<1x80xi32, #tpu.memory_space<vmem>>
    %dma_start3A_168 = tpu.memref_squeeze %dma_start3A_167 : memref<1x80xi32, #tpu.memory_space<vmem>> -> memref<80xi32, #tpu.memory_space<vmem>>
    %dma_start3A_169 = tpu.memref_slice %arg3[%add3A_163] : memref<320000xi32, #tpu.memory_space<hbm>> -> memref<80xi32, #tpu.memory_space<hbm>>
    %dma_start3A_170 = tpu.memref_slice %arg11[%dma_start3A_165] : memref<8x!tpu.dma_semaphore, #tpu.memory_space<semaphore_mem>> -> memref<1x!tpu.dma_semaphore, #tpu.memory_space<semaphore_mem>>
    %dma_start3A_171 = tpu.memref_squeeze %dma_start3A_170 : memref<1x!tpu.dma_semaphore, #tpu.memory_space<semaphore_mem>> -> memref<!tpu.dma_semaphore, #tpu.memory_space<semaphore_mem>>
    %dma_start3A_172 = arith.constant 0 : i32
    %dma_start3A_173 = tpu.memref_slice %arg7[%dma_start3A_164, %dma_start3A_172] : memref<8x80xi32, #tpu.memory_space<vmem>> -> memref<1x80xi32, #tpu.memory_space<vmem>>
    %dma_start3A_174 = tpu.memref_squeeze %dma_start3A_173 : memref<1x80xi32, #tpu.memory_space<vmem>> -> memref<80xi32, #tpu.memory_space<vmem>>
    %dma_start3A_175 = tpu.memref_slice %arg3[%add3A_163] : memref<320000xi32, #tpu.memory_space<hbm>> -> memref<80xi32, #tpu.memory_space<hbm>>
    tpu.enqueue_dma source(%dma_start3A_175 : memref<80xi32, #tpu.memory_space<hbm>>) target(%dma_start3A_174 : memref<80xi32, #tpu.memory_space<vmem>>) target_semaphore(%dma_start3A_171 : memref<!tpu.dma_semaphore, #tpu.memory_space<semaphore_mem>>)
    %dma_start3A_176 = arith.constant 6 : i32
    %dma_start3A_177 = arith.constant 6 : i32
    %dma_start3A_178 = arith.constant 0 : i32
    %dma_start3A_179 = tpu.memref_slice %arg8[%dma_start3A_176, %dma_start3A_178] : memref<8x80xi32, #tpu.memory_space<vmem>> -> memref<1x80xi32, #tpu.memory_space<vmem>>
    %dma_start3A_180 = tpu.memref_squeeze %dma_start3A_179 : memref<1x80xi32, #tpu.memory_space<vmem>> -> memref<80xi32, #tpu.memory_space<vmem>>
    %dma_start3A_181 = tpu.memref_slice %arg4[%add3A_163] : memref<320000xi32, #tpu.memory_space<hbm>> -> memref<80xi32, #tpu.memory_space<hbm>>
    %dma_start3A_182 = tpu.memref_slice %arg12[%dma_start3A_177] : memref<8x!tpu.dma_semaphore, #tpu.memory_space<semaphore_mem>> -> memref<1x!tpu.dma_semaphore, #tpu.memory_space<semaphore_mem>>
    %dma_start3A_183 = tpu.memref_squeeze %dma_start3A_182 : memref<1x!tpu.dma_semaphore, #tpu.memory_space<semaphore_mem>> -> memref<!tpu.dma_semaphore, #tpu.memory_space<semaphore_mem>>
    %dma_start3A_184 = arith.constant 0 : i32
    %dma_start3A_185 = tpu.memref_slice %arg8[%dma_start3A_176, %dma_start3A_184] : memref<8x80xi32, #tpu.memory_space<vmem>> -> memref<1x80xi32, #tpu.memory_space<vmem>>
    %dma_start3A_186 = tpu.memref_squeeze %dma_start3A_185 : memref<1x80xi32, #tpu.memory_space<vmem>> -> memref<80xi32, #tpu.memory_space<vmem>>
    %dma_start3A_187 = tpu.memref_slice %arg4[%add3A_163] : memref<320000xi32, #tpu.memory_space<hbm>> -> memref<80xi32, #tpu.memory_space<hbm>>
    tpu.enqueue_dma source(%dma_start3A_187 : memref<80xi32, #tpu.memory_space<hbm>>) target(%dma_start3A_186 : memref<80xi32, #tpu.memory_space<vmem>>) target_semaphore(%dma_start3A_183 : memref<!tpu.dma_semaphore, #tpu.memory_space<semaphore_mem>>)
    %add3A_188 = arith.constant 560 : i32
    %add3A_189 = arith.addi %mul3A_2, %add3A_188 : i32
    %dma_start3A_190 = arith.constant 7 : i32
    %dma_start3A_191 = arith.constant 7 : i32
    %dma_start3A_192 = arith.constant 0 : i32
    %dma_start3A_193 = tpu.memref_slice %arg7[%dma_start3A_190, %dma_start3A_192] : memref<8x80xi32, #tpu.memory_space<vmem>> -> memref<1x80xi32, #tpu.memory_space<vmem>>
    %dma_start3A_194 = tpu.memref_squeeze %dma_start3A_193 : memref<1x80xi32, #tpu.memory_space<vmem>> -> memref<80xi32, #tpu.memory_space<vmem>>
    %dma_start3A_195 = tpu.memref_slice %arg3[%add3A_189] : memref<320000xi32, #tpu.memory_space<hbm>> -> memref<80xi32, #tpu.memory_space<hbm>>
    %dma_start3A_196 = tpu.memref_slice %arg11[%dma_start3A_191] : memref<8x!tpu.dma_semaphore, #tpu.memory_space<semaphore_mem>> -> memref<1x!tpu.dma_semaphore, #tpu.memory_space<semaphore_mem>>
    %dma_start3A_197 = tpu.memref_squeeze %dma_start3A_196 : memref<1x!tpu.dma_semaphore, #tpu.memory_space<semaphore_mem>> -> memref<!tpu.dma_semaphore, #tpu.memory_space<semaphore_mem>>
    %dma_start3A_198 = arith.constant 0 : i32
    %dma_start3A_199 = tpu.memref_slice %arg7[%dma_start3A_190, %dma_start3A_198] : memref<8x80xi32, #tpu.memory_space<vmem>> -> memref<1x80xi32, #tpu.memory_space<vmem>>
    %dma_start3A_200 = tpu.memref_squeeze %dma_start3A_199 : memref<1x80xi32, #tpu.memory_space<vmem>> -> memref<80xi32, #tpu.memory_space<vmem>>
    %dma_start3A_201 = tpu.memref_slice %arg3[%add3A_189] : memref<320000xi32, #tpu.memory_space<hbm>> -> memref<80xi32, #tpu.memory_space<hbm>>
    tpu.enqueue_dma source(%dma_start3A_201 : memref<80xi32, #tpu.memory_space<hbm>>) target(%dma_start3A_200 : memref<80xi32, #tpu.memory_space<vmem>>) target_semaphore(%dma_start3A_197 : memref<!tpu.dma_semaphore, #tpu.memory_space<semaphore_mem>>)
    %dma_start3A_202 = arith.constant 7 : i32
    %dma_start3A_203 = arith.constant 7 : i32
    %dma_start3A_204 = arith.constant 0 : i32
    %dma_start3A_205 = tpu.memref_slice %arg8[%dma_start3A_202, %dma_start3A_204] : memref<8x80xi32, #tpu.memory_space<vmem>> -> memref<1x80xi32, #tpu.memory_space<vmem>>
    %dma_start3A_206 = tpu.memref_squeeze %dma_start3A_205 : memref<1x80xi32, #tpu.memory_space<vmem>> -> memref<80xi32, #tpu.memory_space<vmem>>
    %dma_start3A_207 = tpu.memref_slice %arg4[%add3A_189] : memref<320000xi32, #tpu.memory_space<hbm>> -> memref<80xi32, #tpu.memory_space<hbm>>
    %dma_start3A_208 = tpu.memref_slice %arg12[%dma_start3A_203] : memref<8x!tpu.dma_semaphore, #tpu.memory_space<semaphore_mem>> -> memref<1x!tpu.dma_semaphore, #tpu.memory_space<semaphore_mem>>
    %dma_start3A_209 = tpu.memref_squeeze %dma_start3A_208 : memref<1x!tpu.dma_semaphore, #tpu.memory_space<semaphore_mem>> -> memref<!tpu.dma_semaphore, #tpu.memory_space<semaphore_mem>>
    %dma_start3A_210 = arith.constant 0 : i32
    %dma_start3A_211 = tpu.memref_slice %arg8[%dma_start3A_202, %dma_start3A_210] : memref<8x80xi32, #tpu.memory_space<vmem>> -> memref<1x80xi32, #tpu.memory_space<vmem>>
    %dma_start3A_212 = tpu.memref_squeeze %dma_start3A_211 : memref<1x80xi32, #tpu.memory_space<vmem>> -> memref<80xi32, #tpu.memory_space<vmem>>
    %dma_start3A_213 = tpu.memref_slice %arg4[%add3A_189] : memref<320000xi32, #tpu.memory_space<hbm>> -> memref<80xi32, #tpu.memory_space<hbm>>
    tpu.enqueue_dma source(%dma_start3A_213 : memref<80xi32, #tpu.memory_space<hbm>>) target(%dma_start3A_212 : memref<80xi32, #tpu.memory_space<vmem>>) target_semaphore(%dma_start3A_209 : memref<!tpu.dma_semaphore, #tpu.memory_space<semaphore_mem>>)
    %dma_wait3A = arith.constant 0 : i32
    %dma_wait3A_214 = arith.constant 0 : i32
    %dma_wait3A_215 = arith.constant 0 : i32
    %dma_wait3A_216 = tpu.memref_slice %arg7[%dma_wait3A, %dma_wait3A_215] : memref<8x80xi32, #tpu.memory_space<vmem>> -> memref<1x80xi32, #tpu.memory_space<vmem>>
    %dma_wait3A_217 = tpu.memref_squeeze %dma_wait3A_216 : memref<1x80xi32, #tpu.memory_space<vmem>> -> memref<80xi32, #tpu.memory_space<vmem>>
    %dma_wait3A_218 = tpu.memref_slice %arg3[%mul3A_2] : memref<320000xi32, #tpu.memory_space<hbm>> -> memref<80xi32, #tpu.memory_space<hbm>>
    %dma_wait3A_219 = tpu.memref_slice %arg11[%dma_wait3A_214] : memref<8x!tpu.dma_semaphore, #tpu.memory_space<semaphore_mem>> -> memref<1x!tpu.dma_semaphore, #tpu.memory_space<semaphore_mem>>
    %dma_wait3A_220 = tpu.memref_squeeze %dma_wait3A_219 : memref<1x!tpu.dma_semaphore, #tpu.memory_space<semaphore_mem>> -> memref<!tpu.dma_semaphore, #tpu.memory_space<semaphore_mem>>
    %dma_wait3A_221 = arith.constant 0 : i32
    %dma_wait3A_222 = tpu.memref_slice %arg7[%dma_wait3A, %dma_wait3A_221] : memref<8x80xi32, #tpu.memory_space<vmem>> -> memref<1x80xi32, #tpu.memory_space<vmem>>
    %dma_wait3A_223 = tpu.memref_squeeze %dma_wait3A_222 : memref<1x80xi32, #tpu.memory_space<vmem>> -> memref<80xi32, #tpu.memory_space<vmem>>
    %dma_wait3A_224 = tpu.memref_slice %arg3[%mul3A_2] : memref<320000xi32, #tpu.memory_space<hbm>> -> memref<80xi32, #tpu.memory_space<hbm>>
    tpu.wait_dma2 semaphore(%dma_wait3A_220 : memref<!tpu.dma_semaphore, #tpu.memory_space<semaphore_mem>>) src(%dma_wait3A_224 : memref<80xi32, #tpu.memory_space<hbm>>) dst(%dma_wait3A_223 : memref<80xi32, #tpu.memory_space<vmem>>)
    %dma_wait3A_225 = arith.constant 0 : i32
    %dma_wait3A_226 = arith.constant 0 : i32
    %dma_wait3A_227 = arith.constant 0 : i32
    %dma_wait3A_228 = tpu.memref_slice %arg8[%dma_wait3A_225, %dma_wait3A_227] : memref<8x80xi32, #tpu.memory_space<vmem>> -> memref<1x80xi32, #tpu.memory_space<vmem>>
    %dma_wait3A_229 = tpu.memref_squeeze %dma_wait3A_228 : memref<1x80xi32, #tpu.memory_space<vmem>> -> memref<80xi32, #tpu.memory_space<vmem>>
    %dma_wait3A_230 = tpu.memref_slice %arg4[%mul3A_2] : memref<320000xi32, #tpu.memory_space<hbm>> -> memref<80xi32, #tpu.memory_space<hbm>>
    %dma_wait3A_231 = tpu.memref_slice %arg12[%dma_wait3A_226] : memref<8x!tpu.dma_semaphore, #tpu.memory_space<semaphore_mem>> -> memref<1x!tpu.dma_semaphore, #tpu.memory_space<semaphore_mem>>
    %dma_wait3A_232 = tpu.memref_squeeze %dma_wait3A_231 : memref<1x!tpu.dma_semaphore, #tpu.memory_space<semaphore_mem>> -> memref<!tpu.dma_semaphore, #tpu.memory_space<semaphore_mem>>
    %dma_wait3A_233 = arith.constant 0 : i32
    %dma_wait3A_234 = tpu.memref_slice %arg8[%dma_wait3A_225, %dma_wait3A_233] : memref<8x80xi32, #tpu.memory_space<vmem>> -> memref<1x80xi32, #tpu.memory_space<vmem>>
    %dma_wait3A_235 = tpu.memref_squeeze %dma_wait3A_234 : memref<1x80xi32, #tpu.memory_space<vmem>> -> memref<80xi32, #tpu.memory_space<vmem>>
    %dma_wait3A_236 = tpu.memref_slice %arg4[%mul3A_2] : memref<320000xi32, #tpu.memory_space<hbm>> -> memref<80xi32, #tpu.memory_space<hbm>>
    tpu.wait_dma2 semaphore(%dma_wait3A_232 : memref<!tpu.dma_semaphore, #tpu.memory_space<semaphore_mem>>) src(%dma_wait3A_236 : memref<80xi32, #tpu.memory_space<hbm>>) dst(%dma_wait3A_235 : memref<80xi32, #tpu.memory_space<vmem>>)
    %dma_start3A_237 = arith.constant 0 : i32
    %dma_start3A_238 = arith.constant 0 : i32
    %dma_start3A_239 = arith.constant 0 : i32
    %dma_start3A_240 = arith.constant 0 : i32
    %dma_start3A_241 = arith.constant 0 : i32
    %dma_start3A_242 = tpu.memref_slice %arg9[%dma_start3A_238, %dma_start3A_240, %dma_start3A_241] : memref<4x80x128xf32, #tpu.memory_space<vmem>> -> memref<1x80x128xf32, #tpu.memory_space<vmem>>
    %dma_start3A_243 = tpu.memref_squeeze %dma_start3A_242 : memref<1x80x128xf32, #tpu.memory_space<vmem>> -> memref<80x128xf32, #tpu.memory_space<vmem>>
    %dma_start3A_244 = arith.constant 0 : i32
    %dma_start3A_245 = tpu.memref_slice %arg7[%dma_start3A_237, %dma_start3A_244] : memref<8x80xi32, #tpu.memory_space<vmem>> -> memref<1x80xi32, #tpu.memory_space<vmem>>
    %dma_start3A_246 = tpu.memref_squeeze %dma_start3A_245 : memref<1x80xi32, #tpu.memory_space<vmem>> -> memref<80xi32, #tpu.memory_space<vmem>>
    %dma_start3A_247 = arith.constant 0 : i32
    %dma_start3A_248 = arith.constant 0 : i32
    %dma_start3A_249 = tpu.memref_slice %arg2[%dma_start3A_247, %dma_start3A_248] : memref<10240x128xf32, #tpu.memory_space<hbm>> -> memref<10240x128xf32, #tpu.memory_space<hbm>>
    %dma_start3A_250 = tpu.memref_slice %arg13[%dma_start3A_239] : memref<4x!tpu.dma_semaphore, #tpu.memory_space<semaphore_mem>> -> memref<1x!tpu.dma_semaphore, #tpu.memory_space<semaphore_mem>>
    %dma_start3A_251 = tpu.memref_squeeze %dma_start3A_250 : memref<1x!tpu.dma_semaphore, #tpu.memory_space<semaphore_mem>> -> memref<!tpu.dma_semaphore, #tpu.memory_space<semaphore_mem>>
    tpu.enqueue_indirect_dma source(%dma_start3A_249 : memref<10240x128xf32, #tpu.memory_space<hbm>>) target(%dma_start3A_243 : memref<80x128xf32, #tpu.memory_space<vmem>>) offsets(%dma_start3A_246 : memref<80xi32, #tpu.memory_space<vmem>>) semaphore(%dma_start3A_251 : memref<!tpu.dma_semaphore, #tpu.memory_space<semaphore_mem>>)
    %dma_wait3A_252 = arith.constant 1 : i32
    %dma_wait3A_253 = arith.constant 1 : i32
    %dma_wait3A_254 = arith.constant 0 : i32
    %dma_wait3A_255 = tpu.memref_slice %arg7[%dma_wait3A_252, %dma_wait3A_254] : memref<8x80xi32, #tpu.memory_space<vmem>> -> memref<1x80xi32, #tpu.memory_space<vmem>>
    %dma_wait3A_256 = tpu.memref_squeeze %dma_wait3A_255 : memref<1x80xi32, #tpu.memory_space<vmem>> -> memref<80xi32, #tpu.memory_space<vmem>>
    %dma_wait3A_257 = tpu.memref_slice %arg3[%mul3A_2] : memref<320000xi32, #tpu.memory_space<hbm>> -> memref<80xi32, #tpu.memory_space<hbm>>
    %dma_wait3A_258 = tpu.memref_slice %arg11[%dma_wait3A_253] : memref<8x!tpu.dma_semaphore, #tpu.memory_space<semaphore_mem>> -> memref<1x!tpu.dma_semaphore, #tpu.memory_space<semaphore_mem>>
    %dma_wait3A_259 = tpu.memref_squeeze %dma_wait3A_258 : memref<1x!tpu.dma_semaphore, #tpu.memory_space<semaphore_mem>> -> memref<!tpu.dma_semaphore, #tpu.memory_space<semaphore_mem>>
    %dma_wait3A_260 = arith.constant 0 : i32
    %dma_wait3A_261 = tpu.memref_slice %arg7[%dma_wait3A_252, %dma_wait3A_260] : memref<8x80xi32, #tpu.memory_space<vmem>> -> memref<1x80xi32, #tpu.memory_space<vmem>>
    %dma_wait3A_262 = tpu.memref_squeeze %dma_wait3A_261 : memref<1x80xi32, #tpu.memory_space<vmem>> -> memref<80xi32, #tpu.memory_space<vmem>>
    %dma_wait3A_263 = tpu.memref_slice %arg3[%mul3A_2] : memref<320000xi32, #tpu.memory_space<hbm>> -> memref<80xi32, #tpu.memory_space<hbm>>
    tpu.wait_dma2 semaphore(%dma_wait3A_259 : memref<!tpu.dma_semaphore, #tpu.memory_space<semaphore_mem>>) src(%dma_wait3A_263 : memref<80xi32, #tpu.memory_space<hbm>>) dst(%dma_wait3A_262 : memref<80xi32, #tpu.memory_space<vmem>>)
    %dma_wait3A_264 = arith.constant 1 : i32
    %dma_wait3A_265 = arith.constant 1 : i32
    %dma_wait3A_266 = arith.constant 0 : i32
    %dma_wait3A_267 = tpu.memref_slice %arg8[%dma_wait3A_264, %dma_wait3A_266] : memref<8x80xi32, #tpu.memory_space<vmem>> -> memref<1x80xi32, #tpu.memory_space<vmem>>
    %dma_wait3A_268 = tpu.memref_squeeze %dma_wait3A_267 : memref<1x80xi32, #tpu.memory_space<vmem>> -> memref<80xi32, #tpu.memory_space<vmem>>
    %dma_wait3A_269 = tpu.memref_slice %arg4[%mul3A_2] : memref<320000xi32, #tpu.memory_space<hbm>> -> memref<80xi32, #tpu.memory_space<hbm>>
    %dma_wait3A_270 = tpu.memref_slice %arg12[%dma_wait3A_265] : memref<8x!tpu.dma_semaphore, #tpu.memory_space<semaphore_mem>> -> memref<1x!tpu.dma_semaphore, #tpu.memory_space<semaphore_mem>>
    %dma_wait3A_271 = tpu.memref_squeeze %dma_wait3A_270 : memref<1x!tpu.dma_semaphore, #tpu.memory_space<semaphore_mem>> -> memref<!tpu.dma_semaphore, #tpu.memory_space<semaphore_mem>>
    %dma_wait3A_272 = arith.constant 0 : i32
    %dma_wait3A_273 = tpu.memref_slice %arg8[%dma_wait3A_264, %dma_wait3A_272] : memref<8x80xi32, #tpu.memory_space<vmem>> -> memref<1x80xi32, #tpu.memory_space<vmem>>
    %dma_wait3A_274 = tpu.memref_squeeze %dma_wait3A_273 : memref<1x80xi32, #tpu.memory_space<vmem>> -> memref<80xi32, #tpu.memory_space<vmem>>
    %dma_wait3A_275 = tpu.memref_slice %arg4[%mul3A_2] : memref<320000xi32, #tpu.memory_space<hbm>> -> memref<80xi32, #tpu.memory_space<hbm>>
    tpu.wait_dma2 semaphore(%dma_wait3A_271 : memref<!tpu.dma_semaphore, #tpu.memory_space<semaphore_mem>>) src(%dma_wait3A_275 : memref<80xi32, #tpu.memory_space<hbm>>) dst(%dma_wait3A_274 : memref<80xi32, #tpu.memory_space<vmem>>)
    %dma_start3A_276 = arith.constant 1 : i32
    %dma_start3A_277 = arith.constant 1 : i32
    %dma_start3A_278 = arith.constant 1 : i32
    %dma_start3A_279 = arith.constant 0 : i32
    %dma_start3A_280 = arith.constant 0 : i32
    %dma_start3A_281 = tpu.memref_slice %arg9[%dma_start3A_277, %dma_start3A_279, %dma_start3A_280] : memref<4x80x128xf32, #tpu.memory_space<vmem>> -> memref<1x80x128xf32, #tpu.memory_space<vmem>>
    %dma_start3A_282 = tpu.memref_squeeze %dma_start3A_281 : memref<1x80x128xf32, #tpu.memory_space<vmem>> -> memref<80x128xf32, #tpu.memory_space<vmem>>
    %dma_start3A_283 = arith.constant 0 : i32
    %dma_start3A_284 = tpu.memref_slice %arg7[%dma_start3A_276, %dma_start3A_283] : memref<8x80xi32, #tpu.memory_space<vmem>> -> memref<1x80xi32, #tpu.memory_space<vmem>>
    %dma_start3A_285 = tpu.memref_squeeze %dma_start3A_284 : memref<1x80xi32, #tpu.memory_space<vmem>> -> memref<80xi32, #tpu.memory_space<vmem>>
    %dma_start3A_286 = arith.constant 0 : i32
    %dma_start3A_287 = arith.constant 0 : i32
    %dma_start3A_288 = tpu.memref_slice %arg2[%dma_start3A_286, %dma_start3A_287] : memref<10240x128xf32, #tpu.memory_space<hbm>> -> memref<10240x128xf32, #tpu.memory_space<hbm>>
    %dma_start3A_289 = tpu.memref_slice %arg13[%dma_start3A_278] : memref<4x!tpu.dma_semaphore, #tpu.memory_space<semaphore_mem>> -> memref<1x!tpu.dma_semaphore, #tpu.memory_space<semaphore_mem>>
    %dma_start3A_290 = tpu.memref_squeeze %dma_start3A_289 : memref<1x!tpu.dma_semaphore, #tpu.memory_space<semaphore_mem>> -> memref<!tpu.dma_semaphore, #tpu.memory_space<semaphore_mem>>
    tpu.enqueue_indirect_dma source(%dma_start3A_288 : memref<10240x128xf32, #tpu.memory_space<hbm>>) target(%dma_start3A_282 : memref<80x128xf32, #tpu.memory_space<vmem>>) offsets(%dma_start3A_285 : memref<80xi32, #tpu.memory_space<vmem>>) semaphore(%dma_start3A_290 : memref<!tpu.dma_semaphore, #tpu.memory_space<semaphore_mem>>)
    %dma_wait3A_291 = arith.constant 2 : i32
    %dma_wait3A_292 = arith.constant 2 : i32
    %dma_wait3A_293 = arith.constant 0 : i32
    %dma_wait3A_294 = tpu.memref_slice %arg7[%dma_wait3A_291, %dma_wait3A_293] : memref<8x80xi32, #tpu.memory_space<vmem>> -> memref<1x80xi32, #tpu.memory_space<vmem>>
    %dma_wait3A_295 = tpu.memref_squeeze %dma_wait3A_294 : memref<1x80xi32, #tpu.memory_space<vmem>> -> memref<80xi32, #tpu.memory_space<vmem>>
    %dma_wait3A_296 = tpu.memref_slice %arg3[%mul3A_2] : memref<320000xi32, #tpu.memory_space<hbm>> -> memref<80xi32, #tpu.memory_space<hbm>>
    %dma_wait3A_297 = tpu.memref_slice %arg11[%dma_wait3A_292] : memref<8x!tpu.dma_semaphore, #tpu.memory_space<semaphore_mem>> -> memref<1x!tpu.dma_semaphore, #tpu.memory_space<semaphore_mem>>
    %dma_wait3A_298 = tpu.memref_squeeze %dma_wait3A_297 : memref<1x!tpu.dma_semaphore, #tpu.memory_space<semaphore_mem>> -> memref<!tpu.dma_semaphore, #tpu.memory_space<semaphore_mem>>
    %dma_wait3A_299 = arith.constant 0 : i32
    %dma_wait3A_300 = tpu.memref_slice %arg7[%dma_wait3A_291, %dma_wait3A_299] : memref<8x80xi32, #tpu.memory_space<vmem>> -> memref<1x80xi32, #tpu.memory_space<vmem>>
    %dma_wait3A_301 = tpu.memref_squeeze %dma_wait3A_300 : memref<1x80xi32, #tpu.memory_space<vmem>> -> memref<80xi32, #tpu.memory_space<vmem>>
    %dma_wait3A_302 = tpu.memref_slice %arg3[%mul3A_2] : memref<320000xi32, #tpu.memory_space<hbm>> -> memref<80xi32, #tpu.memory_space<hbm>>
    tpu.wait_dma2 semaphore(%dma_wait3A_298 : memref<!tpu.dma_semaphore, #tpu.memory_space<semaphore_mem>>) src(%dma_wait3A_302 : memref<80xi32, #tpu.memory_space<hbm>>) dst(%dma_wait3A_301 : memref<80xi32, #tpu.memory_space<vmem>>)
    %dma_wait3A_303 = arith.constant 2 : i32
    %dma_wait3A_304 = arith.constant 2 : i32
    %dma_wait3A_305 = arith.constant 0 : i32
    %dma_wait3A_306 = tpu.memref_slice %arg8[%dma_wait3A_303, %dma_wait3A_305] : memref<8x80xi32, #tpu.memory_space<vmem>> -> memref<1x80xi32, #tpu.memory_space<vmem>>
    %dma_wait3A_307 = tpu.memref_squeeze %dma_wait3A_306 : memref<1x80xi32, #tpu.memory_space<vmem>> -> memref<80xi32, #tpu.memory_space<vmem>>
    %dma_wait3A_308 = tpu.memref_slice %arg4[%mul3A_2] : memref<320000xi32, #tpu.memory_space<hbm>> -> memref<80xi32, #tpu.memory_space<hbm>>
    %dma_wait3A_309 = tpu.memref_slice %arg12[%dma_wait3A_304] : memref<8x!tpu.dma_semaphore, #tpu.memory_space<semaphore_mem>> -> memref<1x!tpu.dma_semaphore, #tpu.memory_space<semaphore_mem>>
    %dma_wait3A_310 = tpu.memref_squeeze %dma_wait3A_309 : memref<1x!tpu.dma_semaphore, #tpu.memory_space<semaphore_mem>> -> memref<!tpu.dma_semaphore, #tpu.memory_space<semaphore_mem>>
    %dma_wait3A_311 = arith.constant 0 : i32
    %dma_wait3A_312 = tpu.memref_slice %arg8[%dma_wait3A_303, %dma_wait3A_311] : memref<8x80xi32, #tpu.memory_space<vmem>> -> memref<1x80xi32, #tpu.memory_space<vmem>>
    %dma_wait3A_313 = tpu.memref_squeeze %dma_wait3A_312 : memref<1x80xi32, #tpu.memory_space<vmem>> -> memref<80xi32, #tpu.memory_space<vmem>>
    %dma_wait3A_314 = tpu.memref_slice %arg4[%mul3A_2] : memref<320000xi32, #tpu.memory_space<hbm>> -> memref<80xi32, #tpu.memory_space<hbm>>
    tpu.wait_dma2 semaphore(%dma_wait3A_310 : memref<!tpu.dma_semaphore, #tpu.memory_space<semaphore_mem>>) src(%dma_wait3A_314 : memref<80xi32, #tpu.memory_space<hbm>>) dst(%dma_wait3A_313 : memref<80xi32, #tpu.memory_space<vmem>>)
    %dma_start3A_315 = arith.constant 2 : i32
    %dma_start3A_316 = arith.constant 2 : i32
    %dma_start3A_317 = arith.constant 2 : i32
    %dma_start3A_318 = arith.constant 0 : i32
    %dma_start3A_319 = arith.constant 0 : i32
    %dma_start3A_320 = tpu.memref_slice %arg9[%dma_start3A_316, %dma_start3A_318, %dma_start3A_319] : memref<4x80x128xf32, #tpu.memory_space<vmem>> -> memref<1x80x128xf32, #tpu.memory_space<vmem>>
    %dma_start3A_321 = tpu.memref_squeeze %dma_start3A_320 : memref<1x80x128xf32, #tpu.memory_space<vmem>> -> memref<80x128xf32, #tpu.memory_space<vmem>>
    %dma_start3A_322 = arith.constant 0 : i32
    %dma_start3A_323 = tpu.memref_slice %arg7[%dma_start3A_315, %dma_start3A_322] : memref<8x80xi32, #tpu.memory_space<vmem>> -> memref<1x80xi32, #tpu.memory_space<vmem>>
    %dma_start3A_324 = tpu.memref_squeeze %dma_start3A_323 : memref<1x80xi32, #tpu.memory_space<vmem>> -> memref<80xi32, #tpu.memory_space<vmem>>
    %dma_start3A_325 = arith.constant 0 : i32
    %dma_start3A_326 = arith.constant 0 : i32
    %dma_start3A_327 = tpu.memref_slice %arg2[%dma_start3A_325, %dma_start3A_326] : memref<10240x128xf32, #tpu.memory_space<hbm>> -> memref<10240x128xf32, #tpu.memory_space<hbm>>
    %dma_start3A_328 = tpu.memref_slice %arg13[%dma_start3A_317] : memref<4x!tpu.dma_semaphore, #tpu.memory_space<semaphore_mem>> -> memref<1x!tpu.dma_semaphore, #tpu.memory_space<semaphore_mem>>
    %dma_start3A_329 = tpu.memref_squeeze %dma_start3A_328 : memref<1x!tpu.dma_semaphore, #tpu.memory_space<semaphore_mem>> -> memref<!tpu.dma_semaphore, #tpu.memory_space<semaphore_mem>>
    tpu.enqueue_indirect_dma source(%dma_start3A_327 : memref<10240x128xf32, #tpu.memory_space<hbm>>) target(%dma_start3A_321 : memref<80x128xf32, #tpu.memory_space<vmem>>) offsets(%dma_start3A_324 : memref<80xi32, #tpu.memory_space<vmem>>) semaphore(%dma_start3A_329 : memref<!tpu.dma_semaphore, #tpu.memory_space<semaphore_mem>>)
    %scan3A_330 = arith.constant 0 : i32
    %scan3A_331 = arith.constant 15 : i32
    %scan3A_332 = arith.addi %scan3A_330, %scan3A_331 : i32
    %scan3A_333 = arith.constant 1 : i32
    scf.for %scan3A_502 = %scan3A_330 to %scan3A_332 step %scan3A_333  : i32 {
      %mul3A_503 = arith.constant 8 : i32
      %mul3A_504 = arith.muli %scan3A_502, %mul3A_503 : i32
      %add3A_505 = arith.constant 0 : i32
      %add3A_506 = arith.addi %add3A_505, %mul3A_504 : i32
      %add3A_507 = arith.constant 0 : i32
      %add3A_508 = arith.addi %add3A_506, %add3A_507 : i32
      %add3A_509 = arith.constant 0 : i32
      %add3A_510 = arith.addi %add3A_506, %add3A_509 : i32
      %add3A_511 = arith.constant 8 : i32
      %add3A_512 = arith.addi %add3A_510, %add3A_511 : i32
      %lt3A = arith.constant 125 : i32
      %lt3A_513 = arith.cmpi slt, %add3A_512, %lt3A : i32
      %dma_wait3A_514 = arith.constant 0 : i32
      %dma_wait3A_515 = arith.constant 0 : i32
      %dma_wait3A_516 = arith.constant 0 : i32
      %dma_wait3A_517 = arith.constant 0 : i32
      %dma_wait3A_518 = arith.constant 0 : i32
      %dma_wait3A_519 = tpu.memref_slice %arg9[%dma_wait3A_515, %dma_wait3A_517, %dma_wait3A_518] : memref<4x80x128xf32, #tpu.memory_space<vmem>> -> memref<1x80x128xf32, #tpu.memory_space<vmem>>
      %dma_wait3A_520 = tpu.memref_squeeze %dma_wait3A_519 : memref<1x80x128xf32, #tpu.memory_space<vmem>> -> memref<80x128xf32, #tpu.memory_space<vmem>>
      %dma_wait3A_521 = arith.constant 0 : i32
      %dma_wait3A_522 = tpu.memref_slice %arg7[%dma_wait3A_514, %dma_wait3A_521] : memref<8x80xi32, #tpu.memory_space<vmem>> -> memref<1x80xi32, #tpu.memory_space<vmem>>
      %dma_wait3A_523 = tpu.memref_squeeze %dma_wait3A_522 : memref<1x80xi32, #tpu.memory_space<vmem>> -> memref<80xi32, #tpu.memory_space<vmem>>
      %dma_wait3A_524 = arith.constant 0 : i32
      %dma_wait3A_525 = arith.constant 0 : i32
      %dma_wait3A_526 = tpu.memref_slice %arg2[%dma_wait3A_524, %dma_wait3A_525] : memref<10240x128xf32, #tpu.memory_space<hbm>> -> memref<10240x128xf32, #tpu.memory_space<hbm>>
      %dma_wait3A_527 = tpu.memref_slice %arg13[%dma_wait3A_516] : memref<4x!tpu.dma_semaphore, #tpu.memory_space<semaphore_mem>> -> memref<1x!tpu.dma_semaphore, #tpu.memory_space<semaphore_mem>>
      %dma_wait3A_528 = tpu.memref_squeeze %dma_wait3A_527 : memref<1x!tpu.dma_semaphore, #tpu.memory_space<semaphore_mem>> -> memref<!tpu.dma_semaphore, #tpu.memory_space<semaphore_mem>>
      tpu.wait_indirect_dma semaphore(%dma_wait3A_528 : memref<!tpu.dma_semaphore, #tpu.memory_space<semaphore_mem>>) src(%dma_wait3A_526 : memref<10240x128xf32, #tpu.memory_space<hbm>>) dst(%dma_wait3A_520 : memref<80x128xf32, #tpu.memory_space<vmem>>)
      %dma_wait3A_529 = arith.constant 3 : i32
      %dma_wait3A_530 = arith.constant 3 : i32
      %dma_wait3A_531 = arith.constant 0 : i32
      %dma_wait3A_532 = tpu.memref_slice %arg7[%dma_wait3A_529, %dma_wait3A_531] : memref<8x80xi32, #tpu.memory_space<vmem>> -> memref<1x80xi32, #tpu.memory_space<vmem>>
      %dma_wait3A_533 = tpu.memref_squeeze %dma_wait3A_532 : memref<1x80xi32, #tpu.memory_space<vmem>> -> memref<80xi32, #tpu.memory_space<vmem>>
      %dma_wait3A_534 = tpu.memref_slice %arg3[%mul3A_2] : memref<320000xi32, #tpu.memory_space<hbm>> -> memref<80xi32, #tpu.memory_space<hbm>>
      %dma_wait3A_535 = tpu.memref_slice %arg11[%dma_wait3A_530] : memref<8x!tpu.dma_semaphore, #tpu.memory_space<semaphore_mem>> -> memref<1x!tpu.dma_semaphore, #tpu.memory_space<semaphore_mem>>
      %dma_wait3A_536 = tpu.memref_squeeze %dma_wait3A_535 : memref<1x!tpu.dma_semaphore, #tpu.memory_space<semaphore_mem>> -> memref<!tpu.dma_semaphore, #tpu.memory_space<semaphore_mem>>
      %dma_wait3A_537 = arith.constant 0 : i32
      %dma_wait3A_538 = tpu.memref_slice %arg7[%dma_wait3A_529, %dma_wait3A_537] : memref<8x80xi32, #tpu.memory_space<vmem>> -> memref<1x80xi32, #tpu.memory_space<vmem>>
      %dma_wait3A_539 = tpu.memref_squeeze %dma_wait3A_538 : memref<1x80xi32, #tpu.memory_space<vmem>> -> memref<80xi32, #tpu.memory_space<vmem>>
      %dma_wait3A_540 = tpu.memref_slice %arg3[%mul3A_2] : memref<320000xi32, #tpu.memory_space<hbm>> -> memref<80xi32, #tpu.memory_space<hbm>>
      tpu.wait_dma2 semaphore(%dma_wait3A_536 : memref<!tpu.dma_semaphore, #tpu.memory_space<semaphore_mem>>) src(%dma_wait3A_540 : memref<80xi32, #tpu.memory_space<hbm>>) dst(%dma_wait3A_539 : memref<80xi32, #tpu.memory_space<vmem>>)
      %dma_wait3A_541 = arith.constant 3 : i32
      %dma_wait3A_542 = arith.constant 3 : i32
      %dma_wait3A_543 = arith.constant 0 : i32
      %dma_wait3A_544 = tpu.memref_slice %arg8[%dma_wait3A_541, %dma_wait3A_543] : memref<8x80xi32, #tpu.memory_space<vmem>> -> memref<1x80xi32, #tpu.memory_space<vmem>>
      %dma_wait3A_545 = tpu.memref_squeeze %dma_wait3A_544 : memref<1x80xi32, #tpu.memory_space<vmem>> -> memref<80xi32, #tpu.memory_space<vmem>>
      %dma_wait3A_546 = tpu.memref_slice %arg4[%mul3A_2] : memref<320000xi32, #tpu.memory_space<hbm>> -> memref<80xi32, #tpu.memory_space<hbm>>
      %dma_wait3A_547 = tpu.memref_slice %arg12[%dma_wait3A_542] : memref<8x!tpu.dma_semaphore, #tpu.memory_space<semaphore_mem>> -> memref<1x!tpu.dma_semaphore, #tpu.memory_space<semaphore_mem>>
      %dma_wait3A_548 = tpu.memref_squeeze %dma_wait3A_547 : memref<1x!tpu.dma_semaphore, #tpu.memory_space<semaphore_mem>> -> memref<!tpu.dma_semaphore, #tpu.memory_space<semaphore_mem>>
      %dma_wait3A_549 = arith.constant 0 : i32
      %dma_wait3A_550 = tpu.memref_slice %arg8[%dma_wait3A_541, %dma_wait3A_549] : memref<8x80xi32, #tpu.memory_space<vmem>> -> memref<1x80xi32, #tpu.memory_space<vmem>>
      %dma_wait3A_551 = tpu.memref_squeeze %dma_wait3A_550 : memref<1x80xi32, #tpu.memory_space<vmem>> -> memref<80xi32, #tpu.memory_space<vmem>>
      %dma_wait3A_552 = tpu.memref_slice %arg4[%mul3A_2] : memref<320000xi32, #tpu.memory_space<hbm>> -> memref<80xi32, #tpu.memory_space<hbm>>
      tpu.wait_dma2 semaphore(%dma_wait3A_548 : memref<!tpu.dma_semaphore, #tpu.memory_space<semaphore_mem>>) src(%dma_wait3A_552 : memref<80xi32, #tpu.memory_space<hbm>>) dst(%dma_wait3A_551 : memref<80xi32, #tpu.memory_space<vmem>>)
      %dma_start3A_553 = arith.constant 3 : i32
      %dma_start3A_554 = arith.constant 3 : i32
      %dma_start3A_555 = arith.constant 3 : i32
      %dma_start3A_556 = arith.constant 0 : i32
      %dma_start3A_557 = arith.constant 0 : i32
      %dma_start3A_558 = tpu.memref_slice %arg9[%dma_start3A_554, %dma_start3A_556, %dma_start3A_557] : memref<4x80x128xf32, #tpu.memory_space<vmem>> -> memref<1x80x128xf32, #tpu.memory_space<vmem>>
      %dma_start3A_559 = tpu.memref_squeeze %dma_start3A_558 : memref<1x80x128xf32, #tpu.memory_space<vmem>> -> memref<80x128xf32, #tpu.memory_space<vmem>>
      %dma_start3A_560 = arith.constant 0 : i32
      %dma_start3A_561 = tpu.memref_slice %arg7[%dma_start3A_553, %dma_start3A_560] : memref<8x80xi32, #tpu.memory_space<vmem>> -> memref<1x80xi32, #tpu.memory_space<vmem>>
      %dma_start3A_562 = tpu.memref_squeeze %dma_start3A_561 : memref<1x80xi32, #tpu.memory_space<vmem>> -> memref<80xi32, #tpu.memory_space<vmem>>
      %dma_start3A_563 = arith.constant 0 : i32
      %dma_start3A_564 = arith.constant 0 : i32
      %dma_start3A_565 = tpu.memref_slice %arg2[%dma_start3A_563, %dma_start3A_564] : memref<10240x128xf32, #tpu.memory_space<hbm>> -> memref<10240x128xf32, #tpu.memory_space<hbm>>
      %dma_start3A_566 = tpu.memref_slice %arg13[%dma_start3A_555] : memref<4x!tpu.dma_semaphore, #tpu.memory_space<semaphore_mem>> -> memref<1x!tpu.dma_semaphore, #tpu.memory_space<semaphore_mem>>
      %dma_start3A_567 = tpu.memref_squeeze %dma_start3A_566 : memref<1x!tpu.dma_semaphore, #tpu.memory_space<semaphore_mem>> -> memref<!tpu.dma_semaphore, #tpu.memory_space<semaphore_mem>>
      tpu.enqueue_indirect_dma source(%dma_start3A_565 : memref<10240x128xf32, #tpu.memory_space<hbm>>) target(%dma_start3A_559 : memref<80x128xf32, #tpu.memory_space<vmem>>) offsets(%dma_start3A_562 : memref<80xi32, #tpu.memory_space<vmem>>) semaphore(%dma_start3A_567 : memref<!tpu.dma_semaphore, #tpu.memory_space<semaphore_mem>>)
      %run_scoped3A_568 = arith.constant 0 : i32
      %run_scoped3A_569 = arith.constant 0 : i32
      "tpu.region"() ({
        %run_scoped3A_1040 = tpu.sem_alloc : memref<!tpu.dma_semaphore, #tpu.memory_space<semaphore_mem>>
        %dma_start3A_1041 = arith.constant 0 : i32
        %dma_start3A_1042 = arith.constant 0 : i32
        %dma_start3A_1043 = tpu.memref_slice %arg9[%run_scoped3A_568, %dma_start3A_1041, %dma_start3A_1042] : memref<4x80x128xf32, #tpu.memory_space<vmem>> -> memref<1x80x128xf32, #tpu.memory_space<vmem>>
        %dma_start3A_1044 = tpu.memref_squeeze %dma_start3A_1043 : memref<1x80x128xf32, #tpu.memory_space<vmem>> -> memref<80x128xf32, #tpu.memory_space<vmem>>
        %dma_start3A_1045 = arith.constant 0 : i32
        %dma_start3A_1046 = tpu.memref_slice %arg8[%run_scoped3A_569, %dma_start3A_1045] : memref<8x80xi32, #tpu.memory_space<vmem>> -> memref<1x80xi32, #tpu.memory_space<vmem>>
        %dma_start3A_1047 = tpu.memref_squeeze %dma_start3A_1046 : memref<1x80xi32, #tpu.memory_space<vmem>> -> memref<80xi32, #tpu.memory_space<vmem>>
        %dma_start3A_1048 = arith.constant 0 : i32
        %dma_start3A_1049 = arith.constant 0 : i32
        %dma_start3A_1050 = tpu.memref_slice %arg10[%dma_start3A_1048, %dma_start3A_1049] : memref<10240x128xf32, #tpu.memory_space<vmem_shared>> -> memref<10240x128xf32, #tpu.memory_space<vmem_shared>>
        tpu.enqueue_indirect_dma source(%dma_start3A_1044 : memref<80x128xf32, #tpu.memory_space<vmem>>) target(%dma_start3A_1050 : memref<10240x128xf32, #tpu.memory_space<vmem_shared>>) offsets(%dma_start3A_1047 : memref<80xi32, #tpu.memory_space<vmem>>) semaphore(%run_scoped3A_1040 : memref<!tpu.dma_semaphore, #tpu.memory_space<semaphore_mem>>) {add = true}
        %dma_wait3A_1051 = arith.constant 0 : i32
        %dma_wait3A_1052 = arith.constant 0 : i32
        %dma_wait3A_1053 = tpu.memref_slice %arg9[%run_scoped3A_568, %dma_wait3A_1051, %dma_wait3A_1052] : memref<4x80x128xf32, #tpu.memory_space<vmem>> -> memref<1x80x128xf32, #tpu.memory_space<vmem>>
        %dma_wait3A_1054 = tpu.memref_squeeze %dma_wait3A_1053 : memref<1x80x128xf32, #tpu.memory_space<vmem>> -> memref<80x128xf32, #tpu.memory_space<vmem>>
        %dma_wait3A_1055 = arith.constant 0 : i32
        %dma_wait3A_1056 = tpu.memref_slice %arg8[%run_scoped3A_569, %dma_wait3A_1055] : memref<8x80xi32, #tpu.memory_space<vmem>> -> memref<1x80xi32, #tpu.memory_space<vmem>>
        %dma_wait3A_1057 = tpu.memref_squeeze %dma_wait3A_1056 : memref<1x80xi32, #tpu.memory_space<vmem>> -> memref<80xi32, #tpu.memory_space<vmem>>
        %dma_wait3A_1058 = arith.constant 0 : i32
        %dma_wait3A_1059 = arith.constant 0 : i32
        %dma_wait3A_1060 = tpu.memref_slice %arg10[%dma_wait3A_1058, %dma_wait3A_1059] : memref<10240x128xf32, #tpu.memory_space<vmem_shared>> -> memref<10240x128xf32, #tpu.memory_space<vmem_shared>>
        tpu.wait_indirect_dma semaphore(%run_scoped3A_1040 : memref<!tpu.dma_semaphore, #tpu.memory_space<semaphore_mem>>) src(%dma_wait3A_1054 : memref<80x128xf32, #tpu.memory_space<vmem>>) dst(%dma_wait3A_1060 : memref<10240x128xf32, #tpu.memory_space<vmem_shared>>)
        tpu.yield
      }) : () -> ()
      %convert_element_type3A = arith.extui %lt3A_513 : i1 to i32
      %cond3A = arith.constant 0 : i32
      %cond3A_570 = arith.cmpi ne, %convert_element_type3A, %cond3A : i32
      scf.if %cond3A_570 {
        %add3A_1040 = arith.constant 8 : i32
        %add3A_1041 = arith.addi %add3A_508, %add3A_1040 : i32
        %mul3A_1042 = arith.constant 80 : i32
        %mul3A_1043 = arith.muli %add3A_1041, %mul3A_1042 : i32
        %add3A_1044 = arith.addi %mul3A_2, %mul3A_1043 : i32
        %dma_start3A_1045 = arith.constant 0 : i32
        %dma_start3A_1046 = arith.constant 0 : i32
        %dma_start3A_1047 = arith.constant 0 : i32
        %dma_start3A_1048 = tpu.memref_slice %arg7[%dma_start3A_1045, %dma_start3A_1047] : memref<8x80xi32, #tpu.memory_space<vmem>> -> memref<1x80xi32, #tpu.memory_space<vmem>>
        %dma_start3A_1049 = tpu.memref_squeeze %dma_start3A_1048 : memref<1x80xi32, #tpu.memory_space<vmem>> -> memref<80xi32, #tpu.memory_space<vmem>>
        %dma_start3A_1050 = tpu.memref_slice %arg3[%add3A_1044] : memref<320000xi32, #tpu.memory_space<hbm>> -> memref<80xi32, #tpu.memory_space<hbm>>
        %dma_start3A_1051 = tpu.memref_slice %arg11[%dma_start3A_1046] : memref<8x!tpu.dma_semaphore, #tpu.memory_space<semaphore_mem>> -> memref<1x!tpu.dma_semaphore, #tpu.memory_space<semaphore_mem>>
        %dma_start3A_1052 = tpu.memref_squeeze %dma_start3A_1051 : memref<1x!tpu.dma_semaphore, #tpu.memory_space<semaphore_mem>> -> memref<!tpu.dma_semaphore, #tpu.memory_space<semaphore_mem>>
        %dma_start3A_1053 = arith.constant 0 : i32
        %dma_start3A_1054 = tpu.memref_slice %arg7[%dma_start3A_1045, %dma_start3A_1053] : memref<8x80xi32, #tpu.memory_space<vmem>> -> memref<1x80xi32, #tpu.memory_space<vmem>>
        %dma_start3A_1055 = tpu.memref_squeeze %dma_start3A_1054 : memref<1x80xi32, #tpu.memory_space<vmem>> -> memref<80xi32, #tpu.memory_space<vmem>>
        %dma_start3A_1056 = tpu.memref_slice %arg3[%add3A_1044] : memref<320000xi32, #tpu.memory_space<hbm>> -> memref<80xi32, #tpu.memory_space<hbm>>
        tpu.enqueue_dma source(%dma_start3A_1056 : memref<80xi32, #tpu.memory_space<hbm>>) target(%dma_start3A_1055 : memref<80xi32, #tpu.memory_space<vmem>>) target_semaphore(%dma_start3A_1052 : memref<!tpu.dma_semaphore, #tpu.memory_space<semaphore_mem>>)
        %dma_start3A_1057 = arith.constant 0 : i32
        %dma_start3A_1058 = arith.constant 0 : i32
        %dma_start3A_1059 = arith.constant 0 : i32
        %dma_start3A_1060 = tpu.memref_slice %arg8[%dma_start3A_1057, %dma_start3A_1059] : memref<8x80xi32, #tpu.memory_space<vmem>> -> memref<1x80xi32, #tpu.memory_space<vmem>>
        %dma_start3A_1061 = tpu.memref_squeeze %dma_start3A_1060 : memref<1x80xi32, #tpu.memory_space<vmem>> -> memref<80xi32, #tpu.memory_space<vmem>>
        %dma_start3A_1062 = tpu.memref_slice %arg4[%add3A_1044] : memref<320000xi32, #tpu.memory_space<hbm>> -> memref<80xi32, #tpu.memory_space<hbm>>
        %dma_start3A_1063 = tpu.memref_slice %arg12[%dma_start3A_1058] : memref<8x!tpu.dma_semaphore, #tpu.memory_space<semaphore_mem>> -> memref<1x!tpu.dma_semaphore, #tpu.memory_space<semaphore_mem>>
        %dma_start3A_1064 = tpu.memref_squeeze %dma_start3A_1063 : memref<1x!tpu.dma_semaphore, #tpu.memory_space<semaphore_mem>> -> memref<!tpu.dma_semaphore, #tpu.memory_space<semaphore_mem>>
        %dma_start3A_1065 = arith.constant 0 : i32
        %dma_start3A_1066 = tpu.memref_slice %arg8[%dma_start3A_1057, %dma_start3A_1065] : memref<8x80xi32, #tpu.memory_space<vmem>> -> memref<1x80xi32, #tpu.memory_space<vmem>>
        %dma_start3A_1067 = tpu.memref_squeeze %dma_start3A_1066 : memref<1x80xi32, #tpu.memory_space<vmem>> -> memref<80xi32, #tpu.memory_space<vmem>>
        %dma_start3A_1068 = tpu.memref_slice %arg4[%add3A_1044] : memref<320000xi32, #tpu.memory_space<hbm>> -> memref<80xi32, #tpu.memory_space<hbm>>
        tpu.enqueue_dma source(%dma_start3A_1068 : memref<80xi32, #tpu.memory_space<hbm>>) target(%dma_start3A_1067 : memref<80xi32, #tpu.memory_space<vmem>>) target_semaphore(%dma_start3A_1064 : memref<!tpu.dma_semaphore, #tpu.memory_space<semaphore_mem>>)
      } else {
      }
      %add3A_571 = arith.constant 1 : i32
      %add3A_572 = arith.addi %add3A_506, %add3A_571 : i32
      %add3A_573 = arith.constant 1 : i32
      %add3A_574 = arith.addi %add3A_506, %add3A_573 : i32
      %add3A_575 = arith.constant 8 : i32
      %add3A_576 = arith.addi %add3A_574, %add3A_575 : i32
      %lt3A_577 = arith.constant 125 : i32
      %lt3A_578 = arith.cmpi slt, %add3A_576, %lt3A_577 : i32
      %dma_wait3A_579 = arith.constant 1 : i32
      %dma_wait3A_580 = arith.constant 1 : i32
      %dma_wait3A_581 = arith.constant 1 : i32
      %dma_wait3A_582 = arith.constant 0 : i32
      %dma_wait3A_583 = arith.constant 0 : i32
      %dma_wait3A_584 = tpu.memref_slice %arg9[%dma_wait3A_580, %dma_wait3A_582, %dma_wait3A_583] : memref<4x80x128xf32, #tpu.memory_space<vmem>> -> memref<1x80x128xf32, #tpu.memory_space<vmem>>
      %dma_wait3A_585 = tpu.memref_squeeze %dma_wait3A_584 : memref<1x80x128xf32, #tpu.memory_space<vmem>> -> memref<80x128xf32, #tpu.memory_space<vmem>>
      %dma_wait3A_586 = arith.constant 0 : i32
      %dma_wait3A_587 = tpu.memref_slice %arg7[%dma_wait3A_579, %dma_wait3A_586] : memref<8x80xi32, #tpu.memory_space<vmem>> -> memref<1x80xi32, #tpu.memory_space<vmem>>
      %dma_wait3A_588 = tpu.memref_squeeze %dma_wait3A_587 : memref<1x80xi32, #tpu.memory_space<vmem>> -> memref<80xi32, #tpu.memory_space<vmem>>
      %dma_wait3A_589 = arith.constant 0 : i32
      %dma_wait3A_590 = arith.constant 0 : i32
      %dma_wait3A_591 = tpu.memref_slice %arg2[%dma_wait3A_589, %dma_wait3A_590] : memref<10240x128xf32, #tpu.memory_space<hbm>> -> memref<10240x128xf32, #tpu.memory_space<hbm>>
      %dma_wait3A_592 = tpu.memref_slice %arg13[%dma_wait3A_581] : memref<4x!tpu.dma_semaphore, #tpu.memory_space<semaphore_mem>> -> memref<1x!tpu.dma_semaphore, #tpu.memory_space<semaphore_mem>>
      %dma_wait3A_593 = tpu.memref_squeeze %dma_wait3A_592 : memref<1x!tpu.dma_semaphore, #tpu.memory_space<semaphore_mem>> -> memref<!tpu.dma_semaphore, #tpu.memory_space<semaphore_mem>>
      tpu.wait_indirect_dma semaphore(%dma_wait3A_593 : memref<!tpu.dma_semaphore, #tpu.memory_space<semaphore_mem>>) src(%dma_wait3A_591 : memref<10240x128xf32, #tpu.memory_space<hbm>>) dst(%dma_wait3A_585 : memref<80x128xf32, #tpu.memory_space<vmem>>)
      %dma_wait3A_594 = arith.constant 4 : i32
      %dma_wait3A_595 = arith.constant 4 : i32
      %dma_wait3A_596 = arith.constant 0 : i32
      %dma_wait3A_597 = tpu.memref_slice %arg7[%dma_wait3A_594, %dma_wait3A_596] : memref<8x80xi32, #tpu.memory_space<vmem>> -> memref<1x80xi32, #tpu.memory_space<vmem>>
      %dma_wait3A_598 = tpu.memref_squeeze %dma_wait3A_597 : memref<1x80xi32, #tpu.memory_space<vmem>> -> memref<80xi32, #tpu.memory_space<vmem>>
      %dma_wait3A_599 = tpu.memref_slice %arg3[%mul3A_2] : memref<320000xi32, #tpu.memory_space<hbm>> -> memref<80xi32, #tpu.memory_space<hbm>>
      %dma_wait3A_600 = tpu.memref_slice %arg11[%dma_wait3A_595] : memref<8x!tpu.dma_semaphore, #tpu.memory_space<semaphore_mem>> -> memref<1x!tpu.dma_semaphore, #tpu.memory_space<semaphore_mem>>
      %dma_wait3A_601 = tpu.memref_squeeze %dma_wait3A_600 : memref<1x!tpu.dma_semaphore, #tpu.memory_space<semaphore_mem>> -> memref<!tpu.dma_semaphore, #tpu.memory_space<semaphore_mem>>
      %dma_wait3A_602 = arith.constant 0 : i32
      %dma_wait3A_603 = tpu.memref_slice %arg7[%dma_wait3A_594, %dma_wait3A_602] : memref<8x80xi32, #tpu.memory_space<vmem>> -> memref<1x80xi32, #tpu.memory_space<vmem>>
      %dma_wait3A_604 = tpu.memref_squeeze %dma_wait3A_603 : memref<1x80xi32, #tpu.memory_space<vmem>> -> memref<80xi32, #tpu.memory_space<vmem>>
      %dma_wait3A_605 = tpu.memref_slice %arg3[%mul3A_2] : memref<320000xi32, #tpu.memory_space<hbm>> -> memref<80xi32, #tpu.memory_space<hbm>>
      tpu.wait_dma2 semaphore(%dma_wait3A_601 : memref<!tpu.dma_semaphore, #tpu.memory_space<semaphore_mem>>) src(%dma_wait3A_605 : memref<80xi32, #tpu.memory_space<hbm>>) dst(%dma_wait3A_604 : memref<80xi32, #tpu.memory_space<vmem>>)
      %dma_wait3A_606 = arith.constant 4 : i32
      %dma_wait3A_607 = arith.constant 4 : i32
      %dma_wait3A_608 = arith.constant 0 : i32
      %dma_wait3A_609 = tpu.memref_slice %arg8[%dma_wait3A_606, %dma_wait3A_608] : memref<8x80xi32, #tpu.memory_space<vmem>> -> memref<1x80xi32, #tpu.memory_space<vmem>>
      %dma_wait3A_610 = tpu.memref_squeeze %dma_wait3A_609 : memref<1x80xi32, #tpu.memory_space<vmem>> -> memref<80xi32, #tpu.memory_space<vmem>>
      %dma_wait3A_611 = tpu.memref_slice %arg4[%mul3A_2] : memref<320000xi32, #tpu.memory_space<hbm>> -> memref<80xi32, #tpu.memory_space<hbm>>
      %dma_wait3A_612 = tpu.memref_slice %arg12[%dma_wait3A_607] : memref<8x!tpu.dma_semaphore, #tpu.memory_space<semaphore_mem>> -> memref<1x!tpu.dma_semaphore, #tpu.memory_space<semaphore_mem>>
      %dma_wait3A_613 = tpu.memref_squeeze %dma_wait3A_612 : memref<1x!tpu.dma_semaphore, #tpu.memory_space<semaphore_mem>> -> memref<!tpu.dma_semaphore, #tpu.memory_space<semaphore_mem>>
      %dma_wait3A_614 = arith.constant 0 : i32
      %dma_wait3A_615 = tpu.memref_slice %arg8[%dma_wait3A_606, %dma_wait3A_614] : memref<8x80xi32, #tpu.memory_space<vmem>> -> memref<1x80xi32, #tpu.memory_space<vmem>>
      %dma_wait3A_616 = tpu.memref_squeeze %dma_wait3A_615 : memref<1x80xi32, #tpu.memory_space<vmem>> -> memref<80xi32, #tpu.memory_space<vmem>>
      %dma_wait3A_617 = tpu.memref_slice %arg4[%mul3A_2] : memref<320000xi32, #tpu.memory_space<hbm>> -> memref<80xi32, #tpu.memory_space<hbm>>
      tpu.wait_dma2 semaphore(%dma_wait3A_613 : memref<!tpu.dma_semaphore, #tpu.memory_space<semaphore_mem>>) src(%dma_wait3A_617 : memref<80xi32, #tpu.memory_space<hbm>>) dst(%dma_wait3A_616 : memref<80xi32, #tpu.memory_space<vmem>>)
      %dma_start3A_618 = arith.constant 4 : i32
      %dma_start3A_619 = arith.constant 0 : i32
      %dma_start3A_620 = arith.constant 0 : i32
      %dma_start3A_621 = arith.constant 0 : i32
      %dma_start3A_622 = arith.constant 0 : i32
      %dma_start3A_623 = tpu.memref_slice %arg9[%dma_start3A_619, %dma_start3A_621, %dma_start3A_622] : memref<4x80x128xf32, #tpu.memory_space<vmem>> -> memref<1x80x128xf32, #tpu.memory_space<vmem>>
      %dma_start3A_624 = tpu.memref_squeeze %dma_start3A_623 : memref<1x80x128xf32, #tpu.memory_space<vmem>> -> memref<80x128xf32, #tpu.memory_space<vmem>>
      %dma_start3A_625 = arith.constant 0 : i32
      %dma_start3A_626 = tpu.memref_slice %arg7[%dma_start3A_618, %dma_start3A_625] : memref<8x80xi32, #tpu.memory_space<vmem>> -> memref<1x80xi32, #tpu.memory_space<vmem>>
      %dma_start3A_627 = tpu.memref_squeeze %dma_start3A_626 : memref<1x80xi32, #tpu.memory_space<vmem>> -> memref<80xi32, #tpu.memory_space<vmem>>
      %dma_start3A_628 = arith.constant 0 : i32
      %dma_start3A_629 = arith.constant 0 : i32
      %dma_start3A_630 = tpu.memref_slice %arg2[%dma_start3A_628, %dma_start3A_629] : memref<10240x128xf32, #tpu.memory_space<hbm>> -> memref<10240x128xf32, #tpu.memory_space<hbm>>
      %dma_start3A_631 = tpu.memref_slice %arg13[%dma_start3A_620] : memref<4x!tpu.dma_semaphore, #tpu.memory_space<semaphore_mem>> -> memref<1x!tpu.dma_semaphore, #tpu.memory_space<semaphore_mem>>
      %dma_start3A_632 = tpu.memref_squeeze %dma_start3A_631 : memref<1x!tpu.dma_semaphore, #tpu.memory_space<semaphore_mem>> -> memref<!tpu.dma_semaphore, #tpu.memory_space<semaphore_mem>>
      tpu.enqueue_indirect_dma source(%dma_start3A_630 : memref<10240x128xf32, #tpu.memory_space<hbm>>) target(%dma_start3A_624 : memref<80x128xf32, #tpu.memory_space<vmem>>) offsets(%dma_start3A_627 : memref<80xi32, #tpu.memory_space<vmem>>) semaphore(%dma_start3A_632 : memref<!tpu.dma_semaphore, #tpu.memory_space<semaphore_mem>>)
      %run_scoped3A_633 = arith.constant 1 : i32
      %run_scoped3A_634 = arith.constant 1 : i32
      "tpu.region"() ({
        %run_scoped3A_1040 = tpu.sem_alloc : memref<!tpu.dma_semaphore, #tpu.memory_space<semaphore_mem>>
        %dma_start3A_1041 = arith.constant 0 : i32
        %dma_start3A_1042 = arith.constant 0 : i32
        %dma_start3A_1043 = tpu.memref_slice %arg9[%run_scoped3A_633, %dma_start3A_1041, %dma_start3A_1042] : memref<4x80x128xf32, #tpu.memory_space<vmem>> -> memref<1x80x128xf32, #tpu.memory_space<vmem>>
        %dma_start3A_1044 = tpu.memref_squeeze %dma_start3A_1043 : memref<1x80x128xf32, #tpu.memory_space<vmem>> -> memref<80x128xf32, #tpu.memory_space<vmem>>
        %dma_start3A_1045 = arith.constant 0 : i32
        %dma_start3A_1046 = tpu.memref_slice %arg8[%run_scoped3A_634, %dma_start3A_1045] : memref<8x80xi32, #tpu.memory_space<vmem>> -> memref<1x80xi32, #tpu.memory_space<vmem>>
        %dma_start3A_1047 = tpu.memref_squeeze %dma_start3A_1046 : memref<1x80xi32, #tpu.memory_space<vmem>> -> memref<80xi32, #tpu.memory_space<vmem>>
        %dma_start3A_1048 = arith.constant 0 : i32
        %dma_start3A_1049 = arith.constant 0 : i32
        %dma_start3A_1050 = tpu.memref_slice %arg10[%dma_start3A_1048, %dma_start3A_1049] : memref<10240x128xf32, #tpu.memory_space<vmem_shared>> -> memref<10240x128xf32, #tpu.memory_space<vmem_shared>>
        tpu.enqueue_indirect_dma source(%dma_start3A_1044 : memref<80x128xf32, #tpu.memory_space<vmem>>) target(%dma_start3A_1050 : memref<10240x128xf32, #tpu.memory_space<vmem_shared>>) offsets(%dma_start3A_1047 : memref<80xi32, #tpu.memory_space<vmem>>) semaphore(%run_scoped3A_1040 : memref<!tpu.dma_semaphore, #tpu.memory_space<semaphore_mem>>) {add = true}
        %dma_wait3A_1051 = arith.constant 0 : i32
        %dma_wait3A_1052 = arith.constant 0 : i32
        %dma_wait3A_1053 = tpu.memref_slice %arg9[%run_scoped3A_633, %dma_wait3A_1051, %dma_wait3A_1052] : memref<4x80x128xf32, #tpu.memory_space<vmem>> -> memref<1x80x128xf32, #tpu.memory_space<vmem>>
        %dma_wait3A_1054 = tpu.memref_squeeze %dma_wait3A_1053 : memref<1x80x128xf32, #tpu.memory_space<vmem>> -> memref<80x128xf32, #tpu.memory_space<vmem>>
        %dma_wait3A_1055 = arith.constant 0 : i32
        %dma_wait3A_1056 = tpu.memref_slice %arg8[%run_scoped3A_634, %dma_wait3A_1055] : memref<8x80xi32, #tpu.memory_space<vmem>> -> memref<1x80xi32, #tpu.memory_space<vmem>>
        %dma_wait3A_1057 = tpu.memref_squeeze %dma_wait3A_1056 : memref<1x80xi32, #tpu.memory_space<vmem>> -> memref<80xi32, #tpu.memory_space<vmem>>
        %dma_wait3A_1058 = arith.constant 0 : i32
        %dma_wait3A_1059 = arith.constant 0 : i32
        %dma_wait3A_1060 = tpu.memref_slice %arg10[%dma_wait3A_1058, %dma_wait3A_1059] : memref<10240x128xf32, #tpu.memory_space<vmem_shared>> -> memref<10240x128xf32, #tpu.memory_space<vmem_shared>>
        tpu.wait_indirect_dma semaphore(%run_scoped3A_1040 : memref<!tpu.dma_semaphore, #tpu.memory_space<semaphore_mem>>) src(%dma_wait3A_1054 : memref<80x128xf32, #tpu.memory_space<vmem>>) dst(%dma_wait3A_1060 : memref<10240x128xf32, #tpu.memory_space<vmem_shared>>)
        tpu.yield
      }) : () -> ()
      %convert_element_type3A_635 = arith.extui %lt3A_578 : i1 to i32
      %cond3A_636 = arith.constant 0 : i32
      %cond3A_637 = arith.cmpi ne, %convert_element_type3A_635, %cond3A_636 : i32
      scf.if %cond3A_637 {
        %add3A_1040 = arith.constant 8 : i32
        %add3A_1041 = arith.addi %add3A_572, %add3A_1040 : i32
        %mul3A_1042 = arith.constant 80 : i32
        %mul3A_1043 = arith.muli %add3A_1041, %mul3A_1042 : i32
        %add3A_1044 = arith.addi %mul3A_2, %mul3A_1043 : i32
        %dma_start3A_1045 = arith.constant 1 : i32
        %dma_start3A_1046 = arith.constant 1 : i32
        %dma_start3A_1047 = arith.constant 0 : i32
        %dma_start3A_1048 = tpu.memref_slice %arg7[%dma_start3A_1045, %dma_start3A_1047] : memref<8x80xi32, #tpu.memory_space<vmem>> -> memref<1x80xi32, #tpu.memory_space<vmem>>
        %dma_start3A_1049 = tpu.memref_squeeze %dma_start3A_1048 : memref<1x80xi32, #tpu.memory_space<vmem>> -> memref<80xi32, #tpu.memory_space<vmem>>
        %dma_start3A_1050 = tpu.memref_slice %arg3[%add3A_1044] : memref<320000xi32, #tpu.memory_space<hbm>> -> memref<80xi32, #tpu.memory_space<hbm>>
        %dma_start3A_1051 = tpu.memref_slice %arg11[%dma_start3A_1046] : memref<8x!tpu.dma_semaphore, #tpu.memory_space<semaphore_mem>> -> memref<1x!tpu.dma_semaphore, #tpu.memory_space<semaphore_mem>>
        %dma_start3A_1052 = tpu.memref_squeeze %dma_start3A_1051 : memref<1x!tpu.dma_semaphore, #tpu.memory_space<semaphore_mem>> -> memref<!tpu.dma_semaphore, #tpu.memory_space<semaphore_mem>>
        %dma_start3A_1053 = arith.constant 0 : i32
        %dma_start3A_1054 = tpu.memref_slice %arg7[%dma_start3A_1045, %dma_start3A_1053] : memref<8x80xi32, #tpu.memory_space<vmem>> -> memref<1x80xi32, #tpu.memory_space<vmem>>
        %dma_start3A_1055 = tpu.memref_squeeze %dma_start3A_1054 : memref<1x80xi32, #tpu.memory_space<vmem>> -> memref<80xi32, #tpu.memory_space<vmem>>
        %dma_start3A_1056 = tpu.memref_slice %arg3[%add3A_1044] : memref<320000xi32, #tpu.memory_space<hbm>> -> memref<80xi32, #tpu.memory_space<hbm>>
        tpu.enqueue_dma source(%dma_start3A_1056 : memref<80xi32, #tpu.memory_space<hbm>>) target(%dma_start3A_1055 : memref<80xi32, #tpu.memory_space<vmem>>) target_semaphore(%dma_start3A_1052 : memref<!tpu.dma_semaphore, #tpu.memory_space<semaphore_mem>>)
        %dma_start3A_1057 = arith.constant 1 : i32
        %dma_start3A_1058 = arith.constant 1 : i32
        %dma_start3A_1059 = arith.constant 0 : i32
        %dma_start3A_1060 = tpu.memref_slice %arg8[%dma_start3A_1057, %dma_start3A_1059] : memref<8x80xi32, #tpu.memory_space<vmem>> -> memref<1x80xi32, #tpu.memory_space<vmem>>
        %dma_start3A_1061 = tpu.memref_squeeze %dma_start3A_1060 : memref<1x80xi32, #tpu.memory_space<vmem>> -> memref<80xi32, #tpu.memory_space<vmem>>
        %dma_start3A_1062 = tpu.memref_slice %arg4[%add3A_1044] : memref<320000xi32, #tpu.memory_space<hbm>> -> memref<80xi32, #tpu.memory_space<hbm>>
        %dma_start3A_1063 = tpu.memref_slice %arg12[%dma_start3A_1058] : memref<8x!tpu.dma_semaphore, #tpu.memory_space<semaphore_mem>> -> memref<1x!tpu.dma_semaphore, #tpu.memory_space<semaphore_mem>>
        %dma_start3A_1064 = tpu.memref_squeeze %dma_start3A_1063 : memref<1x!tpu.dma_semaphore, #tpu.memory_space<semaphore_mem>> -> memref<!tpu.dma_semaphore, #tpu.memory_space<semaphore_mem>>
        %dma_start3A_1065 = arith.constant 0 : i32
        %dma_start3A_1066 = tpu.memref_slice %arg8[%dma_start3A_1057, %dma_start3A_1065] : memref<8x80xi32, #tpu.memory_space<vmem>> -> memref<1x80xi32, #tpu.memory_space<vmem>>
        %dma_start3A_1067 = tpu.memref_squeeze %dma_start3A_1066 : memref<1x80xi32, #tpu.memory_space<vmem>> -> memref<80xi32, #tpu.memory_space<vmem>>
        %dma_start3A_1068 = tpu.memref_slice %arg4[%add3A_1044] : memref<320000xi32, #tpu.memory_space<hbm>> -> memref<80xi32, #tpu.memory_space<hbm>>
        tpu.enqueue_dma source(%dma_start3A_1068 : memref<80xi32, #tpu.memory_space<hbm>>) target(%dma_start3A_1067 : memref<80xi32, #tpu.memory_space<vmem>>) target_semaphore(%dma_start3A_1064 : memref<!tpu.dma_semaphore, #tpu.memory_space<semaphore_mem>>)
      } else {
      }
      %add3A_638 = arith.constant 2 : i32
      %add3A_639 = arith.addi %add3A_506, %add3A_638 : i32
      %add3A_640 = arith.constant 2 : i32
      %add3A_641 = arith.addi %add3A_506, %add3A_640 : i32
      %add3A_642 = arith.constant 8 : i32
      %add3A_643 = arith.addi %add3A_641, %add3A_642 : i32
      %lt3A_644 = arith.constant 125 : i32
      %lt3A_645 = arith.cmpi slt, %add3A_643, %lt3A_644 : i32
      %dma_wait3A_646 = arith.constant 2 : i32
      %dma_wait3A_647 = arith.constant 2 : i32
      %dma_wait3A_648 = arith.constant 2 : i32
      %dma_wait3A_649 = arith.constant 0 : i32
      %dma_wait3A_650 = arith.constant 0 : i32
      %dma_wait3A_651 = tpu.memref_slice %arg9[%dma_wait3A_647, %dma_wait3A_649, %dma_wait3A_650] : memref<4x80x128xf32, #tpu.memory_space<vmem>> -> memref<1x80x128xf32, #tpu.memory_space<vmem>>
      %dma_wait3A_652 = tpu.memref_squeeze %dma_wait3A_651 : memref<1x80x128xf32, #tpu.memory_space<vmem>> -> memref<80x128xf32, #tpu.memory_space<vmem>>
      %dma_wait3A_653 = arith.constant 0 : i32
      %dma_wait3A_654 = tpu.memref_slice %arg7[%dma_wait3A_646, %dma_wait3A_653] : memref<8x80xi32, #tpu.memory_space<vmem>> -> memref<1x80xi32, #tpu.memory_space<vmem>>
      %dma_wait3A_655 = tpu.memref_squeeze %dma_wait3A_654 : memref<1x80xi32, #tpu.memory_space<vmem>> -> memref<80xi32, #tpu.memory_space<vmem>>
      %dma_wait3A_656 = arith.constant 0 : i32
      %dma_wait3A_657 = arith.constant 0 : i32
      %dma_wait3A_658 = tpu.memref_slice %arg2[%dma_wait3A_656, %dma_wait3A_657] : memref<10240x128xf32, #tpu.memory_space<hbm>> -> memref<10240x128xf32, #tpu.memory_space<hbm>>
      %dma_wait3A_659 = tpu.memref_slice %arg13[%dma_wait3A_648] : memref<4x!tpu.dma_semaphore, #tpu.memory_space<semaphore_mem>> -> memref<1x!tpu.dma_semaphore, #tpu.memory_space<semaphore_mem>>
      %dma_wait3A_660 = tpu.memref_squeeze %dma_wait3A_659 : memref<1x!tpu.dma_semaphore, #tpu.memory_space<semaphore_mem>> -> memref<!tpu.dma_semaphore, #tpu.memory_space<semaphore_mem>>
      tpu.wait_indirect_dma semaphore(%dma_wait3A_660 : memref<!tpu.dma_semaphore, #tpu.memory_space<semaphore_mem>>) src(%dma_wait3A_658 : memref<10240x128xf32, #tpu.memory_space<hbm>>) dst(%dma_wait3A_652 : memref<80x128xf32, #tpu.memory_space<vmem>>)
      %dma_wait3A_661 = arith.constant 5 : i32
      %dma_wait3A_662 = arith.constant 5 : i32
      %dma_wait3A_663 = arith.constant 0 : i32
      %dma_wait3A_664 = tpu.memref_slice %arg7[%dma_wait3A_661, %dma_wait3A_663] : memref<8x80xi32, #tpu.memory_space<vmem>> -> memref<1x80xi32, #tpu.memory_space<vmem>>
      %dma_wait3A_665 = tpu.memref_squeeze %dma_wait3A_664 : memref<1x80xi32, #tpu.memory_space<vmem>> -> memref<80xi32, #tpu.memory_space<vmem>>
      %dma_wait3A_666 = tpu.memref_slice %arg3[%mul3A_2] : memref<320000xi32, #tpu.memory_space<hbm>> -> memref<80xi32, #tpu.memory_space<hbm>>
      %dma_wait3A_667 = tpu.memref_slice %arg11[%dma_wait3A_662] : memref<8x!tpu.dma_semaphore, #tpu.memory_space<semaphore_mem>> -> memref<1x!tpu.dma_semaphore, #tpu.memory_space<semaphore_mem>>
      %dma_wait3A_668 = tpu.memref_squeeze %dma_wait3A_667 : memref<1x!tpu.dma_semaphore, #tpu.memory_space<semaphore_mem>> -> memref<!tpu.dma_semaphore, #tpu.memory_space<semaphore_mem>>
      %dma_wait3A_669 = arith.constant 0 : i32
      %dma_wait3A_670 = tpu.memref_slice %arg7[%dma_wait3A_661, %dma_wait3A_669] : memref<8x80xi32, #tpu.memory_space<vmem>> -> memref<1x80xi32, #tpu.memory_space<vmem>>
      %dma_wait3A_671 = tpu.memref_squeeze %dma_wait3A_670 : memref<1x80xi32, #tpu.memory_space<vmem>> -> memref<80xi32, #tpu.memory_space<vmem>>
      %dma_wait3A_672 = tpu.memref_slice %arg3[%mul3A_2] : memref<320000xi32, #tpu.memory_space<hbm>> -> memref<80xi32, #tpu.memory_space<hbm>>
      tpu.wait_dma2 semaphore(%dma_wait3A_668 : memref<!tpu.dma_semaphore, #tpu.memory_space<semaphore_mem>>) src(%dma_wait3A_672 : memref<80xi32, #tpu.memory_space<hbm>>) dst(%dma_wait3A_671 : memref<80xi32, #tpu.memory_space<vmem>>)
      %dma_wait3A_673 = arith.constant 5 : i32
      %dma_wait3A_674 = arith.constant 5 : i32
      %dma_wait3A_675 = arith.constant 0 : i32
      %dma_wait3A_676 = tpu.memref_slice %arg8[%dma_wait3A_673, %dma_wait3A_675] : memref<8x80xi32, #tpu.memory_space<vmem>> -> memref<1x80xi32, #tpu.memory_space<vmem>>
      %dma_wait3A_677 = tpu.memref_squeeze %dma_wait3A_676 : memref<1x80xi32, #tpu.memory_space<vmem>> -> memref<80xi32, #tpu.memory_space<vmem>>
      %dma_wait3A_678 = tpu.memref_slice %arg4[%mul3A_2] : memref<320000xi32, #tpu.memory_space<hbm>> -> memref<80xi32, #tpu.memory_space<hbm>>
      %dma_wait3A_679 = tpu.memref_slice %arg12[%dma_wait3A_674] : memref<8x!tpu.dma_semaphore, #tpu.memory_space<semaphore_mem>> -> memref<1x!tpu.dma_semaphore, #tpu.memory_space<semaphore_mem>>
      %dma_wait3A_680 = tpu.memref_squeeze %dma_wait3A_679 : memref<1x!tpu.dma_semaphore, #tpu.memory_space<semaphore_mem>> -> memref<!tpu.dma_semaphore, #tpu.memory_space<semaphore_mem>>
      %dma_wait3A_681 = arith.constant 0 : i32
      %dma_wait3A_682 = tpu.memref_slice %arg8[%dma_wait3A_673, %dma_wait3A_681] : memref<8x80xi32, #tpu.memory_space<vmem>> -> memref<1x80xi32, #tpu.memory_space<vmem>>
      %dma_wait3A_683 = tpu.memref_squeeze %dma_wait3A_682 : memref<1x80xi32, #tpu.memory_space<vmem>> -> memref<80xi32, #tpu.memory_space<vmem>>
      %dma_wait3A_684 = tpu.memref_slice %arg4[%mul3A_2] : memref<320000xi32, #tpu.memory_space<hbm>> -> memref<80xi32, #tpu.memory_space<hbm>>
      tpu.wait_dma2 semaphore(%dma_wait3A_680 : memref<!tpu.dma_semaphore, #tpu.memory_space<semaphore_mem>>) src(%dma_wait3A_684 : memref<80xi32, #tpu.memory_space<hbm>>) dst(%dma_wait3A_683 : memref<80xi32, #tpu.memory_space<vmem>>)
      %dma_start3A_685 = arith.constant 5 : i32
      %dma_start3A_686 = arith.constant 1 : i32
      %dma_start3A_687 = arith.constant 1 : i32
      %dma_start3A_688 = arith.constant 0 : i32
      %dma_start3A_689 = arith.constant 0 : i32
      %dma_start3A_690 = tpu.memref_slice %arg9[%dma_start3A_686, %dma_start3A_688, %dma_start3A_689] : memref<4x80x128xf32, #tpu.memory_space<vmem>> -> memref<1x80x128xf32, #tpu.memory_space<vmem>>
      %dma_start3A_691 = tpu.memref_squeeze %dma_start3A_690 : memref<1x80x128xf32, #tpu.memory_space<vmem>> -> memref<80x128xf32, #tpu.memory_space<vmem>>
      %dma_start3A_692 = arith.constant 0 : i32
      %dma_start3A_693 = tpu.memref_slice %arg7[%dma_start3A_685, %dma_start3A_692] : memref<8x80xi32, #tpu.memory_space<vmem>> -> memref<1x80xi32, #tpu.memory_space<vmem>>
      %dma_start3A_694 = tpu.memref_squeeze %dma_start3A_693 : memref<1x80xi32, #tpu.memory_space<vmem>> -> memref<80xi32, #tpu.memory_space<vmem>>
      %dma_start3A_695 = arith.constant 0 : i32
      %dma_start3A_696 = arith.constant 0 : i32
      %dma_start3A_697 = tpu.memref_slice %arg2[%dma_start3A_695, %dma_start3A_696] : memref<10240x128xf32, #tpu.memory_space<hbm>> -> memref<10240x128xf32, #tpu.memory_space<hbm>>
      %dma_start3A_698 = tpu.memref_slice %arg13[%dma_start3A_687] : memref<4x!tpu.dma_semaphore, #tpu.memory_space<semaphore_mem>> -> memref<1x!tpu.dma_semaphore, #tpu.memory_space<semaphore_mem>>
      %dma_start3A_699 = tpu.memref_squeeze %dma_start3A_698 : memref<1x!tpu.dma_semaphore, #tpu.memory_space<semaphore_mem>> -> memref<!tpu.dma_semaphore, #tpu.memory_space<semaphore_mem>>
      tpu.enqueue_indirect_dma source(%dma_start3A_697 : memref<10240x128xf32, #tpu.memory_space<hbm>>) target(%dma_start3A_691 : memref<80x128xf32, #tpu.memory_space<vmem>>) offsets(%dma_start3A_694 : memref<80xi32, #tpu.memory_space<vmem>>) semaphore(%dma_start3A_699 : memref<!tpu.dma_semaphore, #tpu.memory_space<semaphore_mem>>)
      %run_scoped3A_700 = arith.constant 2 : i32
      %run_scoped3A_701 = arith.constant 2 : i32
      "tpu.region"() ({
        %run_scoped3A_1040 = tpu.sem_alloc : memref<!tpu.dma_semaphore, #tpu.memory_space<semaphore_mem>>
        %dma_start3A_1041 = arith.constant 0 : i32
        %dma_start3A_1042 = arith.constant 0 : i32
        %dma_start3A_1043 = tpu.memref_slice %arg9[%run_scoped3A_700, %dma_start3A_1041, %dma_start3A_1042] : memref<4x80x128xf32, #tpu.memory_space<vmem>> -> memref<1x80x128xf32, #tpu.memory_space<vmem>>
        %dma_start3A_1044 = tpu.memref_squeeze %dma_start3A_1043 : memref<1x80x128xf32, #tpu.memory_space<vmem>> -> memref<80x128xf32, #tpu.memory_space<vmem>>
        %dma_start3A_1045 = arith.constant 0 : i32
        %dma_start3A_1046 = tpu.memref_slice %arg8[%run_scoped3A_701, %dma_start3A_1045] : memref<8x80xi32, #tpu.memory_space<vmem>> -> memref<1x80xi32, #tpu.memory_space<vmem>>
        %dma_start3A_1047 = tpu.memref_squeeze %dma_start3A_1046 : memref<1x80xi32, #tpu.memory_space<vmem>> -> memref<80xi32, #tpu.memory_space<vmem>>
        %dma_start3A_1048 = arith.constant 0 : i32
        %dma_start3A_1049 = arith.constant 0 : i32
        %dma_start3A_1050 = tpu.memref_slice %arg10[%dma_start3A_1048, %dma_start3A_1049] : memref<10240x128xf32, #tpu.memory_space<vmem_shared>> -> memref<10240x128xf32, #tpu.memory_space<vmem_shared>>
        tpu.enqueue_indirect_dma source(%dma_start3A_1044 : memref<80x128xf32, #tpu.memory_space<vmem>>) target(%dma_start3A_1050 : memref<10240x128xf32, #tpu.memory_space<vmem_shared>>) offsets(%dma_start3A_1047 : memref<80xi32, #tpu.memory_space<vmem>>) semaphore(%run_scoped3A_1040 : memref<!tpu.dma_semaphore, #tpu.memory_space<semaphore_mem>>) {add = true}
        %dma_wait3A_1051 = arith.constant 0 : i32
        %dma_wait3A_1052 = arith.constant 0 : i32
        %dma_wait3A_1053 = tpu.memref_slice %arg9[%run_scoped3A_700, %dma_wait3A_1051, %dma_wait3A_1052] : memref<4x80x128xf32, #tpu.memory_space<vmem>> -> memref<1x80x128xf32, #tpu.memory_space<vmem>>
        %dma_wait3A_1054 = tpu.memref_squeeze %dma_wait3A_1053 : memref<1x80x128xf32, #tpu.memory_space<vmem>> -> memref<80x128xf32, #tpu.memory_space<vmem>>
        %dma_wait3A_1055 = arith.constant 0 : i32
        %dma_wait3A_1056 = tpu.memref_slice %arg8[%run_scoped3A_701, %dma_wait3A_1055] : memref<8x80xi32, #tpu.memory_space<vmem>> -> memref<1x80xi32, #tpu.memory_space<vmem>>
        %dma_wait3A_1057 = tpu.memref_squeeze %dma_wait3A_1056 : memref<1x80xi32, #tpu.memory_space<vmem>> -> memref<80xi32, #tpu.memory_space<vmem>>
        %dma_wait3A_1058 = arith.constant 0 : i32
        %dma_wait3A_1059 = arith.constant 0 : i32
        %dma_wait3A_1060 = tpu.memref_slice %arg10[%dma_wait3A_1058, %dma_wait3A_1059] : memref<10240x128xf32, #tpu.memory_space<vmem_shared>> -> memref<10240x128xf32, #tpu.memory_space<vmem_shared>>
        tpu.wait_indirect_dma semaphore(%run_scoped3A_1040 : memref<!tpu.dma_semaphore, #tpu.memory_space<semaphore_mem>>) src(%dma_wait3A_1054 : memref<80x128xf32, #tpu.memory_space<vmem>>) dst(%dma_wait3A_1060 : memref<10240x128xf32, #tpu.memory_space<vmem_shared>>)
        tpu.yield
      }) : () -> ()
      %convert_element_type3A_702 = arith.extui %lt3A_645 : i1 to i32
      %cond3A_703 = arith.constant 0 : i32
      %cond3A_704 = arith.cmpi ne, %convert_element_type3A_702, %cond3A_703 : i32
      scf.if %cond3A_704 {
        %add3A_1040 = arith.constant 8 : i32
        %add3A_1041 = arith.addi %add3A_639, %add3A_1040 : i32
        %mul3A_1042 = arith.constant 80 : i32
        %mul3A_1043 = arith.muli %add3A_1041, %mul3A_1042 : i32
        %add3A_1044 = arith.addi %mul3A_2, %mul3A_1043 : i32
        %dma_start3A_1045 = arith.constant 2 : i32
        %dma_start3A_1046 = arith.constant 2 : i32
        %dma_start3A_1047 = arith.constant 0 : i32
        %dma_start3A_1048 = tpu.memref_slice %arg7[%dma_start3A_1045, %dma_start3A_1047] : memref<8x80xi32, #tpu.memory_space<vmem>> -> memref<1x80xi32, #tpu.memory_space<vmem>>
        %dma_start3A_1049 = tpu.memref_squeeze %dma_start3A_1048 : memref<1x80xi32, #tpu.memory_space<vmem>> -> memref<80xi32, #tpu.memory_space<vmem>>
        %dma_start3A_1050 = tpu.memref_slice %arg3[%add3A_1044] : memref<320000xi32, #tpu.memory_space<hbm>> -> memref<80xi32, #tpu.memory_space<hbm>>
        %dma_start3A_1051 = tpu.memref_slice %arg11[%dma_start3A_1046] : memref<8x!tpu.dma_semaphore, #tpu.memory_space<semaphore_mem>> -> memref<1x!tpu.dma_semaphore, #tpu.memory_space<semaphore_mem>>
        %dma_start3A_1052 = tpu.memref_squeeze %dma_start3A_1051 : memref<1x!tpu.dma_semaphore, #tpu.memory_space<semaphore_mem>> -> memref<!tpu.dma_semaphore, #tpu.memory_space<semaphore_mem>>
        %dma_start3A_1053 = arith.constant 0 : i32
        %dma_start3A_1054 = tpu.memref_slice %arg7[%dma_start3A_1045, %dma_start3A_1053] : memref<8x80xi32, #tpu.memory_space<vmem>> -> memref<1x80xi32, #tpu.memory_space<vmem>>
        %dma_start3A_1055 = tpu.memref_squeeze %dma_start3A_1054 : memref<1x80xi32, #tpu.memory_space<vmem>> -> memref<80xi32, #tpu.memory_space<vmem>>
        %dma_start3A_1056 = tpu.memref_slice %arg3[%add3A_1044] : memref<320000xi32, #tpu.memory_space<hbm>> -> memref<80xi32, #tpu.memory_space<hbm>>
        tpu.enqueue_dma source(%dma_start3A_1056 : memref<80xi32, #tpu.memory_space<hbm>>) target(%dma_start3A_1055 : memref<80xi32, #tpu.memory_space<vmem>>) target_semaphore(%dma_start3A_1052 : memref<!tpu.dma_semaphore, #tpu.memory_space<semaphore_mem>>)
        %dma_start3A_1057 = arith.constant 2 : i32
        %dma_start3A_1058 = arith.constant 2 : i32
        %dma_start3A_1059 = arith.constant 0 : i32
        %dma_start3A_1060 = tpu.memref_slice %arg8[%dma_start3A_1057, %dma_start3A_1059] : memref<8x80xi32, #tpu.memory_space<vmem>> -> memref<1x80xi32, #tpu.memory_space<vmem>>
        %dma_start3A_1061 = tpu.memref_squeeze %dma_start3A_1060 : memref<1x80xi32, #tpu.memory_space<vmem>> -> memref<80xi32, #tpu.memory_space<vmem>>
        %dma_start3A_1062 = tpu.memref_slice %arg4[%add3A_1044] : memref<320000xi32, #tpu.memory_space<hbm>> -> memref<80xi32, #tpu.memory_space<hbm>>
        %dma_start3A_1063 = tpu.memref_slice %arg12[%dma_start3A_1058] : memref<8x!tpu.dma_semaphore, #tpu.memory_space<semaphore_mem>> -> memref<1x!tpu.dma_semaphore, #tpu.memory_space<semaphore_mem>>
        %dma_start3A_1064 = tpu.memref_squeeze %dma_start3A_1063 : memref<1x!tpu.dma_semaphore, #tpu.memory_space<semaphore_mem>> -> memref<!tpu.dma_semaphore, #tpu.memory_space<semaphore_mem>>
        %dma_start3A_1065 = arith.constant 0 : i32
        %dma_start3A_1066 = tpu.memref_slice %arg8[%dma_start3A_1057, %dma_start3A_1065] : memref<8x80xi32, #tpu.memory_space<vmem>> -> memref<1x80xi32, #tpu.memory_space<vmem>>
        %dma_start3A_1067 = tpu.memref_squeeze %dma_start3A_1066 : memref<1x80xi32, #tpu.memory_space<vmem>> -> memref<80xi32, #tpu.memory_space<vmem>>
        %dma_start3A_1068 = tpu.memref_slice %arg4[%add3A_1044] : memref<320000xi32, #tpu.memory_space<hbm>> -> memref<80xi32, #tpu.memory_space<hbm>>
        tpu.enqueue_dma source(%dma_start3A_1068 : memref<80xi32, #tpu.memory_space<hbm>>) target(%dma_start3A_1067 : memref<80xi32, #tpu.memory_space<vmem>>) target_semaphore(%dma_start3A_1064 : memref<!tpu.dma_semaphore, #tpu.memory_space<semaphore_mem>>)
      } else {
      }
      %add3A_705 = arith.constant 3 : i32
      %add3A_706 = arith.addi %add3A_506, %add3A_705 : i32
      %add3A_707 = arith.constant 3 : i32
      %add3A_708 = arith.addi %add3A_506, %add3A_707 : i32
      %add3A_709 = arith.constant 8 : i32
      %add3A_710 = arith.addi %add3A_708, %add3A_709 : i32
      %lt3A_711 = arith.constant 125 : i32
      %lt3A_712 = arith.cmpi slt, %add3A_710, %lt3A_711 : i32
      %dma_wait3A_713 = arith.constant 3 : i32
      %dma_wait3A_714 = arith.constant 3 : i32
      %dma_wait3A_715 = arith.constant 3 : i32
      %dma_wait3A_716 = arith.constant 0 : i32
      %dma_wait3A_717 = arith.constant 0 : i32
      %dma_wait3A_718 = tpu.memref_slice %arg9[%dma_wait3A_714, %dma_wait3A_716, %dma_wait3A_717] : memref<4x80x128xf32, #tpu.memory_space<vmem>> -> memref<1x80x128xf32, #tpu.memory_space<vmem>>
      %dma_wait3A_719 = tpu.memref_squeeze %dma_wait3A_718 : memref<1x80x128xf32, #tpu.memory_space<vmem>> -> memref<80x128xf32, #tpu.memory_space<vmem>>
      %dma_wait3A_720 = arith.constant 0 : i32
      %dma_wait3A_721 = tpu.memref_slice %arg7[%dma_wait3A_713, %dma_wait3A_720] : memref<8x80xi32, #tpu.memory_space<vmem>> -> memref<1x80xi32, #tpu.memory_space<vmem>>
      %dma_wait3A_722 = tpu.memref_squeeze %dma_wait3A_721 : memref<1x80xi32, #tpu.memory_space<vmem>> -> memref<80xi32, #tpu.memory_space<vmem>>
      %dma_wait3A_723 = arith.constant 0 : i32
      %dma_wait3A_724 = arith.constant 0 : i32
      %dma_wait3A_725 = tpu.memref_slice %arg2[%dma_wait3A_723, %dma_wait3A_724] : memref<10240x128xf32, #tpu.memory_space<hbm>> -> memref<10240x128xf32, #tpu.memory_space<hbm>>
      %dma_wait3A_726 = tpu.memref_slice %arg13[%dma_wait3A_715] : memref<4x!tpu.dma_semaphore, #tpu.memory_space<semaphore_mem>> -> memref<1x!tpu.dma_semaphore, #tpu.memory_space<semaphore_mem>>
      %dma_wait3A_727 = tpu.memref_squeeze %dma_wait3A_726 : memref<1x!tpu.dma_semaphore, #tpu.memory_space<semaphore_mem>> -> memref<!tpu.dma_semaphore, #tpu.memory_space<semaphore_mem>>
      tpu.wait_indirect_dma semaphore(%dma_wait3A_727 : memref<!tpu.dma_semaphore, #tpu.memory_space<semaphore_mem>>) src(%dma_wait3A_725 : memref<10240x128xf32, #tpu.memory_space<hbm>>) dst(%dma_wait3A_719 : memref<80x128xf32, #tpu.memory_space<vmem>>)
      %dma_wait3A_728 = arith.constant 6 : i32
      %dma_wait3A_729 = arith.constant 6 : i32
      %dma_wait3A_730 = arith.constant 0 : i32
      %dma_wait3A_731 = tpu.memref_slice %arg7[%dma_wait3A_728, %dma_wait3A_730] : memref<8x80xi32, #tpu.memory_space<vmem>> -> memref<1x80xi32, #tpu.memory_space<vmem>>
      %dma_wait3A_732 = tpu.memref_squeeze %dma_wait3A_731 : memref<1x80xi32, #tpu.memory_space<vmem>> -> memref<80xi32, #tpu.memory_space<vmem>>
      %dma_wait3A_733 = tpu.memref_slice %arg3[%mul3A_2] : memref<320000xi32, #tpu.memory_space<hbm>> -> memref<80xi32, #tpu.memory_space<hbm>>
      %dma_wait3A_734 = tpu.memref_slice %arg11[%dma_wait3A_729] : memref<8x!tpu.dma_semaphore, #tpu.memory_space<semaphore_mem>> -> memref<1x!tpu.dma_semaphore, #tpu.memory_space<semaphore_mem>>
      %dma_wait3A_735 = tpu.memref_squeeze %dma_wait3A_734 : memref<1x!tpu.dma_semaphore, #tpu.memory_space<semaphore_mem>> -> memref<!tpu.dma_semaphore, #tpu.memory_space<semaphore_mem>>
      %dma_wait3A_736 = arith.constant 0 : i32
      %dma_wait3A_737 = tpu.memref_slice %arg7[%dma_wait3A_728, %dma_wait3A_736] : memref<8x80xi32, #tpu.memory_space<vmem>> -> memref<1x80xi32, #tpu.memory_space<vmem>>
      %dma_wait3A_738 = tpu.memref_squeeze %dma_wait3A_737 : memref<1x80xi32, #tpu.memory_space<vmem>> -> memref<80xi32, #tpu.memory_space<vmem>>
      %dma_wait3A_739 = tpu.memref_slice %arg3[%mul3A_2] : memref<320000xi32, #tpu.memory_space<hbm>> -> memref<80xi32, #tpu.memory_space<hbm>>
      tpu.wait_dma2 semaphore(%dma_wait3A_735 : memref<!tpu.dma_semaphore, #tpu.memory_space<semaphore_mem>>) src(%dma_wait3A_739 : memref<80xi32, #tpu.memory_space<hbm>>) dst(%dma_wait3A_738 : memref<80xi32, #tpu.memory_space<vmem>>)
      %dma_wait3A_740 = arith.constant 6 : i32
      %dma_wait3A_741 = arith.constant 6 : i32
      %dma_wait3A_742 = arith.constant 0 : i32
      %dma_wait3A_743 = tpu.memref_slice %arg8[%dma_wait3A_740, %dma_wait3A_742] : memref<8x80xi32, #tpu.memory_space<vmem>> -> memref<1x80xi32, #tpu.memory_space<vmem>>
      %dma_wait3A_744 = tpu.memref_squeeze %dma_wait3A_743 : memref<1x80xi32, #tpu.memory_space<vmem>> -> memref<80xi32, #tpu.memory_space<vmem>>
      %dma_wait3A_745 = tpu.memref_slice %arg4[%mul3A_2] : memref<320000xi32, #tpu.memory_space<hbm>> -> memref<80xi32, #tpu.memory_space<hbm>>
      %dma_wait3A_746 = tpu.memref_slice %arg12[%dma_wait3A_741] : memref<8x!tpu.dma_semaphore, #tpu.memory_space<semaphore_mem>> -> memref<1x!tpu.dma_semaphore, #tpu.memory_space<semaphore_mem>>
      %dma_wait3A_747 = tpu.memref_squeeze %dma_wait3A_746 : memref<1x!tpu.dma_semaphore, #tpu.memory_space<semaphore_mem>> -> memref<!tpu.dma_semaphore, #tpu.memory_space<semaphore_mem>>
      %dma_wait3A_748 = arith.constant 0 : i32
      %dma_wait3A_749 = tpu.memref_slice %arg8[%dma_wait3A_740, %dma_wait3A_748] : memref<8x80xi32, #tpu.memory_space<vmem>> -> memref<1x80xi32, #tpu.memory_space<vmem>>
      %dma_wait3A_750 = tpu.memref_squeeze %dma_wait3A_749 : memref<1x80xi32, #tpu.memory_space<vmem>> -> memref<80xi32, #tpu.memory_space<vmem>>
      %dma_wait3A_751 = tpu.memref_slice %arg4[%mul3A_2] : memref<320000xi32, #tpu.memory_space<hbm>> -> memref<80xi32, #tpu.memory_space<hbm>>
      tpu.wait_dma2 semaphore(%dma_wait3A_747 : memref<!tpu.dma_semaphore, #tpu.memory_space<semaphore_mem>>) src(%dma_wait3A_751 : memref<80xi32, #tpu.memory_space<hbm>>) dst(%dma_wait3A_750 : memref<80xi32, #tpu.memory_space<vmem>>)
      %dma_start3A_752 = arith.constant 6 : i32
      %dma_start3A_753 = arith.constant 2 : i32
      %dma_start3A_754 = arith.constant 2 : i32
      %dma_start3A_755 = arith.constant 0 : i32
      %dma_start3A_756 = arith.constant 0 : i32
      %dma_start3A_757 = tpu.memref_slice %arg9[%dma_start3A_753, %dma_start3A_755, %dma_start3A_756] : memref<4x80x128xf32, #tpu.memory_space<vmem>> -> memref<1x80x128xf32, #tpu.memory_space<vmem>>
      %dma_start3A_758 = tpu.memref_squeeze %dma_start3A_757 : memref<1x80x128xf32, #tpu.memory_space<vmem>> -> memref<80x128xf32, #tpu.memory_space<vmem>>
      %dma_start3A_759 = arith.constant 0 : i32
      %dma_start3A_760 = tpu.memref_slice %arg7[%dma_start3A_752, %dma_start3A_759] : memref<8x80xi32, #tpu.memory_space<vmem>> -> memref<1x80xi32, #tpu.memory_space<vmem>>
      %dma_start3A_761 = tpu.memref_squeeze %dma_start3A_760 : memref<1x80xi32, #tpu.memory_space<vmem>> -> memref<80xi32, #tpu.memory_space<vmem>>
      %dma_start3A_762 = arith.constant 0 : i32
      %dma_start3A_763 = arith.constant 0 : i32
      %dma_start3A_764 = tpu.memref_slice %arg2[%dma_start3A_762, %dma_start3A_763] : memref<10240x128xf32, #tpu.memory_space<hbm>> -> memref<10240x128xf32, #tpu.memory_space<hbm>>
      %dma_start3A_765 = tpu.memref_slice %arg13[%dma_start3A_754] : memref<4x!tpu.dma_semaphore, #tpu.memory_space<semaphore_mem>> -> memref<1x!tpu.dma_semaphore, #tpu.memory_space<semaphore_mem>>
      %dma_start3A_766 = tpu.memref_squeeze %dma_start3A_765 : memref<1x!tpu.dma_semaphore, #tpu.memory_space<semaphore_mem>> -> memref<!tpu.dma_semaphore, #tpu.memory_space<semaphore_mem>>
      tpu.enqueue_indirect_dma source(%dma_start3A_764 : memref<10240x128xf32, #tpu.memory_space<hbm>>) target(%dma_start3A_758 : memref<80x128xf32, #tpu.memory_space<vmem>>) offsets(%dma_start3A_761 : memref<80xi32, #tpu.memory_space<vmem>>) semaphore(%dma_start3A_766 : memref<!tpu.dma_semaphore, #tpu.memory_space<semaphore_mem>>)
      %run_scoped3A_767 = arith.constant 3 : i32
      %run_scoped3A_768 = arith.constant 3 : i32
      "tpu.region"() ({
        %run_scoped3A_1040 = tpu.sem_alloc : memref<!tpu.dma_semaphore, #tpu.memory_space<semaphore_mem>>
        %dma_start3A_1041 = arith.constant 0 : i32
        %dma_start3A_1042 = arith.constant 0 : i32
        %dma_start3A_1043 = tpu.memref_slice %arg9[%run_scoped3A_767, %dma_start3A_1041, %dma_start3A_1042] : memref<4x80x128xf32, #tpu.memory_space<vmem>> -> memref<1x80x128xf32, #tpu.memory_space<vmem>>
        %dma_start3A_1044 = tpu.memref_squeeze %dma_start3A_1043 : memref<1x80x128xf32, #tpu.memory_space<vmem>> -> memref<80x128xf32, #tpu.memory_space<vmem>>
        %dma_start3A_1045 = arith.constant 0 : i32
        %dma_start3A_1046 = tpu.memref_slice %arg8[%run_scoped3A_768, %dma_start3A_1045] : memref<8x80xi32, #tpu.memory_space<vmem>> -> memref<1x80xi32, #tpu.memory_space<vmem>>
        %dma_start3A_1047 = tpu.memref_squeeze %dma_start3A_1046 : memref<1x80xi32, #tpu.memory_space<vmem>> -> memref<80xi32, #tpu.memory_space<vmem>>
        %dma_start3A_1048 = arith.constant 0 : i32
        %dma_start3A_1049 = arith.constant 0 : i32
        %dma_start3A_1050 = tpu.memref_slice %arg10[%dma_start3A_1048, %dma_start3A_1049] : memref<10240x128xf32, #tpu.memory_space<vmem_shared>> -> memref<10240x128xf32, #tpu.memory_space<vmem_shared>>
        tpu.enqueue_indirect_dma source(%dma_start3A_1044 : memref<80x128xf32, #tpu.memory_space<vmem>>) target(%dma_start3A_1050 : memref<10240x128xf32, #tpu.memory_space<vmem_shared>>) offsets(%dma_start3A_1047 : memref<80xi32, #tpu.memory_space<vmem>>) semaphore(%run_scoped3A_1040 : memref<!tpu.dma_semaphore, #tpu.memory_space<semaphore_mem>>) {add = true}
        %dma_wait3A_1051 = arith.constant 0 : i32
        %dma_wait3A_1052 = arith.constant 0 : i32
        %dma_wait3A_1053 = tpu.memref_slice %arg9[%run_scoped3A_767, %dma_wait3A_1051, %dma_wait3A_1052] : memref<4x80x128xf32, #tpu.memory_space<vmem>> -> memref<1x80x128xf32, #tpu.memory_space<vmem>>
        %dma_wait3A_1054 = tpu.memref_squeeze %dma_wait3A_1053 : memref<1x80x128xf32, #tpu.memory_space<vmem>> -> memref<80x128xf32, #tpu.memory_space<vmem>>
        %dma_wait3A_1055 = arith.constant 0 : i32
        %dma_wait3A_1056 = tpu.memref_slice %arg8[%run_scoped3A_768, %dma_wait3A_1055] : memref<8x80xi32, #tpu.memory_space<vmem>> -> memref<1x80xi32, #tpu.memory_space<vmem>>
        %dma_wait3A_1057 = tpu.memref_squeeze %dma_wait3A_1056 : memref<1x80xi32, #tpu.memory_space<vmem>> -> memref<80xi32, #tpu.memory_space<vmem>>
        %dma_wait3A_1058 = arith.constant 0 : i32
        %dma_wait3A_1059 = arith.constant 0 : i32
        %dma_wait3A_1060 = tpu.memref_slice %arg10[%dma_wait3A_1058, %dma_wait3A_1059] : memref<10240x128xf32, #tpu.memory_space<vmem_shared>> -> memref<10240x128xf32, #tpu.memory_space<vmem_shared>>
        tpu.wait_indirect_dma semaphore(%run_scoped3A_1040 : memref<!tpu.dma_semaphore, #tpu.memory_space<semaphore_mem>>) src(%dma_wait3A_1054 : memref<80x128xf32, #tpu.memory_space<vmem>>) dst(%dma_wait3A_1060 : memref<10240x128xf32, #tpu.memory_space<vmem_shared>>)
        tpu.yield
      }) : () -> ()
      %convert_element_type3A_769 = arith.extui %lt3A_712 : i1 to i32
      %cond3A_770 = arith.constant 0 : i32
      %cond3A_771 = arith.cmpi ne, %convert_element_type3A_769, %cond3A_770 : i32
      scf.if %cond3A_771 {
        %add3A_1040 = arith.constant 8 : i32
        %add3A_1041 = arith.addi %add3A_706, %add3A_1040 : i32
        %mul3A_1042 = arith.constant 80 : i32
        %mul3A_1043 = arith.muli %add3A_1041, %mul3A_1042 : i32
        %add3A_1044 = arith.addi %mul3A_2, %mul3A_1043 : i32
        %dma_start3A_1045 = arith.constant 3 : i32
        %dma_start3A_1046 = arith.constant 3 : i32
        %dma_start3A_1047 = arith.constant 0 : i32
        %dma_start3A_1048 = tpu.memref_slice %arg7[%dma_start3A_1045, %dma_start3A_1047] : memref<8x80xi32, #tpu.memory_space<vmem>> -> memref<1x80xi32, #tpu.memory_space<vmem>>
        %dma_start3A_1049 = tpu.memref_squeeze %dma_start3A_1048 : memref<1x80xi32, #tpu.memory_space<vmem>> -> memref<80xi32, #tpu.memory_space<vmem>>
        %dma_start3A_1050 = tpu.memref_slice %arg3[%add3A_1044] : memref<320000xi32, #tpu.memory_space<hbm>> -> memref<80xi32, #tpu.memory_space<hbm>>
        %dma_start3A_1051 = tpu.memref_slice %arg11[%dma_start3A_1046] : memref<8x!tpu.dma_semaphore, #tpu.memory_space<semaphore_mem>> -> memref<1x!tpu.dma_semaphore, #tpu.memory_space<semaphore_mem>>
        %dma_start3A_1052 = tpu.memref_squeeze %dma_start3A_1051 : memref<1x!tpu.dma_semaphore, #tpu.memory_space<semaphore_mem>> -> memref<!tpu.dma_semaphore, #tpu.memory_space<semaphore_mem>>
        %dma_start3A_1053 = arith.constant 0 : i32
        %dma_start3A_1054 = tpu.memref_slice %arg7[%dma_start3A_1045, %dma_start3A_1053] : memref<8x80xi32, #tpu.memory_space<vmem>> -> memref<1x80xi32, #tpu.memory_space<vmem>>
        %dma_start3A_1055 = tpu.memref_squeeze %dma_start3A_1054 : memref<1x80xi32, #tpu.memory_space<vmem>> -> memref<80xi32, #tpu.memory_space<vmem>>
        %dma_start3A_1056 = tpu.memref_slice %arg3[%add3A_1044] : memref<320000xi32, #tpu.memory_space<hbm>> -> memref<80xi32, #tpu.memory_space<hbm>>
        tpu.enqueue_dma source(%dma_start3A_1056 : memref<80xi32, #tpu.memory_space<hbm>>) target(%dma_start3A_1055 : memref<80xi32, #tpu.memory_space<vmem>>) target_semaphore(%dma_start3A_1052 : memref<!tpu.dma_semaphore, #tpu.memory_space<semaphore_mem>>)
        %dma_start3A_1057 = arith.constant 3 : i32
        %dma_start3A_1058 = arith.constant 3 : i32
        %dma_start3A_1059 = arith.constant 0 : i32
        %dma_start3A_1060 = tpu.memref_slice %arg8[%dma_start3A_1057, %dma_start3A_1059] : memref<8x80xi32, #tpu.memory_space<vmem>> -> memref<1x80xi32, #tpu.memory_space<vmem>>
        %dma_start3A_1061 = tpu.memref_squeeze %dma_start3A_1060 : memref<1x80xi32, #tpu.memory_space<vmem>> -> memref<80xi32, #tpu.memory_space<vmem>>
        %dma_start3A_1062 = tpu.memref_slice %arg4[%add3A_1044] : memref<320000xi32, #tpu.memory_space<hbm>> -> memref<80xi32, #tpu.memory_space<hbm>>
        %dma_start3A_1063 = tpu.memref_slice %arg12[%dma_start3A_1058] : memref<8x!tpu.dma_semaphore, #tpu.memory_space<semaphore_mem>> -> memref<1x!tpu.dma_semaphore, #tpu.memory_space<semaphore_mem>>
        %dma_start3A_1064 = tpu.memref_squeeze %dma_start3A_1063 : memref<1x!tpu.dma_semaphore, #tpu.memory_space<semaphore_mem>> -> memref<!tpu.dma_semaphore, #tpu.memory_space<semaphore_mem>>
        %dma_start3A_1065 = arith.constant 0 : i32
        %dma_start3A_1066 = tpu.memref_slice %arg8[%dma_start3A_1057, %dma_start3A_1065] : memref<8x80xi32, #tpu.memory_space<vmem>> -> memref<1x80xi32, #tpu.memory_space<vmem>>
        %dma_start3A_1067 = tpu.memref_squeeze %dma_start3A_1066 : memref<1x80xi32, #tpu.memory_space<vmem>> -> memref<80xi32, #tpu.memory_space<vmem>>
        %dma_start3A_1068 = tpu.memref_slice %arg4[%add3A_1044] : memref<320000xi32, #tpu.memory_space<hbm>> -> memref<80xi32, #tpu.memory_space<hbm>>
        tpu.enqueue_dma source(%dma_start3A_1068 : memref<80xi32, #tpu.memory_space<hbm>>) target(%dma_start3A_1067 : memref<80xi32, #tpu.memory_space<vmem>>) target_semaphore(%dma_start3A_1064 : memref<!tpu.dma_semaphore, #tpu.memory_space<semaphore_mem>>)
      } else {
      }
      %add3A_772 = arith.constant 4 : i32
      %add3A_773 = arith.addi %add3A_506, %add3A_772 : i32
      %add3A_774 = arith.constant 4 : i32
      %add3A_775 = arith.addi %add3A_506, %add3A_774 : i32
      %add3A_776 = arith.constant 8 : i32
      %add3A_777 = arith.addi %add3A_775, %add3A_776 : i32
      %lt3A_778 = arith.constant 125 : i32
      %lt3A_779 = arith.cmpi slt, %add3A_777, %lt3A_778 : i32
      %dma_wait3A_780 = arith.constant 4 : i32
      %dma_wait3A_781 = arith.constant 0 : i32
      %dma_wait3A_782 = arith.constant 0 : i32
      %dma_wait3A_783 = arith.constant 0 : i32
      %dma_wait3A_784 = arith.constant 0 : i32
      %dma_wait3A_785 = tpu.memref_slice %arg9[%dma_wait3A_781, %dma_wait3A_783, %dma_wait3A_784] : memref<4x80x128xf32, #tpu.memory_space<vmem>> -> memref<1x80x128xf32, #tpu.memory_space<vmem>>
      %dma_wait3A_786 = tpu.memref_squeeze %dma_wait3A_785 : memref<1x80x128xf32, #tpu.memory_space<vmem>> -> memref<80x128xf32, #tpu.memory_space<vmem>>
      %dma_wait3A_787 = arith.constant 0 : i32
      %dma_wait3A_788 = tpu.memref_slice %arg7[%dma_wait3A_780, %dma_wait3A_787] : memref<8x80xi32, #tpu.memory_space<vmem>> -> memref<1x80xi32, #tpu.memory_space<vmem>>
      %dma_wait3A_789 = tpu.memref_squeeze %dma_wait3A_788 : memref<1x80xi32, #tpu.memory_space<vmem>> -> memref<80xi32, #tpu.memory_space<vmem>>
      %dma_wait3A_790 = arith.constant 0 : i32
      %dma_wait3A_791 = arith.constant 0 : i32
      %dma_wait3A_792 = tpu.memref_slice %arg2[%dma_wait3A_790, %dma_wait3A_791] : memref<10240x128xf32, #tpu.memory_space<hbm>> -> memref<10240x128xf32, #tpu.memory_space<hbm>>
      %dma_wait3A_793 = tpu.memref_slice %arg13[%dma_wait3A_782] : memref<4x!tpu.dma_semaphore, #tpu.memory_space<semaphore_mem>> -> memref<1x!tpu.dma_semaphore, #tpu.memory_space<semaphore_mem>>
      %dma_wait3A_794 = tpu.memref_squeeze %dma_wait3A_793 : memref<1x!tpu.dma_semaphore, #tpu.memory_space<semaphore_mem>> -> memref<!tpu.dma_semaphore, #tpu.memory_space<semaphore_mem>>
      tpu.wait_indirect_dma semaphore(%dma_wait3A_794 : memref<!tpu.dma_semaphore, #tpu.memory_space<semaphore_mem>>) src(%dma_wait3A_792 : memref<10240x128xf32, #tpu.memory_space<hbm>>) dst(%dma_wait3A_786 : memref<80x128xf32, #tpu.memory_space<vmem>>)
      %dma_wait3A_795 = arith.constant 7 : i32
      %dma_wait3A_796 = arith.constant 7 : i32
      %dma_wait3A_797 = arith.constant 0 : i32
      %dma_wait3A_798 = tpu.memref_slice %arg7[%dma_wait3A_795, %dma_wait3A_797] : memref<8x80xi32, #tpu.memory_space<vmem>> -> memref<1x80xi32, #tpu.memory_space<vmem>>
      %dma_wait3A_799 = tpu.memref_squeeze %dma_wait3A_798 : memref<1x80xi32, #tpu.memory_space<vmem>> -> memref<80xi32, #tpu.memory_space<vmem>>
      %dma_wait3A_800 = tpu.memref_slice %arg3[%mul3A_2] : memref<320000xi32, #tpu.memory_space<hbm>> -> memref<80xi32, #tpu.memory_space<hbm>>
      %dma_wait3A_801 = tpu.memref_slice %arg11[%dma_wait3A_796] : memref<8x!tpu.dma_semaphore, #tpu.memory_space<semaphore_mem>> -> memref<1x!tpu.dma_semaphore, #tpu.memory_space<semaphore_mem>>
      %dma_wait3A_802 = tpu.memref_squeeze %dma_wait3A_801 : memref<1x!tpu.dma_semaphore, #tpu.memory_space<semaphore_mem>> -> memref<!tpu.dma_semaphore, #tpu.memory_space<semaphore_mem>>
      %dma_wait3A_803 = arith.constant 0 : i32
      %dma_wait3A_804 = tpu.memref_slice %arg7[%dma_wait3A_795, %dma_wait3A_803] : memref<8x80xi32, #tpu.memory_space<vmem>> -> memref<1x80xi32, #tpu.memory_space<vmem>>
      %dma_wait3A_805 = tpu.memref_squeeze %dma_wait3A_804 : memref<1x80xi32, #tpu.memory_space<vmem>> -> memref<80xi32, #tpu.memory_space<vmem>>
      %dma_wait3A_806 = tpu.memref_slice %arg3[%mul3A_2] : memref<320000xi32, #tpu.memory_space<hbm>> -> memref<80xi32, #tpu.memory_space<hbm>>
      tpu.wait_dma2 semaphore(%dma_wait3A_802 : memref<!tpu.dma_semaphore, #tpu.memory_space<semaphore_mem>>) src(%dma_wait3A_806 : memref<80xi32, #tpu.memory_space<hbm>>) dst(%dma_wait3A_805 : memref<80xi32, #tpu.memory_space<vmem>>)
      %dma_wait3A_807 = arith.constant 7 : i32
      %dma_wait3A_808 = arith.constant 7 : i32
      %dma_wait3A_809 = arith.constant 0 : i32
      %dma_wait3A_810 = tpu.memref_slice %arg8[%dma_wait3A_807, %dma_wait3A_809] : memref<8x80xi32, #tpu.memory_space<vmem>> -> memref<1x80xi32, #tpu.memory_space<vmem>>
      %dma_wait3A_811 = tpu.memref_squeeze %dma_wait3A_810 : memref<1x80xi32, #tpu.memory_space<vmem>> -> memref<80xi32, #tpu.memory_space<vmem>>
      %dma_wait3A_812 = tpu.memref_slice %arg4[%mul3A_2] : memref<320000xi32, #tpu.memory_space<hbm>> -> memref<80xi32, #tpu.memory_space<hbm>>
      %dma_wait3A_813 = tpu.memref_slice %arg12[%dma_wait3A_808] : memref<8x!tpu.dma_semaphore, #tpu.memory_space<semaphore_mem>> -> memref<1x!tpu.dma_semaphore, #tpu.memory_space<semaphore_mem>>
      %dma_wait3A_814 = tpu.memref_squeeze %dma_wait3A_813 : memref<1x!tpu.dma_semaphore, #tpu.memory_space<semaphore_mem>> -> memref<!tpu.dma_semaphore, #tpu.memory_space<semaphore_mem>>
      %dma_wait3A_815 = arith.constant 0 : i32
      %dma_wait3A_816 = tpu.memref_slice %arg8[%dma_wait3A_807, %dma_wait3A_815] : memref<8x80xi32, #tpu.memory_space<vmem>> -> memref<1x80xi32, #tpu.memory_space<vmem>>
      %dma_wait3A_817 = tpu.memref_squeeze %dma_wait3A_816 : memref<1x80xi32, #tpu.memory_space<vmem>> -> memref<80xi32, #tpu.memory_space<vmem>>
      %dma_wait3A_818 = tpu.memref_slice %arg4[%mul3A_2] : memref<320000xi32, #tpu.memory_space<hbm>> -> memref<80xi32, #tpu.memory_space<hbm>>
      tpu.wait_dma2 semaphore(%dma_wait3A_814 : memref<!tpu.dma_semaphore, #tpu.memory_space<semaphore_mem>>) src(%dma_wait3A_818 : memref<80xi32, #tpu.memory_space<hbm>>) dst(%dma_wait3A_817 : memref<80xi32, #tpu.memory_space<vmem>>)
      %dma_start3A_819 = arith.constant 7 : i32
      %dma_start3A_820 = arith.constant 3 : i32
      %dma_start3A_821 = arith.constant 3 : i32
      %dma_start3A_822 = arith.constant 0 : i32
      %dma_start3A_823 = arith.constant 0 : i32
      %dma_start3A_824 = tpu.memref_slice %arg9[%dma_start3A_820, %dma_start3A_822, %dma_start3A_823] : memref<4x80x128xf32, #tpu.memory_space<vmem>> -> memref<1x80x128xf32, #tpu.memory_space<vmem>>
      %dma_start3A_825 = tpu.memref_squeeze %dma_start3A_824 : memref<1x80x128xf32, #tpu.memory_space<vmem>> -> memref<80x128xf32, #tpu.memory_space<vmem>>
      %dma_start3A_826 = arith.constant 0 : i32
      %dma_start3A_827 = tpu.memref_slice %arg7[%dma_start3A_819, %dma_start3A_826] : memref<8x80xi32, #tpu.memory_space<vmem>> -> memref<1x80xi32, #tpu.memory_space<vmem>>
      %dma_start3A_828 = tpu.memref_squeeze %dma_start3A_827 : memref<1x80xi32, #tpu.memory_space<vmem>> -> memref<80xi32, #tpu.memory_space<vmem>>
      %dma_start3A_829 = arith.constant 0 : i32
      %dma_start3A_830 = arith.constant 0 : i32
      %dma_start3A_831 = tpu.memref_slice %arg2[%dma_start3A_829, %dma_start3A_830] : memref<10240x128xf32, #tpu.memory_space<hbm>> -> memref<10240x128xf32, #tpu.memory_space<hbm>>
      %dma_start3A_832 = tpu.memref_slice %arg13[%dma_start3A_821] : memref<4x!tpu.dma_semaphore, #tpu.memory_space<semaphore_mem>> -> memref<1x!tpu.dma_semaphore, #tpu.memory_space<semaphore_mem>>
      %dma_start3A_833 = tpu.memref_squeeze %dma_start3A_832 : memref<1x!tpu.dma_semaphore, #tpu.memory_space<semaphore_mem>> -> memref<!tpu.dma_semaphore, #tpu.memory_space<semaphore_mem>>
      tpu.enqueue_indirect_dma source(%dma_start3A_831 : memref<10240x128xf32, #tpu.memory_space<hbm>>) target(%dma_start3A_825 : memref<80x128xf32, #tpu.memory_space<vmem>>) offsets(%dma_start3A_828 : memref<80xi32, #tpu.memory_space<vmem>>) semaphore(%dma_start3A_833 : memref<!tpu.dma_semaphore, #tpu.memory_space<semaphore_mem>>)
      %run_scoped3A_834 = arith.constant 0 : i32
      %run_scoped3A_835 = arith.constant 4 : i32
      "tpu.region"() ({
        %run_scoped3A_1040 = tpu.sem_alloc : memref<!tpu.dma_semaphore, #tpu.memory_space<semaphore_mem>>
        %dma_start3A_1041 = arith.constant 0 : i32
        %dma_start3A_1042 = arith.constant 0 : i32
        %dma_start3A_1043 = tpu.memref_slice %arg9[%run_scoped3A_834, %dma_start3A_1041, %dma_start3A_1042] : memref<4x80x128xf32, #tpu.memory_space<vmem>> -> memref<1x80x128xf32, #tpu.memory_space<vmem>>
        %dma_start3A_1044 = tpu.memref_squeeze %dma_start3A_1043 : memref<1x80x128xf32, #tpu.memory_space<vmem>> -> memref<80x128xf32, #tpu.memory_space<vmem>>
        %dma_start3A_1045 = arith.constant 0 : i32
        %dma_start3A_1046 = tpu.memref_slice %arg8[%run_scoped3A_835, %dma_start3A_1045] : memref<8x80xi32, #tpu.memory_space<vmem>> -> memref<1x80xi32, #tpu.memory_space<vmem>>
        %dma_start3A_1047 = tpu.memref_squeeze %dma_start3A_1046 : memref<1x80xi32, #tpu.memory_space<vmem>> -> memref<80xi32, #tpu.memory_space<vmem>>
        %dma_start3A_1048 = arith.constant 0 : i32
        %dma_start3A_1049 = arith.constant 0 : i32
        %dma_start3A_1050 = tpu.memref_slice %arg10[%dma_start3A_1048, %dma_start3A_1049] : memref<10240x128xf32, #tpu.memory_space<vmem_shared>> -> memref<10240x128xf32, #tpu.memory_space<vmem_shared>>
        tpu.enqueue_indirect_dma source(%dma_start3A_1044 : memref<80x128xf32, #tpu.memory_space<vmem>>) target(%dma_start3A_1050 : memref<10240x128xf32, #tpu.memory_space<vmem_shared>>) offsets(%dma_start3A_1047 : memref<80xi32, #tpu.memory_space<vmem>>) semaphore(%run_scoped3A_1040 : memref<!tpu.dma_semaphore, #tpu.memory_space<semaphore_mem>>) {add = true}
        %dma_wait3A_1051 = arith.constant 0 : i32
        %dma_wait3A_1052 = arith.constant 0 : i32
        %dma_wait3A_1053 = tpu.memref_slice %arg9[%run_scoped3A_834, %dma_wait3A_1051, %dma_wait3A_1052] : memref<4x80x128xf32, #tpu.memory_space<vmem>> -> memref<1x80x128xf32, #tpu.memory_space<vmem>>
        %dma_wait3A_1054 = tpu.memref_squeeze %dma_wait3A_1053 : memref<1x80x128xf32, #tpu.memory_space<vmem>> -> memref<80x128xf32, #tpu.memory_space<vmem>>
        %dma_wait3A_1055 = arith.constant 0 : i32
        %dma_wait3A_1056 = tpu.memref_slice %arg8[%run_scoped3A_835, %dma_wait3A_1055] : memref<8x80xi32, #tpu.memory_space<vmem>> -> memref<1x80xi32, #tpu.memory_space<vmem>>
        %dma_wait3A_1057 = tpu.memref_squeeze %dma_wait3A_1056 : memref<1x80xi32, #tpu.memory_space<vmem>> -> memref<80xi32, #tpu.memory_space<vmem>>
        %dma_wait3A_1058 = arith.constant 0 : i32
        %dma_wait3A_1059 = arith.constant 0 : i32
        %dma_wait3A_1060 = tpu.memref_slice %arg10[%dma_wait3A_1058, %dma_wait3A_1059] : memref<10240x128xf32, #tpu.memory_space<vmem_shared>> -> memref<10240x128xf32, #tpu.memory_space<vmem_shared>>
        tpu.wait_indirect_dma semaphore(%run_scoped3A_1040 : memref<!tpu.dma_semaphore, #tpu.memory_space<semaphore_mem>>) src(%dma_wait3A_1054 : memref<80x128xf32, #tpu.memory_space<vmem>>) dst(%dma_wait3A_1060 : memref<10240x128xf32, #tpu.memory_space<vmem_shared>>)
        tpu.yield
      }) : () -> ()
      %convert_element_type3A_836 = arith.extui %lt3A_779 : i1 to i32
      %cond3A_837 = arith.constant 0 : i32
      %cond3A_838 = arith.cmpi ne, %convert_element_type3A_836, %cond3A_837 : i32
      scf.if %cond3A_838 {
        %add3A_1040 = arith.constant 8 : i32
        %add3A_1041 = arith.addi %add3A_773, %add3A_1040 : i32
        %mul3A_1042 = arith.constant 80 : i32
        %mul3A_1043 = arith.muli %add3A_1041, %mul3A_1042 : i32
        %add3A_1044 = arith.addi %mul3A_2, %mul3A_1043 : i32
        %dma_start3A_1045 = arith.constant 4 : i32
        %dma_start3A_1046 = arith.constant 4 : i32
        %dma_start3A_1047 = arith.constant 0 : i32
        %dma_start3A_1048 = tpu.memref_slice %arg7[%dma_start3A_1045, %dma_start3A_1047] : memref<8x80xi32, #tpu.memory_space<vmem>> -> memref<1x80xi32, #tpu.memory_space<vmem>>
        %dma_start3A_1049 = tpu.memref_squeeze %dma_start3A_1048 : memref<1x80xi32, #tpu.memory_space<vmem>> -> memref<80xi32, #tpu.memory_space<vmem>>
        %dma_start3A_1050 = tpu.memref_slice %arg3[%add3A_1044] : memref<320000xi32, #tpu.memory_space<hbm>> -> memref<80xi32, #tpu.memory_space<hbm>>
        %dma_start3A_1051 = tpu.memref_slice %arg11[%dma_start3A_1046] : memref<8x!tpu.dma_semaphore, #tpu.memory_space<semaphore_mem>> -> memref<1x!tpu.dma_semaphore, #tpu.memory_space<semaphore_mem>>
        %dma_start3A_1052 = tpu.memref_squeeze %dma_start3A_1051 : memref<1x!tpu.dma_semaphore, #tpu.memory_space<semaphore_mem>> -> memref<!tpu.dma_semaphore, #tpu.memory_space<semaphore_mem>>
        %dma_start3A_1053 = arith.constant 0 : i32
        %dma_start3A_1054 = tpu.memref_slice %arg7[%dma_start3A_1045, %dma_start3A_1053] : memref<8x80xi32, #tpu.memory_space<vmem>> -> memref<1x80xi32, #tpu.memory_space<vmem>>
        %dma_start3A_1055 = tpu.memref_squeeze %dma_start3A_1054 : memref<1x80xi32, #tpu.memory_space<vmem>> -> memref<80xi32, #tpu.memory_space<vmem>>
        %dma_start3A_1056 = tpu.memref_slice %arg3[%add3A_1044] : memref<320000xi32, #tpu.memory_space<hbm>> -> memref<80xi32, #tpu.memory_space<hbm>>
        tpu.enqueue_dma source(%dma_start3A_1056 : memref<80xi32, #tpu.memory_space<hbm>>) target(%dma_start3A_1055 : memref<80xi32, #tpu.memory_space<vmem>>) target_semaphore(%dma_start3A_1052 : memref<!tpu.dma_semaphore, #tpu.memory_space<semaphore_mem>>)
        %dma_start3A_1057 = arith.constant 4 : i32
        %dma_start3A_1058 = arith.constant 4 : i32
        %dma_start3A_1059 = arith.constant 0 : i32
        %dma_start3A_1060 = tpu.memref_slice %arg8[%dma_start3A_1057, %dma_start3A_1059] : memref<8x80xi32, #tpu.memory_space<vmem>> -> memref<1x80xi32, #tpu.memory_space<vmem>>
        %dma_start3A_1061 = tpu.memref_squeeze %dma_start3A_1060 : memref<1x80xi32, #tpu.memory_space<vmem>> -> memref<80xi32, #tpu.memory_space<vmem>>
        %dma_start3A_1062 = tpu.memref_slice %arg4[%add3A_1044] : memref<320000xi32, #tpu.memory_space<hbm>> -> memref<80xi32, #tpu.memory_space<hbm>>
        %dma_start3A_1063 = tpu.memref_slice %arg12[%dma_start3A_1058] : memref<8x!tpu.dma_semaphore, #tpu.memory_space<semaphore_mem>> -> memref<1x!tpu.dma_semaphore, #tpu.memory_space<semaphore_mem>>
        %dma_start3A_1064 = tpu.memref_squeeze %dma_start3A_1063 : memref<1x!tpu.dma_semaphore, #tpu.memory_space<semaphore_mem>> -> memref<!tpu.dma_semaphore, #tpu.memory_space<semaphore_mem>>
        %dma_start3A_1065 = arith.constant 0 : i32
        %dma_start3A_1066 = tpu.memref_slice %arg8[%dma_start3A_1057, %dma_start3A_1065] : memref<8x80xi32, #tpu.memory_space<vmem>> -> memref<1x80xi32, #tpu.memory_space<vmem>>
        %dma_start3A_1067 = tpu.memref_squeeze %dma_start3A_1066 : memref<1x80xi32, #tpu.memory_space<vmem>> -> memref<80xi32, #tpu.memory_space<vmem>>
        %dma_start3A_1068 = tpu.memref_slice %arg4[%add3A_1044] : memref<320000xi32, #tpu.memory_space<hbm>> -> memref<80xi32, #tpu.memory_space<hbm>>
        tpu.enqueue_dma source(%dma_start3A_1068 : memref<80xi32, #tpu.memory_space<hbm>>) target(%dma_start3A_1067 : memref<80xi32, #tpu.memory_space<vmem>>) target_semaphore(%dma_start3A_1064 : memref<!tpu.dma_semaphore, #tpu.memory_space<semaphore_mem>>)
      } else {
      }
      %add3A_839 = arith.constant 5 : i32
      %add3A_840 = arith.addi %add3A_506, %add3A_839 : i32
      %add3A_841 = arith.constant 5 : i32
      %add3A_842 = arith.addi %add3A_506, %add3A_841 : i32
      %add3A_843 = arith.constant 8 : i32
      %add3A_844 = arith.addi %add3A_842, %add3A_843 : i32
      %lt3A_845 = arith.constant 125 : i32
      %lt3A_846 = arith.cmpi slt, %add3A_844, %lt3A_845 : i32
      %dma_wait3A_847 = arith.constant 5 : i32
      %dma_wait3A_848 = arith.constant 1 : i32
      %dma_wait3A_849 = arith.constant 1 : i32
      %dma_wait3A_850 = arith.constant 0 : i32
      %dma_wait3A_851 = arith.constant 0 : i32
      %dma_wait3A_852 = tpu.memref_slice %arg9[%dma_wait3A_848, %dma_wait3A_850, %dma_wait3A_851] : memref<4x80x128xf32, #tpu.memory_space<vmem>> -> memref<1x80x128xf32, #tpu.memory_space<vmem>>
      %dma_wait3A_853 = tpu.memref_squeeze %dma_wait3A_852 : memref<1x80x128xf32, #tpu.memory_space<vmem>> -> memref<80x128xf32, #tpu.memory_space<vmem>>
      %dma_wait3A_854 = arith.constant 0 : i32
      %dma_wait3A_855 = tpu.memref_slice %arg7[%dma_wait3A_847, %dma_wait3A_854] : memref<8x80xi32, #tpu.memory_space<vmem>> -> memref<1x80xi32, #tpu.memory_space<vmem>>
      %dma_wait3A_856 = tpu.memref_squeeze %dma_wait3A_855 : memref<1x80xi32, #tpu.memory_space<vmem>> -> memref<80xi32, #tpu.memory_space<vmem>>
      %dma_wait3A_857 = arith.constant 0 : i32
      %dma_wait3A_858 = arith.constant 0 : i32
      %dma_wait3A_859 = tpu.memref_slice %arg2[%dma_wait3A_857, %dma_wait3A_858] : memref<10240x128xf32, #tpu.memory_space<hbm>> -> memref<10240x128xf32, #tpu.memory_space<hbm>>
      %dma_wait3A_860 = tpu.memref_slice %arg13[%dma_wait3A_849] : memref<4x!tpu.dma_semaphore, #tpu.memory_space<semaphore_mem>> -> memref<1x!tpu.dma_semaphore, #tpu.memory_space<semaphore_mem>>
      %dma_wait3A_861 = tpu.memref_squeeze %dma_wait3A_860 : memref<1x!tpu.dma_semaphore, #tpu.memory_space<semaphore_mem>> -> memref<!tpu.dma_semaphore, #tpu.memory_space<semaphore_mem>>
      tpu.wait_indirect_dma semaphore(%dma_wait3A_861 : memref<!tpu.dma_semaphore, #tpu.memory_space<semaphore_mem>>) src(%dma_wait3A_859 : memref<10240x128xf32, #tpu.memory_space<hbm>>) dst(%dma_wait3A_853 : memref<80x128xf32, #tpu.memory_space<vmem>>)
      %dma_wait3A_862 = arith.constant 0 : i32
      %dma_wait3A_863 = arith.constant 0 : i32
      %dma_wait3A_864 = arith.constant 0 : i32
      %dma_wait3A_865 = tpu.memref_slice %arg7[%dma_wait3A_862, %dma_wait3A_864] : memref<8x80xi32, #tpu.memory_space<vmem>> -> memref<1x80xi32, #tpu.memory_space<vmem>>
      %dma_wait3A_866 = tpu.memref_squeeze %dma_wait3A_865 : memref<1x80xi32, #tpu.memory_space<vmem>> -> memref<80xi32, #tpu.memory_space<vmem>>
      %dma_wait3A_867 = tpu.memref_slice %arg3[%mul3A_2] : memref<320000xi32, #tpu.memory_space<hbm>> -> memref<80xi32, #tpu.memory_space<hbm>>
      %dma_wait3A_868 = tpu.memref_slice %arg11[%dma_wait3A_863] : memref<8x!tpu.dma_semaphore, #tpu.memory_space<semaphore_mem>> -> memref<1x!tpu.dma_semaphore, #tpu.memory_space<semaphore_mem>>
      %dma_wait3A_869 = tpu.memref_squeeze %dma_wait3A_868 : memref<1x!tpu.dma_semaphore, #tpu.memory_space<semaphore_mem>> -> memref<!tpu.dma_semaphore, #tpu.memory_space<semaphore_mem>>
      %dma_wait3A_870 = arith.constant 0 : i32
      %dma_wait3A_871 = tpu.memref_slice %arg7[%dma_wait3A_862, %dma_wait3A_870] : memref<8x80xi32, #tpu.memory_space<vmem>> -> memref<1x80xi32, #tpu.memory_space<vmem>>
      %dma_wait3A_872 = tpu.memref_squeeze %dma_wait3A_871 : memref<1x80xi32, #tpu.memory_space<vmem>> -> memref<80xi32, #tpu.memory_space<vmem>>
      %dma_wait3A_873 = tpu.memref_slice %arg3[%mul3A_2] : memref<320000xi32, #tpu.memory_space<hbm>> -> memref<80xi32, #tpu.memory_space<hbm>>
      tpu.wait_dma2 semaphore(%dma_wait3A_869 : memref<!tpu.dma_semaphore, #tpu.memory_space<semaphore_mem>>) src(%dma_wait3A_873 : memref<80xi32, #tpu.memory_space<hbm>>) dst(%dma_wait3A_872 : memref<80xi32, #tpu.memory_space<vmem>>)
      %dma_wait3A_874 = arith.constant 0 : i32
      %dma_wait3A_875 = arith.constant 0 : i32
      %dma_wait3A_876 = arith.constant 0 : i32
      %dma_wait3A_877 = tpu.memref_slice %arg8[%dma_wait3A_874, %dma_wait3A_876] : memref<8x80xi32, #tpu.memory_space<vmem>> -> memref<1x80xi32, #tpu.memory_space<vmem>>
      %dma_wait3A_878 = tpu.memref_squeeze %dma_wait3A_877 : memref<1x80xi32, #tpu.memory_space<vmem>> -> memref<80xi32, #tpu.memory_space<vmem>>
      %dma_wait3A_879 = tpu.memref_slice %arg4[%mul3A_2] : memref<320000xi32, #tpu.memory_space<hbm>> -> memref<80xi32, #tpu.memory_space<hbm>>
      %dma_wait3A_880 = tpu.memref_slice %arg12[%dma_wait3A_875] : memref<8x!tpu.dma_semaphore, #tpu.memory_space<semaphore_mem>> -> memref<1x!tpu.dma_semaphore, #tpu.memory_space<semaphore_mem>>
      %dma_wait3A_881 = tpu.memref_squeeze %dma_wait3A_880 : memref<1x!tpu.dma_semaphore, #tpu.memory_space<semaphore_mem>> -> memref<!tpu.dma_semaphore, #tpu.memory_space<semaphore_mem>>
      %dma_wait3A_882 = arith.constant 0 : i32
      %dma_wait3A_883 = tpu.memref_slice %arg8[%dma_wait3A_874, %dma_wait3A_882] : memref<8x80xi32, #tpu.memory_space<vmem>> -> memref<1x80xi32, #tpu.memory_space<vmem>>
      %dma_wait3A_884 = tpu.memref_squeeze %dma_wait3A_883 : memref<1x80xi32, #tpu.memory_space<vmem>> -> memref<80xi32, #tpu.memory_space<vmem>>
      %dma_wait3A_885 = tpu.memref_slice %arg4[%mul3A_2] : memref<320000xi32, #tpu.memory_space<hbm>> -> memref<80xi32, #tpu.memory_space<hbm>>
      tpu.wait_dma2 semaphore(%dma_wait3A_881 : memref<!tpu.dma_semaphore, #tpu.memory_space<semaphore_mem>>) src(%dma_wait3A_885 : memref<80xi32, #tpu.memory_space<hbm>>) dst(%dma_wait3A_884 : memref<80xi32, #tpu.memory_space<vmem>>)
      %dma_start3A_886 = arith.constant 0 : i32
      %dma_start3A_887 = arith.constant 0 : i32
      %dma_start3A_888 = arith.constant 0 : i32
      %dma_start3A_889 = arith.constant 0 : i32
      %dma_start3A_890 = arith.constant 0 : i32
      %dma_start3A_891 = tpu.memref_slice %arg9[%dma_start3A_887, %dma_start3A_889, %dma_start3A_890] : memref<4x80x128xf32, #tpu.memory_space<vmem>> -> memref<1x80x128xf32, #tpu.memory_space<vmem>>
      %dma_start3A_892 = tpu.memref_squeeze %dma_start3A_891 : memref<1x80x128xf32, #tpu.memory_space<vmem>> -> memref<80x128xf32, #tpu.memory_space<vmem>>
      %dma_start3A_893 = arith.constant 0 : i32
      %dma_start3A_894 = tpu.memref_slice %arg7[%dma_start3A_886, %dma_start3A_893] : memref<8x80xi32, #tpu.memory_space<vmem>> -> memref<1x80xi32, #tpu.memory_space<vmem>>
      %dma_start3A_895 = tpu.memref_squeeze %dma_start3A_894 : memref<1x80xi32, #tpu.memory_space<vmem>> -> memref<80xi32, #tpu.memory_space<vmem>>
      %dma_start3A_896 = arith.constant 0 : i32
      %dma_start3A_897 = arith.constant 0 : i32
      %dma_start3A_898 = tpu.memref_slice %arg2[%dma_start3A_896, %dma_start3A_897] : memref<10240x128xf32, #tpu.memory_space<hbm>> -> memref<10240x128xf32, #tpu.memory_space<hbm>>
      %dma_start3A_899 = tpu.memref_slice %arg13[%dma_start3A_888] : memref<4x!tpu.dma_semaphore, #tpu.memory_space<semaphore_mem>> -> memref<1x!tpu.dma_semaphore, #tpu.memory_space<semaphore_mem>>
      %dma_start3A_900 = tpu.memref_squeeze %dma_start3A_899 : memref<1x!tpu.dma_semaphore, #tpu.memory_space<semaphore_mem>> -> memref<!tpu.dma_semaphore, #tpu.memory_space<semaphore_mem>>
      tpu.enqueue_indirect_dma source(%dma_start3A_898 : memref<10240x128xf32, #tpu.memory_space<hbm>>) target(%dma_start3A_892 : memref<80x128xf32, #tpu.memory_space<vmem>>) offsets(%dma_start3A_895 : memref<80xi32, #tpu.memory_space<vmem>>) semaphore(%dma_start3A_900 : memref<!tpu.dma_semaphore, #tpu.memory_space<semaphore_mem>>)
      %run_scoped3A_901 = arith.constant 1 : i32
      %run_scoped3A_902 = arith.constant 5 : i32
      "tpu.region"() ({
        %run_scoped3A_1040 = tpu.sem_alloc : memref<!tpu.dma_semaphore, #tpu.memory_space<semaphore_mem>>
        %dma_start3A_1041 = arith.constant 0 : i32
        %dma_start3A_1042 = arith.constant 0 : i32
        %dma_start3A_1043 = tpu.memref_slice %arg9[%run_scoped3A_901, %dma_start3A_1041, %dma_start3A_1042] : memref<4x80x128xf32, #tpu.memory_space<vmem>> -> memref<1x80x128xf32, #tpu.memory_space<vmem>>
        %dma_start3A_1044 = tpu.memref_squeeze %dma_start3A_1043 : memref<1x80x128xf32, #tpu.memory_space<vmem>> -> memref<80x128xf32, #tpu.memory_space<vmem>>
        %dma_start3A_1045 = arith.constant 0 : i32
        %dma_start3A_1046 = tpu.memref_slice %arg8[%run_scoped3A_902, %dma_start3A_1045] : memref<8x80xi32, #tpu.memory_space<vmem>> -> memref<1x80xi32, #tpu.memory_space<vmem>>
        %dma_start3A_1047 = tpu.memref_squeeze %dma_start3A_1046 : memref<1x80xi32, #tpu.memory_space<vmem>> -> memref<80xi32, #tpu.memory_space<vmem>>
        %dma_start3A_1048 = arith.constant 0 : i32
        %dma_start3A_1049 = arith.constant 0 : i32
        %dma_start3A_1050 = tpu.memref_slice %arg10[%dma_start3A_1048, %dma_start3A_1049] : memref<10240x128xf32, #tpu.memory_space<vmem_shared>> -> memref<10240x128xf32, #tpu.memory_space<vmem_shared>>
        tpu.enqueue_indirect_dma source(%dma_start3A_1044 : memref<80x128xf32, #tpu.memory_space<vmem>>) target(%dma_start3A_1050 : memref<10240x128xf32, #tpu.memory_space<vmem_shared>>) offsets(%dma_start3A_1047 : memref<80xi32, #tpu.memory_space<vmem>>) semaphore(%run_scoped3A_1040 : memref<!tpu.dma_semaphore, #tpu.memory_space<semaphore_mem>>) {add = true}
        %dma_wait3A_1051 = arith.constant 0 : i32
        %dma_wait3A_1052 = arith.constant 0 : i32
        %dma_wait3A_1053 = tpu.memref_slice %arg9[%run_scoped3A_901, %dma_wait3A_1051, %dma_wait3A_1052] : memref<4x80x128xf32, #tpu.memory_space<vmem>> -> memref<1x80x128xf32, #tpu.memory_space<vmem>>
        %dma_wait3A_1054 = tpu.memref_squeeze %dma_wait3A_1053 : memref<1x80x128xf32, #tpu.memory_space<vmem>> -> memref<80x128xf32, #tpu.memory_space<vmem>>
        %dma_wait3A_1055 = arith.constant 0 : i32
        %dma_wait3A_1056 = tpu.memref_slice %arg8[%run_scoped3A_902, %dma_wait3A_1055] : memref<8x80xi32, #tpu.memory_space<vmem>> -> memref<1x80xi32, #tpu.memory_space<vmem>>
        %dma_wait3A_1057 = tpu.memref_squeeze %dma_wait3A_1056 : memref<1x80xi32, #tpu.memory_space<vmem>> -> memref<80xi32, #tpu.memory_space<vmem>>
        %dma_wait3A_1058 = arith.constant 0 : i32
        %dma_wait3A_1059 = arith.constant 0 : i32
        %dma_wait3A_1060 = tpu.memref_slice %arg10[%dma_wait3A_1058, %dma_wait3A_1059] : memref<10240x128xf32, #tpu.memory_space<vmem_shared>> -> memref<10240x128xf32, #tpu.memory_space<vmem_shared>>
        tpu.wait_indirect_dma semaphore(%run_scoped3A_1040 : memref<!tpu.dma_semaphore, #tpu.memory_space<semaphore_mem>>) src(%dma_wait3A_1054 : memref<80x128xf32, #tpu.memory_space<vmem>>) dst(%dma_wait3A_1060 : memref<10240x128xf32, #tpu.memory_space<vmem_shared>>)
        tpu.yield
      }) : () -> ()
      %convert_element_type3A_903 = arith.extui %lt3A_846 : i1 to i32
      %cond3A_904 = arith.constant 0 : i32
      %cond3A_905 = arith.cmpi ne, %convert_element_type3A_903, %cond3A_904 : i32
      scf.if %cond3A_905 {
        %add3A_1040 = arith.constant 8 : i32
        %add3A_1041 = arith.addi %add3A_840, %add3A_1040 : i32
        %mul3A_1042 = arith.constant 80 : i32
        %mul3A_1043 = arith.muli %add3A_1041, %mul3A_1042 : i32
        %add3A_1044 = arith.addi %mul3A_2, %mul3A_1043 : i32
        %dma_start3A_1045 = arith.constant 5 : i32
        %dma_start3A_1046 = arith.constant 5 : i32
        %dma_start3A_1047 = arith.constant 0 : i32
        %dma_start3A_1048 = tpu.memref_slice %arg7[%dma_start3A_1045, %dma_start3A_1047] : memref<8x80xi32, #tpu.memory_space<vmem>> -> memref<1x80xi32, #tpu.memory_space<vmem>>
        %dma_start3A_1049 = tpu.memref_squeeze %dma_start3A_1048 : memref<1x80xi32, #tpu.memory_space<vmem>> -> memref<80xi32, #tpu.memory_space<vmem>>
        %dma_start3A_1050 = tpu.memref_slice %arg3[%add3A_1044] : memref<320000xi32, #tpu.memory_space<hbm>> -> memref<80xi32, #tpu.memory_space<hbm>>
        %dma_start3A_1051 = tpu.memref_slice %arg11[%dma_start3A_1046] : memref<8x!tpu.dma_semaphore, #tpu.memory_space<semaphore_mem>> -> memref<1x!tpu.dma_semaphore, #tpu.memory_space<semaphore_mem>>
        %dma_start3A_1052 = tpu.memref_squeeze %dma_start3A_1051 : memref<1x!tpu.dma_semaphore, #tpu.memory_space<semaphore_mem>> -> memref<!tpu.dma_semaphore, #tpu.memory_space<semaphore_mem>>
        %dma_start3A_1053 = arith.constant 0 : i32
        %dma_start3A_1054 = tpu.memref_slice %arg7[%dma_start3A_1045, %dma_start3A_1053] : memref<8x80xi32, #tpu.memory_space<vmem>> -> memref<1x80xi32, #tpu.memory_space<vmem>>
        %dma_start3A_1055 = tpu.memref_squeeze %dma_start3A_1054 : memref<1x80xi32, #tpu.memory_space<vmem>> -> memref<80xi32, #tpu.memory_space<vmem>>
        %dma_start3A_1056 = tpu.memref_slice %arg3[%add3A_1044] : memref<320000xi32, #tpu.memory_space<hbm>> -> memref<80xi32, #tpu.memory_space<hbm>>
        tpu.enqueue_dma source(%dma_start3A_1056 : memref<80xi32, #tpu.memory_space<hbm>>) target(%dma_start3A_1055 : memref<80xi32, #tpu.memory_space<vmem>>) target_semaphore(%dma_start3A_1052 : memref<!tpu.dma_semaphore, #tpu.memory_space<semaphore_mem>>)
        %dma_start3A_1057 = arith.constant 5 : i32
        %dma_start3A_1058 = arith.constant 5 : i32
        %dma_start3A_1059 = arith.constant 0 : i32
        %dma_start3A_1060 = tpu.memref_slice %arg8[%dma_start3A_1057, %dma_start3A_1059] : memref<8x80xi32, #tpu.memory_space<vmem>> -> memref<1x80xi32, #tpu.memory_space<vmem>>
        %dma_start3A_1061 = tpu.memref_squeeze %dma_start3A_1060 : memref<1x80xi32, #tpu.memory_space<vmem>> -> memref<80xi32, #tpu.memory_space<vmem>>
        %dma_start3A_1062 = tpu.memref_slice %arg4[%add3A_1044] : memref<320000xi32, #tpu.memory_space<hbm>> -> memref<80xi32, #tpu.memory_space<hbm>>
        %dma_start3A_1063 = tpu.memref_slice %arg12[%dma_start3A_1058] : memref<8x!tpu.dma_semaphore, #tpu.memory_space<semaphore_mem>> -> memref<1x!tpu.dma_semaphore, #tpu.memory_space<semaphore_mem>>
        %dma_start3A_1064 = tpu.memref_squeeze %dma_start3A_1063 : memref<1x!tpu.dma_semaphore, #tpu.memory_space<semaphore_mem>> -> memref<!tpu.dma_semaphore, #tpu.memory_space<semaphore_mem>>
        %dma_start3A_1065 = arith.constant 0 : i32
        %dma_start3A_1066 = tpu.memref_slice %arg8[%dma_start3A_1057, %dma_start3A_1065] : memref<8x80xi32, #tpu.memory_space<vmem>> -> memref<1x80xi32, #tpu.memory_space<vmem>>
        %dma_start3A_1067 = tpu.memref_squeeze %dma_start3A_1066 : memref<1x80xi32, #tpu.memory_space<vmem>> -> memref<80xi32, #tpu.memory_space<vmem>>
        %dma_start3A_1068 = tpu.memref_slice %arg4[%add3A_1044] : memref<320000xi32, #tpu.memory_space<hbm>> -> memref<80xi32, #tpu.memory_space<hbm>>
        tpu.enqueue_dma source(%dma_start3A_1068 : memref<80xi32, #tpu.memory_space<hbm>>) target(%dma_start3A_1067 : memref<80xi32, #tpu.memory_space<vmem>>) target_semaphore(%dma_start3A_1064 : memref<!tpu.dma_semaphore, #tpu.memory_space<semaphore_mem>>)
      } else {
      }
      %add3A_906 = arith.constant 6 : i32
      %add3A_907 = arith.addi %add3A_506, %add3A_906 : i32
      %add3A_908 = arith.constant 6 : i32
      %add3A_909 = arith.addi %add3A_506, %add3A_908 : i32
      %add3A_910 = arith.constant 8 : i32
      %add3A_911 = arith.addi %add3A_909, %add3A_910 : i32
      %lt3A_912 = arith.constant 125 : i32
      %lt3A_913 = arith.cmpi slt, %add3A_911, %lt3A_912 : i32
      %dma_wait3A_914 = arith.constant 6 : i32
      %dma_wait3A_915 = arith.constant 2 : i32
      %dma_wait3A_916 = arith.constant 2 : i32
      %dma_wait3A_917 = arith.constant 0 : i32
      %dma_wait3A_918 = arith.constant 0 : i32
      %dma_wait3A_919 = tpu.memref_slice %arg9[%dma_wait3A_915, %dma_wait3A_917, %dma_wait3A_918] : memref<4x80x128xf32, #tpu.memory_space<vmem>> -> memref<1x80x128xf32, #tpu.memory_space<vmem>>
      %dma_wait3A_920 = tpu.memref_squeeze %dma_wait3A_919 : memref<1x80x128xf32, #tpu.memory_space<vmem>> -> memref<80x128xf32, #tpu.memory_space<vmem>>
      %dma_wait3A_921 = arith.constant 0 : i32
      %dma_wait3A_922 = tpu.memref_slice %arg7[%dma_wait3A_914, %dma_wait3A_921] : memref<8x80xi32, #tpu.memory_space<vmem>> -> memref<1x80xi32, #tpu.memory_space<vmem>>
      %dma_wait3A_923 = tpu.memref_squeeze %dma_wait3A_922 : memref<1x80xi32, #tpu.memory_space<vmem>> -> memref<80xi32, #tpu.memory_space<vmem>>
      %dma_wait3A_924 = arith.constant 0 : i32
      %dma_wait3A_925 = arith.constant 0 : i32
      %dma_wait3A_926 = tpu.memref_slice %arg2[%dma_wait3A_924, %dma_wait3A_925] : memref<10240x128xf32, #tpu.memory_space<hbm>> -> memref<10240x128xf32, #tpu.memory_space<hbm>>
      %dma_wait3A_927 = tpu.memref_slice %arg13[%dma_wait3A_916] : memref<4x!tpu.dma_semaphore, #tpu.memory_space<semaphore_mem>> -> memref<1x!tpu.dma_semaphore, #tpu.memory_space<semaphore_mem>>
      %dma_wait3A_928 = tpu.memref_squeeze %dma_wait3A_927 : memref<1x!tpu.dma_semaphore, #tpu.memory_space<semaphore_mem>> -> memref<!tpu.dma_semaphore, #tpu.memory_space<semaphore_mem>>
      tpu.wait_indirect_dma semaphore(%dma_wait3A_928 : memref<!tpu.dma_semaphore, #tpu.memory_space<semaphore_mem>>) src(%dma_wait3A_926 : memref<10240x128xf32, #tpu.memory_space<hbm>>) dst(%dma_wait3A_920 : memref<80x128xf32, #tpu.memory_space<vmem>>)
      %dma_wait3A_929 = arith.constant 1 : i32
      %dma_wait3A_930 = arith.constant 1 : i32
      %dma_wait3A_931 = arith.constant 0 : i32
      %dma_wait3A_932 = tpu.memref_slice %arg7[%dma_wait3A_929, %dma_wait3A_931] : memref<8x80xi32, #tpu.memory_space<vmem>> -> memref<1x80xi32, #tpu.memory_space<vmem>>
      %dma_wait3A_933 = tpu.memref_squeeze %dma_wait3A_932 : memref<1x80xi32, #tpu.memory_space<vmem>> -> memref<80xi32, #tpu.memory_space<vmem>>
      %dma_wait3A_934 = tpu.memref_slice %arg3[%mul3A_2] : memref<320000xi32, #tpu.memory_space<hbm>> -> memref<80xi32, #tpu.memory_space<hbm>>
      %dma_wait3A_935 = tpu.memref_slice %arg11[%dma_wait3A_930] : memref<8x!tpu.dma_semaphore, #tpu.memory_space<semaphore_mem>> -> memref<1x!tpu.dma_semaphore, #tpu.memory_space<semaphore_mem>>
      %dma_wait3A_936 = tpu.memref_squeeze %dma_wait3A_935 : memref<1x!tpu.dma_semaphore, #tpu.memory_space<semaphore_mem>> -> memref<!tpu.dma_semaphore, #tpu.memory_space<semaphore_mem>>
      %dma_wait3A_937 = arith.constant 0 : i32
      %dma_wait3A_938 = tpu.memref_slice %arg7[%dma_wait3A_929, %dma_wait3A_937] : memref<8x80xi32, #tpu.memory_space<vmem>> -> memref<1x80xi32, #tpu.memory_space<vmem>>
      %dma_wait3A_939 = tpu.memref_squeeze %dma_wait3A_938 : memref<1x80xi32, #tpu.memory_space<vmem>> -> memref<80xi32, #tpu.memory_space<vmem>>
      %dma_wait3A_940 = tpu.memref_slice %arg3[%mul3A_2] : memref<320000xi32, #tpu.memory_space<hbm>> -> memref<80xi32, #tpu.memory_space<hbm>>
      tpu.wait_dma2 semaphore(%dma_wait3A_936 : memref<!tpu.dma_semaphore, #tpu.memory_space<semaphore_mem>>) src(%dma_wait3A_940 : memref<80xi32, #tpu.memory_space<hbm>>) dst(%dma_wait3A_939 : memref<80xi32, #tpu.memory_space<vmem>>)
      %dma_wait3A_941 = arith.constant 1 : i32
      %dma_wait3A_942 = arith.constant 1 : i32
      %dma_wait3A_943 = arith.constant 0 : i32
      %dma_wait3A_944 = tpu.memref_slice %arg8[%dma_wait3A_941, %dma_wait3A_943] : memref<8x80xi32, #tpu.memory_space<vmem>> -> memref<1x80xi32, #tpu.memory_space<vmem>>
      %dma_wait3A_945 = tpu.memref_squeeze %dma_wait3A_944 : memref<1x80xi32, #tpu.memory_space<vmem>> -> memref<80xi32, #tpu.memory_space<vmem>>
      %dma_wait3A_946 = tpu.memref_slice %arg4[%mul3A_2] : memref<320000xi32, #tpu.memory_space<hbm>> -> memref<80xi32, #tpu.memory_space<hbm>>
      %dma_wait3A_947 = tpu.memref_slice %arg12[%dma_wait3A_942] : memref<8x!tpu.dma_semaphore, #tpu.memory_space<semaphore_mem>> -> memref<1x!tpu.dma_semaphore, #tpu.memory_space<semaphore_mem>>
      %dma_wait3A_948 = tpu.memref_squeeze %dma_wait3A_947 : memref<1x!tpu.dma_semaphore, #tpu.memory_space<semaphore_mem>> -> memref<!tpu.dma_semaphore, #tpu.memory_space<semaphore_mem>>
      %dma_wait3A_949 = arith.constant 0 : i32
      %dma_wait3A_950 = tpu.memref_slice %arg8[%dma_wait3A_941, %dma_wait3A_949] : memref<8x80xi32, #tpu.memory_space<vmem>> -> memref<1x80xi32, #tpu.memory_space<vmem>>
      %dma_wait3A_951 = tpu.memref_squeeze %dma_wait3A_950 : memref<1x80xi32, #tpu.memory_space<vmem>> -> memref<80xi32, #tpu.memory_space<vmem>>
      %dma_wait3A_952 = tpu.memref_slice %arg4[%mul3A_2] : memref<320000xi32, #tpu.memory_space<hbm>> -> memref<80xi32, #tpu.memory_space<hbm>>
      tpu.wait_dma2 semaphore(%dma_wait3A_948 : memref<!tpu.dma_semaphore, #tpu.memory_space<semaphore_mem>>) src(%dma_wait3A_952 : memref<80xi32, #tpu.memory_space<hbm>>) dst(%dma_wait3A_951 : memref<80xi32, #tpu.memory_space<vmem>>)
      %dma_start3A_953 = arith.constant 1 : i32
      %dma_start3A_954 = arith.constant 1 : i32
      %dma_start3A_955 = arith.constant 1 : i32
      %dma_start3A_956 = arith.constant 0 : i32
      %dma_start3A_957 = arith.constant 0 : i32
      %dma_start3A_958 = tpu.memref_slice %arg9[%dma_start3A_954, %dma_start3A_956, %dma_start3A_957] : memref<4x80x128xf32, #tpu.memory_space<vmem>> -> memref<1x80x128xf32, #tpu.memory_space<vmem>>
      %dma_start3A_959 = tpu.memref_squeeze %dma_start3A_958 : memref<1x80x128xf32, #tpu.memory_space<vmem>> -> memref<80x128xf32, #tpu.memory_space<vmem>>
      %dma_start3A_960 = arith.constant 0 : i32
      %dma_start3A_961 = tpu.memref_slice %arg7[%dma_start3A_953, %dma_start3A_960] : memref<8x80xi32, #tpu.memory_space<vmem>> -> memref<1x80xi32, #tpu.memory_space<vmem>>
      %dma_start3A_962 = tpu.memref_squeeze %dma_start3A_961 : memref<1x80xi32, #tpu.memory_space<vmem>> -> memref<80xi32, #tpu.memory_space<vmem>>
      %dma_start3A_963 = arith.constant 0 : i32
      %dma_start3A_964 = arith.constant 0 : i32
      %dma_start3A_965 = tpu.memref_slice %arg2[%dma_start3A_963, %dma_start3A_964] : memref<10240x128xf32, #tpu.memory_space<hbm>> -> memref<10240x128xf32, #tpu.memory_space<hbm>>
      %dma_start3A_966 = tpu.memref_slice %arg13[%dma_start3A_955] : memref<4x!tpu.dma_semaphore, #tpu.memory_space<semaphore_mem>> -> memref<1x!tpu.dma_semaphore, #tpu.memory_space<semaphore_mem>>
      %dma_start3A_967 = tpu.memref_squeeze %dma_start3A_966 : memref<1x!tpu.dma_semaphore, #tpu.memory_space<semaphore_mem>> -> memref<!tpu.dma_semaphore, #tpu.memory_space<semaphore_mem>>
      tpu.enqueue_indirect_dma source(%dma_start3A_965 : memref<10240x128xf32, #tpu.memory_space<hbm>>) target(%dma_start3A_959 : memref<80x128xf32, #tpu.memory_space<vmem>>) offsets(%dma_start3A_962 : memref<80xi32, #tpu.memory_space<vmem>>) semaphore(%dma_start3A_967 : memref<!tpu.dma_semaphore, #tpu.memory_space<semaphore_mem>>)
      %run_scoped3A_968 = arith.constant 2 : i32
      %run_scoped3A_969 = arith.constant 6 : i32
      "tpu.region"() ({
        %run_scoped3A_1040 = tpu.sem_alloc : memref<!tpu.dma_semaphore, #tpu.memory_space<semaphore_mem>>
        %dma_start3A_1041 = arith.constant 0 : i32
        %dma_start3A_1042 = arith.constant 0 : i32
        %dma_start3A_1043 = tpu.memref_slice %arg9[%run_scoped3A_968, %dma_start3A_1041, %dma_start3A_1042] : memref<4x80x128xf32, #tpu.memory_space<vmem>> -> memref<1x80x128xf32, #tpu.memory_space<vmem>>
        %dma_start3A_1044 = tpu.memref_squeeze %dma_start3A_1043 : memref<1x80x128xf32, #tpu.memory_space<vmem>> -> memref<80x128xf32, #tpu.memory_space<vmem>>
        %dma_start3A_1045 = arith.constant 0 : i32
        %dma_start3A_1046 = tpu.memref_slice %arg8[%run_scoped3A_969, %dma_start3A_1045] : memref<8x80xi32, #tpu.memory_space<vmem>> -> memref<1x80xi32, #tpu.memory_space<vmem>>
        %dma_start3A_1047 = tpu.memref_squeeze %dma_start3A_1046 : memref<1x80xi32, #tpu.memory_space<vmem>> -> memref<80xi32, #tpu.memory_space<vmem>>
        %dma_start3A_1048 = arith.constant 0 : i32
        %dma_start3A_1049 = arith.constant 0 : i32
        %dma_start3A_1050 = tpu.memref_slice %arg10[%dma_start3A_1048, %dma_start3A_1049] : memref<10240x128xf32, #tpu.memory_space<vmem_shared>> -> memref<10240x128xf32, #tpu.memory_space<vmem_shared>>
        tpu.enqueue_indirect_dma source(%dma_start3A_1044 : memref<80x128xf32, #tpu.memory_space<vmem>>) target(%dma_start3A_1050 : memref<10240x128xf32, #tpu.memory_space<vmem_shared>>) offsets(%dma_start3A_1047 : memref<80xi32, #tpu.memory_space<vmem>>) semaphore(%run_scoped3A_1040 : memref<!tpu.dma_semaphore, #tpu.memory_space<semaphore_mem>>) {add = true}
        %dma_wait3A_1051 = arith.constant 0 : i32
        %dma_wait3A_1052 = arith.constant 0 : i32
        %dma_wait3A_1053 = tpu.memref_slice %arg9[%run_scoped3A_968, %dma_wait3A_1051, %dma_wait3A_1052] : memref<4x80x128xf32, #tpu.memory_space<vmem>> -> memref<1x80x128xf32, #tpu.memory_space<vmem>>
        %dma_wait3A_1054 = tpu.memref_squeeze %dma_wait3A_1053 : memref<1x80x128xf32, #tpu.memory_space<vmem>> -> memref<80x128xf32, #tpu.memory_space<vmem>>
        %dma_wait3A_1055 = arith.constant 0 : i32
        %dma_wait3A_1056 = tpu.memref_slice %arg8[%run_scoped3A_969, %dma_wait3A_1055] : memref<8x80xi32, #tpu.memory_space<vmem>> -> memref<1x80xi32, #tpu.memory_space<vmem>>
        %dma_wait3A_1057 = tpu.memref_squeeze %dma_wait3A_1056 : memref<1x80xi32, #tpu.memory_space<vmem>> -> memref<80xi32, #tpu.memory_space<vmem>>
        %dma_wait3A_1058 = arith.constant 0 : i32
        %dma_wait3A_1059 = arith.constant 0 : i32
        %dma_wait3A_1060 = tpu.memref_slice %arg10[%dma_wait3A_1058, %dma_wait3A_1059] : memref<10240x128xf32, #tpu.memory_space<vmem_shared>> -> memref<10240x128xf32, #tpu.memory_space<vmem_shared>>
        tpu.wait_indirect_dma semaphore(%run_scoped3A_1040 : memref<!tpu.dma_semaphore, #tpu.memory_space<semaphore_mem>>) src(%dma_wait3A_1054 : memref<80x128xf32, #tpu.memory_space<vmem>>) dst(%dma_wait3A_1060 : memref<10240x128xf32, #tpu.memory_space<vmem_shared>>)
        tpu.yield
      }) : () -> ()
      %convert_element_type3A_970 = arith.extui %lt3A_913 : i1 to i32
      %cond3A_971 = arith.constant 0 : i32
      %cond3A_972 = arith.cmpi ne, %convert_element_type3A_970, %cond3A_971 : i32
      scf.if %cond3A_972 {
        %add3A_1040 = arith.constant 8 : i32
        %add3A_1041 = arith.addi %add3A_907, %add3A_1040 : i32
        %mul3A_1042 = arith.constant 80 : i32
        %mul3A_1043 = arith.muli %add3A_1041, %mul3A_1042 : i32
        %add3A_1044 = arith.addi %mul3A_2, %mul3A_1043 : i32
        %dma_start3A_1045 = arith.constant 6 : i32
        %dma_start3A_1046 = arith.constant 6 : i32
        %dma_start3A_1047 = arith.constant 0 : i32
        %dma_start3A_1048 = tpu.memref_slice %arg7[%dma_start3A_1045, %dma_start3A_1047] : memref<8x80xi32, #tpu.memory_space<vmem>> -> memref<1x80xi32, #tpu.memory_space<vmem>>
        %dma_start3A_1049 = tpu.memref_squeeze %dma_start3A_1048 : memref<1x80xi32, #tpu.memory_space<vmem>> -> memref<80xi32, #tpu.memory_space<vmem>>
        %dma_start3A_1050 = tpu.memref_slice %arg3[%add3A_1044] : memref<320000xi32, #tpu.memory_space<hbm>> -> memref<80xi32, #tpu.memory_space<hbm>>
        %dma_start3A_1051 = tpu.memref_slice %arg11[%dma_start3A_1046] : memref<8x!tpu.dma_semaphore, #tpu.memory_space<semaphore_mem>> -> memref<1x!tpu.dma_semaphore, #tpu.memory_space<semaphore_mem>>
        %dma_start3A_1052 = tpu.memref_squeeze %dma_start3A_1051 : memref<1x!tpu.dma_semaphore, #tpu.memory_space<semaphore_mem>> -> memref<!tpu.dma_semaphore, #tpu.memory_space<semaphore_mem>>
        %dma_start3A_1053 = arith.constant 0 : i32
        %dma_start3A_1054 = tpu.memref_slice %arg7[%dma_start3A_1045, %dma_start3A_1053] : memref<8x80xi32, #tpu.memory_space<vmem>> -> memref<1x80xi32, #tpu.memory_space<vmem>>
        %dma_start3A_1055 = tpu.memref_squeeze %dma_start3A_1054 : memref<1x80xi32, #tpu.memory_space<vmem>> -> memref<80xi32, #tpu.memory_space<vmem>>
        %dma_start3A_1056 = tpu.memref_slice %arg3[%add3A_1044] : memref<320000xi32, #tpu.memory_space<hbm>> -> memref<80xi32, #tpu.memory_space<hbm>>
        tpu.enqueue_dma source(%dma_start3A_1056 : memref<80xi32, #tpu.memory_space<hbm>>) target(%dma_start3A_1055 : memref<80xi32, #tpu.memory_space<vmem>>) target_semaphore(%dma_start3A_1052 : memref<!tpu.dma_semaphore, #tpu.memory_space<semaphore_mem>>)
        %dma_start3A_1057 = arith.constant 6 : i32
        %dma_start3A_1058 = arith.constant 6 : i32
        %dma_start3A_1059 = arith.constant 0 : i32
        %dma_start3A_1060 = tpu.memref_slice %arg8[%dma_start3A_1057, %dma_start3A_1059] : memref<8x80xi32, #tpu.memory_space<vmem>> -> memref<1x80xi32, #tpu.memory_space<vmem>>
        %dma_start3A_1061 = tpu.memref_squeeze %dma_start3A_1060 : memref<1x80xi32, #tpu.memory_space<vmem>> -> memref<80xi32, #tpu.memory_space<vmem>>
        %dma_start3A_1062 = tpu.memref_slice %arg4[%add3A_1044] : memref<320000xi32, #tpu.memory_space<hbm>> -> memref<80xi32, #tpu.memory_space<hbm>>
        %dma_start3A_1063 = tpu.memref_slice %arg12[%dma_start3A_1058] : memref<8x!tpu.dma_semaphore, #tpu.memory_space<semaphore_mem>> -> memref<1x!tpu.dma_semaphore, #tpu.memory_space<semaphore_mem>>
        %dma_start3A_1064 = tpu.memref_squeeze %dma_start3A_1063 : memref<1x!tpu.dma_semaphore, #tpu.memory_space<semaphore_mem>> -> memref<!tpu.dma_semaphore, #tpu.memory_space<semaphore_mem>>
        %dma_start3A_1065 = arith.constant 0 : i32
        %dma_start3A_1066 = tpu.memref_slice %arg8[%dma_start3A_1057, %dma_start3A_1065] : memref<8x80xi32, #tpu.memory_space<vmem>> -> memref<1x80xi32, #tpu.memory_space<vmem>>
        %dma_start3A_1067 = tpu.memref_squeeze %dma_start3A_1066 : memref<1x80xi32, #tpu.memory_space<vmem>> -> memref<80xi32, #tpu.memory_space<vmem>>
        %dma_start3A_1068 = tpu.memref_slice %arg4[%add3A_1044] : memref<320000xi32, #tpu.memory_space<hbm>> -> memref<80xi32, #tpu.memory_space<hbm>>
        tpu.enqueue_dma source(%dma_start3A_1068 : memref<80xi32, #tpu.memory_space<hbm>>) target(%dma_start3A_1067 : memref<80xi32, #tpu.memory_space<vmem>>) target_semaphore(%dma_start3A_1064 : memref<!tpu.dma_semaphore, #tpu.memory_space<semaphore_mem>>)
      } else {
      }
      %add3A_973 = arith.constant 7 : i32
      %add3A_974 = arith.addi %add3A_506, %add3A_973 : i32
      %add3A_975 = arith.constant 7 : i32
      %add3A_976 = arith.addi %add3A_506, %add3A_975 : i32
      %add3A_977 = arith.constant 8 : i32
      %add3A_978 = arith.addi %add3A_976, %add3A_977 : i32
      %lt3A_979 = arith.constant 125 : i32
      %lt3A_980 = arith.cmpi slt, %add3A_978, %lt3A_979 : i32
      %dma_wait3A_981 = arith.constant 7 : i32
      %dma_wait3A_982 = arith.constant 3 : i32
      %dma_wait3A_983 = arith.constant 3 : i32
      %dma_wait3A_984 = arith.constant 0 : i32
      %dma_wait3A_985 = arith.constant 0 : i32
      %dma_wait3A_986 = tpu.memref_slice %arg9[%dma_wait3A_982, %dma_wait3A_984, %dma_wait3A_985] : memref<4x80x128xf32, #tpu.memory_space<vmem>> -> memref<1x80x128xf32, #tpu.memory_space<vmem>>
      %dma_wait3A_987 = tpu.memref_squeeze %dma_wait3A_986 : memref<1x80x128xf32, #tpu.memory_space<vmem>> -> memref<80x128xf32, #tpu.memory_space<vmem>>
      %dma_wait3A_988 = arith.constant 0 : i32
      %dma_wait3A_989 = tpu.memref_slice %arg7[%dma_wait3A_981, %dma_wait3A_988] : memref<8x80xi32, #tpu.memory_space<vmem>> -> memref<1x80xi32, #tpu.memory_space<vmem>>
      %dma_wait3A_990 = tpu.memref_squeeze %dma_wait3A_989 : memref<1x80xi32, #tpu.memory_space<vmem>> -> memref<80xi32, #tpu.memory_space<vmem>>
      %dma_wait3A_991 = arith.constant 0 : i32
      %dma_wait3A_992 = arith.constant 0 : i32
      %dma_wait3A_993 = tpu.memref_slice %arg2[%dma_wait3A_991, %dma_wait3A_992] : memref<10240x128xf32, #tpu.memory_space<hbm>> -> memref<10240x128xf32, #tpu.memory_space<hbm>>
      %dma_wait3A_994 = tpu.memref_slice %arg13[%dma_wait3A_983] : memref<4x!tpu.dma_semaphore, #tpu.memory_space<semaphore_mem>> -> memref<1x!tpu.dma_semaphore, #tpu.memory_space<semaphore_mem>>
      %dma_wait3A_995 = tpu.memref_squeeze %dma_wait3A_994 : memref<1x!tpu.dma_semaphore, #tpu.memory_space<semaphore_mem>> -> memref<!tpu.dma_semaphore, #tpu.memory_space<semaphore_mem>>
      tpu.wait_indirect_dma semaphore(%dma_wait3A_995 : memref<!tpu.dma_semaphore, #tpu.memory_space<semaphore_mem>>) src(%dma_wait3A_993 : memref<10240x128xf32, #tpu.memory_space<hbm>>) dst(%dma_wait3A_987 : memref<80x128xf32, #tpu.memory_space<vmem>>)
      %dma_wait3A_996 = arith.constant 2 : i32
      %dma_wait3A_997 = arith.constant 2 : i32
      %dma_wait3A_998 = arith.constant 0 : i32
      %dma_wait3A_999 = tpu.memref_slice %arg7[%dma_wait3A_996, %dma_wait3A_998] : memref<8x80xi32, #tpu.memory_space<vmem>> -> memref<1x80xi32, #tpu.memory_space<vmem>>
      %dma_wait3A_1000 = tpu.memref_squeeze %dma_wait3A_999 : memref<1x80xi32, #tpu.memory_space<vmem>> -> memref<80xi32, #tpu.memory_space<vmem>>
      %dma_wait3A_1001 = tpu.memref_slice %arg3[%mul3A_2] : memref<320000xi32, #tpu.memory_space<hbm>> -> memref<80xi32, #tpu.memory_space<hbm>>
      %dma_wait3A_1002 = tpu.memref_slice %arg11[%dma_wait3A_997] : memref<8x!tpu.dma_semaphore, #tpu.memory_space<semaphore_mem>> -> memref<1x!tpu.dma_semaphore, #tpu.memory_space<semaphore_mem>>
      %dma_wait3A_1003 = tpu.memref_squeeze %dma_wait3A_1002 : memref<1x!tpu.dma_semaphore, #tpu.memory_space<semaphore_mem>> -> memref<!tpu.dma_semaphore, #tpu.memory_space<semaphore_mem>>
      %dma_wait3A_1004 = arith.constant 0 : i32
      %dma_wait3A_1005 = tpu.memref_slice %arg7[%dma_wait3A_996, %dma_wait3A_1004] : memref<8x80xi32, #tpu.memory_space<vmem>> -> memref<1x80xi32, #tpu.memory_space<vmem>>
      %dma_wait3A_1006 = tpu.memref_squeeze %dma_wait3A_1005 : memref<1x80xi32, #tpu.memory_space<vmem>> -> memref<80xi32, #tpu.memory_space<vmem>>
      %dma_wait3A_1007 = tpu.memref_slice %arg3[%mul3A_2] : memref<320000xi32, #tpu.memory_space<hbm>> -> memref<80xi32, #tpu.memory_space<hbm>>
      tpu.wait_dma2 semaphore(%dma_wait3A_1003 : memref<!tpu.dma_semaphore, #tpu.memory_space<semaphore_mem>>) src(%dma_wait3A_1007 : memref<80xi32, #tpu.memory_space<hbm>>) dst(%dma_wait3A_1006 : memref<80xi32, #tpu.memory_space<vmem>>)
      %dma_wait3A_1008 = arith.constant 2 : i32
      %dma_wait3A_1009 = arith.constant 2 : i32
      %dma_wait3A_1010 = arith.constant 0 : i32
      %dma_wait3A_1011 = tpu.memref_slice %arg8[%dma_wait3A_1008, %dma_wait3A_1010] : memref<8x80xi32, #tpu.memory_space<vmem>> -> memref<1x80xi32, #tpu.memory_space<vmem>>
      %dma_wait3A_1012 = tpu.memref_squeeze %dma_wait3A_1011 : memref<1x80xi32, #tpu.memory_space<vmem>> -> memref<80xi32, #tpu.memory_space<vmem>>
      %dma_wait3A_1013 = tpu.memref_slice %arg4[%mul3A_2] : memref<320000xi32, #tpu.memory_space<hbm>> -> memref<80xi32, #tpu.memory_space<hbm>>
      %dma_wait3A_1014 = tpu.memref_slice %arg12[%dma_wait3A_1009] : memref<8x!tpu.dma_semaphore, #tpu.memory_space<semaphore_mem>> -> memref<1x!tpu.dma_semaphore, #tpu.memory_space<semaphore_mem>>
      %dma_wait3A_1015 = tpu.memref_squeeze %dma_wait3A_1014 : memref<1x!tpu.dma_semaphore, #tpu.memory_space<semaphore_mem>> -> memref<!tpu.dma_semaphore, #tpu.memory_space<semaphore_mem>>
      %dma_wait3A_1016 = arith.constant 0 : i32
      %dma_wait3A_1017 = tpu.memref_slice %arg8[%dma_wait3A_1008, %dma_wait3A_1016] : memref<8x80xi32, #tpu.memory_space<vmem>> -> memref<1x80xi32, #tpu.memory_space<vmem>>
      %dma_wait3A_1018 = tpu.memref_squeeze %dma_wait3A_1017 : memref<1x80xi32, #tpu.memory_space<vmem>> -> memref<80xi32, #tpu.memory_space<vmem>>
      %dma_wait3A_1019 = tpu.memref_slice %arg4[%mul3A_2] : memref<320000xi32, #tpu.memory_space<hbm>> -> memref<80xi32, #tpu.memory_space<hbm>>
      tpu.wait_dma2 semaphore(%dma_wait3A_1015 : memref<!tpu.dma_semaphore, #tpu.memory_space<semaphore_mem>>) src(%dma_wait3A_1019 : memref<80xi32, #tpu.memory_space<hbm>>) dst(%dma_wait3A_1018 : memref<80xi32, #tpu.memory_space<vmem>>)
      %dma_start3A_1020 = arith.constant 2 : i32
      %dma_start3A_1021 = arith.constant 2 : i32
      %dma_start3A_1022 = arith.constant 2 : i32
      %dma_start3A_1023 = arith.constant 0 : i32
      %dma_start3A_1024 = arith.constant 0 : i32
      %dma_start3A_1025 = tpu.memref_slice %arg9[%dma_start3A_1021, %dma_start3A_1023, %dma_start3A_1024] : memref<4x80x128xf32, #tpu.memory_space<vmem>> -> memref<1x80x128xf32, #tpu.memory_space<vmem>>
      %dma_start3A_1026 = tpu.memref_squeeze %dma_start3A_1025 : memref<1x80x128xf32, #tpu.memory_space<vmem>> -> memref<80x128xf32, #tpu.memory_space<vmem>>
      %dma_start3A_1027 = arith.constant 0 : i32
      %dma_start3A_1028 = tpu.memref_slice %arg7[%dma_start3A_1020, %dma_start3A_1027] : memref<8x80xi32, #tpu.memory_space<vmem>> -> memref<1x80xi32, #tpu.memory_space<vmem>>
      %dma_start3A_1029 = tpu.memref_squeeze %dma_start3A_1028 : memref<1x80xi32, #tpu.memory_space<vmem>> -> memref<80xi32, #tpu.memory_space<vmem>>
      %dma_start3A_1030 = arith.constant 0 : i32
      %dma_start3A_1031 = arith.constant 0 : i32
      %dma_start3A_1032 = tpu.memref_slice %arg2[%dma_start3A_1030, %dma_start3A_1031] : memref<10240x128xf32, #tpu.memory_space<hbm>> -> memref<10240x128xf32, #tpu.memory_space<hbm>>
      %dma_start3A_1033 = tpu.memref_slice %arg13[%dma_start3A_1022] : memref<4x!tpu.dma_semaphore, #tpu.memory_space<semaphore_mem>> -> memref<1x!tpu.dma_semaphore, #tpu.memory_space<semaphore_mem>>
      %dma_start3A_1034 = tpu.memref_squeeze %dma_start3A_1033 : memref<1x!tpu.dma_semaphore, #tpu.memory_space<semaphore_mem>> -> memref<!tpu.dma_semaphore, #tpu.memory_space<semaphore_mem>>
      tpu.enqueue_indirect_dma source(%dma_start3A_1032 : memref<10240x128xf32, #tpu.memory_space<hbm>>) target(%dma_start3A_1026 : memref<80x128xf32, #tpu.memory_space<vmem>>) offsets(%dma_start3A_1029 : memref<80xi32, #tpu.memory_space<vmem>>) semaphore(%dma_start3A_1034 : memref<!tpu.dma_semaphore, #tpu.memory_space<semaphore_mem>>)
      %run_scoped3A_1035 = arith.constant 3 : i32
      %run_scoped3A_1036 = arith.constant 7 : i32
      "tpu.region"() ({
        %run_scoped3A_1040 = tpu.sem_alloc : memref<!tpu.dma_semaphore, #tpu.memory_space<semaphore_mem>>
        %dma_start3A_1041 = arith.constant 0 : i32
        %dma_start3A_1042 = arith.constant 0 : i32
        %dma_start3A_1043 = tpu.memref_slice %arg9[%run_scoped3A_1035, %dma_start3A_1041, %dma_start3A_1042] : memref<4x80x128xf32, #tpu.memory_space<vmem>> -> memref<1x80x128xf32, #tpu.memory_space<vmem>>
        %dma_start3A_1044 = tpu.memref_squeeze %dma_start3A_1043 : memref<1x80x128xf32, #tpu.memory_space<vmem>> -> memref<80x128xf32, #tpu.memory_space<vmem>>
        %dma_start3A_1045 = arith.constant 0 : i32
        %dma_start3A_1046 = tpu.memref_slice %arg8[%run_scoped3A_1036, %dma_start3A_1045] : memref<8x80xi32, #tpu.memory_space<vmem>> -> memref<1x80xi32, #tpu.memory_space<vmem>>
        %dma_start3A_1047 = tpu.memref_squeeze %dma_start3A_1046 : memref<1x80xi32, #tpu.memory_space<vmem>> -> memref<80xi32, #tpu.memory_space<vmem>>
        %dma_start3A_1048 = arith.constant 0 : i32
        %dma_start3A_1049 = arith.constant 0 : i32
        %dma_start3A_1050 = tpu.memref_slice %arg10[%dma_start3A_1048, %dma_start3A_1049] : memref<10240x128xf32, #tpu.memory_space<vmem_shared>> -> memref<10240x128xf32, #tpu.memory_space<vmem_shared>>
        tpu.enqueue_indirect_dma source(%dma_start3A_1044 : memref<80x128xf32, #tpu.memory_space<vmem>>) target(%dma_start3A_1050 : memref<10240x128xf32, #tpu.memory_space<vmem_shared>>) offsets(%dma_start3A_1047 : memref<80xi32, #tpu.memory_space<vmem>>) semaphore(%run_scoped3A_1040 : memref<!tpu.dma_semaphore, #tpu.memory_space<semaphore_mem>>) {add = true}
        %dma_wait3A_1051 = arith.constant 0 : i32
        %dma_wait3A_1052 = arith.constant 0 : i32
        %dma_wait3A_1053 = tpu.memref_slice %arg9[%run_scoped3A_1035, %dma_wait3A_1051, %dma_wait3A_1052] : memref<4x80x128xf32, #tpu.memory_space<vmem>> -> memref<1x80x128xf32, #tpu.memory_space<vmem>>
        %dma_wait3A_1054 = tpu.memref_squeeze %dma_wait3A_1053 : memref<1x80x128xf32, #tpu.memory_space<vmem>> -> memref<80x128xf32, #tpu.memory_space<vmem>>
        %dma_wait3A_1055 = arith.constant 0 : i32
        %dma_wait3A_1056 = tpu.memref_slice %arg8[%run_scoped3A_1036, %dma_wait3A_1055] : memref<8x80xi32, #tpu.memory_space<vmem>> -> memref<1x80xi32, #tpu.memory_space<vmem>>
        %dma_wait3A_1057 = tpu.memref_squeeze %dma_wait3A_1056 : memref<1x80xi32, #tpu.memory_space<vmem>> -> memref<80xi32, #tpu.memory_space<vmem>>
        %dma_wait3A_1058 = arith.constant 0 : i32
        %dma_wait3A_1059 = arith.constant 0 : i32
        %dma_wait3A_1060 = tpu.memref_slice %arg10[%dma_wait3A_1058, %dma_wait3A_1059] : memref<10240x128xf32, #tpu.memory_space<vmem_shared>> -> memref<10240x128xf32, #tpu.memory_space<vmem_shared>>
        tpu.wait_indirect_dma semaphore(%run_scoped3A_1040 : memref<!tpu.dma_semaphore, #tpu.memory_space<semaphore_mem>>) src(%dma_wait3A_1054 : memref<80x128xf32, #tpu.memory_space<vmem>>) dst(%dma_wait3A_1060 : memref<10240x128xf32, #tpu.memory_space<vmem_shared>>)
        tpu.yield
      }) : () -> ()
      %convert_element_type3A_1037 = arith.extui %lt3A_980 : i1 to i32
      %cond3A_1038 = arith.constant 0 : i32
      %cond3A_1039 = arith.cmpi ne, %convert_element_type3A_1037, %cond3A_1038 : i32
      scf.if %cond3A_1039 {
        %add3A_1040 = arith.constant 8 : i32
        %add3A_1041 = arith.addi %add3A_974, %add3A_1040 : i32
        %mul3A_1042 = arith.constant 80 : i32
        %mul3A_1043 = arith.muli %add3A_1041, %mul3A_1042 : i32
        %add3A_1044 = arith.addi %mul3A_2, %mul3A_1043 : i32
        %dma_start3A_1045 = arith.constant 7 : i32
        %dma_start3A_1046 = arith.constant 7 : i32
        %dma_start3A_1047 = arith.constant 0 : i32
        %dma_start3A_1048 = tpu.memref_slice %arg7[%dma_start3A_1045, %dma_start3A_1047] : memref<8x80xi32, #tpu.memory_space<vmem>> -> memref<1x80xi32, #tpu.memory_space<vmem>>
        %dma_start3A_1049 = tpu.memref_squeeze %dma_start3A_1048 : memref<1x80xi32, #tpu.memory_space<vmem>> -> memref<80xi32, #tpu.memory_space<vmem>>
        %dma_start3A_1050 = tpu.memref_slice %arg3[%add3A_1044] : memref<320000xi32, #tpu.memory_space<hbm>> -> memref<80xi32, #tpu.memory_space<hbm>>
        %dma_start3A_1051 = tpu.memref_slice %arg11[%dma_start3A_1046] : memref<8x!tpu.dma_semaphore, #tpu.memory_space<semaphore_mem>> -> memref<1x!tpu.dma_semaphore, #tpu.memory_space<semaphore_mem>>
        %dma_start3A_1052 = tpu.memref_squeeze %dma_start3A_1051 : memref<1x!tpu.dma_semaphore, #tpu.memory_space<semaphore_mem>> -> memref<!tpu.dma_semaphore, #tpu.memory_space<semaphore_mem>>
        %dma_start3A_1053 = arith.constant 0 : i32
        %dma_start3A_1054 = tpu.memref_slice %arg7[%dma_start3A_1045, %dma_start3A_1053] : memref<8x80xi32, #tpu.memory_space<vmem>> -> memref<1x80xi32, #tpu.memory_space<vmem>>
        %dma_start3A_1055 = tpu.memref_squeeze %dma_start3A_1054 : memref<1x80xi32, #tpu.memory_space<vmem>> -> memref<80xi32, #tpu.memory_space<vmem>>
        %dma_start3A_1056 = tpu.memref_slice %arg3[%add3A_1044] : memref<320000xi32, #tpu.memory_space<hbm>> -> memref<80xi32, #tpu.memory_space<hbm>>
        tpu.enqueue_dma source(%dma_start3A_1056 : memref<80xi32, #tpu.memory_space<hbm>>) target(%dma_start3A_1055 : memref<80xi32, #tpu.memory_space<vmem>>) target_semaphore(%dma_start3A_1052 : memref<!tpu.dma_semaphore, #tpu.memory_space<semaphore_mem>>)
        %dma_start3A_1057 = arith.constant 7 : i32
        %dma_start3A_1058 = arith.constant 7 : i32
        %dma_start3A_1059 = arith.constant 0 : i32
        %dma_start3A_1060 = tpu.memref_slice %arg8[%dma_start3A_1057, %dma_start3A_1059] : memref<8x80xi32, #tpu.memory_space<vmem>> -> memref<1x80xi32, #tpu.memory_space<vmem>>
        %dma_start3A_1061 = tpu.memref_squeeze %dma_start3A_1060 : memref<1x80xi32, #tpu.memory_space<vmem>> -> memref<80xi32, #tpu.memory_space<vmem>>
        %dma_start3A_1062 = tpu.memref_slice %arg4[%add3A_1044] : memref<320000xi32, #tpu.memory_space<hbm>> -> memref<80xi32, #tpu.memory_space<hbm>>
        %dma_start3A_1063 = tpu.memref_slice %arg12[%dma_start3A_1058] : memref<8x!tpu.dma_semaphore, #tpu.memory_space<semaphore_mem>> -> memref<1x!tpu.dma_semaphore, #tpu.memory_space<semaphore_mem>>
        %dma_start3A_1064 = tpu.memref_squeeze %dma_start3A_1063 : memref<1x!tpu.dma_semaphore, #tpu.memory_space<semaphore_mem>> -> memref<!tpu.dma_semaphore, #tpu.memory_space<semaphore_mem>>
        %dma_start3A_1065 = arith.constant 0 : i32
        %dma_start3A_1066 = tpu.memref_slice %arg8[%dma_start3A_1057, %dma_start3A_1065] : memref<8x80xi32, #tpu.memory_space<vmem>> -> memref<1x80xi32, #tpu.memory_space<vmem>>
        %dma_start3A_1067 = tpu.memref_squeeze %dma_start3A_1066 : memref<1x80xi32, #tpu.memory_space<vmem>> -> memref<80xi32, #tpu.memory_space<vmem>>
        %dma_start3A_1068 = tpu.memref_slice %arg4[%add3A_1044] : memref<320000xi32, #tpu.memory_space<hbm>> -> memref<80xi32, #tpu.memory_space<hbm>>
        tpu.enqueue_dma source(%dma_start3A_1068 : memref<80xi32, #tpu.memory_space<hbm>>) target(%dma_start3A_1067 : memref<80xi32, #tpu.memory_space<vmem>>) target_semaphore(%dma_start3A_1064 : memref<!tpu.dma_semaphore, #tpu.memory_space<semaphore_mem>>)
      } else {
      }
    }
    %scan3A_334 = arith.constant 15 : i32
    %dma_wait3A_335 = arith.constant 0 : i32
    %dma_wait3A_336 = arith.constant 0 : i32
    %dma_wait3A_337 = arith.constant 0 : i32
    %dma_wait3A_338 = arith.constant 0 : i32
    %dma_wait3A_339 = arith.constant 0 : i32
    %dma_wait3A_340 = tpu.memref_slice %arg9[%dma_wait3A_336, %dma_wait3A_338, %dma_wait3A_339] : memref<4x80x128xf32, #tpu.memory_space<vmem>> -> memref<1x80x128xf32, #tpu.memory_space<vmem>>
    %dma_wait3A_341 = tpu.memref_squeeze %dma_wait3A_340 : memref<1x80x128xf32, #tpu.memory_space<vmem>> -> memref<80x128xf32, #tpu.memory_space<vmem>>
    %dma_wait3A_342 = arith.constant 0 : i32
    %dma_wait3A_343 = tpu.memref_slice %arg7[%dma_wait3A_335, %dma_wait3A_342] : memref<8x80xi32, #tpu.memory_space<vmem>> -> memref<1x80xi32, #tpu.memory_space<vmem>>
    %dma_wait3A_344 = tpu.memref_squeeze %dma_wait3A_343 : memref<1x80xi32, #tpu.memory_space<vmem>> -> memref<80xi32, #tpu.memory_space<vmem>>
    %dma_wait3A_345 = arith.constant 0 : i32
    %dma_wait3A_346 = arith.constant 0 : i32
    %dma_wait3A_347 = tpu.memref_slice %arg2[%dma_wait3A_345, %dma_wait3A_346] : memref<10240x128xf32, #tpu.memory_space<hbm>> -> memref<10240x128xf32, #tpu.memory_space<hbm>>
    %dma_wait3A_348 = tpu.memref_slice %arg13[%dma_wait3A_337] : memref<4x!tpu.dma_semaphore, #tpu.memory_space<semaphore_mem>> -> memref<1x!tpu.dma_semaphore, #tpu.memory_space<semaphore_mem>>
    %dma_wait3A_349 = tpu.memref_squeeze %dma_wait3A_348 : memref<1x!tpu.dma_semaphore, #tpu.memory_space<semaphore_mem>> -> memref<!tpu.dma_semaphore, #tpu.memory_space<semaphore_mem>>
    tpu.wait_indirect_dma semaphore(%dma_wait3A_349 : memref<!tpu.dma_semaphore, #tpu.memory_space<semaphore_mem>>) src(%dma_wait3A_347 : memref<10240x128xf32, #tpu.memory_space<hbm>>) dst(%dma_wait3A_341 : memref<80x128xf32, #tpu.memory_space<vmem>>)
    %dma_wait3A_350 = arith.constant 3 : i32
    %dma_wait3A_351 = arith.constant 3 : i32
    %dma_wait3A_352 = arith.constant 0 : i32
    %dma_wait3A_353 = tpu.memref_slice %arg7[%dma_wait3A_350, %dma_wait3A_352] : memref<8x80xi32, #tpu.memory_space<vmem>> -> memref<1x80xi32, #tpu.memory_space<vmem>>
    %dma_wait3A_354 = tpu.memref_squeeze %dma_wait3A_353 : memref<1x80xi32, #tpu.memory_space<vmem>> -> memref<80xi32, #tpu.memory_space<vmem>>
    %dma_wait3A_355 = tpu.memref_slice %arg3[%mul3A_2] : memref<320000xi32, #tpu.memory_space<hbm>> -> memref<80xi32, #tpu.memory_space<hbm>>
    %dma_wait3A_356 = tpu.memref_slice %arg11[%dma_wait3A_351] : memref<8x!tpu.dma_semaphore, #tpu.memory_space<semaphore_mem>> -> memref<1x!tpu.dma_semaphore, #tpu.memory_space<semaphore_mem>>
    %dma_wait3A_357 = tpu.memref_squeeze %dma_wait3A_356 : memref<1x!tpu.dma_semaphore, #tpu.memory_space<semaphore_mem>> -> memref<!tpu.dma_semaphore, #tpu.memory_space<semaphore_mem>>
    %dma_wait3A_358 = arith.constant 0 : i32
    %dma_wait3A_359 = tpu.memref_slice %arg7[%dma_wait3A_350, %dma_wait3A_358] : memref<8x80xi32, #tpu.memory_space<vmem>> -> memref<1x80xi32, #tpu.memory_space<vmem>>
    %dma_wait3A_360 = tpu.memref_squeeze %dma_wait3A_359 : memref<1x80xi32, #tpu.memory_space<vmem>> -> memref<80xi32, #tpu.memory_space<vmem>>
    %dma_wait3A_361 = tpu.memref_slice %arg3[%mul3A_2] : memref<320000xi32, #tpu.memory_space<hbm>> -> memref<80xi32, #tpu.memory_space<hbm>>
    tpu.wait_dma2 semaphore(%dma_wait3A_357 : memref<!tpu.dma_semaphore, #tpu.memory_space<semaphore_mem>>) src(%dma_wait3A_361 : memref<80xi32, #tpu.memory_space<hbm>>) dst(%dma_wait3A_360 : memref<80xi32, #tpu.memory_space<vmem>>)
    %dma_wait3A_362 = arith.constant 3 : i32
    %dma_wait3A_363 = arith.constant 3 : i32
    %dma_wait3A_364 = arith.constant 0 : i32
    %dma_wait3A_365 = tpu.memref_slice %arg8[%dma_wait3A_362, %dma_wait3A_364] : memref<8x80xi32, #tpu.memory_space<vmem>> -> memref<1x80xi32, #tpu.memory_space<vmem>>
    %dma_wait3A_366 = tpu.memref_squeeze %dma_wait3A_365 : memref<1x80xi32, #tpu.memory_space<vmem>> -> memref<80xi32, #tpu.memory_space<vmem>>
    %dma_wait3A_367 = tpu.memref_slice %arg4[%mul3A_2] : memref<320000xi32, #tpu.memory_space<hbm>> -> memref<80xi32, #tpu.memory_space<hbm>>
    %dma_wait3A_368 = tpu.memref_slice %arg12[%dma_wait3A_363] : memref<8x!tpu.dma_semaphore, #tpu.memory_space<semaphore_mem>> -> memref<1x!tpu.dma_semaphore, #tpu.memory_space<semaphore_mem>>
    %dma_wait3A_369 = tpu.memref_squeeze %dma_wait3A_368 : memref<1x!tpu.dma_semaphore, #tpu.memory_space<semaphore_mem>> -> memref<!tpu.dma_semaphore, #tpu.memory_space<semaphore_mem>>
    %dma_wait3A_370 = arith.constant 0 : i32
    %dma_wait3A_371 = tpu.memref_slice %arg8[%dma_wait3A_362, %dma_wait3A_370] : memref<8x80xi32, #tpu.memory_space<vmem>> -> memref<1x80xi32, #tpu.memory_space<vmem>>
    %dma_wait3A_372 = tpu.memref_squeeze %dma_wait3A_371 : memref<1x80xi32, #tpu.memory_space<vmem>> -> memref<80xi32, #tpu.memory_space<vmem>>
    %dma_wait3A_373 = tpu.memref_slice %arg4[%mul3A_2] : memref<320000xi32, #tpu.memory_space<hbm>> -> memref<80xi32, #tpu.memory_space<hbm>>
    tpu.wait_dma2 semaphore(%dma_wait3A_369 : memref<!tpu.dma_semaphore, #tpu.memory_space<semaphore_mem>>) src(%dma_wait3A_373 : memref<80xi32, #tpu.memory_space<hbm>>) dst(%dma_wait3A_372 : memref<80xi32, #tpu.memory_space<vmem>>)
    %dma_start3A_374 = arith.constant 3 : i32
    %dma_start3A_375 = arith.constant 3 : i32
    %dma_start3A_376 = arith.constant 3 : i32
    %dma_start3A_377 = arith.constant 0 : i32
    %dma_start3A_378 = arith.constant 0 : i32
    %dma_start3A_379 = tpu.memref_slice %arg9[%dma_start3A_375, %dma_start3A_377, %dma_start3A_378] : memref<4x80x128xf32, #tpu.memory_space<vmem>> -> memref<1x80x128xf32, #tpu.memory_space<vmem>>
    %dma_start3A_380 = tpu.memref_squeeze %dma_start3A_379 : memref<1x80x128xf32, #tpu.memory_space<vmem>> -> memref<80x128xf32, #tpu.memory_space<vmem>>
    %dma_start3A_381 = arith.constant 0 : i32
    %dma_start3A_382 = tpu.memref_slice %arg7[%dma_start3A_374, %dma_start3A_381] : memref<8x80xi32, #tpu.memory_space<vmem>> -> memref<1x80xi32, #tpu.memory_space<vmem>>
    %dma_start3A_383 = tpu.memref_squeeze %dma_start3A_382 : memref<1x80xi32, #tpu.memory_space<vmem>> -> memref<80xi32, #tpu.memory_space<vmem>>
    %dma_start3A_384 = arith.constant 0 : i32
    %dma_start3A_385 = arith.constant 0 : i32
    %dma_start3A_386 = tpu.memref_slice %arg2[%dma_start3A_384, %dma_start3A_385] : memref<10240x128xf32, #tpu.memory_space<hbm>> -> memref<10240x128xf32, #tpu.memory_space<hbm>>
    %dma_start3A_387 = tpu.memref_slice %arg13[%dma_start3A_376] : memref<4x!tpu.dma_semaphore, #tpu.memory_space<semaphore_mem>> -> memref<1x!tpu.dma_semaphore, #tpu.memory_space<semaphore_mem>>
    %dma_start3A_388 = tpu.memref_squeeze %dma_start3A_387 : memref<1x!tpu.dma_semaphore, #tpu.memory_space<semaphore_mem>> -> memref<!tpu.dma_semaphore, #tpu.memory_space<semaphore_mem>>
    tpu.enqueue_indirect_dma source(%dma_start3A_386 : memref<10240x128xf32, #tpu.memory_space<hbm>>) target(%dma_start3A_380 : memref<80x128xf32, #tpu.memory_space<vmem>>) offsets(%dma_start3A_383 : memref<80xi32, #tpu.memory_space<vmem>>) semaphore(%dma_start3A_388 : memref<!tpu.dma_semaphore, #tpu.memory_space<semaphore_mem>>)
    %run_scoped3A = arith.constant 0 : i32
    %run_scoped3A_389 = arith.constant 0 : i32
    "tpu.region"() ({
      %run_scoped3A_502 = tpu.sem_alloc : memref<!tpu.dma_semaphore, #tpu.memory_space<semaphore_mem>>
      %dma_start3A_503 = arith.constant 0 : i32
      %dma_start3A_504 = arith.constant 0 : i32
      %dma_start3A_505 = tpu.memref_slice %arg9[%run_scoped3A, %dma_start3A_503, %dma_start3A_504] : memref<4x80x128xf32, #tpu.memory_space<vmem>> -> memref<1x80x128xf32, #tpu.memory_space<vmem>>
      %dma_start3A_506 = tpu.memref_squeeze %dma_start3A_505 : memref<1x80x128xf32, #tpu.memory_space<vmem>> -> memref<80x128xf32, #tpu.memory_space<vmem>>
      %dma_start3A_507 = arith.constant 0 : i32
      %dma_start3A_508 = tpu.memref_slice %arg8[%run_scoped3A_389, %dma_start3A_507] : memref<8x80xi32, #tpu.memory_space<vmem>> -> memref<1x80xi32, #tpu.memory_space<vmem>>
      %dma_start3A_509 = tpu.memref_squeeze %dma_start3A_508 : memref<1x80xi32, #tpu.memory_space<vmem>> -> memref<80xi32, #tpu.memory_space<vmem>>
      %dma_start3A_510 = arith.constant 0 : i32
      %dma_start3A_511 = arith.constant 0 : i32
      %dma_start3A_512 = tpu.memref_slice %arg10[%dma_start3A_510, %dma_start3A_511] : memref<10240x128xf32, #tpu.memory_space<vmem_shared>> -> memref<10240x128xf32, #tpu.memory_space<vmem_shared>>
      tpu.enqueue_indirect_dma source(%dma_start3A_506 : memref<80x128xf32, #tpu.memory_space<vmem>>) target(%dma_start3A_512 : memref<10240x128xf32, #tpu.memory_space<vmem_shared>>) offsets(%dma_start3A_509 : memref<80xi32, #tpu.memory_space<vmem>>) semaphore(%run_scoped3A_502 : memref<!tpu.dma_semaphore, #tpu.memory_space<semaphore_mem>>) {add = true}
      %dma_wait3A_513 = arith.constant 0 : i32
      %dma_wait3A_514 = arith.constant 0 : i32
      %dma_wait3A_515 = tpu.memref_slice %arg9[%run_scoped3A, %dma_wait3A_513, %dma_wait3A_514] : memref<4x80x128xf32, #tpu.memory_space<vmem>> -> memref<1x80x128xf32, #tpu.memory_space<vmem>>
      %dma_wait3A_516 = tpu.memref_squeeze %dma_wait3A_515 : memref<1x80x128xf32, #tpu.memory_space<vmem>> -> memref<80x128xf32, #tpu.memory_space<vmem>>
      %dma_wait3A_517 = arith.constant 0 : i32
      %dma_wait3A_518 = tpu.memref_slice %arg8[%run_scoped3A_389, %dma_wait3A_517] : memref<8x80xi32, #tpu.memory_space<vmem>> -> memref<1x80xi32, #tpu.memory_space<vmem>>
      %dma_wait3A_519 = tpu.memref_squeeze %dma_wait3A_518 : memref<1x80xi32, #tpu.memory_space<vmem>> -> memref<80xi32, #tpu.memory_space<vmem>>
      %dma_wait3A_520 = arith.constant 0 : i32
      %dma_wait3A_521 = arith.constant 0 : i32
      %dma_wait3A_522 = tpu.memref_slice %arg10[%dma_wait3A_520, %dma_wait3A_521] : memref<10240x128xf32, #tpu.memory_space<vmem_shared>> -> memref<10240x128xf32, #tpu.memory_space<vmem_shared>>
      tpu.wait_indirect_dma semaphore(%run_scoped3A_502 : memref<!tpu.dma_semaphore, #tpu.memory_space<semaphore_mem>>) src(%dma_wait3A_516 : memref<80x128xf32, #tpu.memory_space<vmem>>) dst(%dma_wait3A_522 : memref<10240x128xf32, #tpu.memory_space<vmem_shared>>)
      tpu.yield
    }) : () -> ()
    %dma_wait3A_390 = arith.constant 1 : i32
    %dma_wait3A_391 = arith.constant 1 : i32
    %dma_wait3A_392 = arith.constant 1 : i32
    %dma_wait3A_393 = arith.constant 0 : i32
    %dma_wait3A_394 = arith.constant 0 : i32
    %dma_wait3A_395 = tpu.memref_slice %arg9[%dma_wait3A_391, %dma_wait3A_393, %dma_wait3A_394] : memref<4x80x128xf32, #tpu.memory_space<vmem>> -> memref<1x80x128xf32, #tpu.memory_space<vmem>>
    %dma_wait3A_396 = tpu.memref_squeeze %dma_wait3A_395 : memref<1x80x128xf32, #tpu.memory_space<vmem>> -> memref<80x128xf32, #tpu.memory_space<vmem>>
    %dma_wait3A_397 = arith.constant 0 : i32
    %dma_wait3A_398 = tpu.memref_slice %arg7[%dma_wait3A_390, %dma_wait3A_397] : memref<8x80xi32, #tpu.memory_space<vmem>> -> memref<1x80xi32, #tpu.memory_space<vmem>>
    %dma_wait3A_399 = tpu.memref_squeeze %dma_wait3A_398 : memref<1x80xi32, #tpu.memory_space<vmem>> -> memref<80xi32, #tpu.memory_space<vmem>>
    %dma_wait3A_400 = arith.constant 0 : i32
    %dma_wait3A_401 = arith.constant 0 : i32
    %dma_wait3A_402 = tpu.memref_slice %arg2[%dma_wait3A_400, %dma_wait3A_401] : memref<10240x128xf32, #tpu.memory_space<hbm>> -> memref<10240x128xf32, #tpu.memory_space<hbm>>
    %dma_wait3A_403 = tpu.memref_slice %arg13[%dma_wait3A_392] : memref<4x!tpu.dma_semaphore, #tpu.memory_space<semaphore_mem>> -> memref<1x!tpu.dma_semaphore, #tpu.memory_space<semaphore_mem>>
    %dma_wait3A_404 = tpu.memref_squeeze %dma_wait3A_403 : memref<1x!tpu.dma_semaphore, #tpu.memory_space<semaphore_mem>> -> memref<!tpu.dma_semaphore, #tpu.memory_space<semaphore_mem>>
    tpu.wait_indirect_dma semaphore(%dma_wait3A_404 : memref<!tpu.dma_semaphore, #tpu.memory_space<semaphore_mem>>) src(%dma_wait3A_402 : memref<10240x128xf32, #tpu.memory_space<hbm>>) dst(%dma_wait3A_396 : memref<80x128xf32, #tpu.memory_space<vmem>>)
    %dma_wait3A_405 = arith.constant 4 : i32
    %dma_wait3A_406 = arith.constant 4 : i32
    %dma_wait3A_407 = arith.constant 0 : i32
    %dma_wait3A_408 = tpu.memref_slice %arg7[%dma_wait3A_405, %dma_wait3A_407] : memref<8x80xi32, #tpu.memory_space<vmem>> -> memref<1x80xi32, #tpu.memory_space<vmem>>
    %dma_wait3A_409 = tpu.memref_squeeze %dma_wait3A_408 : memref<1x80xi32, #tpu.memory_space<vmem>> -> memref<80xi32, #tpu.memory_space<vmem>>
    %dma_wait3A_410 = tpu.memref_slice %arg3[%mul3A_2] : memref<320000xi32, #tpu.memory_space<hbm>> -> memref<80xi32, #tpu.memory_space<hbm>>
    %dma_wait3A_411 = tpu.memref_slice %arg11[%dma_wait3A_406] : memref<8x!tpu.dma_semaphore, #tpu.memory_space<semaphore_mem>> -> memref<1x!tpu.dma_semaphore, #tpu.memory_space<semaphore_mem>>
    %dma_wait3A_412 = tpu.memref_squeeze %dma_wait3A_411 : memref<1x!tpu.dma_semaphore, #tpu.memory_space<semaphore_mem>> -> memref<!tpu.dma_semaphore, #tpu.memory_space<semaphore_mem>>
    %dma_wait3A_413 = arith.constant 0 : i32
    %dma_wait3A_414 = tpu.memref_slice %arg7[%dma_wait3A_405, %dma_wait3A_413] : memref<8x80xi32, #tpu.memory_space<vmem>> -> memref<1x80xi32, #tpu.memory_space<vmem>>
    %dma_wait3A_415 = tpu.memref_squeeze %dma_wait3A_414 : memref<1x80xi32, #tpu.memory_space<vmem>> -> memref<80xi32, #tpu.memory_space<vmem>>
    %dma_wait3A_416 = tpu.memref_slice %arg3[%mul3A_2] : memref<320000xi32, #tpu.memory_space<hbm>> -> memref<80xi32, #tpu.memory_space<hbm>>
    tpu.wait_dma2 semaphore(%dma_wait3A_412 : memref<!tpu.dma_semaphore, #tpu.memory_space<semaphore_mem>>) src(%dma_wait3A_416 : memref<80xi32, #tpu.memory_space<hbm>>) dst(%dma_wait3A_415 : memref<80xi32, #tpu.memory_space<vmem>>)
    %dma_wait3A_417 = arith.constant 4 : i32
    %dma_wait3A_418 = arith.constant 4 : i32
    %dma_wait3A_419 = arith.constant 0 : i32
    %dma_wait3A_420 = tpu.memref_slice %arg8[%dma_wait3A_417, %dma_wait3A_419] : memref<8x80xi32, #tpu.memory_space<vmem>> -> memref<1x80xi32, #tpu.memory_space<vmem>>
    %dma_wait3A_421 = tpu.memref_squeeze %dma_wait3A_420 : memref<1x80xi32, #tpu.memory_space<vmem>> -> memref<80xi32, #tpu.memory_space<vmem>>
    %dma_wait3A_422 = tpu.memref_slice %arg4[%mul3A_2] : memref<320000xi32, #tpu.memory_space<hbm>> -> memref<80xi32, #tpu.memory_space<hbm>>
    %dma_wait3A_423 = tpu.memref_slice %arg12[%dma_wait3A_418] : memref<8x!tpu.dma_semaphore, #tpu.memory_space<semaphore_mem>> -> memref<1x!tpu.dma_semaphore, #tpu.memory_space<semaphore_mem>>
    %dma_wait3A_424 = tpu.memref_squeeze %dma_wait3A_423 : memref<1x!tpu.dma_semaphore, #tpu.memory_space<semaphore_mem>> -> memref<!tpu.dma_semaphore, #tpu.memory_space<semaphore_mem>>
    %dma_wait3A_425 = arith.constant 0 : i32
    %dma_wait3A_426 = tpu.memref_slice %arg8[%dma_wait3A_417, %dma_wait3A_425] : memref<8x80xi32, #tpu.memory_space<vmem>> -> memref<1x80xi32, #tpu.memory_space<vmem>>
    %dma_wait3A_427 = tpu.memref_squeeze %dma_wait3A_426 : memref<1x80xi32, #tpu.memory_space<vmem>> -> memref<80xi32, #tpu.memory_space<vmem>>
    %dma_wait3A_428 = tpu.memref_slice %arg4[%mul3A_2] : memref<320000xi32, #tpu.memory_space<hbm>> -> memref<80xi32, #tpu.memory_space<hbm>>
    tpu.wait_dma2 semaphore(%dma_wait3A_424 : memref<!tpu.dma_semaphore, #tpu.memory_space<semaphore_mem>>) src(%dma_wait3A_428 : memref<80xi32, #tpu.memory_space<hbm>>) dst(%dma_wait3A_427 : memref<80xi32, #tpu.memory_space<vmem>>)
    %dma_start3A_429 = arith.constant 4 : i32
    %dma_start3A_430 = arith.constant 0 : i32
    %dma_start3A_431 = arith.constant 0 : i32
    %dma_start3A_432 = arith.constant 0 : i32
    %dma_start3A_433 = arith.constant 0 : i32
    %dma_start3A_434 = tpu.memref_slice %arg9[%dma_start3A_430, %dma_start3A_432, %dma_start3A_433] : memref<4x80x128xf32, #tpu.memory_space<vmem>> -> memref<1x80x128xf32, #tpu.memory_space<vmem>>
    %dma_start3A_435 = tpu.memref_squeeze %dma_start3A_434 : memref<1x80x128xf32, #tpu.memory_space<vmem>> -> memref<80x128xf32, #tpu.memory_space<vmem>>
    %dma_start3A_436 = arith.constant 0 : i32
    %dma_start3A_437 = tpu.memref_slice %arg7[%dma_start3A_429, %dma_start3A_436] : memref<8x80xi32, #tpu.memory_space<vmem>> -> memref<1x80xi32, #tpu.memory_space<vmem>>
    %dma_start3A_438 = tpu.memref_squeeze %dma_start3A_437 : memref<1x80xi32, #tpu.memory_space<vmem>> -> memref<80xi32, #tpu.memory_space<vmem>>
    %dma_start3A_439 = arith.constant 0 : i32
    %dma_start3A_440 = arith.constant 0 : i32
    %dma_start3A_441 = tpu.memref_slice %arg2[%dma_start3A_439, %dma_start3A_440] : memref<10240x128xf32, #tpu.memory_space<hbm>> -> memref<10240x128xf32, #tpu.memory_space<hbm>>
    %dma_start3A_442 = tpu.memref_slice %arg13[%dma_start3A_431] : memref<4x!tpu.dma_semaphore, #tpu.memory_space<semaphore_mem>> -> memref<1x!tpu.dma_semaphore, #tpu.memory_space<semaphore_mem>>
    %dma_start3A_443 = tpu.memref_squeeze %dma_start3A_442 : memref<1x!tpu.dma_semaphore, #tpu.memory_space<semaphore_mem>> -> memref<!tpu.dma_semaphore, #tpu.memory_space<semaphore_mem>>
    tpu.enqueue_indirect_dma source(%dma_start3A_441 : memref<10240x128xf32, #tpu.memory_space<hbm>>) target(%dma_start3A_435 : memref<80x128xf32, #tpu.memory_space<vmem>>) offsets(%dma_start3A_438 : memref<80xi32, #tpu.memory_space<vmem>>) semaphore(%dma_start3A_443 : memref<!tpu.dma_semaphore, #tpu.memory_space<semaphore_mem>>)
    %run_scoped3A_444 = arith.constant 1 : i32
    %run_scoped3A_445 = arith.constant 1 : i32
    "tpu.region"() ({
      %run_scoped3A_502 = tpu.sem_alloc : memref<!tpu.dma_semaphore, #tpu.memory_space<semaphore_mem>>
      %dma_start3A_503 = arith.constant 0 : i32
      %dma_start3A_504 = arith.constant 0 : i32
      %dma_start3A_505 = tpu.memref_slice %arg9[%run_scoped3A_444, %dma_start3A_503, %dma_start3A_504] : memref<4x80x128xf32, #tpu.memory_space<vmem>> -> memref<1x80x128xf32, #tpu.memory_space<vmem>>
      %dma_start3A_506 = tpu.memref_squeeze %dma_start3A_505 : memref<1x80x128xf32, #tpu.memory_space<vmem>> -> memref<80x128xf32, #tpu.memory_space<vmem>>
      %dma_start3A_507 = arith.constant 0 : i32
      %dma_start3A_508 = tpu.memref_slice %arg8[%run_scoped3A_445, %dma_start3A_507] : memref<8x80xi32, #tpu.memory_space<vmem>> -> memref<1x80xi32, #tpu.memory_space<vmem>>
      %dma_start3A_509 = tpu.memref_squeeze %dma_start3A_508 : memref<1x80xi32, #tpu.memory_space<vmem>> -> memref<80xi32, #tpu.memory_space<vmem>>
      %dma_start3A_510 = arith.constant 0 : i32
      %dma_start3A_511 = arith.constant 0 : i32
      %dma_start3A_512 = tpu.memref_slice %arg10[%dma_start3A_510, %dma_start3A_511] : memref<10240x128xf32, #tpu.memory_space<vmem_shared>> -> memref<10240x128xf32, #tpu.memory_space<vmem_shared>>
      tpu.enqueue_indirect_dma source(%dma_start3A_506 : memref<80x128xf32, #tpu.memory_space<vmem>>) target(%dma_start3A_512 : memref<10240x128xf32, #tpu.memory_space<vmem_shared>>) offsets(%dma_start3A_509 : memref<80xi32, #tpu.memory_space<vmem>>) semaphore(%run_scoped3A_502 : memref<!tpu.dma_semaphore, #tpu.memory_space<semaphore_mem>>) {add = true}
      %dma_wait3A_513 = arith.constant 0 : i32
      %dma_wait3A_514 = arith.constant 0 : i32
      %dma_wait3A_515 = tpu.memref_slice %arg9[%run_scoped3A_444, %dma_wait3A_513, %dma_wait3A_514] : memref<4x80x128xf32, #tpu.memory_space<vmem>> -> memref<1x80x128xf32, #tpu.memory_space<vmem>>
      %dma_wait3A_516 = tpu.memref_squeeze %dma_wait3A_515 : memref<1x80x128xf32, #tpu.memory_space<vmem>> -> memref<80x128xf32, #tpu.memory_space<vmem>>
      %dma_wait3A_517 = arith.constant 0 : i32
      %dma_wait3A_518 = tpu.memref_slice %arg8[%run_scoped3A_445, %dma_wait3A_517] : memref<8x80xi32, #tpu.memory_space<vmem>> -> memref<1x80xi32, #tpu.memory_space<vmem>>
      %dma_wait3A_519 = tpu.memref_squeeze %dma_wait3A_518 : memref<1x80xi32, #tpu.memory_space<vmem>> -> memref<80xi32, #tpu.memory_space<vmem>>
      %dma_wait3A_520 = arith.constant 0 : i32
      %dma_wait3A_521 = arith.constant 0 : i32
      %dma_wait3A_522 = tpu.memref_slice %arg10[%dma_wait3A_520, %dma_wait3A_521] : memref<10240x128xf32, #tpu.memory_space<vmem_shared>> -> memref<10240x128xf32, #tpu.memory_space<vmem_shared>>
      tpu.wait_indirect_dma semaphore(%run_scoped3A_502 : memref<!tpu.dma_semaphore, #tpu.memory_space<semaphore_mem>>) src(%dma_wait3A_516 : memref<80x128xf32, #tpu.memory_space<vmem>>) dst(%dma_wait3A_522 : memref<10240x128xf32, #tpu.memory_space<vmem_shared>>)
      tpu.yield
    }) : () -> ()
    %dma_wait3A_446 = arith.constant 2 : i32
    %dma_wait3A_447 = arith.constant 2 : i32
    %dma_wait3A_448 = arith.constant 2 : i32
    %dma_wait3A_449 = arith.constant 0 : i32
    %dma_wait3A_450 = arith.constant 0 : i32
    %dma_wait3A_451 = tpu.memref_slice %arg9[%dma_wait3A_447, %dma_wait3A_449, %dma_wait3A_450] : memref<4x80x128xf32, #tpu.memory_space<vmem>> -> memref<1x80x128xf32, #tpu.memory_space<vmem>>
    %dma_wait3A_452 = tpu.memref_squeeze %dma_wait3A_451 : memref<1x80x128xf32, #tpu.memory_space<vmem>> -> memref<80x128xf32, #tpu.memory_space<vmem>>
    %dma_wait3A_453 = arith.constant 0 : i32
    %dma_wait3A_454 = tpu.memref_slice %arg7[%dma_wait3A_446, %dma_wait3A_453] : memref<8x80xi32, #tpu.memory_space<vmem>> -> memref<1x80xi32, #tpu.memory_space<vmem>>
    %dma_wait3A_455 = tpu.memref_squeeze %dma_wait3A_454 : memref<1x80xi32, #tpu.memory_space<vmem>> -> memref<80xi32, #tpu.memory_space<vmem>>
    %dma_wait3A_456 = arith.constant 0 : i32
    %dma_wait3A_457 = arith.constant 0 : i32
    %dma_wait3A_458 = tpu.memref_slice %arg2[%dma_wait3A_456, %dma_wait3A_457] : memref<10240x128xf32, #tpu.memory_space<hbm>> -> memref<10240x128xf32, #tpu.memory_space<hbm>>
    %dma_wait3A_459 = tpu.memref_slice %arg13[%dma_wait3A_448] : memref<4x!tpu.dma_semaphore, #tpu.memory_space<semaphore_mem>> -> memref<1x!tpu.dma_semaphore, #tpu.memory_space<semaphore_mem>>
    %dma_wait3A_460 = tpu.memref_squeeze %dma_wait3A_459 : memref<1x!tpu.dma_semaphore, #tpu.memory_space<semaphore_mem>> -> memref<!tpu.dma_semaphore, #tpu.memory_space<semaphore_mem>>
    tpu.wait_indirect_dma semaphore(%dma_wait3A_460 : memref<!tpu.dma_semaphore, #tpu.memory_space<semaphore_mem>>) src(%dma_wait3A_458 : memref<10240x128xf32, #tpu.memory_space<hbm>>) dst(%dma_wait3A_452 : memref<80x128xf32, #tpu.memory_space<vmem>>)
    %run_scoped3A_461 = arith.constant 2 : i32
    %run_scoped3A_462 = arith.constant 2 : i32
    "tpu.region"() ({
      %run_scoped3A_502 = tpu.sem_alloc : memref<!tpu.dma_semaphore, #tpu.memory_space<semaphore_mem>>
      %dma_start3A_503 = arith.constant 0 : i32
      %dma_start3A_504 = arith.constant 0 : i32
      %dma_start3A_505 = tpu.memref_slice %arg9[%run_scoped3A_461, %dma_start3A_503, %dma_start3A_504] : memref<4x80x128xf32, #tpu.memory_space<vmem>> -> memref<1x80x128xf32, #tpu.memory_space<vmem>>
      %dma_start3A_506 = tpu.memref_squeeze %dma_start3A_505 : memref<1x80x128xf32, #tpu.memory_space<vmem>> -> memref<80x128xf32, #tpu.memory_space<vmem>>
      %dma_start3A_507 = arith.constant 0 : i32
      %dma_start3A_508 = tpu.memref_slice %arg8[%run_scoped3A_462, %dma_start3A_507] : memref<8x80xi32, #tpu.memory_space<vmem>> -> memref<1x80xi32, #tpu.memory_space<vmem>>
      %dma_start3A_509 = tpu.memref_squeeze %dma_start3A_508 : memref<1x80xi32, #tpu.memory_space<vmem>> -> memref<80xi32, #tpu.memory_space<vmem>>
      %dma_start3A_510 = arith.constant 0 : i32
      %dma_start3A_511 = arith.constant 0 : i32
      %dma_start3A_512 = tpu.memref_slice %arg10[%dma_start3A_510, %dma_start3A_511] : memref<10240x128xf32, #tpu.memory_space<vmem_shared>> -> memref<10240x128xf32, #tpu.memory_space<vmem_shared>>
      tpu.enqueue_indirect_dma source(%dma_start3A_506 : memref<80x128xf32, #tpu.memory_space<vmem>>) target(%dma_start3A_512 : memref<10240x128xf32, #tpu.memory_space<vmem_shared>>) offsets(%dma_start3A_509 : memref<80xi32, #tpu.memory_space<vmem>>) semaphore(%run_scoped3A_502 : memref<!tpu.dma_semaphore, #tpu.memory_space<semaphore_mem>>) {add = true}
      %dma_wait3A_513 = arith.constant 0 : i32
      %dma_wait3A_514 = arith.constant 0 : i32
      %dma_wait3A_515 = tpu.memref_slice %arg9[%run_scoped3A_461, %dma_wait3A_513, %dma_wait3A_514] : memref<4x80x128xf32, #tpu.memory_space<vmem>> -> memref<1x80x128xf32, #tpu.memory_space<vmem>>
      %dma_wait3A_516 = tpu.memref_squeeze %dma_wait3A_515 : memref<1x80x128xf32, #tpu.memory_space<vmem>> -> memref<80x128xf32, #tpu.memory_space<vmem>>
      %dma_wait3A_517 = arith.constant 0 : i32
      %dma_wait3A_518 = tpu.memref_slice %arg8[%run_scoped3A_462, %dma_wait3A_517] : memref<8x80xi32, #tpu.memory_space<vmem>> -> memref<1x80xi32, #tpu.memory_space<vmem>>
      %dma_wait3A_519 = tpu.memref_squeeze %dma_wait3A_518 : memref<1x80xi32, #tpu.memory_space<vmem>> -> memref<80xi32, #tpu.memory_space<vmem>>
      %dma_wait3A_520 = arith.constant 0 : i32
      %dma_wait3A_521 = arith.constant 0 : i32
      %dma_wait3A_522 = tpu.memref_slice %arg10[%dma_wait3A_520, %dma_wait3A_521] : memref<10240x128xf32, #tpu.memory_space<vmem_shared>> -> memref<10240x128xf32, #tpu.memory_space<vmem_shared>>
      tpu.wait_indirect_dma semaphore(%run_scoped3A_502 : memref<!tpu.dma_semaphore, #tpu.memory_space<semaphore_mem>>) src(%dma_wait3A_516 : memref<80x128xf32, #tpu.memory_space<vmem>>) dst(%dma_wait3A_522 : memref<10240x128xf32, #tpu.memory_space<vmem_shared>>)
      tpu.yield
    }) : () -> ()
    %dma_wait3A_463 = arith.constant 3 : i32
    %dma_wait3A_464 = arith.constant 3 : i32
    %dma_wait3A_465 = arith.constant 3 : i32
    %dma_wait3A_466 = arith.constant 0 : i32
    %dma_wait3A_467 = arith.constant 0 : i32
    %dma_wait3A_468 = tpu.memref_slice %arg9[%dma_wait3A_464, %dma_wait3A_466, %dma_wait3A_467] : memref<4x80x128xf32, #tpu.memory_space<vmem>> -> memref<1x80x128xf32, #tpu.memory_space<vmem>>
    %dma_wait3A_469 = tpu.memref_squeeze %dma_wait3A_468 : memref<1x80x128xf32, #tpu.memory_space<vmem>> -> memref<80x128xf32, #tpu.memory_space<vmem>>
    %dma_wait3A_470 = arith.constant 0 : i32
    %dma_wait3A_471 = tpu.memref_slice %arg7[%dma_wait3A_463, %dma_wait3A_470] : memref<8x80xi32, #tpu.memory_space<vmem>> -> memref<1x80xi32, #tpu.memory_space<vmem>>
    %dma_wait3A_472 = tpu.memref_squeeze %dma_wait3A_471 : memref<1x80xi32, #tpu.memory_space<vmem>> -> memref<80xi32, #tpu.memory_space<vmem>>
    %dma_wait3A_473 = arith.constant 0 : i32
    %dma_wait3A_474 = arith.constant 0 : i32
    %dma_wait3A_475 = tpu.memref_slice %arg2[%dma_wait3A_473, %dma_wait3A_474] : memref<10240x128xf32, #tpu.memory_space<hbm>> -> memref<10240x128xf32, #tpu.memory_space<hbm>>
    %dma_wait3A_476 = tpu.memref_slice %arg13[%dma_wait3A_465] : memref<4x!tpu.dma_semaphore, #tpu.memory_space<semaphore_mem>> -> memref<1x!tpu.dma_semaphore, #tpu.memory_space<semaphore_mem>>
    %dma_wait3A_477 = tpu.memref_squeeze %dma_wait3A_476 : memref<1x!tpu.dma_semaphore, #tpu.memory_space<semaphore_mem>> -> memref<!tpu.dma_semaphore, #tpu.memory_space<semaphore_mem>>
    tpu.wait_indirect_dma semaphore(%dma_wait3A_477 : memref<!tpu.dma_semaphore, #tpu.memory_space<semaphore_mem>>) src(%dma_wait3A_475 : memref<10240x128xf32, #tpu.memory_space<hbm>>) dst(%dma_wait3A_469 : memref<80x128xf32, #tpu.memory_space<vmem>>)
    %run_scoped3A_478 = arith.constant 3 : i32
    %run_scoped3A_479 = arith.constant 3 : i32
    "tpu.region"() ({
      %run_scoped3A_502 = tpu.sem_alloc : memref<!tpu.dma_semaphore, #tpu.memory_space<semaphore_mem>>
      %dma_start3A_503 = arith.constant 0 : i32
      %dma_start3A_504 = arith.constant 0 : i32
      %dma_start3A_505 = tpu.memref_slice %arg9[%run_scoped3A_478, %dma_start3A_503, %dma_start3A_504] : memref<4x80x128xf32, #tpu.memory_space<vmem>> -> memref<1x80x128xf32, #tpu.memory_space<vmem>>
      %dma_start3A_506 = tpu.memref_squeeze %dma_start3A_505 : memref<1x80x128xf32, #tpu.memory_space<vmem>> -> memref<80x128xf32, #tpu.memory_space<vmem>>
      %dma_start3A_507 = arith.constant 0 : i32
      %dma_start3A_508 = tpu.memref_slice %arg8[%run_scoped3A_479, %dma_start3A_507] : memref<8x80xi32, #tpu.memory_space<vmem>> -> memref<1x80xi32, #tpu.memory_space<vmem>>
      %dma_start3A_509 = tpu.memref_squeeze %dma_start3A_508 : memref<1x80xi32, #tpu.memory_space<vmem>> -> memref<80xi32, #tpu.memory_space<vmem>>
      %dma_start3A_510 = arith.constant 0 : i32
      %dma_start3A_511 = arith.constant 0 : i32
      %dma_start3A_512 = tpu.memref_slice %arg10[%dma_start3A_510, %dma_start3A_511] : memref<10240x128xf32, #tpu.memory_space<vmem_shared>> -> memref<10240x128xf32, #tpu.memory_space<vmem_shared>>
      tpu.enqueue_indirect_dma source(%dma_start3A_506 : memref<80x128xf32, #tpu.memory_space<vmem>>) target(%dma_start3A_512 : memref<10240x128xf32, #tpu.memory_space<vmem_shared>>) offsets(%dma_start3A_509 : memref<80xi32, #tpu.memory_space<vmem>>) semaphore(%run_scoped3A_502 : memref<!tpu.dma_semaphore, #tpu.memory_space<semaphore_mem>>) {add = true}
      %dma_wait3A_513 = arith.constant 0 : i32
      %dma_wait3A_514 = arith.constant 0 : i32
      %dma_wait3A_515 = tpu.memref_slice %arg9[%run_scoped3A_478, %dma_wait3A_513, %dma_wait3A_514] : memref<4x80x128xf32, #tpu.memory_space<vmem>> -> memref<1x80x128xf32, #tpu.memory_space<vmem>>
      %dma_wait3A_516 = tpu.memref_squeeze %dma_wait3A_515 : memref<1x80x128xf32, #tpu.memory_space<vmem>> -> memref<80x128xf32, #tpu.memory_space<vmem>>
      %dma_wait3A_517 = arith.constant 0 : i32
      %dma_wait3A_518 = tpu.memref_slice %arg8[%run_scoped3A_479, %dma_wait3A_517] : memref<8x80xi32, #tpu.memory_space<vmem>> -> memref<1x80xi32, #tpu.memory_space<vmem>>
      %dma_wait3A_519 = tpu.memref_squeeze %dma_wait3A_518 : memref<1x80xi32, #tpu.memory_space<vmem>> -> memref<80xi32, #tpu.memory_space<vmem>>
      %dma_wait3A_520 = arith.constant 0 : i32
      %dma_wait3A_521 = arith.constant 0 : i32
      %dma_wait3A_522 = tpu.memref_slice %arg10[%dma_wait3A_520, %dma_wait3A_521] : memref<10240x128xf32, #tpu.memory_space<vmem_shared>> -> memref<10240x128xf32, #tpu.memory_space<vmem_shared>>
      tpu.wait_indirect_dma semaphore(%run_scoped3A_502 : memref<!tpu.dma_semaphore, #tpu.memory_space<semaphore_mem>>) src(%dma_wait3A_516 : memref<80x128xf32, #tpu.memory_space<vmem>>) dst(%dma_wait3A_522 : memref<10240x128xf32, #tpu.memory_space<vmem_shared>>)
      tpu.yield
    }) : () -> ()
    %dma_wait3A_480 = arith.constant 4 : i32
    %dma_wait3A_481 = arith.constant 0 : i32
    %dma_wait3A_482 = arith.constant 0 : i32
    %dma_wait3A_483 = arith.constant 0 : i32
    %dma_wait3A_484 = arith.constant 0 : i32
    %dma_wait3A_485 = tpu.memref_slice %arg9[%dma_wait3A_481, %dma_wait3A_483, %dma_wait3A_484] : memref<4x80x128xf32, #tpu.memory_space<vmem>> -> memref<1x80x128xf32, #tpu.memory_space<vmem>>
    %dma_wait3A_486 = tpu.memref_squeeze %dma_wait3A_485 : memref<1x80x128xf32, #tpu.memory_space<vmem>> -> memref<80x128xf32, #tpu.memory_space<vmem>>
    %dma_wait3A_487 = arith.constant 0 : i32
    %dma_wait3A_488 = tpu.memref_slice %arg7[%dma_wait3A_480, %dma_wait3A_487] : memref<8x80xi32, #tpu.memory_space<vmem>> -> memref<1x80xi32, #tpu.memory_space<vmem>>
    %dma_wait3A_489 = tpu.memref_squeeze %dma_wait3A_488 : memref<1x80xi32, #tpu.memory_space<vmem>> -> memref<80xi32, #tpu.memory_space<vmem>>
    %dma_wait3A_490 = arith.constant 0 : i32
    %dma_wait3A_491 = arith.constant 0 : i32
    %dma_wait3A_492 = tpu.memref_slice %arg2[%dma_wait3A_490, %dma_wait3A_491] : memref<10240x128xf32, #tpu.memory_space<hbm>> -> memref<10240x128xf32, #tpu.memory_space<hbm>>
    %dma_wait3A_493 = tpu.memref_slice %arg13[%dma_wait3A_482] : memref<4x!tpu.dma_semaphore, #tpu.memory_space<semaphore_mem>> -> memref<1x!tpu.dma_semaphore, #tpu.memory_space<semaphore_mem>>
    %dma_wait3A_494 = tpu.memref_squeeze %dma_wait3A_493 : memref<1x!tpu.dma_semaphore, #tpu.memory_space<semaphore_mem>> -> memref<!tpu.dma_semaphore, #tpu.memory_space<semaphore_mem>>
    tpu.wait_indirect_dma semaphore(%dma_wait3A_494 : memref<!tpu.dma_semaphore, #tpu.memory_space<semaphore_mem>>) src(%dma_wait3A_492 : memref<10240x128xf32, #tpu.memory_space<hbm>>) dst(%dma_wait3A_486 : memref<80x128xf32, #tpu.memory_space<vmem>>)
    %run_scoped3A_495 = arith.constant 0 : i32
    %run_scoped3A_496 = arith.constant 4 : i32
    "tpu.region"() ({
      %run_scoped3A_502 = tpu.sem_alloc : memref<!tpu.dma_semaphore, #tpu.memory_space<semaphore_mem>>
      %dma_start3A_503 = arith.constant 0 : i32
      %dma_start3A_504 = arith.constant 0 : i32
      %dma_start3A_505 = tpu.memref_slice %arg9[%run_scoped3A_495, %dma_start3A_503, %dma_start3A_504] : memref<4x80x128xf32, #tpu.memory_space<vmem>> -> memref<1x80x128xf32, #tpu.memory_space<vmem>>
      %dma_start3A_506 = tpu.memref_squeeze %dma_start3A_505 : memref<1x80x128xf32, #tpu.memory_space<vmem>> -> memref<80x128xf32, #tpu.memory_space<vmem>>
      %dma_start3A_507 = arith.constant 0 : i32
      %dma_start3A_508 = tpu.memref_slice %arg8[%run_scoped3A_496, %dma_start3A_507] : memref<8x80xi32, #tpu.memory_space<vmem>> -> memref<1x80xi32, #tpu.memory_space<vmem>>
      %dma_start3A_509 = tpu.memref_squeeze %dma_start3A_508 : memref<1x80xi32, #tpu.memory_space<vmem>> -> memref<80xi32, #tpu.memory_space<vmem>>
      %dma_start3A_510 = arith.constant 0 : i32
      %dma_start3A_511 = arith.constant 0 : i32
      %dma_start3A_512 = tpu.memref_slice %arg10[%dma_start3A_510, %dma_start3A_511] : memref<10240x128xf32, #tpu.memory_space<vmem_shared>> -> memref<10240x128xf32, #tpu.memory_space<vmem_shared>>
      tpu.enqueue_indirect_dma source(%dma_start3A_506 : memref<80x128xf32, #tpu.memory_space<vmem>>) target(%dma_start3A_512 : memref<10240x128xf32, #tpu.memory_space<vmem_shared>>) offsets(%dma_start3A_509 : memref<80xi32, #tpu.memory_space<vmem>>) semaphore(%run_scoped3A_502 : memref<!tpu.dma_semaphore, #tpu.memory_space<semaphore_mem>>) {add = true}
      %dma_wait3A_513 = arith.constant 0 : i32
      %dma_wait3A_514 = arith.constant 0 : i32
      %dma_wait3A_515 = tpu.memref_slice %arg9[%run_scoped3A_495, %dma_wait3A_513, %dma_wait3A_514] : memref<4x80x128xf32, #tpu.memory_space<vmem>> -> memref<1x80x128xf32, #tpu.memory_space<vmem>>
      %dma_wait3A_516 = tpu.memref_squeeze %dma_wait3A_515 : memref<1x80x128xf32, #tpu.memory_space<vmem>> -> memref<80x128xf32, #tpu.memory_space<vmem>>
      %dma_wait3A_517 = arith.constant 0 : i32
      %dma_wait3A_518 = tpu.memref_slice %arg8[%run_scoped3A_496, %dma_wait3A_517] : memref<8x80xi32, #tpu.memory_space<vmem>> -> memref<1x80xi32, #tpu.memory_space<vmem>>
      %dma_wait3A_519 = tpu.memref_squeeze %dma_wait3A_518 : memref<1x80xi32, #tpu.memory_space<vmem>> -> memref<80xi32, #tpu.memory_space<vmem>>
      %dma_wait3A_520 = arith.constant 0 : i32
      %dma_wait3A_521 = arith.constant 0 : i32
      %dma_wait3A_522 = tpu.memref_slice %arg10[%dma_wait3A_520, %dma_wait3A_521] : memref<10240x128xf32, #tpu.memory_space<vmem_shared>> -> memref<10240x128xf32, #tpu.memory_space<vmem_shared>>
      tpu.wait_indirect_dma semaphore(%run_scoped3A_502 : memref<!tpu.dma_semaphore, #tpu.memory_space<semaphore_mem>>) src(%dma_wait3A_516 : memref<80x128xf32, #tpu.memory_space<vmem>>) dst(%dma_wait3A_522 : memref<10240x128xf32, #tpu.memory_space<vmem_shared>>)
      tpu.yield
    }) : () -> ()
    %barrier3A_497 = arith.constant 0 : index
    tpu.barrier barrier_id(%barrier3A_497)
    %mul3A_498 = arith.constant 640 : i32
    %mul3A_499 = arith.muli %arg1, %mul3A_498 : i32
    %mul3A_500 = arith.constant 640 : i32
    %mul3A_501 = arith.muli %arg1, %mul3A_500 : i32
    "tpu.region"() ({
      %run_scoped3A_502 = tpu.sem_alloc : memref<!tpu.dma_semaphore, #tpu.memory_space<semaphore_mem>>
      %dma_start3A_503 = arith.constant 0 : i32
      %dma_start3A_504 = tpu.memref_slice %arg6[%arg0, %mul3A_501, %dma_start3A_503] : memref<2x10240x128xf32, #tpu.memory_space<hbm>> -> memref<1x640x128xf32, #tpu.memory_space<hbm>>
      %dma_start3A_505 = tpu.memref_squeeze %dma_start3A_504 : memref<1x640x128xf32, #tpu.memory_space<hbm>> -> memref<640x128xf32, #tpu.memory_space<hbm>>
      %dma_start3A_506 = arith.constant 0 : i32
      %dma_start3A_507 = tpu.memref_slice %arg10[%mul3A_499, %dma_start3A_506] : memref<10240x128xf32, #tpu.memory_space<vmem_shared>> -> memref<640x128xf32, #tpu.memory_space<vmem_shared>>
      tpu.enqueue_dma source(%dma_start3A_507 : memref<640x128xf32, #tpu.memory_space<vmem_shared>>) target(%dma_start3A_505 : memref<640x128xf32, #tpu.memory_space<hbm>>) target_semaphore(%run_scoped3A_502 : memref<!tpu.dma_semaphore, #tpu.memory_space<semaphore_mem>>)
      %dma_wait3A_508 = arith.constant 0 : i32
      %dma_wait3A_509 = tpu.memref_slice %arg6[%arg0, %mul3A_501, %dma_wait3A_508] : memref<2x10240x128xf32, #tpu.memory_space<hbm>> -> memref<1x640x128xf32, #tpu.memory_space<hbm>>
      %dma_wait3A_510 = tpu.memref_squeeze %dma_wait3A_509 : memref<1x640x128xf32, #tpu.memory_space<hbm>> -> memref<640x128xf32, #tpu.memory_space<hbm>>
      %dma_wait3A_511 = arith.constant 0 : i32
      %dma_wait3A_512 = tpu.memref_slice %arg10[%mul3A_499, %dma_wait3A_511] : memref<10240x128xf32, #tpu.memory_space<vmem_shared>> -> memref<640x128xf32, #tpu.memory_space<vmem_shared>>
      tpu.wait_dma2 semaphore(%run_scoped3A_502 : memref<!tpu.dma_semaphore, #tpu.memory_space<semaphore_mem>>) src(%dma_wait3A_512 : memref<640x128xf32, #tpu.memory_space<vmem_shared>>) dst(%dma_wait3A_510 : memref<640x128xf32, #tpu.memory_space<hbm>>)
      tpu.yield
    }) : () -> ()
    return
  }
}

module attributes {stable_mosaic.version = 14 : i64} {
  func.func @_tc1_body(%arg0: memref<10000x128xf32, #tpu.memory_space<vmem>>, %arg1: memref<128x128xf32, #tpu.memory_space<vmem>>, %arg2: memref<1x128xf32, #tpu.memory_space<vmem>>, %arg3: memref<10000x1xf32, #tpu.memory_space<vmem>>, %arg4: memref<10240x128xf32, #tpu.memory_space<vmem>>, %arg5: memref<10000x128xf32, #tpu.memory_space<vmem>>) attributes {dimension_semantics = [], scalar_prefetch = 0 : i64, scratch_operands = 0 : i64, tpu.core_type = #tpu.core_type<tc>} {
    %get3A = arith.constant 0 : index
    %get3A_0 = arith.constant 0 : index
    %get3A_1 = vector.load %arg3[%get3A, %get3A_0] : memref<10000x1xf32, #tpu.memory_space<vmem>>, vector<10000x1xf32>
    %get3A_2 = arith.constant 0 : index
    %get3A_3 = arith.constant 0 : index
    %get3A_4 = vector.load %arg0[%get3A_2, %get3A_3] : memref<10000x128xf32, #tpu.memory_space<vmem>>, vector<10000x128xf32>
    %get3A_5 = arith.constant 0 : index
    %get3A_6 = arith.constant 0 : index
    %get3A_7 = vector.load %arg1[%get3A_5, %get3A_6] : memref<128x128xf32, #tpu.memory_space<vmem>>, vector<128x128xf32>
    %dot_general3A = arith.constant dense<0.000000e+00> : vector<10000x128xf32>
    %dot_general3A_8 = tpu.matmul %get3A_4, %get3A_7, %dot_general3A {dimension_numbers = #tpu.dot_dimension_numbers<[1], [0], [0], [1], [0, 0, 1, 1], [], []>, transpose_lhs_hint = false} : vector<10000x128xf32>, vector<128x128xf32>, vector<10000x128xf32> -> vector<10000x128xf32>
    %get3A_9 = arith.constant 0 : index
    %get3A_10 = arith.constant 0 : index
    %get3A_11 = vector.load %arg2[%get3A_9, %get3A_10] : memref<1x128xf32, #tpu.memory_space<vmem>>, vector<1x128xf32>
    %add3A = vector.broadcast %get3A_11 : vector<1x128xf32> to vector<10000x128xf32>
    %add3A_12 = arith.addf %dot_general3A_8, %add3A : vector<10000x128xf32>
    %mul3A = vector.broadcast %get3A_1 : vector<10000x1xf32> to vector<10000x128xf32>
    %mul3A_13 = arith.mulf %add3A_12, %mul3A : vector<10000x128xf32>
    %swap3A = arith.constant 0 : index
    %swap3A_14 = arith.constant 0 : index
    %swap3A_15 = vector.load %arg4[%swap3A, %swap3A_14] : memref<10240x128xf32, #tpu.memory_space<vmem>>, vector<10000x128xf32>
    tpu.vector_store %arg4[%swap3A, %swap3A_14], %mul3A_13 {strides = array<i32>} : memref<10240x128xf32, #tpu.memory_space<vmem>>, vector<10000x128xf32>,
    %mul3A_16 = arith.mulf %get3A_1, %get3A_1 : vector<10000x1xf32>
    %mul3A_17 = vector.broadcast %mul3A_16 : vector<10000x1xf32> to vector<10000x128xf32>
    %mul3A_18 = arith.mulf %add3A_12, %mul3A_17 : vector<10000x128xf32>
    %swap3A_19 = arith.constant 0 : index
    %swap3A_20 = arith.constant 0 : index
    %swap3A_21 = vector.load %arg5[%swap3A_19, %swap3A_20] : memref<10000x128xf32, #tpu.memory_space<vmem>>, vector<10000x128xf32>
    tpu.vector_store %arg5[%swap3A_19, %swap3A_20], %mul3A_18 {strides = array<i32>} : memref<10000x128xf32, #tpu.memory_space<vmem>>, vector<10000x128xf32>,
    return
  }
}

module attributes {stable_mosaic.version = 14 : i64} {
  func.func @_tc2_body(%arg0: memref<2x10240x128xf32, #tpu.memory_space<vmem>>, %arg1: memref<10000x128xf32, #tpu.memory_space<vmem>>, %arg2: memref<10000x1xf32, #tpu.memory_space<vmem>>, %arg3: memref<128x64xf32, #tpu.memory_space<vmem>>, %arg4: memref<1x64xf32, #tpu.memory_space<vmem>>, %arg5: memref<10000x128xf32, #tpu.memory_space<vmem>>, %arg6: memref<10240x128xf32, #tpu.memory_space<vmem>>, %arg7: memref<10000x64xf32, #tpu.memory_space<vmem>>) attributes {dimension_semantics = [], scalar_prefetch = 0 : i64, scratch_operands = 0 : i64, tpu.core_type = #tpu.core_type<tc>} {
    %get3A = arith.constant 0 : index
    %get3A_0 = arith.constant 0 : index
    %get3A_1 = vector.load %arg2[%get3A, %get3A_0] : memref<10000x1xf32, #tpu.memory_space<vmem>>, vector<10000x1xf32>
    %get3A_2 = arith.constant 0 : index
    %get3A_3 = arith.constant 0 : index
    %get3A_4 = arith.constant 0 : index
    %get3A_5 = vector.load %arg0[%get3A_2, %get3A_3, %get3A_4] : memref<2x10240x128xf32, #tpu.memory_space<vmem>>, vector<1x10000x128xf32>
    %get3A_6 = vector.shape_cast %get3A_5 : vector<1x10000x128xf32> to vector<10000x128xf32>
    %get3A_7 = arith.constant 1 : index
    %get3A_8 = arith.constant 0 : index
    %get3A_9 = arith.constant 0 : index
    %get3A_10 = vector.load %arg0[%get3A_7, %get3A_8, %get3A_9] : memref<2x10240x128xf32, #tpu.memory_space<vmem>>, vector<1x10000x128xf32>
    %get3A_11 = vector.shape_cast %get3A_10 : vector<1x10000x128xf32> to vector<10000x128xf32>
    %add3A = arith.addf %get3A_6, %get3A_11 : vector<10000x128xf32>
    %mul3A = vector.broadcast %get3A_1 : vector<10000x1xf32> to vector<10000x128xf32>
    %mul3A_12 = arith.mulf %add3A, %mul3A : vector<10000x128xf32>
    %get3A_13 = arith.constant 0 : index
    %get3A_14 = arith.constant 0 : index
    %get3A_15 = vector.load %arg1[%get3A_13, %get3A_14] : memref<10000x128xf32, #tpu.memory_space<vmem>>, vector<10000x128xf32>
    %add3A_16 = arith.addf %mul3A_12, %get3A_15 : vector<10000x128xf32>
    %max3A = arith.constant 0.000000e+00 : f32
    %max3A_17 = vector.broadcast %max3A : f32 to vector<10000x128xf32>
    %max3A_18 = arith.maximumf %add3A_16, %max3A_17 : vector<10000x128xf32>
    %swap3A = arith.constant 0 : index
    %swap3A_19 = arith.constant 0 : index
    %swap3A_20 = vector.load %arg5[%swap3A, %swap3A_19] : memref<10000x128xf32, #tpu.memory_space<vmem>>, vector<10000x128xf32>
    tpu.vector_store %arg5[%swap3A, %swap3A_19], %max3A_18 {strides = array<i32>} : memref<10000x128xf32, #tpu.memory_space<vmem>>, vector<10000x128xf32>,
    %get3A_21 = arith.constant 0 : index
    %get3A_22 = arith.constant 0 : index
    %get3A_23 = vector.load %arg3[%get3A_21, %get3A_22] : memref<128x64xf32, #tpu.memory_space<vmem>>, vector<128x64xf32>
    %dot_general3A = arith.constant dense<0.000000e+00> : vector<10000x64xf32>
    %dot_general3A_24 = tpu.matmul %max3A_18, %get3A_23, %dot_general3A {dimension_numbers = #tpu.dot_dimension_numbers<[1], [0], [0], [1], [0, 0, 1, 1], [], []>, transpose_lhs_hint = false} : vector<10000x128xf32>, vector<128x64xf32>, vector<10000x64xf32> -> vector<10000x64xf32>
    %get3A_25 = arith.constant 0 : index
    %get3A_26 = arith.constant 0 : index
    %get3A_27 = vector.load %arg4[%get3A_25, %get3A_26] : memref<1x64xf32, #tpu.memory_space<vmem>>, vector<1x64xf32>
    %add3A_28 = vector.broadcast %get3A_27 : vector<1x64xf32> to vector<10000x64xf32>
    %add3A_29 = arith.addf %dot_general3A_24, %add3A_28 : vector<10000x64xf32>
    %mul3A_30 = vector.broadcast %get3A_1 : vector<10000x1xf32> to vector<10000x64xf32>
    %mul3A_31 = arith.mulf %add3A_29, %mul3A_30 : vector<10000x64xf32>
    %swap3A_32 = arith.constant 0 : index
    %swap3A_33 = arith.constant 0 : index
    %swap3A_34 = vector.load %arg6[%swap3A_32, %swap3A_33] : memref<10240x128xf32, #tpu.memory_space<vmem>>, vector<10000x64xf32>
    tpu.vector_store %arg6[%swap3A_32, %swap3A_33], %mul3A_31 {strides = array<i32>} : memref<10240x128xf32, #tpu.memory_space<vmem>>, vector<10000x64xf32>,
    %mul3A_35 = arith.mulf %get3A_1, %get3A_1 : vector<10000x1xf32>
    %mul3A_36 = vector.broadcast %mul3A_35 : vector<10000x1xf32> to vector<10000x64xf32>
    %mul3A_37 = arith.mulf %add3A_29, %mul3A_36 : vector<10000x64xf32>
    %swap3A_38 = arith.constant 0 : index
    %swap3A_39 = arith.constant 0 : index
    %swap3A_40 = vector.load %arg7[%swap3A_38, %swap3A_39] : memref<10000x64xf32, #tpu.memory_space<vmem>>, vector<10000x64xf32>
    tpu.vector_store %arg7[%swap3A_38, %swap3A_39], %mul3A_37 {strides = array<i32>} : memref<10000x64xf32, #tpu.memory_space<vmem>>, vector<10000x64xf32>,
    return
  }
}

module attributes {stable_mosaic.version = 14 : i64} {
  func.func @_tc3_body(%arg0: memref<2x10240x128xf32, #tpu.memory_space<vmem>>, %arg1: memref<10000x64xf32, #tpu.memory_space<vmem>>, %arg2: memref<10000x1xf32, #tpu.memory_space<vmem>>, %arg3: memref<10000x64xf32, #tpu.memory_space<vmem>>) attributes {dimension_semantics = [], scalar_prefetch = 0 : i64, scratch_operands = 0 : i64, tpu.core_type = #tpu.core_type<tc>} {
    %get3A = arith.constant 0 : index
    %get3A_0 = arith.constant 0 : index
    %get3A_1 = vector.load %arg2[%get3A, %get3A_0] : memref<10000x1xf32, #tpu.memory_space<vmem>>, vector<10000x1xf32>
    %get3A_2 = arith.constant 0 : index
    %get3A_3 = arith.constant 0 : index
    %get3A_4 = arith.constant 0 : index
    %get3A_5 = vector.load %arg0[%get3A_2, %get3A_3, %get3A_4] : memref<2x10240x128xf32, #tpu.memory_space<vmem>>, vector<1x10000x64xf32>
    %get3A_6 = vector.shape_cast %get3A_5 : vector<1x10000x64xf32> to vector<10000x64xf32>
    %get3A_7 = arith.constant 1 : index
    %get3A_8 = arith.constant 0 : index
    %get3A_9 = arith.constant 0 : index
    %get3A_10 = vector.load %arg0[%get3A_7, %get3A_8, %get3A_9] : memref<2x10240x128xf32, #tpu.memory_space<vmem>>, vector<1x10000x64xf32>
    %get3A_11 = vector.shape_cast %get3A_10 : vector<1x10000x64xf32> to vector<10000x64xf32>
    %add3A = arith.addf %get3A_6, %get3A_11 : vector<10000x64xf32>
    %mul3A = vector.broadcast %get3A_1 : vector<10000x1xf32> to vector<10000x64xf32>
    %mul3A_12 = arith.mulf %add3A, %mul3A : vector<10000x64xf32>
    %get3A_13 = arith.constant 0 : index
    %get3A_14 = arith.constant 0 : index
    %get3A_15 = vector.load %arg1[%get3A_13, %get3A_14] : memref<10000x64xf32, #tpu.memory_space<vmem>>, vector<10000x64xf32>
    %add3A_16 = arith.addf %mul3A_12, %get3A_15 : vector<10000x64xf32>
    %swap3A = arith.constant 0 : index
    %swap3A_17 = arith.constant 0 : index
    %swap3A_18 = vector.load %arg3[%swap3A, %swap3A_17] : memref<10000x64xf32, #tpu.memory_space<vmem>>, vector<10000x64xf32>
    tpu.vector_store %arg3[%swap3A, %swap3A_17], %add3A_16 {strides = array<i32>} : memref<10000x64xf32, #tpu.memory_space<vmem>>, vector<10000x64xf32>,
    return
  }
}

</mosaic_0001>

<sc_bundles>
// kernel: kernel.11.cloned.1.call-start
scs
__scs_entry_jumppad:
0x0: {  	(pc) =	sbr.rel $0x88, $3  }
0x1: {  	(tag) =	ssettag $0x0;
	lr =	simm.s32 $0x1  }
0x2: {  	[smem:$0x3F9B] =	sst lr;
	_ =	strace $0xD0000000  }
0x3: {  	_ = 	snop  }
0x4: {  	_ = 	snop  }
0x5: {  	_ = 	snop  }
0x6: {  	_ = 	snop  }
0x7: {  	_ = 	snop  }
__scs_overlays_trampoline_lowered:
0x8: {  	[smem:$0x3FAA] =	sst s0  }
0x9: {  	[smem:$0x3FAB] =	sst s1  }
0xa: {  	[smem:$0x3FAC] =	sst s2  }
0xb: {  	[smem:$0x3FAD] =	sst s3  }
0xc: {  	[smem:$0x3FAE] =	sst s4  }
0xd: {  	[smem:$0x3FAF] =	sst s5  }
0xe: {  	[smem:$0x3FB0] =	sst s6  }
0xf: {  	[smem:$0x3FB1] =	sst s7  }
0x10: {  	[smem:$0x3FB2] =	sst s8  }
0x11: {  	[smem:$0x3FB3] =	sst s9;
	s0 =	simm.s32 @!p0 $0x0  }
0x12: {  	s1 =	sld [smem:$0x3F99];
	s0 =	simm.s32 @p0 $0x1  }
0x13: {  	[smem:$0x3FB4] =	sst s0;
	s0 =	simm.s32 @!p1 $0x0  }
0x14: {  	s2 =	sld [smem:$0x3F98];
	s0 =	simm.s32 @p1 $0x1  }
0x15: {  	[smem:$0x3FB5] =	sst s0;
	s0 =	simm.s32 @!p2 $0x0  }
0x16: {  	s3 =	sld [smem:$0x3FDB];
	s0 =	simm.s32 @p2 $0x1  }
0x17: {  	s4 =	simm.s32 $0x1BF5;
	[smem:$0x3FB7] =	sst s0  }
0x18: {  	s0 =	sld [smem:$0x3F9A];
	_ =	swait.ge [sflag:s4], $0x0  }
0x19: {  	s7 =	sld [smem:$0x3F9B]  }
0x1a: {  	s8 =	sadd.s32 $0xFFFFE003, lr  }
0x1b: {  	s9 =	sadd.s32 $0xFFFFFEF7, lr;
	s5 =	simm.s32 $0xFFFFFFFF;
	p2 =	slt.u32 s8, $0xFFFFF086  }
0x1c: {  	p1 =	slt.u32 s9, $0xF7A;
	s5 =	simm.s32 @!p2 $0x0  }
0x1d: {  	s5 =	simm.s32 @p1 $0x1;
	p0 =	seq.s32 s7, s2  }
0x1e: {  	s7 =	smul.u32 @!p0 $0xF7A, s2;
	p2 =	seq.s32 @!p0 s5, $0x0  }
0x1f: {  	s9 =	smul.u32 $0xF7A, s1;
	s8 =	simm.s32 @!p0 $0x1BF5;
	p2 =	por !p2, p0  }
0x20: {  	[sflag:s8] =	ssyncset.s32 @!p0 $0xFFFFF086;
	s6 =	sadd.s32 @!p0 s3, s7;
	s7 =	simm.s32 @!p0 $0x108  }
0x21: {  	s3 =	sadd.s32 s3, s9;
	s6 =	sadd.s32 @!p0 $0x88, s6;
	s7 =	simm.s32 @p2 $0x1082  }
0x22: {  	[simem:s7], [sflag:s8] =	dma.local @!p0 [hbm:s6], $0xF7A  }
0x23: {  	s9 =	sor.u32 $0xD0000000, s2;
	s6 =	simm.s32 $0x108;
	_ =	swait.ge @!p0 [sflag:s8], $0x0  }
0x24: {  	s3 =	sadd.s32 $0x88, s3;
	s6 =	simm.s32 @!p1 $0x1082;
	[sflag:s4] =	ssyncset.s32 $0xFFFFF086  }
0x25: {  	[simem:s6], [sflag:s4] =	dma.local [hbm:s3], $0xF7A  }
0x26: {  	[smem:$0x3F9B] =	sst s1;
	(tag) =	ssettag s2;
	_ =	strace s9  }
0x27: {  	s1 =	sld [smem:$0x3FAB]  }
0x28: {  	s2 =	sld [smem:$0x3FAC]  }
0x29: {  	s4 =	sld [smem:$0x3FAE]  }
0x2a: {  	p0 =	seq.s32 s5, $0x0;
	s5 =	sld [smem:$0x3FAF]  }
0x2b: {  	s6 =	sld [smem:$0x3FB0]  }
0x2c: {  	s7 =	sld [smem:$0x3FB1]  }
0x2d: {  	s3 =	simm.s32 $0x108;
	s8 =	sld [smem:$0x3FB2]  }
0x2e: {  	s3 =	simm.s32 @!p0 $0x1082;
	s9 =	sld [smem:$0x3FB3]  }
0x2f: {  	lr =	sadd.s32 s0, s3;
	s0 =	sld [smem:$0x3FAA]  }
0x30: {  	s3 =	sld [smem:$0x3FAD]  }
0x31: {  	[smem:$0x3FB6] =	sst s10  }
0x32: {  	s10 =	sld [smem:$0x3FB4];
	_ =	sdelay $0x3  }
0x33: {  	p0 =	seq.s32 s10, $0x1;
	s10 =	sld [smem:$0x3FB6];
	_ =	sdelay $0x3  }
0x34: {  	[smem:$0x3FB6] =	sst s10  }
0x35: {  	s10 =	sld [smem:$0x3FB5];
	_ =	sdelay $0x3  }
0x36: {  	p1 =	seq.s32 s10, $0x1;
	s10 =	sld [smem:$0x3FB6];
	_ =	sdelay $0x3  }
0x37: {  	[smem:$0x3FB6] =	sst s10  }
0x38: {  	s10 =	sld [smem:$0x3FB7]  }
0x39: {  	_ = 	snop;
	(pc) =	sbr.ind lr, $3  }
0x3a: {  	_ = 	snop  }
0x3b: {  	_ = 	snop  }
0x3c: {  	p2 =	seq.s32 s10, $0x1;
	s10 =	sld [smem:$0x3FB6]  }
0x3d: {  	_ =	shalt  }
0x3e: {  	_ =	shalt  }
0x3f: {  	_ =	shalt  }
0x40: {  	_ =	shalt  }
0x41: {  	_ =	shalt  }
0x42: {  	_ =	shalt  }
0x43: {  	_ =	shalt  }
0x44: {  	_ =	shalt  }
0x45: {  	_ =	shalt  }
0x46: {  	_ =	shalt  }
0x47: {  	_ =	shalt  }
0x48: {  	_ =	shalt  }
0x49: {  	_ =	shalt  }
0x4a: {  	_ =	shalt  }
0x4b: {  	_ =	shalt  }
0x4c: {  	_ =	shalt  }
0x4d: {  	_ =	shalt  }
0x4e: {  	_ =	shalt  }
0x4f: {  	_ =	shalt  }
0x50: {  	_ =	shalt  }
0x51: {  	_ =	shalt  }
0x52: {  	_ =	shalt  }
0x53: {  	_ =	shalt  }
0x54: {  	_ =	shalt  }
0x55: {  	_ =	shalt  }
0x56: {  	_ =	shalt  }
0x57: {  	_ =	shalt  }
0x58: {  	_ =	shalt  }
0x59: {  	_ =	shalt  }
0x5a: {  	_ =	shalt  }
0x5b: {  	_ =	shalt  }
0x5c: {  	_ =	shalt  }
0x5d: {  	_ =	shalt  }
0x5e: {  	_ =	shalt  }
0x5f: {  	_ =	shalt  }
0x60: {  	_ =	shalt  }
0x61: {  	_ =	shalt  }
0x62: {  	_ =	shalt  }
0x63: {  	_ =	shalt  }
0x64: {  	_ =	shalt  }
0x65: {  	_ =	shalt  }
0x66: {  	_ =	shalt  }
0x67: {  	_ =	shalt  }
0x68: {  	_ =	shalt  }
0x69: {  	_ =	shalt  }
0x6a: {  	_ =	shalt  }
0x6b: {  	_ =	shalt  }
0x6c: {  	_ =	shalt  }
0x6d: {  	_ =	shalt  }
0x6e: {  	_ =	shalt  }
0x6f: {  	_ =	shalt  }
0x70: {  	_ =	shalt  }
0x71: {  	_ =	shalt  }
0x72: {  	_ =	shalt  }
0x73: {  	_ =	shalt  }
0x74: {  	_ =	shalt  }
0x75: {  	_ =	shalt  }
0x76: {  	_ =	shalt  }
0x77: {  	_ =	shalt  }
0x78: {  	_ =	shalt  }
0x79: {  	_ =	shalt  }
0x7a: {  	_ =	shalt  }
0x7b: {  	_ =	shalt  }
0x7c: {  	_ =	shalt  }
0x7d: {  	_ =	shalt  }
0x7e: {  	_ =	shalt  }
0x7f: {  	_ =	shalt  }
0x80: {  	_ =	shalt  }
0x81: {  	_ =	shalt  }
0x82: {  	_ =	shalt  }
0x83: {  	_ =	shalt  }
0x84: {  	_ =	shalt  }
0x85: {  	_ =	shalt  }
0x86: {  	_ =	shalt  }
0x87: {  	_ =	shalt  }
.Lfunc_end0:
.L_simem_size_0:
called_computation.1_lowered:
.L_overlay_start_0:
0x88: {  	s2 =	sld [smem:$0x3FD9]  }
0x89: {  	s3 =	sld [smem:$0x3FFE];
	_ =	sdelay $0x1  }
0x8a: {  	s1 =	srdreg.scid  }
0x8b: {  	s0 =	sand.u32 $0x1, s1  }
0x8c: {  	s14 =	sshll.u32 s0, $0xA;
	s2 =	sadd.s32 s3, s2  }
0x8d: {  	s2 =	sadd.s32 s2, s14  }
0x8e: {  	[smem:$0x3FC2] =	sst s2  }
0x8f: {  	_ = 	snop  }
0x90: {  	s2 =	sld [smem:$0x3FD0];
	_ =	sdelay $0x2  }
0x91: {  	s15 =	simm.s32 $0xA;
	s4 =	simm.s32 $0x10  }
0x92: {  	[smem:s4], [sflag:s15] =	dma.local [hbm:s2], $0x1  }
0x93: {  	_ =	swait.eq [sflag:s15], $0x1  }
0x94: {  	[sflag:s15] =	ssyncset.done $0x0  }
0x95: {  	[sflag:s15] =	ssyncadd.s32 $0xFFFFFFFF  }
0x96: {  	s16 =	sld [smem:$0x11];
	(tm) =	ssettm $0x1  }
0x97: {  	s17 =	sld [smem:$0x3FFB];
	_ =	sdelay $0x3  }
0x98: {  	_ =	strace s17  }
0x99: {  	s3 =	sld [smem:$0x3FFC];
	_ =	sdelay $0x3  }
0x9a: {  	_ =	strace s3  }
0x9b: {  	s3 =	sld [smem:$0x3FFD];
	_ =	sdelay $0x3  }
0x9c: {  	_ =	strace s3  }
0x9d: {  	_ =	strace $0x8FFFFFFF  }
0x9e: {  	s18 =	sld [smem:$0x3FDB];
	_ =	sdelay $0x1  }
0x9f: {  	s19 =	simm.s32 $_scs_section_size  }
0xa0: {  	s5 =	simm.s32 $_size__tile_overlayer_lowered;
	s6 =	simm.s32 $_tile_overlayer_lowered  }
0xa1: {  	s22 =	simm.s32 $0x1BFF;
	s21 =	sshll.u32 s6, $0x1;
	s3 =	sadd.s32 s19, s18  }
0xa2: {  	s7 =	simm.s32 $0x0;
	s20 =	sshll.u32 s5, $0x1;
	s5 =	sadd.s32 s21, s3  }
0xa3: {  	[timem:s7], [sflag:s22] =	dma.local [hbm:s5], s20  }
0xa4: {  	_ =	swait.ge [sflag:s22], s20  }
0xa5: {  	s4 =	ssub.s32 $0x0, s20;
	[sflag:s22] =	ssyncset.done $0x0  }
0xa6: {  	[sflag:s22] =	ssyncadd.s32 s4;
	_ =	sdelay $0x1  }
0xa7: {  	s23 =	simm.s32 $0x1B8B  }
0xa8: {  	_ =	swait.ge [sflag:s23], $0x1  }
0xa9: {  	[sflag:s23] =	ssyncset.done $0x0  }
0xaa: {  	s25 =	simm.s32 $0x1B8E;
	s24 =	sld [smem:$0x3FFE];
	[sflag:s23] =	ssyncadd.s32 $0xFFFFFFFF  }
0xab: {  	s26 =	simm.s32 $execute0_lowered;
	[smem:$0x3FD2] =	sst s25  }
0xac: {  	s5 =	sshll.u32 s26, $0x1;
	_ =	strace $0x80000049;
	[dreg:$0x1] =	wrdreg $0xFFFFFFFF  }
0xad: {  	s28 =	simm.s32 $_size_execute0_lowered;
	s3 =	sadd.s32 s3, s5;
	[dreg:$0x0] =	wrdreg $0x0  }
0xae: {  	s5 =	sshll.u32 s28, $0x1;
	[dreg:$0x2] =	wrdreg s3  }
0xaf: {  	[dreg:$0x3] =	wrdreg s5  }
0xb0: {  	[dreg:$0x4] =	wrdreg $0xC0  }
0xb1: {  	_ =	task [dreg:s7], $0x5FFFF  }
0xb2: {  	[dreg:$0x1] =	wrdreg $0xFFFFFFFF  }
0xb3: {  	[dreg:$0x0] =	wrdreg $0x60  }
0xb4: {  	[dreg:$0x2] =	wrdreg s24  }
0xb5: {  	[dreg:$0x3] =	wrdreg s16  }
0xb6: {  	[dreg:$0x4] =	wrdreg $0xA8000  }
0xb7: {  	[dreg:$0x5] =	wrdreg $0x9  }
0xb8: {  	_ =	task.clear_ibuf [dreg:s7], $0x6FFFF;
	_ =	strace $0x90000049  }
0xb9: {  	s29 =	simm.s32 $0x9;
	_ =	strace $0x8000004B  }
0xba: {  	_ =	swait.ge [sflag:s29], $0x1  }
0xbb: {  	[sflag:s29] =	ssyncadd.s32 $0xFFFFFFFF  }
0xbc: {  	_ =	strace $0x9000004B  }
0xbd: {  	_ =	sfence  }
0xbe: {  	s30 =	sld [smem:$0x0];
	_ =	sdelay $0x2  }
0xbf: {  	s31 =	sshll.u32 s1, $0xD;
	s1 =	sshrl.u32 s1, $0x2  }
0xc0: {  	s3 =	sand.u32 $0x4000, s31;
	s1 =	sadd.s32 s1, s30  }
0xc1: {  	s0 =	sor.u32 s3, s0;
	s1 =	sshll.u32 s1, $0x11  }
0xc2: {  	s0 =	sor.u32 s1, s0  }
0xc3: {  	s0 =	sadd.s32 $0x8F2B, s0  }
0xc4: {  	[sflag:s0] =	ssyncadd.remote.s32 $0x1  }
0xc5: {  	_ =	sfence.sel $0xFFFF  }
0xc6: {  	[dreg:$0x0] =	wrdreg $0xFFFFFFFF;
	(pc) =	sbr.abs _section_cstart, $3  }
0xc7: {  	[dreg:$0x1] =	wrdreg $0xFFFFFFFF  }
0xc8: {  	_ =	task.clear_ibuf [dreg:s7], $0x2FFFF;
	_ =	strace $0x9FFFFFFF  }
0xc9: {  	(tm) =	ssettm $0x7FFFFFFF  }
tec
execute0_lowered:
.L_overlay_start_1:
0x0: {  	(tag) =	ssettag $0x1  }
0x1: {  	s0 =	rddreg [dreg:$0x0]  }
0x2: {  	s2 =	rddreg [dreg:$0x2];
	s1 =	srdreg.scid  }
0x3: {  	s4 =	simm.s32 $0x0;
	s10 =	stileid.u32;
	s31 =	simm.s32 $0x400  }
0x4: {  	s29 =	simm.s32 $0x50;
	s30 =	simm.s32 $0x800;
	s6 =	smul.u32 $0x14000, s10  }
0x5: {  	s1 =	sand.u32 $0x1, s1;
	[smem:$0x7FF] =	sst s4;
	s8 =	smul.u32 $0x50000, s10  }
0x6: {  	s5 =	sadd.s32 $0x15200, s0;
	s11 =	sadd.s32 $0x1600, s0;
	s25 =	smul.u32 $0x2710, s10  }
0x7: {  	s12 =	sadd.s32 $0xB400, s0;
	s14 =	sshll.u32 s10, $0x6;
	s3 =	smul.u32 $0x140000, s1  }
0x8: {  	_ =	strace $0x8000004A;
	s9 =	sshll.u32 s1, $0x4;
	[dreg:$0x5] =	wrdreg s12  }
0x9: {  	s7 =	ssub.s32 $0x2, s1;
	s22 =	sor.u32 $0x1C15, s14;
	[dreg:$0x4] =	wrdreg s11  }
0xa: {  	s13 =	sshrl.u32 s8, $0x2;
	[dreg:$0x7] =	wrdreg s22;
	s3 =	sadd.s32 s6, s3  }
0xb: {  	s6 =	sor.u32 s10, s9;
	s9 =	sshrl.u32 s7, $0x1;
	s3 =	sshrl.u32 s3, $0x3  }
0xc: {  	s13 =	sadd.s32 s13, s2;
	s6 =	smul.u32 $0x2710, s6;
	s0 =	sadd.s32 s3, s0  }
0xd: {  	[dreg:$0x6] =	wrdreg s13;
	s3 =	ssub.s32 s7, s9;
	s0 =	sadd.s32 $0x3D200, s0  }
0xe: {  	s6 =	sshrl.u32 s6, $0x3;
	s3 =	smax.u32 s3, $0x1;
	[dreg:$0x18] =	wrdreg s0  }
0xf: {  	s1 =	smul.u32 $0x27100, s1;
	s15 =	sadd.s32 s11, s6;
	[dreg:$0x19] =	wrdreg s3  }
0x10: {  	s16 =	sadd.s32 $0xA, s6;
	s14 =	sadd.s32 s12, s6;
	[dreg:$0x8] =	wrdreg s15  }
0x11: {  	s1 =	sadd.s32 s25, s1;
	s17 =	sadd.s32 s11, s16;
	[dreg:$0x13] =	wrdreg s14  }
0x12: {  	s18 =	sadd.s32 $0x14, s6;
	s7 =	sadd.s32 s12, s16;
	[dreg:$0x9] =	wrdreg s17  }
0x13: {  	s20 =	sadd.s32 $0x1E, s6;
	s19 =	sadd.s32 s11, s18;
	[dreg:$0xa] =	wrdreg s7  }
0x14: {  	s23 =	sadd.s32 $0x28, s6;
	s21 =	sadd.s32 s11, s20;
	[dreg:$0xb] =	wrdreg s19  }
0x15: {  	s24 =	sadd.s32 $0x32, s6;
	s26 =	sadd.s32 s11, s23;
	[dreg:$0xd] =	wrdreg s21  }
0x16: {  	s25 =	sadd.s32 $0x3C0, s1;
	s28 =	sadd.s32 s11, s24;
	[dreg:$0xf] =	wrdreg s26  }
0x17: {  	s10 =	sadd.s32 $0x3C, s6;
	s8 =	sadd.s32 s12, s24;
	[dreg:$0x11] =	wrdreg s28  }
0x18: {  	s6 =	sadd.s32 $0x46, s6;
	s15 =	sadd.s32 s11, s10;
	[dreg:$0x12] =	wrdreg s8  }
0x19: {  	s16 =	sadd.s32 s11, s6;
	s6 =	sadd.s32 s12, s6;
	[dreg:$0x14] =	wrdreg s15  }
0x1a: {  	s7 =	sadd.s32 s12, s18;
	[dreg:$0x16] =	wrdreg s16;
	s17 =	sadd.s32 $0x4B0, s1  }
0x1b: {  	[dreg:$0x17] =	wrdreg s6;
	s26 =	sshrl.u32 s25, $0x3;
	s8 =	sadd.s32 $0x370, s1  }
0x1c: {  	s15 =	sadd.s32 $0x2D0, s1;
	s25 =	sadd.s32 $0x10000, s13;
	[dreg:$0xc] =	wrdreg s7  }
0x1d: {  	s7 =	sadd.s32 s12, s20;
	s18 =	sshrl.u32 s17, $0x3;
	s20 =	sadd.s32 $0x460, s1  }
0x1e: {  	s9 =	sshrl.u32 s8, $0x3;
	s16 =	sshrl.u32 s15, $0x3;
	s15 =	simm.s32 $0xC  }
0x1f: {  	s8 =	simm.s32 $0x14;
	[dreg:$0xe] =	wrdreg s7;
	s7 =	sadd.s32 s12, s23  }
0x20: {  	s19 =	sadd.s32 s18, s12;
	s0 =	sadd.s32 s18, s11;
	[dreg:$0x10] =	wrdreg s7  }
0x21: {  	s21 =	sshrl.u32 s20, $0x3;
	s23 =	sadd.s32 $0x410, s1;
	[dreg:$0x1a] =	wrdreg s19  }
0x22: {  	s14 =	sadd.s32 s9, s12;
	s18 =	sadd.s32 $0x4000, s13;
	[dreg:$0x1b] =	wrdreg s0  }
0x23: {  	s20 =	sadd.s32 $0x280, s1;
	s7 =	sadd.s32 s12, s10;
	[smem:$0x7F3] =	sst s14  }
0x24: {  	s3 =	sshrl.u32 s23, $0x3;
	s24 =	sadd.s32 s21, s12;
	[smem:$0x7F9] =	sst s20  }
0x25: {  	s0 =	sadd.s32 s21, s11;
	s10 =	sadd.s32 $0x320, s1;
	[dreg:$0x15] =	wrdreg s7  }
0x26: {  	s19 =	sadd.s32 s16, s12;
	s21 =	sshrl.u32 s18, $0x3;
	[dreg:$0x1c] =	wrdreg s24  }
0x27: {  	s23 =	sadd.s32 $0x8000, s13;
	s14 =	simm.s32 $0x4;
	[dreg:$0x1d] =	wrdreg s0  }
0x28: {  	s18 =	simm.s32 $0x5;
	s20 =	simm.s32 $0xF;
	[smem:$0x7F7] =	sst s19  }
0x29: {  	s28 =	sadd.s32 s3, s12;
	s3 =	sadd.s32 s3, s11;
	[smem:$0x7FA] =	sst s21  }
0x2a: {  	s7 =	sadd.s32 s26, s12;
	s0 =	sadd.s32 s26, s11;
	[dreg:$0x1e] =	wrdreg s28  }
0x2b: {  	s24 =	sadd.s32 $0xC000, s13;
	s13 =	simm.s32 $0x11;
	[dreg:$0x1f] =	wrdreg s3  }
0x2c: {  	s19 =	simm.s32 $0x8;
	s21 =	simm.s32 $0x10;
	[smem:$0x7F1] =	sst s7  }
0x2d: {  	[smem:$0x7F2] =	sst s0;
	s3 =	sshrl.u32 s10, $0x3;
	s0 =	sadd.s32 s9, s11  }
0x2e: {  	s26 =	sshrl.u32 s24, $0x3;
	s28 =	sshrl.u32 s25, $0x3;
	[smem:$0x7F4] =	sst s0  }
0x2f: {  	s24 =	simm.s32 $0x15;
	s25 =	simm.s32 $0xD;
	[smem:$0x7FC] =	sst s26  }
0x30: {  	s9 =	simm.s32 $0x7;
	s17 =	sadd.s32 s3, s12;
	[smem:$0x7FD] =	sst s28  }
.Ltmp0:
0x31: {  	s3 =	sadd.s32 s3, s11;
	[smem:$0x7F5] =	sst s17;
	(pc) =	sbr.rel .LBB2_1-.Ltmp0, $4  }
0x32: {  	s0 =	sadd.s32 s16, s11;
	s12 =	simm.s32 $0x5800;
	[smem:$0x7F6] =	sst s3  }
0x33: {  	s16 =	simm.s32 $0x8000;
	s26 =	simm.s32 $0x13;
	[smem:$0x7F8] =	sst s0  }
0x34: {  	s0 =	sshrl.u32 s23, $0x3;
	s23 =	simm.s32 $0x480;
	s3 =	simm.s32 $0x3000  }
0x35: {  	s17 =	simm.s32 $0x12;
	[smem:$0x7FB] =	sst s0;
	s0 =	simm.s32 $0x0  }
.LBB2_4:
0x36: {  	_ =	swait.ge [sflag:s13], $0x2800  }
0x37: {  	[sflag:s13] =	ssyncset.done $0x0  }
0x38: {  	[sflag:s13] =	ssyncadd.s32 $0xFFFFD800  }
0x39: {  	_ =	swait.ge [sflag:s14], $0x50  }
0x3a: {  	[sflag:s14] =	ssyncset.done $0x0  }
0x3b: {  	[sflag:s14] =	ssyncadd.s32 $0xFFFFFFB0  }
0x3c: {  	_ =	swait.ge [sflag:s15], $0x50  }
0x3d: {  	[sflag:s15] =	ssyncset.done $0x0  }
0x3e: {  	s0 =	simm.s32 $0x180;
	[sflag:s15] =	ssyncadd.s32 $0xFFFFFFB0  }
0x3f: {  	[tilespmem:s16], [sflag:$0x14] =	stream.indirect.gather [hbm4b:s5+s29], $0x80, s0, s29, $0xb8;
	[tilespmem:$0x1E800] =	vst v63  }
0x40: {  	s31 =	simm.s32 $0x400  }
0x41: {  	[spmem:s2] =	stream.indirect.scatter.add.f32 [tilespmem:s30], [sflag:$0x15], $0x80, s31, s29, $0xb8;
	[tilespmem:$0x1E800] =	vst v63  }
0x42: {  	_ =	swait.ge [sflag:s24], $0x2800  }
0x43: {  	[sflag:s24] =	ssyncset.done $0x0  }
0x44: {  	[sflag:s24] =	ssyncadd.s32 $0xFFFFD800  }
0x45: {  	_ =	swait.ge [sflag:s17], $0x2800  }
0x46: {  	[sflag:s17] =	ssyncset.done $0x0  }
0x47: {  	[sflag:s17] =	ssyncadd.s32 $0xFFFFD800  }
0x48: {  	_ =	swait.ge [sflag:s18], $0x50  }
0x49: {  	[sflag:s18] =	ssyncset.done $0x0  }
0x4a: {  	[sflag:s18] =	ssyncadd.s32 $0xFFFFFFB0  }
0x4b: {  	_ =	swait.ge [sflag:s25], $0x50  }
0x4c: {  	[sflag:s25] =	ssyncset.done $0x0  }
0x4d: {  	s28 =	simm.s32 $0x200;
	[sflag:s25] =	ssyncadd.s32 $0xFFFFFFB0  }
0x4e: {  	[tilespmem:s30], [sflag:$0x11] =	stream.indirect.gather [hbm4b:s5+s29], $0x80, s28, s29, $0xb8;
	[tilespmem:$0x1E800] =	vst v63  }
0x4f: {  	s23 =	simm.s32 $0x480  }
0x50: {  	[spmem:s2] =	stream.indirect.scatter.add.f32 [tilespmem:s3], [sflag:$0x15], $0x80, s23, s29, $0xb8;
	[tilespmem:$0x1E800] =	vst v63  }
0x51: {  	_ =	swait.ge [sflag:s24], $0x2800  }
0x52: {  	[sflag:s24] =	ssyncset.done $0x0  }
0x53: {  	[sflag:s24] =	ssyncadd.s32 $0xFFFFD800  }
0x54: {  	_ =	swait.ge [sflag:s26], $0x2800  }
0x55: {  	[sflag:s26] =	ssyncset.done $0x0  }
0x56: {  	s1 =	simm.s32 $0x500;
	[sflag:s26] =	ssyncadd.s32 $0xFFFFD800  }
0x57: {  	[spmem:s2] =	stream.indirect.scatter.add.f32 [tilespmem:s12], [sflag:$0x15], $0x80, s1, s29, $0xb8;
	[tilespmem:$0x1E800] =	vst v63  }
0x58: {  	_ =	swait.ge [sflag:s24], $0x2800  }
0x59: {  	[sflag:s24] =	ssyncset.done $0x0  }
0x5a: {  	[sflag:s24] =	ssyncadd.s32 $0xFFFFD800  }
0x5b: {  	_ =	swait.ge [sflag:s8], $0x2800  }
0x5c: {  	[sflag:s8] =	ssyncset.done $0x0  }
0x5d: {  	s6 =	simm.s32 $0x580;
	[sflag:s8] =	ssyncadd.s32 $0xFFFFD800  }
0x5e: {  	[spmem:s2] =	stream.indirect.scatter.add.f32 [tilespmem:s16], [sflag:$0x15], $0x80, s6, s29, $0xb8;
	[tilespmem:$0x1E800] =	vst v63  }
0x5f: {  	_ =	swait.ge [sflag:s24], $0x2800  }
0x60: {  	[sflag:s24] =	ssyncset.done $0x0  }
0x61: {  	[sflag:s24] =	ssyncadd.s32 $0xFFFFD800  }
0x62: {  	_ =	swait.ge [sflag:s13], $0x2800  }
0x63: {  	[sflag:s13] =	ssyncset.done $0x0  }
0x64: {  	s7 =	simm.s32 $0x600;
	[sflag:s13] =	ssyncadd.s32 $0xFFFFD800  }
0x65: {  	[spmem:s2] =	stream.indirect.scatter.add.f32 [tilespmem:s30], [sflag:$0x15], $0x80, s7, s29, $0xb8;
	[tilespmem:$0x1E800] =	vst v63  }
0x66: {  	_ =	swait.ge [sflag:s24], $0x2800  }
0x67: {  	[sflag:s24] =	ssyncset.done $0x0  }
0x68: {  	[sflag:s24] =	ssyncadd.s32 $0xFFFFD800  }
0x69: {  	[bflag:$0x0] =	sbarrier.arrive $0xFFFF  }
0x6a: {  	s10 =	sld [smem:$0x7F0]  }
0x6b: {  	s22 =	rddreg [dreg:$0x7]  }
0x6c: {  	s6 =	rddreg [dreg:$0x18]  }
0x6d: {  	[hbm:s6], [sflag:s22] =	dma.local [spmem:s10], $0x2800  }
0x6e: {  	_ =	swait.ge [sflag:s24], $0x2800  }
0x6f: {  	s11 =	sld [smem:$0x7EF];
	_ =	sdelay $0x2  }
0x70: {  	s28 =	rddreg [dreg:$0x19];
	s0 =	sadd.s32 $0x1, s11  }
0x71: {  	p0 =	sne.s32 s0, s28  }
.Ltmp1:
0x72: {  	_ = 	snop;
	(pc) =	sbr.rel @!p0 .LBB2_5-.Ltmp1, $3  }
0x73: {  	_ =	sdelay $0x1  }
0x74: {  	[sflag:s24] =	ssyncset.done $0x0  }
0x75: {  	[sflag:s24] =	ssyncadd.s32 $0xFFFFD800  }
.LBB2_1:
0x76: {  	[smem:$0x7EF] =	sst s0  }
0x77: {  	s6 =	rddreg [dreg:$0x6]  }
0x78: {  	s11 =	sshrl.u32 s6, $0x3;
	s6 =	rddreg [dreg:$0x1]  }
0x79: {  	[smem:$0x7F0] =	sst s11  }
0x7a: {  	[spmem:s11], [sflag:s22] =	dma.local [hbm:s6], $0x800  }
0x7b: {  	_ =	swait.ge [sflag:s24], $0x800  }
0x7c: {  	s7 =	sld [smem:$0x7FA]  }
0x7d: {  	[sflag:s24] =	ssyncset.done $0x0  }
0x7e: {  	[sflag:s24] =	ssyncadd.s32 $0xFFFFF800  }
0x7f: {  	[spmem:s7], [sflag:s22] =	dma.local [hbm:s6], $0x800  }
0x80: {  	_ =	swait.ge [sflag:s24], $0x800  }
0x81: {  	s0 =	sld [smem:$0x7FB]  }
0x82: {  	[sflag:s24] =	ssyncset.done $0x0  }
0x83: {  	[sflag:s24] =	ssyncadd.s32 $0xFFFFF800  }
0x84: {  	[spmem:s0], [sflag:s22] =	dma.local [hbm:s6], $0x800  }
0x85: {  	_ =	swait.ge [sflag:s24], $0x800  }
0x86: {  	s10 =	sld [smem:$0x7FC]  }
0x87: {  	[sflag:s24] =	ssyncset.done $0x0  }
0x88: {  	[sflag:s24] =	ssyncadd.s32 $0xFFFFF800  }
0x89: {  	[spmem:s10], [sflag:s22] =	dma.local [hbm:s6], $0x800  }
0x8a: {  	_ =	swait.ge [sflag:s24], $0x800  }
0x8b: {  	s11 =	sld [smem:$0x7FD]  }
0x8c: {  	[sflag:s24] =	ssyncset.done $0x0  }
0x8d: {  	[sflag:s24] =	ssyncadd.s32 $0xFFFFF800  }
0x8e: {  	[spmem:s11], [sflag:s22] =	dma.local [hbm:s6], $0x800  }
0x8f: {  	_ =	swait.ge [sflag:s24], $0x800  }
0x90: {  	[sflag:s24] =	ssyncset.done $0x0  }
0x91: {  	[sflag:s24] =	ssyncadd.s32 $0xFFFFF800  }
0x92: {  	[bflag:$0x0] =	sbarrier.arrive $0xFFFF  }
0x93: {  	s22 =	rddreg [dreg:$0x8]  }
0x94: {  	[tilespmem:s4], [sflag:$0x1] =	stream.linear.gather [hbm4b:s22+s4], $0x50, $0x38;
	[tilespmem:$0x1E800] =	vst v63  }
0x95: {  	s0 =	rddreg [dreg:$0x13]  }
0x96: {  	[tilespmem:s31], [sflag:$0x9] =	stream.linear.gather [hbm4b:s0+s4], $0x50, $0x38;
	[tilespmem:$0x1E800] =	vst v63  }
0x97: {  	s7 =	rddreg [dreg:$0x9];
	s0 =	simm.s32 $0x80  }
0x98: {  	[tilespmem:s0], [sflag:$0x2] =	stream.linear.gather [hbm4b:s7+s4], $0x50, $0x38;
	[tilespmem:$0x1E800] =	vst v63  }
0x99: {  	s7 =	rddreg [dreg:$0xa]  }
0x9a: {  	[tilespmem:s23], [sflag:$0xA] =	stream.linear.gather [hbm4b:s7+s4], $0x50, $0x38;
	[tilespmem:$0x1E800] =	vst v63  }
0x9b: {  	s23 =	rddreg [dreg:$0xb];
	s7 =	simm.s32 $0x100  }
0x9c: {  	[tilespmem:s7], [sflag:$0x3] =	stream.linear.gather [hbm4b:s23+s4], $0x50, $0x38;
	[tilespmem:$0x1E800] =	vst v63  }
0x9d: {  	s10 =	simm.s32 $0x500;
	s23 =	rddreg [dreg:$0xc]  }
0x9e: {  	[tilespmem:s10], [sflag:$0xB] =	stream.linear.gather [hbm4b:s23+s4], $0x50, $0x38;
	[tilespmem:$0x1E800] =	vst v63  }
0x9f: {  	s10 =	simm.s32 $0x180;
	s23 =	rddreg [dreg:$0xd]  }
0xa0: {  	[tilespmem:s10], [sflag:$0x4] =	stream.linear.gather [hbm4b:s23+s4], $0x50, $0x38;
	[tilespmem:$0x1E800] =	vst v63  }
0xa1: {  	s22 =	simm.s32 $0x580;
	s23 =	rddreg [dreg:$0xe]  }
0xa2: {  	[tilespmem:s22], [sflag:$0xC] =	stream.linear.gather [hbm4b:s23+s4], $0x50, $0x38;
	[tilespmem:$0x1E800] =	vst v63  }
0xa3: {  	s28 =	simm.s32 $0x200;
	s22 =	rddreg [dreg:$0xf]  }
0xa4: {  	[tilespmem:s28], [sflag:$0x5] =	stream.linear.gather [hbm4b:s22+s4], $0x50, $0x38;
	[tilespmem:$0x1E800] =	vst v63  }
0xa5: {  	s11 =	simm.s32 $0x600;
	s23 =	rddreg [dreg:$0x10]  }
0xa6: {  	[tilespmem:s11], [sflag:$0xD] =	stream.linear.gather [hbm4b:s23+s4], $0x50, $0x38;
	[tilespmem:$0x1E800] =	vst v63  }
0xa7: {  	s22 =	rddreg [dreg:$0x11];
	s23 =	simm.s32 $0x280  }
0xa8: {  	[tilespmem:s23], [sflag:$0x6] =	stream.linear.gather [hbm4b:s22+s4], $0x50, $0x38;
	[tilespmem:$0x1E800] =	vst v63  }
0xa9: {  	s22 =	rddreg [dreg:$0x12];
	s23 =	simm.s32 $0x680  }
0xaa: {  	[tilespmem:s23], [sflag:$0xE] =	stream.linear.gather [hbm4b:s22+s4], $0x50, $0x38;
	[tilespmem:$0x1E800] =	vst v63  }
0xab: {  	s22 =	rddreg [dreg:$0x14];
	s23 =	simm.s32 $0x300  }
0xac: {  	[tilespmem:s23], [sflag:$0x7] =	stream.linear.gather [hbm4b:s22+s4], $0x50, $0x38;
	[tilespmem:$0x1E800] =	vst v63  }
0xad: {  	s22 =	rddreg [dreg:$0x15];
	s23 =	simm.s32 $0x700  }
0xae: {  	[tilespmem:s23], [sflag:$0xF] =	stream.linear.gather [hbm4b:s22+s4], $0x50, $0x38;
	[tilespmem:$0x1E800] =	vst v63  }
0xaf: {  	s28 =	simm.s32 $0x380;
	s22 =	rddreg [dreg:$0x16]  }
0xb0: {  	[tilespmem:s28], [sflag:$0x8] =	stream.linear.gather [hbm4b:s22+s4], $0x50, $0x38;
	[tilespmem:$0x1E800] =	vst v63  }
0xb1: {  	s1 =	simm.s32 $0x780;
	s11 =	simm.s32 $0x1;
	s23 =	rddreg [dreg:$0x17]  }
0xb2: {  	[tilespmem:s1], [sflag:$0x10] =	stream.linear.gather [hbm4b:s23+s4], $0x50, $0x38;
	[tilespmem:$0x1E800] =	vst v63  }
0xb3: {  	_ =	swait.ge [sflag:s11], $0x50  }
0xb4: {  	[sflag:s11] =	ssyncset.done $0x0  }
0xb5: {  	s22 =	simm.s32 $0x9;
	[sflag:s11] =	ssyncadd.s32 $0xFFFFFFB0  }
0xb6: {  	_ =	swait.ge [sflag:s22], $0x50  }
0xb7: {  	[sflag:s22] =	ssyncset.done $0x0  }
0xb8: {  	s23 =	simm.s32 $0x2;
	[sflag:s22] =	ssyncadd.s32 $0xFFFFFFB0  }
0xb9: {  	[tilespmem:s30], [sflag:$0x11] =	stream.indirect.gather [hbm4b:s5+s29], $0x80, s4, s29, $0xb8;
	[tilespmem:$0x1E800] =	vst v63  }
0xba: {  	_ =	swait.ge [sflag:s23], $0x50  }
0xbb: {  	[sflag:s23] =	ssyncset.done $0x0  }
0xbc: {  	s11 =	simm.s32 $0xA;
	[sflag:s23] =	ssyncadd.s32 $0xFFFFFFB0  }
0xbd: {  	_ =	swait.ge [sflag:s11], $0x50  }
0xbe: {  	[sflag:s11] =	ssyncset.done $0x0  }
0xbf: {  	s22 =	simm.s32 $0x3;
	[sflag:s11] =	ssyncadd.s32 $0xFFFFFFB0  }
0xc0: {  	[tilespmem:s3], [sflag:$0x12] =	stream.indirect.gather [hbm4b:s5+s29], $0x80, s0, s29, $0xb8;
	[tilespmem:$0x1E800] =	vst v63  }
0xc1: {  	_ =	swait.ge [sflag:s22], $0x50  }
0xc2: {  	[sflag:s22] =	ssyncset.done $0x0  }
0xc3: {  	s23 =	simm.s32 $0xB;
	[sflag:s22] =	ssyncadd.s32 $0xFFFFFFB0  }
0xc4: {  	_ =	swait.ge [sflag:s23], $0x50  }
0xc5: {  	[sflag:s23] =	ssyncset.done $0x0  }
0xc6: {  	s22 =	sld [smem:$0x7F9];
	[sflag:s23] =	ssyncadd.s32 $0xFFFFFFB0;
	s23 =	simm.s32 $0x0  }
0xc7: {  	[tilespmem:s12], [sflag:$0x13] =	stream.indirect.gather [hbm4b:s5+s29], $0x80, s7, s29, $0xb8;
	[tilespmem:$0x1E800] =	vst v63  }
.LBB2_2:
0xc8: {  	_ =	swait.ge [sflag:s13], $0x2800  }
0xc9: {  	[sflag:s13] =	ssyncset.done $0x0  }
0xca: {  	[sflag:s13] =	ssyncadd.s32 $0xFFFFD800  }
0xcb: {  	_ =	swait.ge [sflag:s14], $0x50  }
0xcc: {  	[sflag:s14] =	ssyncset.done $0x0  }
0xcd: {  	[sflag:s14] =	ssyncadd.s32 $0xFFFFFFB0  }
0xce: {  	_ =	swait.ge [sflag:s15], $0x50  }
0xcf: {  	[sflag:s15] =	ssyncset.done $0x0  }
0xd0: {  	[sflag:s15] =	ssyncadd.s32 $0xFFFFFFB0  }
0xd1: {  	[tilespmem:s16], [sflag:$0x14] =	stream.indirect.gather [hbm4b:s5+s29], $0x80, s10, s29, $0xb8;
	[tilespmem:$0x1E800] =	vst v63  }
0xd2: {  	_ = 	snop  }
0xd3: {  	[spmem:s2] =	stream.indirect.scatter.add.f32 [tilespmem:s30], [sflag:$0x15], $0x80, s31, s29, $0xb8;
	[tilespmem:$0x1E800] =	vst v63  }
0xd4: {  	_ =	swait.ge [sflag:s24], $0x2800  }
0xd5: {  	s6 =	sshrl.u32 s22, $0x3;
	[sflag:s24] =	ssyncset.done $0x0;
	s7 =	rddreg [dreg:$0x4]  }
0xd6: {  	s11 =	rddreg [dreg:$0x5];
	[sflag:s24] =	ssyncadd.s32 $0xFFFFD800;
	s7 =	sadd.s32 s7, s6  }
0xd7: {  	[tilespmem:s4], [sflag:$0x1] =	stream.linear.gather [hbm4b:s7+s4], $0x50, $0x38;
	[tilespmem:$0x1E800] =	vst v63  }
0xd8: {  	s6 =	sadd.s32 s11, s6  }
0xd9: {  	[tilespmem:s31], [sflag:$0x9] =	stream.linear.gather [hbm4b:s6+s4], $0x50, $0x38;
	[tilespmem:$0x1E800] =	vst v63  }
0xda: {  	_ =	swait.ge [sflag:s17], $0x2800  }
0xdb: {  	[sflag:s17] =	ssyncset.done $0x0  }
0xdc: {  	[sflag:s17] =	ssyncadd.s32 $0xFFFFD800  }
0xdd: {  	_ =	swait.ge [sflag:s18], $0x50  }
0xde: {  	[sflag:s18] =	ssyncset.done $0x0  }
0xdf: {  	[sflag:s18] =	ssyncadd.s32 $0xFFFFFFB0  }
0xe0: {  	_ =	swait.ge [sflag:s25], $0x50  }
0xe1: {  	[sflag:s25] =	ssyncset.done $0x0  }
0xe2: {  	s11 =	simm.s32 $0x200;
	[sflag:s25] =	ssyncadd.s32 $0xFFFFFFB0  }
0xe3: {  	[tilespmem:s30], [sflag:$0x11] =	stream.indirect.gather [hbm4b:s5+s29], $0x80, s11, s29, $0xb8;
	[tilespmem:$0x1E800] =	vst v63  }
0xe4: {  	s31 =	simm.s32 $0x480  }
0xe5: {  	[spmem:s2] =	stream.indirect.scatter.add.f32 [tilespmem:s3], [sflag:$0x15], $0x80, s31, s29, $0xb8;
	[tilespmem:$0x1E800] =	vst v63  }
0xe6: {  	_ =	swait.ge [sflag:s24], $0x2800  }
0xe7: {  	s0 =	sld [smem:$0x7F8];
	_ =	sdelay $0x1  }
0xe8: {  	[sflag:s24] =	ssyncset.done $0x0;
	s10 =	sld [smem:$0x7F7]  }
0xe9: {  	[sflag:s24] =	ssyncadd.s32 $0xFFFFD800;
	s6 =	sadd.s32 s23, s0;
	s0 =	simm.s32 $0x80  }
0xea: {  	[tilespmem:s0], [sflag:$0x2] =	stream.linear.gather [hbm4b:s6+s4], $0x50, $0x38;
	[tilespmem:$0x1E800] =	vst v63  }
0xeb: {  	s6 =	sadd.s32 s23, s10  }
0xec: {  	[tilespmem:s31], [sflag:$0xA] =	stream.linear.gather [hbm4b:s6+s4], $0x50, $0x38;
	[tilespmem:$0x1E800] =	vst v63  }
0xed: {  	_ =	swait.ge [sflag:s26], $0x2800  }
0xee: {  	[sflag:s26] =	ssyncset.done $0x0  }
0xef: {  	s31 =	simm.s32 $0x6;
	[sflag:s26] =	ssyncadd.s32 $0xFFFFD800  }
0xf0: {  	_ =	swait.ge [sflag:s31], $0x50  }
0xf1: {  	[sflag:s31] =	ssyncset.done $0x0  }
0xf2: {  	s7 =	simm.s32 $0xE;
	[sflag:s31] =	ssyncadd.s32 $0xFFFFFFB0  }
0xf3: {  	_ =	swait.ge [sflag:s7], $0x50  }
0xf4: {  	[sflag:s7] =	ssyncset.done $0x0  }
0xf5: {  	s10 =	simm.s32 $0x280;
	[sflag:s7] =	ssyncadd.s32 $0xFFFFFFB0  }
0xf6: {  	[tilespmem:s3], [sflag:$0x12] =	stream.indirect.gather [hbm4b:s5+s29], $0x80, s10, s29, $0xb8;
	[tilespmem:$0x1E800] =	vst v63  }
0xf7: {  	s7 =	simm.s32 $0x500  }
0xf8: {  	[spmem:s2] =	stream.indirect.scatter.add.f32 [tilespmem:s12], [sflag:$0x15], $0x80, s7, s29, $0xb8;
	[tilespmem:$0x1E800] =	vst v63  }
0xf9: {  	_ =	swait.ge [sflag:s24], $0x2800  }
0xfa: {  	s31 =	sld [smem:$0x7F6];
	_ =	sdelay $0x1  }
0xfb: {  	[sflag:s24] =	ssyncset.done $0x0  }
0xfc: {  	s10 =	simm.s32 $0x100;
	[sflag:s24] =	ssyncadd.s32 $0xFFFFD800;
	s6 =	sadd.s32 s23, s31  }
0xfd: {  	[tilespmem:s10], [sflag:$0x3] =	stream.linear.gather [hbm4b:s6+s4], $0x50, $0x38;
	[tilespmem:$0x1E800] =	vst v63  }
0xfe: {  	s6 =	sld [smem:$0x7F5];
	_ =	sdelay $0x2  }
0xff: {  	s6 =	sadd.s32 s23, s6  }
0x100: {  	[tilespmem:s7], [sflag:$0xB] =	stream.linear.gather [hbm4b:s6+s4], $0x50, $0x38;
	[tilespmem:$0x1E800] =	vst v63  }
0x101: {  	_ =	swait.ge [sflag:s8], $0x2800  }
0x102: {  	[sflag:s8] =	ssyncset.done $0x0  }
0x103: {  	[sflag:s8] =	ssyncadd.s32 $0xFFFFD800  }
0x104: {  	_ =	swait.ge [sflag:s9], $0x50  }
0x105: {  	[sflag:s9] =	ssyncset.done $0x0  }
0x106: {  	[sflag:s9] =	ssyncadd.s32 $0xFFFFFFB0  }
0x107: {  	_ =	swait.ge [sflag:s20], $0x50  }
0x108: {  	[sflag:s20] =	ssyncset.done $0x0  }
0x109: {  	s7 =	simm.s32 $0x300;
	[sflag:s20] =	ssyncadd.s32 $0xFFFFFFB0  }
0x10a: {  	[tilespmem:s12], [sflag:$0x13] =	stream.indirect.gather [hbm4b:s5+s29], $0x80, s7, s29, $0xb8;
	[tilespmem:$0x1E800] =	vst v63  }
0x10b: {  	s7 =	simm.s32 $0x580  }
0x10c: {  	[spmem:s2] =	stream.indirect.scatter.add.f32 [tilespmem:s16], [sflag:$0x15], $0x80, s7, s29, $0xb8;
	[tilespmem:$0x1E800] =	vst v63  }
0x10d: {  	_ =	swait.ge [sflag:s24], $0x2800  }
0x10e: {  	s6 =	sld [smem:$0x7F4];
	_ =	sdelay $0x1  }
0x10f: {  	[sflag:s24] =	ssyncset.done $0x0  }
0x110: {  	s31 =	simm.s32 $0x180;
	[sflag:s24] =	ssyncadd.s32 $0xFFFFD800;
	s6 =	sadd.s32 s23, s6  }
0x111: {  	[tilespmem:s31], [sflag:$0x4] =	stream.linear.gather [hbm4b:s6+s4], $0x50, $0x38;
	[tilespmem:$0x1E800] =	vst v63  }
0x112: {  	s31 =	sld [smem:$0x7F3];
	_ =	sdelay $0x2  }
0x113: {  	s6 =	sadd.s32 s23, s31  }
0x114: {  	[tilespmem:s7], [sflag:$0xC] =	stream.linear.gather [hbm4b:s6+s4], $0x50, $0x38;
	[tilespmem:$0x1E800] =	vst v63  }
0x115: {  	_ =	swait.ge [sflag:s13], $0x2800  }
0x116: {  	[sflag:s13] =	ssyncset.done $0x0  }
0x117: {  	[sflag:s13] =	ssyncadd.s32 $0xFFFFD800  }
0x118: {  	_ =	swait.ge [sflag:s19], $0x50  }
0x119: {  	[sflag:s19] =	ssyncset.done $0x0  }
0x11a: {  	[sflag:s19] =	ssyncadd.s32 $0xFFFFFFB0  }
0x11b: {  	_ =	swait.ge [sflag:s21], $0x50  }
0x11c: {  	[sflag:s21] =	ssyncset.done $0x0  }
0x11d: {  	[sflag:s21] =	ssyncadd.s32 $0xFFFFFFB0  }
0x11e: {  	[tilespmem:s16], [sflag:$0x14] =	stream.indirect.gather [hbm4b:s5+s29], $0x80, s28, s29, $0xb8;
	[tilespmem:$0x1E800] =	vst v63  }
0x11f: {  	s7 =	simm.s32 $0x600  }
0x120: {  	[spmem:s2] =	stream.indirect.scatter.add.f32 [tilespmem:s30], [sflag:$0x15], $0x80, s7, s29, $0xb8;
	[tilespmem:$0x1E800] =	vst v63  }
0x121: {  	_ =	swait.ge [sflag:s24], $0x2800  }
0x122: {  	s31 =	sld [smem:$0x7F2];
	_ =	sdelay $0x2  }
0x123: {  	[sflag:s24] =	ssyncset.done $0x0;
	s6 =	sadd.s32 s23, s31;
	s31 =	sld [smem:$0x7F1]  }
0x124: {  	[sflag:s24] =	ssyncadd.s32 $0xFFFFD800  }
0x125: {  	[tilespmem:s11], [sflag:$0x5] =	stream.linear.gather [hbm4b:s6+s4], $0x50, $0x38;
	[tilespmem:$0x1E800] =	vst v63  }
0x126: {  	s6 =	sadd.s32 s23, s31  }
0x127: {  	[tilespmem:s7], [sflag:$0xD] =	stream.linear.gather [hbm4b:s6+s4], $0x50, $0x38;
	[tilespmem:$0x1E800] =	vst v63  }
0x128: {  	_ =	swait.ge [sflag:s17], $0x2800  }
0x129: {  	[sflag:s17] =	ssyncset.done $0x0  }
0x12a: {  	s11 =	simm.s32 $0x1;
	[sflag:s17] =	ssyncadd.s32 $0xFFFFD800  }
0x12b: {  	_ =	swait.ge [sflag:s11], $0x50  }
0x12c: {  	[sflag:s11] =	ssyncset.done $0x0  }
0x12d: {  	s31 =	simm.s32 $0x9;
	[sflag:s11] =	ssyncadd.s32 $0xFFFFFFB0  }
0x12e: {  	_ =	swait.ge [sflag:s31], $0x50  }
0x12f: {  	[sflag:s31] =	ssyncset.done $0x0  }
0x130: {  	[sflag:s31] =	ssyncadd.s32 $0xFFFFFFB0  }
0x131: {  	[tilespmem:s30], [sflag:$0x11] =	stream.indirect.gather [hbm4b:s5+s29], $0x80, s4, s29, $0xb8;
	[tilespmem:$0x1E800] =	vst v63  }
0x132: {  	s7 =	simm.s32 $0x680  }
0x133: {  	[spmem:s2] =	stream.indirect.scatter.add.f32 [tilespmem:s3], [sflag:$0x15], $0x80, s7, s29, $0xb8;
	[tilespmem:$0x1E800] =	vst v63  }
0x134: {  	p0 =	seq.s32 s23, $0x460;
	_ =	swait.ge [sflag:s24], $0x2800  }
0x135: {  	s31 =	simm.s32 @!p0 $0x280;
	[sflag:s24] =	ssyncset.done $0x0;
	s6 =	rddreg [dreg:$0x1f]  }
0x136: {  	s7 =	simm.s32 @!p0 $0x0;
	[sflag:s24] =	ssyncadd.s32 $0xFFFFD800;
	s6 =	sadd.s32 @!p0 s23, s6  }
0x137: {  	[tilespmem:s31], [sflag:$0x6] =	stream.linear.gather @!p0 [hbm4b:s6+s7], $0x50, $0x38;
	[tilespmem:$0x1E800] =	vst v63  }
0x138: {  	s6 =	rddreg [dreg:$0x1e]  }
0x139: {  	s31 =	simm.s32 @!p0 $0x680;
	s6 =	sadd.s32 @!p0 s23, s6  }
0x13a: {  	[tilespmem:s31], [sflag:$0xE] =	stream.linear.gather @!p0 [hbm4b:s6+s7], $0x50, $0x38;
	[tilespmem:$0x1E800] =	vst v63  }
0x13b: {  	_ =	swait.ge [sflag:s26], $0x2800  }
0x13c: {  	[sflag:s26] =	ssyncset.done $0x0  }
0x13d: {  	s11 =	simm.s32 $0x2;
	[sflag:s26] =	ssyncadd.s32 $0xFFFFD800  }
0x13e: {  	_ =	swait.ge [sflag:s11], $0x50  }
0x13f: {  	[sflag:s11] =	ssyncset.done $0x0  }
0x140: {  	s31 =	simm.s32 $0xA;
	[sflag:s11] =	ssyncadd.s32 $0xFFFFFFB0  }
0x141: {  	_ =	swait.ge [sflag:s31], $0x50  }
0x142: {  	[sflag:s31] =	ssyncset.done $0x0  }
0x143: {  	[sflag:s31] =	ssyncadd.s32 $0xFFFFFFB0  }
0x144: {  	[tilespmem:s3], [sflag:$0x12] =	stream.indirect.gather [hbm4b:s5+s29], $0x80, s0, s29, $0xb8;
	[tilespmem:$0x1E800] =	vst v63  }
0x145: {  	s6 =	simm.s32 $0x700  }
0x146: {  	[spmem:s2] =	stream.indirect.scatter.add.f32 [tilespmem:s12], [sflag:$0x15], $0x80, s6, s29, $0xb8;
	[tilespmem:$0x1E800] =	vst v63  }
0x147: {  	_ =	swait.ge [sflag:s24], $0x2800  }
0x148: {  	[sflag:s24] =	ssyncset.done $0x0;
	s6 =	rddreg [dreg:$0x1d]  }
0x149: {  	s31 =	simm.s32 @!p0 $0x300;
	[sflag:s24] =	ssyncadd.s32 $0xFFFFD800;
	s6 =	sadd.s32 @!p0 s23, s6  }
0x14a: {  	[tilespmem:s31], [sflag:$0x7] =	stream.linear.gather @!p0 [hbm4b:s6+s7], $0x50, $0x38;
	[tilespmem:$0x1E800] =	vst v63  }
0x14b: {  	s6 =	rddreg [dreg:$0x1c]  }
0x14c: {  	s31 =	simm.s32 @!p0 $0x700;
	s6 =	sadd.s32 @!p0 s23, s6  }
0x14d: {  	[tilespmem:s31], [sflag:$0xF] =	stream.linear.gather @!p0 [hbm4b:s6+s7], $0x50, $0x38;
	[tilespmem:$0x1E800] =	vst v63  }
0x14e: {  	_ =	swait.ge [sflag:s8], $0x2800  }
0x14f: {  	[sflag:s8] =	ssyncset.done $0x0  }
0x150: {  	s11 =	simm.s32 $0x3;
	[sflag:s8] =	ssyncadd.s32 $0xFFFFD800  }
0x151: {  	_ =	swait.ge [sflag:s11], $0x50  }
0x152: {  	[sflag:s11] =	ssyncset.done $0x0  }
0x153: {  	s31 =	simm.s32 $0xB;
	[sflag:s11] =	ssyncadd.s32 $0xFFFFFFB0  }
0x154: {  	_ =	swait.ge [sflag:s31], $0x50  }
0x155: {  	[sflag:s31] =	ssyncset.done $0x0  }
0x156: {  	[sflag:s31] =	ssyncadd.s32 $0xFFFFFFB0  }
0x157: {  	[tilespmem:s12], [sflag:$0x13] =	stream.indirect.gather [hbm4b:s5+s29], $0x80, s10, s29, $0xb8;
	[tilespmem:$0x1E800] =	vst v63  }
.Ltmp2:
0x158: {  	_ = 	snop;
	(pc) =	sbr.rel @p0 .LBB2_4-.Ltmp2, $4  }
0x159: {  	[spmem:s2] =	stream.indirect.scatter.add.f32 [tilespmem:s16], [sflag:$0x15], $0x80, s1, s29, $0xb8;
	[tilespmem:$0x1E800] =	vst v63  }
0x15a: {  	_ =	swait.ge [sflag:s24], $0x2800  }
0x15b: {  	[sflag:s24] =	ssyncset.done $0x0  }
0x15c: {  	s0 =	simm.s32 $0x780;
	[sflag:s24] =	ssyncadd.s32 $0xFFFFD800  }
0x15d: {  	s6 =	rddreg [dreg:$0x1b]  }
.Ltmp3:
0x15e: {  	s11 =	rddreg [dreg:$0x1a];
	s22 =	sadd.s32 $0x280, s22;
	(pc) =	sbr.rel .LBB2_2-.Ltmp3, $4  }
0x15f: {  	s31 =	simm.s32 $0x400;
	s10 =	simm.s32 $0x180;
	s6 =	sadd.s32 s23, s6  }
0x160: {  	[tilespmem:s28], [sflag:$0x8] =	stream.linear.gather [hbm4b:s6+s4], $0x50, $0x38;
	[tilespmem:$0x1E800] =	vst v63  }
0x161: {  	s1 =	simm.s32 $0x780;
	s6 =	sadd.s32 s23, s11;
	s23 =	sadd.s32 $0x50, s23  }
0x162: {  	[tilespmem:s0], [sflag:$0x10] =	stream.linear.gather [hbm4b:s6+s4], $0x50, $0x38;
	[tilespmem:$0x1E800] =	vst v63  }
.LBB2_5:
0x163: {  	_ =	sfence.sel $0x180000  }
0x164: {  	[bflag:$0x0] =	sbarrier.arrive $0xFFFF  }
0x165: {  	_ =	strace $0x9000004A  }
0x166: {  	s0 =	stileid.u32;
	[bflag:$0x2] =	sbarrier.arrive $0xFFFF  }
0x167: {  	p0 =	sne.s32 s0, $0x0;
	s0 =	rddreg [dreg:$0x3]  }
0x168: {  	s0 =	sadd.s32 @!p0 $0x100000, s0  }
0x169: {  	[sflag:s0] =	ssyncadd.tile.s32 @!p0 $0x1;
	_ =	shalt  }
.Lfunc_end2:
_tile_overlayer_lowered:
.L_overlay_start_2:
0x16a: {  	(tag) =	ssettag $0x2  }
0x16b: {  	s0 =	rddreg [dreg:$0x0];
	s2 =	stileid.u32  }
0x16c: {  	s1 =	rddreg [dreg:$0x1];
	p0 =	sne.s32 s2, $0x0  }
0x16d: {  	s3 =	rddreg [dreg:$0x2];
	[bflag:$0x3] =	sbarrier.arrive $0xFFFF;
	s2 =	simm.s32 @!p0 $0x1C15  }
0x16e: {  	[timem:s3], [sflag:s2] =	dma.local @!p0 [hbm:s0], s1  }
0x16f: {  	s0 =	simm.s32 @!p0 $0x15  }
0x170: {  	_ =	swait.ge @!p0 [sflag:s0], s1  }
0x171: {  	s1 =	ssub.s32 @!p0 $0x0, s1;
	[sflag:s0] =	ssyncset.done @!p0 $0x0  }
0x172: {  	[sflag:s0] =	ssyncadd.s32 @!p0 s1  }
0x173: {  	[bflag:$0x3] =	sbarrier.arrive $0xFFFF  }
0x174: {  	_ =	shalt  }

// kernel: kernel.14.cloned.1.call-start
scs
__scs_entry_jumppad:
0x0: {  	(pc) =	sbr.rel $0x88, $3  }
0x1: {  	(tag) =	ssettag $0x0;
	lr =	simm.s32 $0x1  }
0x2: {  	[smem:$0x3F9B] =	sst lr;
	_ =	strace $0xD0000000  }
0x3: {  	_ = 	snop  }
0x4: {  	_ = 	snop  }
0x5: {  	_ = 	snop  }
0x6: {  	_ = 	snop  }
0x7: {  	_ = 	snop  }
__scs_overlays_trampoline_lowered:
0x8: {  	[smem:$0x3FAA] =	sst s0  }
0x9: {  	[smem:$0x3FAB] =	sst s1  }
0xa: {  	[smem:$0x3FAC] =	sst s2  }
0xb: {  	[smem:$0x3FAD] =	sst s3  }
0xc: {  	[smem:$0x3FAE] =	sst s4  }
0xd: {  	[smem:$0x3FAF] =	sst s5  }
0xe: {  	[smem:$0x3FB0] =	sst s6  }
0xf: {  	[smem:$0x3FB1] =	sst s7  }
0x10: {  	[smem:$0x3FB2] =	sst s8  }
0x11: {  	[smem:$0x3FB3] =	sst s9;
	s0 =	simm.s32 @!p0 $0x0  }
0x12: {  	s1 =	sld [smem:$0x3F99];
	s0 =	simm.s32 @p0 $0x1  }
0x13: {  	[smem:$0x3FB4] =	sst s0;
	s0 =	simm.s32 @!p1 $0x0  }
0x14: {  	s2 =	sld [smem:$0x3F98];
	s0 =	simm.s32 @p1 $0x1  }
0x15: {  	[smem:$0x3FB5] =	sst s0;
	s0 =	simm.s32 @!p2 $0x0  }
0x16: {  	s3 =	sld [smem:$0x3FDB];
	s0 =	simm.s32 @p2 $0x1  }
0x17: {  	s4 =	simm.s32 $0x1BF5;
	[smem:$0x3FB7] =	sst s0  }
0x18: {  	s0 =	sld [smem:$0x3F9A];
	_ =	swait.ge [sflag:s4], $0x0  }
0x19: {  	s7 =	sld [smem:$0x3F9B]  }
0x1a: {  	s8 =	sadd.s32 $0xFFFFE003, lr  }
0x1b: {  	s9 =	sadd.s32 $0xFFFFFEF7, lr;
	s5 =	simm.s32 $0xFFFFFFFF;
	p2 =	slt.u32 s8, $0xFFFFF086  }
0x1c: {  	p1 =	slt.u32 s9, $0xF7A;
	s5 =	simm.s32 @!p2 $0x0  }
0x1d: {  	s5 =	simm.s32 @p1 $0x1;
	p0 =	seq.s32 s7, s2  }
0x1e: {  	s7 =	smul.u32 @!p0 $0xF7A, s2;
	p2 =	seq.s32 @!p0 s5, $0x0  }
0x1f: {  	s9 =	smul.u32 $0xF7A, s1;
	s8 =	simm.s32 @!p0 $0x1BF5;
	p2 =	por !p2, p0  }
0x20: {  	[sflag:s8] =	ssyncset.s32 @!p0 $0xFFFFF086;
	s6 =	sadd.s32 @!p0 s3, s7;
	s7 =	simm.s32 @!p0 $0x108  }
0x21: {  	s3 =	sadd.s32 s3, s9;
	s6 =	sadd.s32 @!p0 $0x88, s6;
	s7 =	simm.s32 @p2 $0x1082  }
0x22: {  	[simem:s7], [sflag:s8] =	dma.local @!p0 [hbm:s6], $0xF7A  }
0x23: {  	s9 =	sor.u32 $0xD0000000, s2;
	s6 =	simm.s32 $0x108;
	_ =	swait.ge @!p0 [sflag:s8], $0x0  }
0x24: {  	s3 =	sadd.s32 $0x88, s3;
	s6 =	simm.s32 @!p1 $0x1082;
	[sflag:s4] =	ssyncset.s32 $0xFFFFF086  }
0x25: {  	[simem:s6], [sflag:s4] =	dma.local [hbm:s3], $0xF7A  }
0x26: {  	[smem:$0x3F9B] =	sst s1;
	(tag) =	ssettag s2;
	_ =	strace s9  }
0x27: {  	s1 =	sld [smem:$0x3FAB]  }
0x28: {  	s2 =	sld [smem:$0x3FAC]  }
0x29: {  	s4 =	sld [smem:$0x3FAE]  }
0x2a: {  	p0 =	seq.s32 s5, $0x0;
	s5 =	sld [smem:$0x3FAF]  }
0x2b: {  	s6 =	sld [smem:$0x3FB0]  }
0x2c: {  	s7 =	sld [smem:$0x3FB1]  }
0x2d: {  	s3 =	simm.s32 $0x108;
	s8 =	sld [smem:$0x3FB2]  }
0x2e: {  	s3 =	simm.s32 @!p0 $0x1082;
	s9 =	sld [smem:$0x3FB3]  }
0x2f: {  	lr =	sadd.s32 s0, s3;
	s0 =	sld [smem:$0x3FAA]  }
0x30: {  	s3 =	sld [smem:$0x3FAD]  }
0x31: {  	[smem:$0x3FB6] =	sst s10  }
0x32: {  	s10 =	sld [smem:$0x3FB4];
	_ =	sdelay $0x3  }
0x33: {  	p0 =	seq.s32 s10, $0x1;
	s10 =	sld [smem:$0x3FB6];
	_ =	sdelay $0x3  }
0x34: {  	[smem:$0x3FB6] =	sst s10  }
0x35: {  	s10 =	sld [smem:$0x3FB5];
	_ =	sdelay $0x3  }
0x36: {  	p1 =	seq.s32 s10, $0x1;
	s10 =	sld [smem:$0x3FB6];
	_ =	sdelay $0x3  }
0x37: {  	[smem:$0x3FB6] =	sst s10  }
0x38: {  	s10 =	sld [smem:$0x3FB7]  }
0x39: {  	_ = 	snop;
	(pc) =	sbr.ind lr, $3  }
0x3a: {  	_ = 	snop  }
0x3b: {  	_ = 	snop  }
0x3c: {  	p2 =	seq.s32 s10, $0x1;
	s10 =	sld [smem:$0x3FB6]  }
0x3d: {  	_ =	shalt  }
0x3e: {  	_ =	shalt  }
0x3f: {  	_ =	shalt  }
0x40: {  	_ =	shalt  }
0x41: {  	_ =	shalt  }
0x42: {  	_ =	shalt  }
0x43: {  	_ =	shalt  }
0x44: {  	_ =	shalt  }
0x45: {  	_ =	shalt  }
0x46: {  	_ =	shalt  }
0x47: {  	_ =	shalt  }
0x48: {  	_ =	shalt  }
0x49: {  	_ =	shalt  }
0x4a: {  	_ =	shalt  }
0x4b: {  	_ =	shalt  }
0x4c: {  	_ =	shalt  }
0x4d: {  	_ =	shalt  }
0x4e: {  	_ =	shalt  }
0x4f: {  	_ =	shalt  }
0x50: {  	_ =	shalt  }
0x51: {  	_ =	shalt  }
0x52: {  	_ =	shalt  }
0x53: {  	_ =	shalt  }
0x54: {  	_ =	shalt  }
0x55: {  	_ =	shalt  }
0x56: {  	_ =	shalt  }
0x57: {  	_ =	shalt  }
0x58: {  	_ =	shalt  }
0x59: {  	_ =	shalt  }
0x5a: {  	_ =	shalt  }
0x5b: {  	_ =	shalt  }
0x5c: {  	_ =	shalt  }
0x5d: {  	_ =	shalt  }
0x5e: {  	_ =	shalt  }
0x5f: {  	_ =	shalt  }
0x60: {  	_ =	shalt  }
0x61: {  	_ =	shalt  }
0x62: {  	_ =	shalt  }
0x63: {  	_ =	shalt  }
0x64: {  	_ =	shalt  }
0x65: {  	_ =	shalt  }
0x66: {  	_ =	shalt  }
0x67: {  	_ =	shalt  }
0x68: {  	_ =	shalt  }
0x69: {  	_ =	shalt  }
0x6a: {  	_ =	shalt  }
0x6b: {  	_ =	shalt  }
0x6c: {  	_ =	shalt  }
0x6d: {  	_ =	shalt  }
0x6e: {  	_ =	shalt  }
0x6f: {  	_ =	shalt  }
0x70: {  	_ =	shalt  }
0x71: {  	_ =	shalt  }
0x72: {  	_ =	shalt  }
0x73: {  	_ =	shalt  }
0x74: {  	_ =	shalt  }
0x75: {  	_ =	shalt  }
0x76: {  	_ =	shalt  }
0x77: {  	_ =	shalt  }
0x78: {  	_ =	shalt  }
0x79: {  	_ =	shalt  }
0x7a: {  	_ =	shalt  }
0x7b: {  	_ =	shalt  }
0x7c: {  	_ =	shalt  }
0x7d: {  	_ =	shalt  }
0x7e: {  	_ =	shalt  }
0x7f: {  	_ =	shalt  }
0x80: {  	_ =	shalt  }
0x81: {  	_ =	shalt  }
0x82: {  	_ =	shalt  }
0x83: {  	_ =	shalt  }
0x84: {  	_ =	shalt  }
0x85: {  	_ =	shalt  }
0x86: {  	_ =	shalt  }
0x87: {  	_ =	shalt  }
.Lfunc_end0:
.L_simem_size_0:
called_computation.2_lowered:
.L_overlay_start_0:
0x88: {  	s2 =	sld [smem:$0x3FD9]  }
0x89: {  	s3 =	sld [smem:$0x3FFE];
	_ =	sdelay $0x1  }
0x8a: {  	s1 =	srdreg.scid  }
0x8b: {  	s0 =	sand.u32 $0x1, s1  }
0x8c: {  	s14 =	sshll.u32 s0, $0xA;
	s2 =	sadd.s32 s3, s2  }
0x8d: {  	s2 =	sadd.s32 s2, s14  }
0x8e: {  	[smem:$0x3FC2] =	sst s2  }
0x8f: {  	_ = 	snop  }
0x90: {  	s2 =	sld [smem:$0x3FD0];
	_ =	sdelay $0x2  }
0x91: {  	s15 =	simm.s32 $0xA;
	s4 =	simm.s32 $0x10  }
0x92: {  	[smem:s4], [sflag:s15] =	dma.local [hbm:s2], $0x1  }
0x93: {  	_ =	swait.eq [sflag:s15], $0x1  }
0x94: {  	[sflag:s15] =	ssyncset.done $0x0  }
0x95: {  	[sflag:s15] =	ssyncadd.s32 $0xFFFFFFFF  }
0x96: {  	s16 =	sld [smem:$0x11];
	(tm) =	ssettm $0x1  }
0x97: {  	s17 =	sld [smem:$0x3FFB];
	_ =	sdelay $0x3  }
0x98: {  	_ =	strace s17  }
0x99: {  	s3 =	sld [smem:$0x3FFC];
	_ =	sdelay $0x3  }
0x9a: {  	_ =	strace s3  }
0x9b: {  	s3 =	sld [smem:$0x3FFD];
	_ =	sdelay $0x3  }
0x9c: {  	_ =	strace s3  }
0x9d: {  	_ =	strace $0x8FFFFFFF  }
0x9e: {  	s18 =	sld [smem:$0x3FDB];
	_ =	sdelay $0x1  }
0x9f: {  	s19 =	simm.s32 $_scs_section_size  }
0xa0: {  	s5 =	simm.s32 $_size__tile_overlayer_lowered;
	s6 =	simm.s32 $_tile_overlayer_lowered  }
0xa1: {  	s22 =	simm.s32 $0x1BFF;
	s21 =	sshll.u32 s6, $0x1;
	s3 =	sadd.s32 s19, s18  }
0xa2: {  	s7 =	simm.s32 $0x0;
	s20 =	sshll.u32 s5, $0x1;
	s5 =	sadd.s32 s21, s3  }
0xa3: {  	[timem:s7], [sflag:s22] =	dma.local [hbm:s5], s20  }
0xa4: {  	_ =	swait.ge [sflag:s22], s20  }
0xa5: {  	s4 =	ssub.s32 $0x0, s20;
	[sflag:s22] =	ssyncset.done $0x0  }
0xa6: {  	[sflag:s22] =	ssyncadd.s32 s4;
	_ =	sdelay $0x1  }
0xa7: {  	s23 =	simm.s32 $0x1B8B  }
0xa8: {  	_ =	swait.ge [sflag:s23], $0x1  }
0xa9: {  	[sflag:s23] =	ssyncset.done $0x0  }
0xaa: {  	s25 =	simm.s32 $0x1B8E;
	s24 =	sld [smem:$0x3FFE];
	[sflag:s23] =	ssyncadd.s32 $0xFFFFFFFF  }
0xab: {  	s26 =	simm.s32 $execute0_lowered;
	[smem:$0x3FD2] =	sst s25  }
0xac: {  	s5 =	sshll.u32 s26, $0x1;
	_ =	strace $0x8000004C;
	[dreg:$0x1] =	wrdreg $0xFFFFFFFF  }
0xad: {  	s28 =	simm.s32 $_size_execute0_lowered;
	s3 =	sadd.s32 s3, s5;
	[dreg:$0x0] =	wrdreg $0x0  }
0xae: {  	s5 =	sshll.u32 s28, $0x1;
	[dreg:$0x2] =	wrdreg s3  }
0xaf: {  	[dreg:$0x3] =	wrdreg s5  }
0xb0: {  	[dreg:$0x4] =	wrdreg $0xC0  }
0xb1: {  	_ =	task [dreg:s7], $0x5FFFF  }
0xb2: {  	[dreg:$0x1] =	wrdreg $0xFFFFFFFF  }
0xb3: {  	[dreg:$0x0] =	wrdreg $0x60  }
0xb4: {  	[dreg:$0x2] =	wrdreg s24  }
0xb5: {  	[dreg:$0x3] =	wrdreg s16  }
0xb6: {  	[dreg:$0x4] =	wrdreg $0xA8000  }
0xb7: {  	[dreg:$0x5] =	wrdreg $0x9  }
0xb8: {  	_ =	task.clear_ibuf [dreg:s7], $0x6FFFF;
	_ =	strace $0x9000004C  }
0xb9: {  	s29 =	simm.s32 $0x9;
	_ =	strace $0x8000004E  }
0xba: {  	_ =	swait.ge [sflag:s29], $0x1  }
0xbb: {  	[sflag:s29] =	ssyncadd.s32 $0xFFFFFFFF  }
0xbc: {  	_ =	strace $0x9000004E  }
0xbd: {  	_ =	sfence  }
0xbe: {  	s30 =	sld [smem:$0x0];
	_ =	sdelay $0x2  }
0xbf: {  	s31 =	sshll.u32 s1, $0xD;
	s1 =	sshrl.u32 s1, $0x2  }
0xc0: {  	s3 =	sand.u32 $0x4000, s31;
	s1 =	sadd.s32 s1, s30  }
0xc1: {  	s0 =	sor.u32 s3, s0;
	s1 =	sshll.u32 s1, $0x11  }
0xc2: {  	s0 =	sor.u32 s1, s0  }
0xc3: {  	s0 =	sadd.s32 $0x8F2B, s0  }
0xc4: {  	[sflag:s0] =	ssyncadd.remote.s32 $0x1  }
0xc5: {  	_ =	sfence.sel $0xFFFF  }
0xc6: {  	[dreg:$0x0] =	wrdreg $0xFFFFFFFF;
	(pc) =	sbr.abs _section_cstart, $3  }
0xc7: {  	[dreg:$0x1] =	wrdreg $0xFFFFFFFF  }
0xc8: {  	_ =	task.clear_ibuf [dreg:s7], $0x2FFFF;
	_ =	strace $0x9FFFFFFF  }
0xc9: {  	(tm) =	ssettm $0x7FFFFFFF  }
tec
execute0_lowered:
.L_overlay_start_1:
0x0: {  	(tag) =	ssettag $0x1  }
0x1: {  	s0 =	rddreg [dreg:$0x0]  }
0x2: {  	s2 =	rddreg [dreg:$0x2];
	s1 =	srdreg.scid  }
0x3: {  	s4 =	simm.s32 $0x0;
	s10 =	stileid.u32;
	s31 =	simm.s32 $0x400  }
0x4: {  	s29 =	simm.s32 $0x50;
	s30 =	simm.s32 $0x800;
	s6 =	smul.u32 $0x14000, s10  }
0x5: {  	s1 =	sand.u32 $0x1, s1;
	[smem:$0x7FF] =	sst s4;
	s8 =	smul.u32 $0x50000, s10  }
0x6: {  	s5 =	sadd.s32 $0x15200, s0;
	s11 =	sadd.s32 $0x1600, s0;
	s25 =	smul.u32 $0x2710, s10  }
0x7: {  	s12 =	sadd.s32 $0xB400, s0;
	s14 =	sshll.u32 s10, $0x6;
	s3 =	smul.u32 $0x140000, s1  }
0x8: {  	_ =	strace $0x8000004D;
	s9 =	sshll.u32 s1, $0x4;
	[dreg:$0x5] =	wrdreg s12  }
0x9: {  	s7 =	ssub.s32 $0x2, s1;
	s22 =	sor.u32 $0x1C15, s14;
	[dreg:$0x4] =	wrdreg s11  }
0xa: {  	s13 =	sshrl.u32 s8, $0x2;
	[dreg:$0x7] =	wrdreg s22;
	s3 =	sadd.s32 s6, s3  }
0xb: {  	s6 =	sor.u32 s10, s9;
	s9 =	sshrl.u32 s7, $0x1;
	s3 =	sshrl.u32 s3, $0x3  }
0xc: {  	s13 =	sadd.s32 s13, s2;
	s6 =	smul.u32 $0x2710, s6;
	s0 =	sadd.s32 s3, s0  }
0xd: {  	[dreg:$0x6] =	wrdreg s13;
	s3 =	ssub.s32 s7, s9;
	s0 =	sadd.s32 $0x3D200, s0  }
0xe: {  	s6 =	sshrl.u32 s6, $0x3;
	s3 =	smax.u32 s3, $0x1;
	[dreg:$0x18] =	wrdreg s0  }
0xf: {  	s1 =	smul.u32 $0x27100, s1;
	s15 =	sadd.s32 s11, s6;
	[dreg:$0x19] =	wrdreg s3  }
0x10: {  	s16 =	sadd.s32 $0xA, s6;
	s14 =	sadd.s32 s12, s6;
	[dreg:$0x8] =	wrdreg s15  }
0x11: {  	s1 =	sadd.s32 s25, s1;
	s17 =	sadd.s32 s11, s16;
	[dreg:$0x13] =	wrdreg s14  }
0x12: {  	s18 =	sadd.s32 $0x14, s6;
	s7 =	sadd.s32 s12, s16;
	[dreg:$0x9] =	wrdreg s17  }
0x13: {  	s20 =	sadd.s32 $0x1E, s6;
	s19 =	sadd.s32 s11, s18;
	[dreg:$0xa] =	wrdreg s7  }
0x14: {  	s23 =	sadd.s32 $0x28, s6;
	s21 =	sadd.s32 s11, s20;
	[dreg:$0xb] =	wrdreg s19  }
0x15: {  	s24 =	sadd.s32 $0x32, s6;
	s26 =	sadd.s32 s11, s23;
	[dreg:$0xd] =	wrdreg s21  }
0x16: {  	s25 =	sadd.s32 $0x3C0, s1;
	s28 =	sadd.s32 s11, s24;
	[dreg:$0xf] =	wrdreg s26  }
0x17: {  	s10 =	sadd.s32 $0x3C, s6;
	s8 =	sadd.s32 s12, s24;
	[dreg:$0x11] =	wrdreg s28  }
0x18: {  	s6 =	sadd.s32 $0x46, s6;
	s15 =	sadd.s32 s11, s10;
	[dreg:$0x12] =	wrdreg s8  }
0x19: {  	s16 =	sadd.s32 s11, s6;
	s6 =	sadd.s32 s12, s6;
	[dreg:$0x14] =	wrdreg s15  }
0x1a: {  	s7 =	sadd.s32 s12, s18;
	[dreg:$0x16] =	wrdreg s16;
	s17 =	sadd.s32 $0x4B0, s1  }
0x1b: {  	[dreg:$0x17] =	wrdreg s6;
	s26 =	sshrl.u32 s25, $0x3;
	s8 =	sadd.s32 $0x370, s1  }
0x1c: {  	s15 =	sadd.s32 $0x2D0, s1;
	s25 =	sadd.s32 $0x10000, s13;
	[dreg:$0xc] =	wrdreg s7  }
0x1d: {  	s7 =	sadd.s32 s12, s20;
	s18 =	sshrl.u32 s17, $0x3;
	s20 =	sadd.s32 $0x460, s1  }
0x1e: {  	s9 =	sshrl.u32 s8, $0x3;
	s16 =	sshrl.u32 s15, $0x3;
	s15 =	simm.s32 $0xC  }
0x1f: {  	s8 =	simm.s32 $0x14;
	[dreg:$0xe] =	wrdreg s7;
	s7 =	sadd.s32 s12, s23  }
0x20: {  	s19 =	sadd.s32 s18, s12;
	s0 =	sadd.s32 s18, s11;
	[dreg:$0x10] =	wrdreg s7  }
0x21: {  	s21 =	sshrl.u32 s20, $0x3;
	s23 =	sadd.s32 $0x410, s1;
	[dreg:$0x1a] =	wrdreg s19  }
0x22: {  	s14 =	sadd.s32 s9, s12;
	s18 =	sadd.s32 $0x4000, s13;
	[dreg:$0x1b] =	wrdreg s0  }
0x23: {  	s20 =	sadd.s32 $0x280, s1;
	s7 =	sadd.s32 s12, s10;
	[smem:$0x7F3] =	sst s14  }
0x24: {  	s3 =	sshrl.u32 s23, $0x3;
	s24 =	sadd.s32 s21, s12;
	[smem:$0x7F9] =	sst s20  }
0x25: {  	s0 =	sadd.s32 s21, s11;
	s10 =	sadd.s32 $0x320, s1;
	[dreg:$0x15] =	wrdreg s7  }
0x26: {  	s19 =	sadd.s32 s16, s12;
	s21 =	sshrl.u32 s18, $0x3;
	[dreg:$0x1c] =	wrdreg s24  }
0x27: {  	s23 =	sadd.s32 $0x8000, s13;
	s14 =	simm.s32 $0x4;
	[dreg:$0x1d] =	wrdreg s0  }
0x28: {  	s18 =	simm.s32 $0x5;
	s20 =	simm.s32 $0xF;
	[smem:$0x7F7] =	sst s19  }
0x29: {  	s28 =	sadd.s32 s3, s12;
	s3 =	sadd.s32 s3, s11;
	[smem:$0x7FA] =	sst s21  }
0x2a: {  	s7 =	sadd.s32 s26, s12;
	s0 =	sadd.s32 s26, s11;
	[dreg:$0x1e] =	wrdreg s28  }
0x2b: {  	s24 =	sadd.s32 $0xC000, s13;
	s13 =	simm.s32 $0x11;
	[dreg:$0x1f] =	wrdreg s3  }
0x2c: {  	s19 =	simm.s32 $0x8;
	s21 =	simm.s32 $0x10;
	[smem:$0x7F1] =	sst s7  }
0x2d: {  	[smem:$0x7F2] =	sst s0;
	s3 =	sshrl.u32 s10, $0x3;
	s0 =	sadd.s32 s9, s11  }
0x2e: {  	s26 =	sshrl.u32 s24, $0x3;
	s28 =	sshrl.u32 s25, $0x3;
	[smem:$0x7F4] =	sst s0  }
0x2f: {  	s24 =	simm.s32 $0x15;
	s25 =	simm.s32 $0xD;
	[smem:$0x7FC] =	sst s26  }
0x30: {  	s9 =	simm.s32 $0x7;
	s17 =	sadd.s32 s3, s12;
	[smem:$0x7FD] =	sst s28  }
.Ltmp0:
0x31: {  	s3 =	sadd.s32 s3, s11;
	[smem:$0x7F5] =	sst s17;
	(pc) =	sbr.rel .LBB2_1-.Ltmp0, $4  }
0x32: {  	s0 =	sadd.s32 s16, s11;
	s12 =	simm.s32 $0x5800;
	[smem:$0x7F6] =	sst s3  }
0x33: {  	s16 =	simm.s32 $0x8000;
	s26 =	simm.s32 $0x13;
	[smem:$0x7F8] =	sst s0  }
0x34: {  	s0 =	sshrl.u32 s23, $0x3;
	s23 =	simm.s32 $0x480;
	s3 =	simm.s32 $0x3000  }
0x35: {  	s17 =	simm.s32 $0x12;
	[smem:$0x7FB] =	sst s0;
	s0 =	simm.s32 $0x0  }
.LBB2_4:
0x36: {  	_ =	swait.ge [sflag:s13], $0x2800  }
0x37: {  	[sflag:s13] =	ssyncset.done $0x0  }
0x38: {  	[sflag:s13] =	ssyncadd.s32 $0xFFFFD800  }
0x39: {  	_ =	swait.ge [sflag:s14], $0x50  }
0x3a: {  	[sflag:s14] =	ssyncset.done $0x0  }
0x3b: {  	[sflag:s14] =	ssyncadd.s32 $0xFFFFFFB0  }
0x3c: {  	_ =	swait.ge [sflag:s15], $0x50  }
0x3d: {  	[sflag:s15] =	ssyncset.done $0x0  }
0x3e: {  	s0 =	simm.s32 $0x180;
	[sflag:s15] =	ssyncadd.s32 $0xFFFFFFB0  }
0x3f: {  	[tilespmem:s16], [sflag:$0x14] =	stream.indirect.gather [hbm4b:s5+s29], $0x80, s0, s29, $0xb8;
	[tilespmem:$0x1E800] =	vst v63  }
0x40: {  	s31 =	simm.s32 $0x400  }
0x41: {  	[spmem:s2] =	stream.indirect.scatter.add.f32 [tilespmem:s30], [sflag:$0x15], $0x80, s31, s29, $0xb8;
	[tilespmem:$0x1E800] =	vst v63  }
0x42: {  	_ =	swait.ge [sflag:s24], $0x2800  }
0x43: {  	[sflag:s24] =	ssyncset.done $0x0  }
0x44: {  	[sflag:s24] =	ssyncadd.s32 $0xFFFFD800  }
0x45: {  	_ =	swait.ge [sflag:s17], $0x2800  }
0x46: {  	[sflag:s17] =	ssyncset.done $0x0  }
0x47: {  	[sflag:s17] =	ssyncadd.s32 $0xFFFFD800  }
0x48: {  	_ =	swait.ge [sflag:s18], $0x50  }
0x49: {  	[sflag:s18] =	ssyncset.done $0x0  }
0x4a: {  	[sflag:s18] =	ssyncadd.s32 $0xFFFFFFB0  }
0x4b: {  	_ =	swait.ge [sflag:s25], $0x50  }
0x4c: {  	[sflag:s25] =	ssyncset.done $0x0  }
0x4d: {  	s28 =	simm.s32 $0x200;
	[sflag:s25] =	ssyncadd.s32 $0xFFFFFFB0  }
0x4e: {  	[tilespmem:s30], [sflag:$0x11] =	stream.indirect.gather [hbm4b:s5+s29], $0x80, s28, s29, $0xb8;
	[tilespmem:$0x1E800] =	vst v63  }
0x4f: {  	s23 =	simm.s32 $0x480  }
0x50: {  	[spmem:s2] =	stream.indirect.scatter.add.f32 [tilespmem:s3], [sflag:$0x15], $0x80, s23, s29, $0xb8;
	[tilespmem:$0x1E800] =	vst v63  }
0x51: {  	_ =	swait.ge [sflag:s24], $0x2800  }
0x52: {  	[sflag:s24] =	ssyncset.done $0x0  }
0x53: {  	[sflag:s24] =	ssyncadd.s32 $0xFFFFD800  }
0x54: {  	_ =	swait.ge [sflag:s26], $0x2800  }
0x55: {  	[sflag:s26] =	ssyncset.done $0x0  }
0x56: {  	s1 =	simm.s32 $0x500;
	[sflag:s26] =	ssyncadd.s32 $0xFFFFD800  }
0x57: {  	[spmem:s2] =	stream.indirect.scatter.add.f32 [tilespmem:s12], [sflag:$0x15], $0x80, s1, s29, $0xb8;
	[tilespmem:$0x1E800] =	vst v63  }
0x58: {  	_ =	swait.ge [sflag:s24], $0x2800  }
0x59: {  	[sflag:s24] =	ssyncset.done $0x0  }
0x5a: {  	[sflag:s24] =	ssyncadd.s32 $0xFFFFD800  }
0x5b: {  	_ =	swait.ge [sflag:s8], $0x2800  }
0x5c: {  	[sflag:s8] =	ssyncset.done $0x0  }
0x5d: {  	s6 =	simm.s32 $0x580;
	[sflag:s8] =	ssyncadd.s32 $0xFFFFD800  }
0x5e: {  	[spmem:s2] =	stream.indirect.scatter.add.f32 [tilespmem:s16], [sflag:$0x15], $0x80, s6, s29, $0xb8;
	[tilespmem:$0x1E800] =	vst v63  }
0x5f: {  	_ =	swait.ge [sflag:s24], $0x2800  }
0x60: {  	[sflag:s24] =	ssyncset.done $0x0  }
0x61: {  	[sflag:s24] =	ssyncadd.s32 $0xFFFFD800  }
0x62: {  	_ =	swait.ge [sflag:s13], $0x2800  }
0x63: {  	[sflag:s13] =	ssyncset.done $0x0  }
0x64: {  	s7 =	simm.s32 $0x600;
	[sflag:s13] =	ssyncadd.s32 $0xFFFFD800  }
0x65: {  	[spmem:s2] =	stream.indirect.scatter.add.f32 [tilespmem:s30], [sflag:$0x15], $0x80, s7, s29, $0xb8;
	[tilespmem:$0x1E800] =	vst v63  }
0x66: {  	_ =	swait.ge [sflag:s24], $0x2800  }
0x67: {  	[sflag:s24] =	ssyncset.done $0x0  }
0x68: {  	[sflag:s24] =	ssyncadd.s32 $0xFFFFD800  }
0x69: {  	[bflag:$0x0] =	sbarrier.arrive $0xFFFF  }
0x6a: {  	s10 =	sld [smem:$0x7F0]  }
0x6b: {  	s22 =	rddreg [dreg:$0x7]  }
0x6c: {  	s6 =	rddreg [dreg:$0x18]  }
0x6d: {  	[hbm:s6], [sflag:s22] =	dma.local [spmem:s10], $0x2800  }
0x6e: {  	_ =	swait.ge [sflag:s24], $0x2800  }
0x6f: {  	s11 =	sld [smem:$0x7EF];
	_ =	sdelay $0x2  }
0x70: {  	s28 =	rddreg [dreg:$0x19];
	s0 =	sadd.s32 $0x1, s11  }
0x71: {  	p0 =	sne.s32 s0, s28  }
.Ltmp1:
0x72: {  	_ = 	snop;
	(pc) =	sbr.rel @!p0 .LBB2_5-.Ltmp1, $3  }
0x73: {  	_ =	sdelay $0x1  }
0x74: {  	[sflag:s24] =	ssyncset.done $0x0  }
0x75: {  	[sflag:s24] =	ssyncadd.s32 $0xFFFFD800  }
.LBB2_1:
0x76: {  	[smem:$0x7EF] =	sst s0  }
0x77: {  	s6 =	rddreg [dreg:$0x6]  }
0x78: {  	s11 =	sshrl.u32 s6, $0x3;
	s6 =	rddreg [dreg:$0x1]  }
0x79: {  	[smem:$0x7F0] =	sst s11  }
0x7a: {  	[spmem:s11], [sflag:s22] =	dma.local [hbm:s6], $0x800  }
0x7b: {  	_ =	swait.ge [sflag:s24], $0x800  }
0x7c: {  	s7 =	sld [smem:$0x7FA]  }
0x7d: {  	[sflag:s24] =	ssyncset.done $0x0  }
0x7e: {  	[sflag:s24] =	ssyncadd.s32 $0xFFFFF800  }
0x7f: {  	[spmem:s7], [sflag:s22] =	dma.local [hbm:s6], $0x800  }
0x80: {  	_ =	swait.ge [sflag:s24], $0x800  }
0x81: {  	s0 =	sld [smem:$0x7FB]  }
0x82: {  	[sflag:s24] =	ssyncset.done $0x0  }
0x83: {  	[sflag:s24] =	ssyncadd.s32 $0xFFFFF800  }
0x84: {  	[spmem:s0], [sflag:s22] =	dma.local [hbm:s6], $0x800  }
0x85: {  	_ =	swait.ge [sflag:s24], $0x800  }
0x86: {  	s10 =	sld [smem:$0x7FC]  }
0x87: {  	[sflag:s24] =	ssyncset.done $0x0  }
0x88: {  	[sflag:s24] =	ssyncadd.s32 $0xFFFFF800  }
0x89: {  	[spmem:s10], [sflag:s22] =	dma.local [hbm:s6], $0x800  }
0x8a: {  	_ =	swait.ge [sflag:s24], $0x800  }
0x8b: {  	s11 =	sld [smem:$0x7FD]  }
0x8c: {  	[sflag:s24] =	ssyncset.done $0x0  }
0x8d: {  	[sflag:s24] =	ssyncadd.s32 $0xFFFFF800  }
0x8e: {  	[spmem:s11], [sflag:s22] =	dma.local [hbm:s6], $0x800  }
0x8f: {  	_ =	swait.ge [sflag:s24], $0x800  }
0x90: {  	[sflag:s24] =	ssyncset.done $0x0  }
0x91: {  	[sflag:s24] =	ssyncadd.s32 $0xFFFFF800  }
0x92: {  	[bflag:$0x0] =	sbarrier.arrive $0xFFFF  }
0x93: {  	s22 =	rddreg [dreg:$0x8]  }
0x94: {  	[tilespmem:s4], [sflag:$0x1] =	stream.linear.gather [hbm4b:s22+s4], $0x50, $0x38;
	[tilespmem:$0x1E800] =	vst v63  }
0x95: {  	s0 =	rddreg [dreg:$0x13]  }
0x96: {  	[tilespmem:s31], [sflag:$0x9] =	stream.linear.gather [hbm4b:s0+s4], $0x50, $0x38;
	[tilespmem:$0x1E800] =	vst v63  }
0x97: {  	s7 =	rddreg [dreg:$0x9];
	s0 =	simm.s32 $0x80  }
0x98: {  	[tilespmem:s0], [sflag:$0x2] =	stream.linear.gather [hbm4b:s7+s4], $0x50, $0x38;
	[tilespmem:$0x1E800] =	vst v63  }
0x99: {  	s7 =	rddreg [dreg:$0xa]  }
0x9a: {  	[tilespmem:s23], [sflag:$0xA] =	stream.linear.gather [hbm4b:s7+s4], $0x50, $0x38;
	[tilespmem:$0x1E800] =	vst v63  }
0x9b: {  	s23 =	rddreg [dreg:$0xb];
	s7 =	simm.s32 $0x100  }
0x9c: {  	[tilespmem:s7], [sflag:$0x3] =	stream.linear.gather [hbm4b:s23+s4], $0x50, $0x38;
	[tilespmem:$0x1E800] =	vst v63  }
0x9d: {  	s10 =	simm.s32 $0x500;
	s23 =	rddreg [dreg:$0xc]  }
0x9e: {  	[tilespmem:s10], [sflag:$0xB] =	stream.linear.gather [hbm4b:s23+s4], $0x50, $0x38;
	[tilespmem:$0x1E800] =	vst v63  }
0x9f: {  	s10 =	simm.s32 $0x180;
	s23 =	rddreg [dreg:$0xd]  }
0xa0: {  	[tilespmem:s10], [sflag:$0x4] =	stream.linear.gather [hbm4b:s23+s4], $0x50, $0x38;
	[tilespmem:$0x1E800] =	vst v63  }
0xa1: {  	s22 =	simm.s32 $0x580;
	s23 =	rddreg [dreg:$0xe]  }
0xa2: {  	[tilespmem:s22], [sflag:$0xC] =	stream.linear.gather [hbm4b:s23+s4], $0x50, $0x38;
	[tilespmem:$0x1E800] =	vst v63  }
0xa3: {  	s28 =	simm.s32 $0x200;
	s22 =	rddreg [dreg:$0xf]  }
0xa4: {  	[tilespmem:s28], [sflag:$0x5] =	stream.linear.gather [hbm4b:s22+s4], $0x50, $0x38;
	[tilespmem:$0x1E800] =	vst v63  }
0xa5: {  	s11 =	simm.s32 $0x600;
	s23 =	rddreg [dreg:$0x10]  }
0xa6: {  	[tilespmem:s11], [sflag:$0xD] =	stream.linear.gather [hbm4b:s23+s4], $0x50, $0x38;
	[tilespmem:$0x1E800] =	vst v63  }
0xa7: {  	s22 =	rddreg [dreg:$0x11];
	s23 =	simm.s32 $0x280  }
0xa8: {  	[tilespmem:s23], [sflag:$0x6] =	stream.linear.gather [hbm4b:s22+s4], $0x50, $0x38;
	[tilespmem:$0x1E800] =	vst v63  }
0xa9: {  	s22 =	rddreg [dreg:$0x12];
	s23 =	simm.s32 $0x680  }
0xaa: {  	[tilespmem:s23], [sflag:$0xE] =	stream.linear.gather [hbm4b:s22+s4], $0x50, $0x38;
	[tilespmem:$0x1E800] =	vst v63  }
0xab: {  	s22 =	rddreg [dreg:$0x14];
	s23 =	simm.s32 $0x300  }
0xac: {  	[tilespmem:s23], [sflag:$0x7] =	stream.linear.gather [hbm4b:s22+s4], $0x50, $0x38;
	[tilespmem:$0x1E800] =	vst v63  }
0xad: {  	s22 =	rddreg [dreg:$0x15];
	s23 =	simm.s32 $0x700  }
0xae: {  	[tilespmem:s23], [sflag:$0xF] =	stream.linear.gather [hbm4b:s22+s4], $0x50, $0x38;
	[tilespmem:$0x1E800] =	vst v63  }
0xaf: {  	s28 =	simm.s32 $0x380;
	s22 =	rddreg [dreg:$0x16]  }
0xb0: {  	[tilespmem:s28], [sflag:$0x8] =	stream.linear.gather [hbm4b:s22+s4], $0x50, $0x38;
	[tilespmem:$0x1E800] =	vst v63  }
0xb1: {  	s1 =	simm.s32 $0x780;
	s11 =	simm.s32 $0x1;
	s23 =	rddreg [dreg:$0x17]  }
0xb2: {  	[tilespmem:s1], [sflag:$0x10] =	stream.linear.gather [hbm4b:s23+s4], $0x50, $0x38;
	[tilespmem:$0x1E800] =	vst v63  }
0xb3: {  	_ =	swait.ge [sflag:s11], $0x50  }
0xb4: {  	[sflag:s11] =	ssyncset.done $0x0  }
0xb5: {  	s22 =	simm.s32 $0x9;
	[sflag:s11] =	ssyncadd.s32 $0xFFFFFFB0  }
0xb6: {  	_ =	swait.ge [sflag:s22], $0x50  }
0xb7: {  	[sflag:s22] =	ssyncset.done $0x0  }
0xb8: {  	s23 =	simm.s32 $0x2;
	[sflag:s22] =	ssyncadd.s32 $0xFFFFFFB0  }
0xb9: {  	[tilespmem:s30], [sflag:$0x11] =	stream.indirect.gather [hbm4b:s5+s29], $0x80, s4, s29, $0xb8;
	[tilespmem:$0x1E800] =	vst v63  }
0xba: {  	_ =	swait.ge [sflag:s23], $0x50  }
0xbb: {  	[sflag:s23] =	ssyncset.done $0x0  }
0xbc: {  	s11 =	simm.s32 $0xA;
	[sflag:s23] =	ssyncadd.s32 $0xFFFFFFB0  }
0xbd: {  	_ =	swait.ge [sflag:s11], $0x50  }
0xbe: {  	[sflag:s11] =	ssyncset.done $0x0  }
0xbf: {  	s22 =	simm.s32 $0x3;
	[sflag:s11] =	ssyncadd.s32 $0xFFFFFFB0  }
0xc0: {  	[tilespmem:s3], [sflag:$0x12] =	stream.indirect.gather [hbm4b:s5+s29], $0x80, s0, s29, $0xb8;
	[tilespmem:$0x1E800] =	vst v63  }
0xc1: {  	_ =	swait.ge [sflag:s22], $0x50  }
0xc2: {  	[sflag:s22] =	ssyncset.done $0x0  }
0xc3: {  	s23 =	simm.s32 $0xB;
	[sflag:s22] =	ssyncadd.s32 $0xFFFFFFB0  }
0xc4: {  	_ =	swait.ge [sflag:s23], $0x50  }
0xc5: {  	[sflag:s23] =	ssyncset.done $0x0  }
0xc6: {  	s22 =	sld [smem:$0x7F9];
	[sflag:s23] =	ssyncadd.s32 $0xFFFFFFB0;
	s23 =	simm.s32 $0x0  }
0xc7: {  	[tilespmem:s12], [sflag:$0x13] =	stream.indirect.gather [hbm4b:s5+s29], $0x80, s7, s29, $0xb8;
	[tilespmem:$0x1E800] =	vst v63  }
.LBB2_2:
0xc8: {  	_ =	swait.ge [sflag:s13], $0x2800  }
0xc9: {  	[sflag:s13] =	ssyncset.done $0x0  }
0xca: {  	[sflag:s13] =	ssyncadd.s32 $0xFFFFD800  }
0xcb: {  	_ =	swait.ge [sflag:s14], $0x50  }
0xcc: {  	[sflag:s14] =	ssyncset.done $0x0  }
0xcd: {  	[sflag:s14] =	ssyncadd.s32 $0xFFFFFFB0  }
0xce: {  	_ =	swait.ge [sflag:s15], $0x50  }
0xcf: {  	[sflag:s15] =	ssyncset.done $0x0  }
0xd0: {  	[sflag:s15] =	ssyncadd.s32 $0xFFFFFFB0  }
0xd1: {  	[tilespmem:s16], [sflag:$0x14] =	stream.indirect.gather [hbm4b:s5+s29], $0x80, s10, s29, $0xb8;
	[tilespmem:$0x1E800] =	vst v63  }
0xd2: {  	_ = 	snop  }
0xd3: {  	[spmem:s2] =	stream.indirect.scatter.add.f32 [tilespmem:s30], [sflag:$0x15], $0x80, s31, s29, $0xb8;
	[tilespmem:$0x1E800] =	vst v63  }
0xd4: {  	_ =	swait.ge [sflag:s24], $0x2800  }
0xd5: {  	s6 =	sshrl.u32 s22, $0x3;
	[sflag:s24] =	ssyncset.done $0x0;
	s7 =	rddreg [dreg:$0x4]  }
0xd6: {  	s11 =	rddreg [dreg:$0x5];
	[sflag:s24] =	ssyncadd.s32 $0xFFFFD800;
	s7 =	sadd.s32 s7, s6  }
0xd7: {  	[tilespmem:s4], [sflag:$0x1] =	stream.linear.gather [hbm4b:s7+s4], $0x50, $0x38;
	[tilespmem:$0x1E800] =	vst v63  }
0xd8: {  	s6 =	sadd.s32 s11, s6  }
0xd9: {  	[tilespmem:s31], [sflag:$0x9] =	stream.linear.gather [hbm4b:s6+s4], $0x50, $0x38;
	[tilespmem:$0x1E800] =	vst v63  }
0xda: {  	_ =	swait.ge [sflag:s17], $0x2800  }
0xdb: {  	[sflag:s17] =	ssyncset.done $0x0  }
0xdc: {  	[sflag:s17] =	ssyncadd.s32 $0xFFFFD800  }
0xdd: {  	_ =	swait.ge [sflag:s18], $0x50  }
0xde: {  	[sflag:s18] =	ssyncset.done $0x0  }
0xdf: {  	[sflag:s18] =	ssyncadd.s32 $0xFFFFFFB0  }
0xe0: {  	_ =	swait.ge [sflag:s25], $0x50  }
0xe1: {  	[sflag:s25] =	ssyncset.done $0x0  }
0xe2: {  	s11 =	simm.s32 $0x200;
	[sflag:s25] =	ssyncadd.s32 $0xFFFFFFB0  }
0xe3: {  	[tilespmem:s30], [sflag:$0x11] =	stream.indirect.gather [hbm4b:s5+s29], $0x80, s11, s29, $0xb8;
	[tilespmem:$0x1E800] =	vst v63  }
0xe4: {  	s31 =	simm.s32 $0x480  }
0xe5: {  	[spmem:s2] =	stream.indirect.scatter.add.f32 [tilespmem:s3], [sflag:$0x15], $0x80, s31, s29, $0xb8;
	[tilespmem:$0x1E800] =	vst v63  }
0xe6: {  	_ =	swait.ge [sflag:s24], $0x2800  }
0xe7: {  	s0 =	sld [smem:$0x7F8];
	_ =	sdelay $0x1  }
0xe8: {  	[sflag:s24] =	ssyncset.done $0x0;
	s10 =	sld [smem:$0x7F7]  }
0xe9: {  	[sflag:s24] =	ssyncadd.s32 $0xFFFFD800;
	s6 =	sadd.s32 s23, s0;
	s0 =	simm.s32 $0x80  }
0xea: {  	[tilespmem:s0], [sflag:$0x2] =	stream.linear.gather [hbm4b:s6+s4], $0x50, $0x38;
	[tilespmem:$0x1E800] =	vst v63  }
0xeb: {  	s6 =	sadd.s32 s23, s10  }
0xec: {  	[tilespmem:s31], [sflag:$0xA] =	stream.linear.gather [hbm4b:s6+s4], $0x50, $0x38;
	[tilespmem:$0x1E800] =	vst v63  }
0xed: {  	_ =	swait.ge [sflag:s26], $0x2800  }
0xee: {  	[sflag:s26] =	ssyncset.done $0x0  }
0xef: {  	s31 =	simm.s32 $0x6;
	[sflag:s26] =	ssyncadd.s32 $0xFFFFD800  }
0xf0: {  	_ =	swait.ge [sflag:s31], $0x50  }
0xf1: {  	[sflag:s31] =	ssyncset.done $0x0  }
0xf2: {  	s7 =	simm.s32 $0xE;
	[sflag:s31] =	ssyncadd.s32 $0xFFFFFFB0  }
0xf3: {  	_ =	swait.ge [sflag:s7], $0x50  }
0xf4: {  	[sflag:s7] =	ssyncset.done $0x0  }
0xf5: {  	s10 =	simm.s32 $0x280;
	[sflag:s7] =	ssyncadd.s32 $0xFFFFFFB0  }
0xf6: {  	[tilespmem:s3], [sflag:$0x12] =	stream.indirect.gather [hbm4b:s5+s29], $0x80, s10, s29, $0xb8;
	[tilespmem:$0x1E800] =	vst v63  }
0xf7: {  	s7 =	simm.s32 $0x500  }
0xf8: {  	[spmem:s2] =	stream.indirect.scatter.add.f32 [tilespmem:s12], [sflag:$0x15], $0x80, s7, s29, $0xb8;
	[tilespmem:$0x1E800] =	vst v63  }
0xf9: {  	_ =	swait.ge [sflag:s24], $0x2800  }
0xfa: {  	s31 =	sld [smem:$0x7F6];
	_ =	sdelay $0x1  }
0xfb: {  	[sflag:s24] =	ssyncset.done $0x0  }
0xfc: {  	s10 =	simm.s32 $0x100;
	[sflag:s24] =	ssyncadd.s32 $0xFFFFD800;
	s6 =	sadd.s32 s23, s31  }
0xfd: {  	[tilespmem:s10], [sflag:$0x3] =	stream.linear.gather [hbm4b:s6+s4], $0x50, $0x38;
	[tilespmem:$0x1E800] =	vst v63  }
0xfe: {  	s6 =	sld [smem:$0x7F5];
	_ =	sdelay $0x2  }
0xff: {  	s6 =	sadd.s32 s23, s6  }
0x100: {  	[tilespmem:s7], [sflag:$0xB] =	stream.linear.gather [hbm4b:s6+s4], $0x50, $0x38;
	[tilespmem:$0x1E800] =	vst v63  }
0x101: {  	_ =	swait.ge [sflag:s8], $0x2800  }
0x102: {  	[sflag:s8] =	ssyncset.done $0x0  }
0x103: {  	[sflag:s8] =	ssyncadd.s32 $0xFFFFD800  }
0x104: {  	_ =	swait.ge [sflag:s9], $0x50  }
0x105: {  	[sflag:s9] =	ssyncset.done $0x0  }
0x106: {  	[sflag:s9] =	ssyncadd.s32 $0xFFFFFFB0  }
0x107: {  	_ =	swait.ge [sflag:s20], $0x50  }
0x108: {  	[sflag:s20] =	ssyncset.done $0x0  }
0x109: {  	s7 =	simm.s32 $0x300;
	[sflag:s20] =	ssyncadd.s32 $0xFFFFFFB0  }
0x10a: {  	[tilespmem:s12], [sflag:$0x13] =	stream.indirect.gather [hbm4b:s5+s29], $0x80, s7, s29, $0xb8;
	[tilespmem:$0x1E800] =	vst v63  }
0x10b: {  	s7 =	simm.s32 $0x580  }
0x10c: {  	[spmem:s2] =	stream.indirect.scatter.add.f32 [tilespmem:s16], [sflag:$0x15], $0x80, s7, s29, $0xb8;
	[tilespmem:$0x1E800] =	vst v63  }
0x10d: {  	_ =	swait.ge [sflag:s24], $0x2800  }
0x10e: {  	s6 =	sld [smem:$0x7F4];
	_ =	sdelay $0x1  }
0x10f: {  	[sflag:s24] =	ssyncset.done $0x0  }
0x110: {  	s31 =	simm.s32 $0x180;
	[sflag:s24] =	ssyncadd.s32 $0xFFFFD800;
	s6 =	sadd.s32 s23, s6  }
0x111: {  	[tilespmem:s31], [sflag:$0x4] =	stream.linear.gather [hbm4b:s6+s4], $0x50, $0x38;
	[tilespmem:$0x1E800] =	vst v63  }
0x112: {  	s31 =	sld [smem:$0x7F3];
	_ =	sdelay $0x2  }
0x113: {  	s6 =	sadd.s32 s23, s31  }
0x114: {  	[tilespmem:s7], [sflag:$0xC] =	stream.linear.gather [hbm4b:s6+s4], $0x50, $0x38;
	[tilespmem:$0x1E800] =	vst v63  }
0x115: {  	_ =	swait.ge [sflag:s13], $0x2800  }
0x116: {  	[sflag:s13] =	ssyncset.done $0x0  }
0x117: {  	[sflag:s13] =	ssyncadd.s32 $0xFFFFD800  }
0x118: {  	_ =	swait.ge [sflag:s19], $0x50  }
0x119: {  	[sflag:s19] =	ssyncset.done $0x0  }
0x11a: {  	[sflag:s19] =	ssyncadd.s32 $0xFFFFFFB0  }
0x11b: {  	_ =	swait.ge [sflag:s21], $0x50  }
0x11c: {  	[sflag:s21] =	ssyncset.done $0x0  }
0x11d: {  	[sflag:s21] =	ssyncadd.s32 $0xFFFFFFB0  }
0x11e: {  	[tilespmem:s16], [sflag:$0x14] =	stream.indirect.gather [hbm4b:s5+s29], $0x80, s28, s29, $0xb8;
	[tilespmem:$0x1E800] =	vst v63  }
0x11f: {  	s7 =	simm.s32 $0x600  }
0x120: {  	[spmem:s2] =	stream.indirect.scatter.add.f32 [tilespmem:s30], [sflag:$0x15], $0x80, s7, s29, $0xb8;
	[tilespmem:$0x1E800] =	vst v63  }
0x121: {  	_ =	swait.ge [sflag:s24], $0x2800  }
0x122: {  	s31 =	sld [smem:$0x7F2];
	_ =	sdelay $0x2  }
0x123: {  	[sflag:s24] =	ssyncset.done $0x0;
	s6 =	sadd.s32 s23, s31;
	s31 =	sld [smem:$0x7F1]  }
0x124: {  	[sflag:s24] =	ssyncadd.s32 $0xFFFFD800  }
0x125: {  	[tilespmem:s11], [sflag:$0x5] =	stream.linear.gather [hbm4b:s6+s4], $0x50, $0x38;
	[tilespmem:$0x1E800] =	vst v63  }
0x126: {  	s6 =	sadd.s32 s23, s31  }
0x127: {  	[tilespmem:s7], [sflag:$0xD] =	stream.linear.gather [hbm4b:s6+s4], $0x50, $0x38;
	[tilespmem:$0x1E800] =	vst v63  }
0x128: {  	_ =	swait.ge [sflag:s17], $0x2800  }
0x129: {  	[sflag:s17] =	ssyncset.done $0x0  }
0x12a: {  	s11 =	simm.s32 $0x1;
	[sflag:s17] =	ssyncadd.s32 $0xFFFFD800  }
0x12b: {  	_ =	swait.ge [sflag:s11], $0x50  }
0x12c: {  	[sflag:s11] =	ssyncset.done $0x0  }
0x12d: {  	s31 =	simm.s32 $0x9;
	[sflag:s11] =	ssyncadd.s32 $0xFFFFFFB0  }
0x12e: {  	_ =	swait.ge [sflag:s31], $0x50  }
0x12f: {  	[sflag:s31] =	ssyncset.done $0x0  }
0x130: {  	[sflag:s31] =	ssyncadd.s32 $0xFFFFFFB0  }
0x131: {  	[tilespmem:s30], [sflag:$0x11] =	stream.indirect.gather [hbm4b:s5+s29], $0x80, s4, s29, $0xb8;
	[tilespmem:$0x1E800] =	vst v63  }
0x132: {  	s7 =	simm.s32 $0x680  }
0x133: {  	[spmem:s2] =	stream.indirect.scatter.add.f32 [tilespmem:s3], [sflag:$0x15], $0x80, s7, s29, $0xb8;
	[tilespmem:$0x1E800] =	vst v63  }
0x134: {  	p0 =	seq.s32 s23, $0x460;
	_ =	swait.ge [sflag:s24], $0x2800  }
0x135: {  	s31 =	simm.s32 @!p0 $0x280;
	[sflag:s24] =	ssyncset.done $0x0;
	s6 =	rddreg [dreg:$0x1f]  }
0x136: {  	s7 =	simm.s32 @!p0 $0x0;
	[sflag:s24] =	ssyncadd.s32 $0xFFFFD800;
	s6 =	sadd.s32 @!p0 s23, s6  }
0x137: {  	[tilespmem:s31], [sflag:$0x6] =	stream.linear.gather @!p0 [hbm4b:s6+s7], $0x50, $0x38;
	[tilespmem:$0x1E800] =	vst v63  }
0x138: {  	s6 =	rddreg [dreg:$0x1e]  }
0x139: {  	s31 =	simm.s32 @!p0 $0x680;
	s6 =	sadd.s32 @!p0 s23, s6  }
0x13a: {  	[tilespmem:s31], [sflag:$0xE] =	stream.linear.gather @!p0 [hbm4b:s6+s7], $0x50, $0x38;
	[tilespmem:$0x1E800] =	vst v63  }
0x13b: {  	_ =	swait.ge [sflag:s26], $0x2800  }
0x13c: {  	[sflag:s26] =	ssyncset.done $0x0  }
0x13d: {  	s11 =	simm.s32 $0x2;
	[sflag:s26] =	ssyncadd.s32 $0xFFFFD800  }
0x13e: {  	_ =	swait.ge [sflag:s11], $0x50  }
0x13f: {  	[sflag:s11] =	ssyncset.done $0x0  }
0x140: {  	s31 =	simm.s32 $0xA;
	[sflag:s11] =	ssyncadd.s32 $0xFFFFFFB0  }
0x141: {  	_ =	swait.ge [sflag:s31], $0x50  }
0x142: {  	[sflag:s31] =	ssyncset.done $0x0  }
0x143: {  	[sflag:s31] =	ssyncadd.s32 $0xFFFFFFB0  }
0x144: {  	[tilespmem:s3], [sflag:$0x12] =	stream.indirect.gather [hbm4b:s5+s29], $0x80, s0, s29, $0xb8;
	[tilespmem:$0x1E800] =	vst v63  }
0x145: {  	s6 =	simm.s32 $0x700  }
0x146: {  	[spmem:s2] =	stream.indirect.scatter.add.f32 [tilespmem:s12], [sflag:$0x15], $0x80, s6, s29, $0xb8;
	[tilespmem:$0x1E800] =	vst v63  }
0x147: {  	_ =	swait.ge [sflag:s24], $0x2800  }
0x148: {  	[sflag:s24] =	ssyncset.done $0x0;
	s6 =	rddreg [dreg:$0x1d]  }
0x149: {  	s31 =	simm.s32 @!p0 $0x300;
	[sflag:s24] =	ssyncadd.s32 $0xFFFFD800;
	s6 =	sadd.s32 @!p0 s23, s6  }
0x14a: {  	[tilespmem:s31], [sflag:$0x7] =	stream.linear.gather @!p0 [hbm4b:s6+s7], $0x50, $0x38;
	[tilespmem:$0x1E800] =	vst v63  }
0x14b: {  	s6 =	rddreg [dreg:$0x1c]  }
0x14c: {  	s31 =	simm.s32 @!p0 $0x700;
	s6 =	sadd.s32 @!p0 s23, s6  }
0x14d: {  	[tilespmem:s31], [sflag:$0xF] =	stream.linear.gather @!p0 [hbm4b:s6+s7], $0x50, $0x38;
	[tilespmem:$0x1E800] =	vst v63  }
0x14e: {  	_ =	swait.ge [sflag:s8], $0x2800  }
0x14f: {  	[sflag:s8] =	ssyncset.done $0x0  }
0x150: {  	s11 =	simm.s32 $0x3;
	[sflag:s8] =	ssyncadd.s32 $0xFFFFD800  }
0x151: {  	_ =	swait.ge [sflag:s11], $0x50  }
0x152: {  	[sflag:s11] =	ssyncset.done $0x0  }
0x153: {  	s31 =	simm.s32 $0xB;
	[sflag:s11] =	ssyncadd.s32 $0xFFFFFFB0  }
0x154: {  	_ =	swait.ge [sflag:s31], $0x50  }
0x155: {  	[sflag:s31] =	ssyncset.done $0x0  }
0x156: {  	[sflag:s31] =	ssyncadd.s32 $0xFFFFFFB0  }
0x157: {  	[tilespmem:s12], [sflag:$0x13] =	stream.indirect.gather [hbm4b:s5+s29], $0x80, s10, s29, $0xb8;
	[tilespmem:$0x1E800] =	vst v63  }
.Ltmp2:
0x158: {  	_ = 	snop;
	(pc) =	sbr.rel @p0 .LBB2_4-.Ltmp2, $4  }
0x159: {  	[spmem:s2] =	stream.indirect.scatter.add.f32 [tilespmem:s16], [sflag:$0x15], $0x80, s1, s29, $0xb8;
	[tilespmem:$0x1E800] =	vst v63  }
0x15a: {  	_ =	swait.ge [sflag:s24], $0x2800  }
0x15b: {  	[sflag:s24] =	ssyncset.done $0x0  }
0x15c: {  	s0 =	simm.s32 $0x780;
	[sflag:s24] =	ssyncadd.s32 $0xFFFFD800  }
0x15d: {  	s6 =	rddreg [dreg:$0x1b]  }
.Ltmp3:
0x15e: {  	s11 =	rddreg [dreg:$0x1a];
	s22 =	sadd.s32 $0x280, s22;
	(pc) =	sbr.rel .LBB2_2-.Ltmp3, $4  }
0x15f: {  	s31 =	simm.s32 $0x400;
	s10 =	simm.s32 $0x180;
	s6 =	sadd.s32 s23, s6  }
0x160: {  	[tilespmem:s28], [sflag:$0x8] =	stream.linear.gather [hbm4b:s6+s4], $0x50, $0x38;
	[tilespmem:$0x1E800] =	vst v63  }
0x161: {  	s1 =	simm.s32 $0x780;
	s6 =	sadd.s32 s23, s11;
	s23 =	sadd.s32 $0x50, s23  }
0x162: {  	[tilespmem:s0], [sflag:$0x10] =	stream.linear.gather [hbm4b:s6+s4], $0x50, $0x38;
	[tilespmem:$0x1E800] =	vst v63  }
.LBB2_5:
0x163: {  	_ =	sfence.sel $0x180000  }
0x164: {  	[bflag:$0x0] =	sbarrier.arrive $0xFFFF  }
0x165: {  	_ =	strace $0x9000004D  }
0x166: {  	s0 =	stileid.u32;
	[bflag:$0x2] =	sbarrier.arrive $0xFFFF  }
0x167: {  	p0 =	sne.s32 s0, $0x0;
	s0 =	rddreg [dreg:$0x3]  }
0x168: {  	s0 =	sadd.s32 @!p0 $0x100000, s0  }
0x169: {  	[sflag:s0] =	ssyncadd.tile.s32 @!p0 $0x1;
	_ =	shalt  }
.Lfunc_end2:
_tile_overlayer_lowered:
.L_overlay_start_2:
0x16a: {  	(tag) =	ssettag $0x2  }
0x16b: {  	s0 =	rddreg [dreg:$0x0];
	s2 =	stileid.u32  }
0x16c: {  	s1 =	rddreg [dreg:$0x1];
	p0 =	sne.s32 s2, $0x0  }
0x16d: {  	s3 =	rddreg [dreg:$0x2];
	[bflag:$0x3] =	sbarrier.arrive $0xFFFF;
	s2 =	simm.s32 @!p0 $0x1C15  }
0x16e: {  	[timem:s3], [sflag:s2] =	dma.local @!p0 [hbm:s0], s1  }
0x16f: {  	s0 =	simm.s32 @!p0 $0x15  }
0x170: {  	_ =	swait.ge @!p0 [sflag:s0], s1  }
0x171: {  	s1 =	ssub.s32 @!p0 $0x0, s1;
	[sflag:s0] =	ssyncset.done @!p0 $0x0  }
0x172: {  	[sflag:s0] =	ssyncadd.s32 @!p0 s1  }
0x173: {  	[bflag:$0x3] =	sbarrier.arrive $0xFFFF  }
0x174: {  	_ =	shalt  }

// kernel: kernel.8.cloned.1.call-start
scs
__scs_entry_jumppad:
0x0: {  	(pc) =	sbr.rel $0x88, $3  }
0x1: {  	(tag) =	ssettag $0x0;
	lr =	simm.s32 $0x1  }
0x2: {  	[smem:$0x3F9B] =	sst lr;
	_ =	strace $0xD0000000  }
0x3: {  	_ = 	snop  }
0x4: {  	_ = 	snop  }
0x5: {  	_ = 	snop  }
0x6: {  	_ = 	snop  }
0x7: {  	_ = 	snop  }
__scs_overlays_trampoline_lowered:
0x8: {  	[smem:$0x3FAA] =	sst s0  }
0x9: {  	[smem:$0x3FAB] =	sst s1  }
0xa: {  	[smem:$0x3FAC] =	sst s2  }
0xb: {  	[smem:$0x3FAD] =	sst s3  }
0xc: {  	[smem:$0x3FAE] =	sst s4  }
0xd: {  	[smem:$0x3FAF] =	sst s5  }
0xe: {  	[smem:$0x3FB0] =	sst s6  }
0xf: {  	[smem:$0x3FB1] =	sst s7  }
0x10: {  	[smem:$0x3FB2] =	sst s8  }
0x11: {  	[smem:$0x3FB3] =	sst s9;
	s0 =	simm.s32 @!p0 $0x0  }
0x12: {  	s1 =	sld [smem:$0x3F99];
	s0 =	simm.s32 @p0 $0x1  }
0x13: {  	[smem:$0x3FB4] =	sst s0;
	s0 =	simm.s32 @!p1 $0x0  }
0x14: {  	s2 =	sld [smem:$0x3F98];
	s0 =	simm.s32 @p1 $0x1  }
0x15: {  	[smem:$0x3FB5] =	sst s0;
	s0 =	simm.s32 @!p2 $0x0  }
0x16: {  	s3 =	sld [smem:$0x3FDB];
	s0 =	simm.s32 @p2 $0x1  }
0x17: {  	s4 =	simm.s32 $0x1BF5;
	[smem:$0x3FB7] =	sst s0  }
0x18: {  	s0 =	sld [smem:$0x3F9A];
	_ =	swait.ge [sflag:s4], $0x0  }
0x19: {  	s7 =	sld [smem:$0x3F9B]  }
0x1a: {  	s8 =	sadd.s32 $0xFFFFE003, lr  }
0x1b: {  	s9 =	sadd.s32 $0xFFFFFEF7, lr;
	s5 =	simm.s32 $0xFFFFFFFF;
	p2 =	slt.u32 s8, $0xFFFFF086  }
0x1c: {  	p1 =	slt.u32 s9, $0xF7A;
	s5 =	simm.s32 @!p2 $0x0  }
0x1d: {  	s5 =	simm.s32 @p1 $0x1;
	p0 =	seq.s32 s7, s2  }
0x1e: {  	s7 =	smul.u32 @!p0 $0xF7A, s2;
	p2 =	seq.s32 @!p0 s5, $0x0  }
0x1f: {  	s9 =	smul.u32 $0xF7A, s1;
	s8 =	simm.s32 @!p0 $0x1BF5;
	p2 =	por !p2, p0  }
0x20: {  	[sflag:s8] =	ssyncset.s32 @!p0 $0xFFFFF086;
	s6 =	sadd.s32 @!p0 s3, s7;
	s7 =	simm.s32 @!p0 $0x108  }
0x21: {  	s3 =	sadd.s32 s3, s9;
	s6 =	sadd.s32 @!p0 $0x88, s6;
	s7 =	simm.s32 @p2 $0x1082  }
0x22: {  	[simem:s7], [sflag:s8] =	dma.local @!p0 [hbm:s6], $0xF7A  }
0x23: {  	s9 =	sor.u32 $0xD0000000, s2;
	s6 =	simm.s32 $0x108;
	_ =	swait.ge @!p0 [sflag:s8], $0x0  }
0x24: {  	s3 =	sadd.s32 $0x88, s3;
	s6 =	simm.s32 @!p1 $0x1082;
	[sflag:s4] =	ssyncset.s32 $0xFFFFF086  }
0x25: {  	[simem:s6], [sflag:s4] =	dma.local [hbm:s3], $0xF7A  }
0x26: {  	[smem:$0x3F9B] =	sst s1;
	(tag) =	ssettag s2;
	_ =	strace s9  }
0x27: {  	s1 =	sld [smem:$0x3FAB]  }
0x28: {  	s2 =	sld [smem:$0x3FAC]  }
0x29: {  	s4 =	sld [smem:$0x3FAE]  }
0x2a: {  	p0 =	seq.s32 s5, $0x0;
	s5 =	sld [smem:$0x3FAF]  }
0x2b: {  	s6 =	sld [smem:$0x3FB0]  }
0x2c: {  	s7 =	sld [smem:$0x3FB1]  }
0x2d: {  	s3 =	simm.s32 $0x108;
	s8 =	sld [smem:$0x3FB2]  }
0x2e: {  	s3 =	simm.s32 @!p0 $0x1082;
	s9 =	sld [smem:$0x3FB3]  }
0x2f: {  	lr =	sadd.s32 s0, s3;
	s0 =	sld [smem:$0x3FAA]  }
0x30: {  	s3 =	sld [smem:$0x3FAD]  }
0x31: {  	[smem:$0x3FB6] =	sst s10  }
0x32: {  	s10 =	sld [smem:$0x3FB4];
	_ =	sdelay $0x3  }
0x33: {  	p0 =	seq.s32 s10, $0x1;
	s10 =	sld [smem:$0x3FB6];
	_ =	sdelay $0x3  }
0x34: {  	[smem:$0x3FB6] =	sst s10  }
0x35: {  	s10 =	sld [smem:$0x3FB5];
	_ =	sdelay $0x3  }
0x36: {  	p1 =	seq.s32 s10, $0x1;
	s10 =	sld [smem:$0x3FB6];
	_ =	sdelay $0x3  }
0x37: {  	[smem:$0x3FB6] =	sst s10  }
0x38: {  	s10 =	sld [smem:$0x3FB7]  }
0x39: {  	_ = 	snop;
	(pc) =	sbr.ind lr, $3  }
0x3a: {  	_ = 	snop  }
0x3b: {  	_ = 	snop  }
0x3c: {  	p2 =	seq.s32 s10, $0x1;
	s10 =	sld [smem:$0x3FB6]  }
0x3d: {  	_ =	shalt  }
0x3e: {  	_ =	shalt  }
0x3f: {  	_ =	shalt  }
0x40: {  	_ =	shalt  }
0x41: {  	_ =	shalt  }
0x42: {  	_ =	shalt  }
0x43: {  	_ =	shalt  }
0x44: {  	_ =	shalt  }
0x45: {  	_ =	shalt  }
0x46: {  	_ =	shalt  }
0x47: {  	_ =	shalt  }
0x48: {  	_ =	shalt  }
0x49: {  	_ =	shalt  }
0x4a: {  	_ =	shalt  }
0x4b: {  	_ =	shalt  }
0x4c: {  	_ =	shalt  }
0x4d: {  	_ =	shalt  }
0x4e: {  	_ =	shalt  }
0x4f: {  	_ =	shalt  }
0x50: {  	_ =	shalt  }
0x51: {  	_ =	shalt  }
0x52: {  	_ =	shalt  }
0x53: {  	_ =	shalt  }
0x54: {  	_ =	shalt  }
0x55: {  	_ =	shalt  }
0x56: {  	_ =	shalt  }
0x57: {  	_ =	shalt  }
0x58: {  	_ =	shalt  }
0x59: {  	_ =	shalt  }
0x5a: {  	_ =	shalt  }
0x5b: {  	_ =	shalt  }
0x5c: {  	_ =	shalt  }
0x5d: {  	_ =	shalt  }
0x5e: {  	_ =	shalt  }
0x5f: {  	_ =	shalt  }
0x60: {  	_ =	shalt  }
0x61: {  	_ =	shalt  }
0x62: {  	_ =	shalt  }
0x63: {  	_ =	shalt  }
0x64: {  	_ =	shalt  }
0x65: {  	_ =	shalt  }
0x66: {  	_ =	shalt  }
0x67: {  	_ =	shalt  }
0x68: {  	_ =	shalt  }
0x69: {  	_ =	shalt  }
0x6a: {  	_ =	shalt  }
0x6b: {  	_ =	shalt  }
0x6c: {  	_ =	shalt  }
0x6d: {  	_ =	shalt  }
0x6e: {  	_ =	shalt  }
0x6f: {  	_ =	shalt  }
0x70: {  	_ =	shalt  }
0x71: {  	_ =	shalt  }
0x72: {  	_ =	shalt  }
0x73: {  	_ =	shalt  }
0x74: {  	_ =	shalt  }
0x75: {  	_ =	shalt  }
0x76: {  	_ =	shalt  }
0x77: {  	_ =	shalt  }
0x78: {  	_ =	shalt  }
0x79: {  	_ =	shalt  }
0x7a: {  	_ =	shalt  }
0x7b: {  	_ =	shalt  }
0x7c: {  	_ =	shalt  }
0x7d: {  	_ =	shalt  }
0x7e: {  	_ =	shalt  }
0x7f: {  	_ =	shalt  }
0x80: {  	_ =	shalt  }
0x81: {  	_ =	shalt  }
0x82: {  	_ =	shalt  }
0x83: {  	_ =	shalt  }
0x84: {  	_ =	shalt  }
0x85: {  	_ =	shalt  }
0x86: {  	_ =	shalt  }
0x87: {  	_ =	shalt  }
.Lfunc_end0:
.L_simem_size_0:
called_computation_lowered:
.L_overlay_start_0:
0x88: {  	s2 =	sld [smem:$0x3FD9]  }
0x89: {  	s3 =	sld [smem:$0x3FFE];
	_ =	sdelay $0x1  }
0x8a: {  	s1 =	srdreg.scid  }
0x8b: {  	s0 =	sand.u32 $0x1, s1  }
0x8c: {  	s14 =	sshll.u32 s0, $0xA;
	s2 =	sadd.s32 s3, s2  }
0x8d: {  	s2 =	sadd.s32 s2, s14  }
0x8e: {  	[smem:$0x3FC2] =	sst s2  }
0x8f: {  	_ = 	snop  }
0x90: {  	s2 =	sld [smem:$0x3FD0];
	_ =	sdelay $0x2  }
0x91: {  	s15 =	simm.s32 $0xA;
	s4 =	simm.s32 $0x10  }
0x92: {  	[smem:s4], [sflag:s15] =	dma.local [hbm:s2], $0x1  }
0x93: {  	_ =	swait.eq [sflag:s15], $0x1  }
0x94: {  	[sflag:s15] =	ssyncset.done $0x0  }
0x95: {  	[sflag:s15] =	ssyncadd.s32 $0xFFFFFFFF  }
0x96: {  	s16 =	sld [smem:$0x11];
	(tm) =	ssettm $0x1  }
0x97: {  	s17 =	sld [smem:$0x3FFB];
	_ =	sdelay $0x3  }
0x98: {  	_ =	strace s17  }
0x99: {  	s3 =	sld [smem:$0x3FFC];
	_ =	sdelay $0x3  }
0x9a: {  	_ =	strace s3  }
0x9b: {  	s3 =	sld [smem:$0x3FFD];
	_ =	sdelay $0x3  }
0x9c: {  	_ =	strace s3  }
0x9d: {  	_ =	strace $0x8FFFFFFF  }
0x9e: {  	s18 =	sld [smem:$0x3FDB];
	_ =	sdelay $0x1  }
0x9f: {  	s19 =	simm.s32 $_scs_section_size  }
0xa0: {  	s5 =	simm.s32 $_size__tile_overlayer_lowered;
	s6 =	simm.s32 $_tile_overlayer_lowered  }
0xa1: {  	s22 =	simm.s32 $0x1BFF;
	s21 =	sshll.u32 s6, $0x1;
	s3 =	sadd.s32 s19, s18  }
0xa2: {  	s7 =	simm.s32 $0x0;
	s20 =	sshll.u32 s5, $0x1;
	s5 =	sadd.s32 s21, s3  }
0xa3: {  	[timem:s7], [sflag:s22] =	dma.local [hbm:s5], s20  }
0xa4: {  	_ =	swait.ge [sflag:s22], s20  }
0xa5: {  	s4 =	ssub.s32 $0x0, s20;
	[sflag:s22] =	ssyncset.done $0x0  }
0xa6: {  	[sflag:s22] =	ssyncadd.s32 s4;
	_ =	sdelay $0x1  }
0xa7: {  	s23 =	simm.s32 $0x1B8B  }
0xa8: {  	_ =	swait.ge [sflag:s23], $0x1  }
0xa9: {  	[sflag:s23] =	ssyncset.done $0x0  }
0xaa: {  	s25 =	simm.s32 $0x1B8E;
	s24 =	sld [smem:$0x3FFE];
	[sflag:s23] =	ssyncadd.s32 $0xFFFFFFFF  }
0xab: {  	s26 =	simm.s32 $execute0_lowered;
	[smem:$0x3FD2] =	sst s25  }
0xac: {  	s5 =	sshll.u32 s26, $0x1;
	_ =	strace $0x80000046;
	[dreg:$0x1] =	wrdreg $0xFFFFFFFF  }
0xad: {  	s28 =	simm.s32 $_size_execute0_lowered;
	s3 =	sadd.s32 s3, s5;
	[dreg:$0x0] =	wrdreg $0x0  }
0xae: {  	s5 =	sshll.u32 s28, $0x1;
	[dreg:$0x2] =	wrdreg s3  }
0xaf: {  	[dreg:$0x3] =	wrdreg s5  }
0xb0: {  	[dreg:$0x4] =	wrdreg $0xC0  }
0xb1: {  	_ =	task [dreg:s7], $0x5FFFF  }
0xb2: {  	[dreg:$0x1] =	wrdreg $0xFFFFFFFF  }
0xb3: {  	[dreg:$0x0] =	wrdreg $0x60  }
0xb4: {  	[dreg:$0x2] =	wrdreg s24  }
0xb5: {  	[dreg:$0x3] =	wrdreg s16  }
0xb6: {  	[dreg:$0x4] =	wrdreg $0x9  }
0xb7: {  	_ =	task.clear_ibuf [dreg:s7], $0x5FFFF;
	_ =	strace $0x90000046  }
0xb8: {  	s29 =	simm.s32 $0x9;
	_ =	strace $0x80000048  }
0xb9: {  	_ =	swait.ge [sflag:s29], $0x1  }
0xba: {  	[sflag:s29] =	ssyncadd.s32 $0xFFFFFFFF  }
0xbb: {  	_ =	strace $0x90000048  }
0xbc: {  	_ =	sfence  }
0xbd: {  	s30 =	sld [smem:$0x0];
	_ =	sdelay $0x2  }
0xbe: {  	s31 =	sshll.u32 s1, $0xD;
	s1 =	sshrl.u32 s1, $0x2  }
0xbf: {  	s3 =	sand.u32 $0x4000, s31;
	s1 =	sadd.s32 s1, s30  }
0xc0: {  	s0 =	sor.u32 s3, s0;
	s1 =	sshll.u32 s1, $0x11  }
0xc1: {  	s0 =	sor.u32 s1, s0  }
0xc2: {  	s0 =	sadd.s32 $0x8F2B, s0  }
0xc3: {  	[sflag:s0] =	ssyncadd.remote.s32 $0x1  }
0xc4: {  	_ =	sfence.sel $0xFFFF  }
0xc5: {  	[dreg:$0x0] =	wrdreg $0xFFFFFFFF;
	(pc) =	sbr.abs _section_cstart, $3  }
0xc6: {  	[dreg:$0x1] =	wrdreg $0xFFFFFFFF  }
0xc7: {  	_ =	task.clear_ibuf [dreg:s7], $0x2FFFF;
	_ =	strace $0x9FFFFFFF  }
0xc8: {  	(tm) =	ssettm $0x7FFFFFFF  }
0xc9: {  	_ =	shalt  }
tec
execute0_lowered:
.L_overlay_start_1:
0x0: {  	(tag) =	ssettag $0x1  }
0x1: {  	s0 =	srdreg.scid  }
0x2: {  	s3 =	rddreg [dreg:$0x0];
	s4 =	sand.u32 $0x1, s0  }
0x3: {  	s5 =	rddreg [dreg:$0x1];
	s1 =	stileid.u32;
	s2 =	sshll.u32 s4, $0x4  }
0x4: {  	s0 =	rddreg [dreg:$0x2];
	s6 =	sor.u32 s1, s2  }
0x5: {  	s4 =	ssub.s32 $0x2, s4;
	s2 =	simm.s32 $0x0;
	s7 =	smul.u32 $0x4E2, s6  }
0x6: {  	s8 =	sshrl.u32 s4, $0x1;
	[smem:$0x7FF] =	sst s2;
	s6 =	smul.u32 $0x500, s6  }
0x7: {  	s31 =	ssub.s32 s4, s8;
	s8 =	simm.s32 $0x0;
	_ =	strace $0x80000047  }
0x8: {  	s3 =	sadd.s32 s7, s3;
	s4 =	sadd.s32 s5, s6;
	s5 =	smax.u32 s31, $0x1  }
0x9: {  	v0 =	vimm.f32 $0.0e+00;
	v1 =	vimm.f32 $1.000000000e+00;
	s6 =	simm.s32 $0x1;
	s7 =	simm.s32 $0x2780;
	s3 =	sadd.s32 $0xB400, s3  }
.LBB2_1:
0xa: {  	[tilespmem:s2], [sflag:$0x1] =	stream.linear.gather [hbm4b:s3+s2], $0x2710, $0x38;
	[tilespmem:$0x4F80] =	vst v63  }
0xb: {  	_ =	swait.ge [sflag:s6], $0x2710  }
0xc: {  	[sflag:s6] =	ssyncset.done $0x0  }
0xd: {  	s9 =	simm.s32 $0x0;
	[sflag:s6] =	ssyncadd.s32 $0xFFFFD8F0  }
.LBB2_2:
0xe: {  	p0 =	sne.s32 s9, $0x9FC0  }
.Ltmp0:
0xf: {  	_ = 	snop;
	(pc) =	sbr.rel @p0 .LBB2_2-.Ltmp0, $3  }
0x10: {  	_ =	sdelay $0x1  }
0x11: {  	s10 =	sshra.s32 s9, $0x2  }
0x12: {  	s9 =	sadd.s32 $0x40, s9;
	[tilespmem:s10+$0x2780] =	vst v0  }
0x13: {  	s10 =	simm.s32 $0x0;
	s9 =	simm.s32 $0x40  }
.LBB2_4:
0x14: {  	p0 =	sne.s32 s9, $0x9C00;
	v2 =	vld [tilespmem:s10+$0x0];
	_ =	sdelay $0x3  }
.Ltmp1:
0x15: {  	(pc) =	sbr.rel @p0 .LBB2_4-.Ltmp1, $2  }
0x16: {  	_ =	sdelay $0x2  }
0x17: {  	s10 =	sshra.s32 s9, $0x2;
	s9 =	sadd.s32 $0x40, s9;
	[tilespmem:v2+s7+$0x0] =	vst.idx.add.f32.msk $0xffff, v1  }
0x18: {  	v2 =	vld [tilespmem:s10+$0x0];
	_ =	sdelay $0x5  }
0x19: {  	s8 =	sadd.s32 $0x1, s8  }
0x1a: {  	p0 =	sne.s32 s8, s5  }
.Ltmp2:
0x1b: {  	[tilespmem:v2+s7+$0x0] =	vst.idx.add.f32.msk $0xffff, v1;
	(pc) =	sbr.rel @p0 .LBB2_1-.Ltmp2, $4  }
0x1c: {  	[hbm4b:s4+s2] =	stream.linear.scatter [tilespmem:s7], [sflag:$0x1], $0x2800, $0x38;
	[tilespmem:$0x4F80] =	vst v63  }
0x1d: {  	_ =	swait.ge [sflag:s6], $0x2800  }
0x1e: {  	[sflag:s6] =	ssyncset.done $0x0  }
0x1f: {  	[sflag:s6] =	ssyncadd.s32 $0xFFFFD800  }
0x20: {  	_ =	sfence.sel $0x180000  }
0x21: {  	[bflag:$0x0] =	sbarrier.arrive $0xFFFF  }
0x22: {  	p0 =	sne.s32 s1, $0x0;
	_ =	strace $0x90000047  }
0x23: {  	s0 =	sadd.s32 @!p0 $0x100000, s0;
	[bflag:$0x2] =	sbarrier.arrive $0xFFFF  }
0x24: {  	[sflag:s0] =	ssyncadd.tile.s32 @!p0 $0x1;
	_ =	shalt  }
.Lfunc_end2:
_tile_overlayer_lowered:
.L_overlay_start_2:
0x25: {  	(tag) =	ssettag $0x2  }
0x26: {  	s0 =	rddreg [dreg:$0x0];
	s2 =	stileid.u32  }
0x27: {  	s1 =	rddreg [dreg:$0x1];
	p0 =	sne.s32 s2, $0x0  }
0x28: {  	s3 =	rddreg [dreg:$0x2];
	[bflag:$0x3] =	sbarrier.arrive $0xFFFF;
	s2 =	simm.s32 @!p0 $0x1C01  }
0x29: {  	[timem:s3], [sflag:s2] =	dma.local @!p0 [hbm:s0], s1  }
0x2a: {  	s0 =	simm.s32 @!p0 $0x1  }
0x2b: {  	_ =	swait.ge @!p0 [sflag:s0], s1  }
0x2c: {  	s1 =	ssub.s32 @!p0 $0x0, s1;
	[sflag:s0] =	ssyncset.done @!p0 $0x0  }
0x2d: {  	[sflag:s0] =	ssyncadd.s32 @!p0 s1  }
0x2e: {  	[bflag:$0x3] =	sbarrier.arrive $0xFFFF  }
0x2f: {  	_ =	shalt  }

</sc_bundles>
